<compile_context>
chip_gen: v7x
topology: tpu7x:2x2x1
jax: 0.10.2.dev20260603
libtpu: 0.0.44.dev20260713+nightly
codegen_flags: <defaults>
</compile_context>

<pallas_src>
import functools

import jax
import jax.numpy as jnp
from jax import lax
from jax.experimental import pallas as pl
from jax.experimental.pallas import tpu as pltpu
from jax.experimental.pallas import tpu_sc as plsc

N_NODES = 10000
D_FEAT = 256
D_HALF = 128
D_HID = 128
N_ADJ = 160000
N_LINK = 20000

NC = 2
NS = 16
NW = NC * NS

_KB1 = 80
_EPW = _KB1 * 128
_EPAD = NS * _EPW
_ROWS1 = 2 * _EPAD // 128
_ACC_ROWS = 10112
_CH = 40

_BLK3 = 64
_KB3 = 10
_PPW = _KB3 * _BLK3
_LPAD = NW * _PPW
_NBLK3 = _LPAD // _BLK3

def _p1_body(xi, srcr, dstr, z2, z1, o1, agg_out, deg0_out, deg1_out,
             acc_sh, deg_sh, src_v, dst_v, buf_a, buf_b, ones_v, deg_buf,
             sem_a, sem_b, sem_s, sem_d):
    c = lax.axis_index("c")
    s = lax.axis_index("s")
    w = c * NS + s

    pltpu.sync_copy(o1, ones_v)

    rz = _ACC_ROWS // NS
    pltpu.sync_copy(z2, buf_a)
    for k in range(4):
        pltpu.sync_copy(buf_a, acc_sh.at[pl.ds(s * rz + k * 128, 128)])
    pltpu.sync_copy(buf_a.at[pl.ds(0, rz - 512)],
                    acc_sh.at[pl.ds(s * rz + 512, rz - 512)])
    pltpu.sync_copy(z1, deg_buf.at[pl.ds(0, rz)])
    pltpu.sync_copy(deg_buf.at[pl.ds(0, rz)], deg_sh.at[pl.ds(s * rz, rz)])

    plsc.subcore_barrier()

    bufs = (buf_a, buf_b)
    sems = (sem_a, sem_b)

    def wait_gather(b_par):
        pltpu.make_async_copy(xi.at[src_v.at[0]], bufs[b_par], sems[b_par]).wait()

    def issue_scatter(b_par, b):
        pltpu.async_copy(bufs[b_par], acc_sh.at[dst_v.at[b]], sem_s, add=True)

    def wait_scatter(b_par):
        pltpu.make_async_copy(bufs[b_par], acc_sh.at[dst_v.at[0]], sem_s).wait()

    for hp in range(_KB1 // _CH):
        base = w * _KB1 + hp * _CH
        pltpu.sync_copy(srcr.at[pl.ds(base, _CH)], src_v)
        pltpu.sync_copy(dstr.at[pl.ds(base, _CH)], dst_v)
        deg_on = c == hp

        def deg_scatter(b):
            @pl.when(deg_on)
            def _():
                pltpu.async_copy(ones_v, deg_sh.at[dst_v.at[b]], sem_d,
                                 add=True)

        pltpu.async_copy(xi.at[src_v.at[0]], buf_a, sem_a)
        pltpu.async_copy(xi.at[src_v.at[1]], buf_b, sem_b)
        wait_gather(0)
        issue_scatter(0, 0)
        deg_scatter(0)

        def halfpass(i, carry):
            b1 = 2 * i + 1
            wait_scatter(0)
            pltpu.async_copy(xi.at[src_v.at[b1 + 1]], buf_a, sem_a)
            wait_gather(1)
            issue_scatter(1, b1)
            deg_scatter(b1)

            b2 = b1 + 1
            wait_scatter(1)
            pltpu.async_copy(xi.at[src_v.at[b2 + 1]], buf_b, sem_b)
            wait_gather(0)
            issue_scatter(0, b2)
            deg_scatter(b2)
            return carry

        lax.fori_loop(0, _CH // 2 - 1, halfpass, 0)

        wait_scatter(0)
        wait_gather(1)
        issue_scatter(1, _CH - 1)
        deg_scatter(_CH - 1)
        wait_scatter(1)

        @pl.when(deg_on)
        def _():
            for _i in range(_CH):
                pltpu.make_async_copy(ones_v, deg_sh.at[dst_v.at[0]], sem_d).wait()

    plsc.subcore_barrier()

    ro = _ACC_ROWS // NS
    pltpu.sync_copy(acc_sh.at[pl.ds(s * ro, ro)], agg_out.at[c, pl.ds(s * ro, ro)])

    pltpu.sync_copy(deg_sh.at[pl.ds(s * rz, rz)], deg_buf.at[pl.ds(0, rz)])

    @pl.when(c == 0)
    def _():
        pltpu.sync_copy(deg_buf.at[pl.ds(0, rz)], deg0_out.at[pl.ds(s * rz, rz)])

    @pl.when(c == 1)
    def _():
        pltpu.sync_copy(deg_buf.at[pl.ds(0, rz)], deg1_out.at[pl.ds(s * rz, rz)])


@functools.lru_cache(maxsize=None)
def _make_p1():
    mesh = plsc.VectorSubcoreMesh(
        core_axis_name="c", subcore_axis_name="s", num_cores=NC, num_subcores=NS)
    return pl.kernel(
        _p1_body,
        out_type=(jax.ShapeDtypeStruct((NC, _ACC_ROWS, D_HALF), jnp.float32),
                  jax.ShapeDtypeStruct((_ACC_ROWS,), jnp.float32),
                  jax.ShapeDtypeStruct((_ACC_ROWS,), jnp.float32)),
        mesh=mesh,
        scratch_types=[
            pltpu.VMEM_SHARED((_ACC_ROWS, D_HALF), jnp.float32),
            pltpu.VMEM_SHARED((_ACC_ROWS,), jnp.float32),
            pltpu.VMEM((_CH, 128), jnp.int32),
            pltpu.VMEM((_CH, 128), jnp.int32),
            pltpu.VMEM((128, D_HALF), jnp.float32),
            pltpu.VMEM((128, D_HALF), jnp.float32),
            pltpu.VMEM((128,), jnp.float32),
            pltpu.VMEM((_ACC_ROWS // NS,), jnp.float32),
            pltpu.SemaphoreType.DMA,
            pltpu.SemaphoreType.DMA,
            pltpu.SemaphoreType.DMA,
            pltpu.SemaphoreType.DMA,
        ])


def _p3_body(h, epr, hi_out, hj_out, eb_v, b0, b1, b2,
             g0, g1, g2, w0, w1, w2):
    c = lax.axis_index("c")
    s = lax.axis_index("s")
    w = c * NS + s
    row0 = w * _KB3
    base8 = (row0 // 8) * 8
    off = row0 - base8
    pltpu.sync_copy(epr.at[pl.ds(base8, 16)], eb_v)

    bufs = (b0, b1, b2)
    gs = (g0, g1, g2)
    ws = (w0, w1, w2)

    def ig(p, k):
        pltpu.async_copy(h.at[eb_v.at[off + k]], bufs[p], gs[p])

    def wg(p):
        pltpu.make_async_copy(h.at[eb_v.at[0]], bufs[p], gs[p]).wait()

    def iw(p, k):
        base = w * _PPW + k * _BLK3
        pltpu.async_copy(bufs[p].at[pl.ds(0, 64)],
                         hi_out.at[pl.ds(base, 64)], ws[p])
        pltpu.async_copy(bufs[p].at[pl.ds(64, 64)],
                         hj_out.at[pl.ds(base, 64)], ws[p])

    def ww(p):
        pltpu.make_async_copy(bufs[p].at[pl.ds(0, 64)],
                              hi_out.at[pl.ds(0, 64)], ws[p]).wait()
        pltpu.make_async_copy(bufs[p].at[pl.ds(64, 64)],
                              hj_out.at[pl.ds(0, 64)], ws[p]).wait()

    ig(0, 0)
    ig(1, 1)
    ig(2, 2)
    for k in range(_KB3):
        p = k % 3
        wg(p)
        iw(p, k)
        if k + 3 < _KB3:
            ww(p)
            ig(p, k + 3)
    ww((_KB3 - 3) % 3)
    ww((_KB3 - 2) % 3)
    ww((_KB3 - 1) % 3)


@functools.lru_cache(maxsize=None)
def _make_p3():
    mesh = plsc.VectorSubcoreMesh(
        core_axis_name="c", subcore_axis_name="s", num_cores=NC, num_subcores=NS)
    return pl.kernel(
        _p3_body,
        out_type=(jax.ShapeDtypeStruct((_LPAD, D_FEAT), jnp.float32),
                  jax.ShapeDtypeStruct((_LPAD, D_FEAT), jnp.float32)),
        mesh=mesh,
        scratch_types=[
            pltpu.VMEM((16, 128), jnp.int32),
            pltpu.VMEM((128, D_FEAT), jnp.float32),
            pltpu.VMEM((128, D_FEAT), jnp.float32),
            pltpu.VMEM((128, D_FEAT), jnp.float32),
            pltpu.SemaphoreType.DMA,
            pltpu.SemaphoreType.DMA,
            pltpu.SemaphoreType.DMA,
            pltpu.SemaphoreType.DMA,
            pltpu.SemaphoreType.DMA,
            pltpu.SemaphoreType.DMA,
        ])


def _gnn_mm(a0_ref, a1_ref, d0_ref, d1_ref, w0_ref, w1_ref, b_ref, out_ref):
    r = 1.0 / jnp.maximum(d0_ref[...] + d1_ref[...], 1.0)
    acc = jnp.dot(a0_ref[0] * r, w0_ref[0], preferred_element_type=jnp.float32)
    acc += jnp.dot(a1_ref[0] * r, w1_ref[0], preferred_element_type=jnp.float32)
    out_ref[...] = jnp.maximum(acc + b_ref[...], 0.0)


def _mlp(hi_ref, hj_ref, w1_ref, b1_ref, w2_ref, b2_ref, out_ref):
    z = hi_ref[...] * hj_ref[...]
    t = jnp.dot(z, w1_ref[...], preferred_element_type=jnp.float32) + b1_ref[...]
    t = jnp.maximum(t, 0.0)
    logit = jnp.sum(t * w2_ref[...], axis=1, keepdims=True) + b2_ref[...]
    out_ref[...] = 1.0 / (1.0 + jnp.exp(-logit))


def kernel(x, edges, adj, W_gnn, b_gnn, W1, b1, W2, b2):
    x = x.astype(jnp.float32)
    src = adj[0].astype(jnp.int32)
    dst = adj[1].astype(jnp.int32)
    e0 = edges[0].astype(jnp.int32)
    e1 = edges[1].astype(jnp.int32)

    xi = x.reshape(N_NODES, 2, D_HALF).reshape(2 * N_NODES, D_HALF)
    pad = _EPAD - N_ADJ
    src_p = jnp.concatenate([src, jnp.zeros((pad,), jnp.int32)])
    dst_p = jnp.concatenate([dst, jnp.full((pad,), N_NODES, jnp.int32)])
    src_all = jnp.concatenate([2 * src_p, 2 * src_p + 1]).reshape(_ROWS1, 128)
    dst_all = jnp.concatenate([dst_p, dst_p]).reshape(_ROWS1, 128)
    z2 = jnp.zeros((128, D_HALF), jnp.float32)
    z1 = jnp.zeros((_ACC_ROWS // NS,), jnp.float32)
    o1 = jnp.ones((128,), jnp.float32)

    agg, deg0, deg1 = _make_p1()(xi, src_all, dst_all, z2, z1, o1)
    d0 = deg0.reshape(_ACC_ROWS, 1)
    d1 = deg1.reshape(_ACC_ROWS, 1)

    bm = 2000
    h = pl.pallas_call(
        _gnn_mm,
        grid=(N_NODES // bm,),
        in_specs=[
            pl.BlockSpec((1, bm, D_HALF), lambda i: (0, i, 0)),
            pl.BlockSpec((1, bm, D_HALF), lambda i: (1, i, 0)),
            pl.BlockSpec((bm, 1), lambda i: (i, 0)),
            pl.BlockSpec((bm, 1), lambda i: (i, 0)),
            pl.BlockSpec((1, D_HALF, D_FEAT), lambda i: (0, 0, 0)),
            pl.BlockSpec((1, D_HALF, D_FEAT), lambda i: (1, 0, 0)),
            pl.BlockSpec((1, D_FEAT), lambda i: (0, 0)),
        ],
        out_specs=pl.BlockSpec((bm, D_FEAT), lambda i: (i, 0)),
        out_shape=jax.ShapeDtypeStruct((N_NODES, D_FEAT), jnp.float32),
    )(agg, agg, d0, d1, W_gnn.reshape(2, D_HALF, D_FEAT),
      W_gnn.reshape(2, D_HALF, D_FEAT), b_gnn.reshape(1, D_FEAT))

    lpad = _LPAD - N_LINK
    e0_p = jnp.concatenate([e0, jnp.zeros((lpad,), jnp.int32)]).reshape(_NBLK3, _BLK3)
    e1_p = jnp.concatenate([e1, jnp.zeros((lpad,), jnp.int32)]).reshape(_NBLK3, _BLK3)
    epair = jnp.concatenate([e0_p, e1_p], axis=1)
    hi, hj = _make_p3()(h, epair)

    bl = 4096
    logits = pl.pallas_call(
        _mlp,
        grid=(_LPAD // bl,),
        in_specs=[
            pl.BlockSpec((bl, D_FEAT), lambda i: (i, 0)),
            pl.BlockSpec((bl, D_FEAT), lambda i: (i, 0)),
            pl.BlockSpec((D_FEAT, D_HID), lambda i: (0, 0)),
            pl.BlockSpec((1, D_HID), lambda i: (0, 0)),
            pl.BlockSpec((1, D_HID), lambda i: (0, 0)),
            pl.BlockSpec((1, 1), lambda i: (0, 0)),
        ],
        out_specs=pl.BlockSpec((bl, 1), lambda i: (i, 0)),
        out_shape=jax.ShapeDtypeStruct((_LPAD, 1), jnp.float32),
    )(hi, hj, W1, b1.reshape(1, D_HID), W2.reshape(1, D_HID), b2.reshape(1, 1))

    return logits[:N_LINK, 0]

# --- scband reference (transcript-rebuilt; emitter-appended) ---
"""Pipeline reference for scband-link-gnn-84310208020581 (READ-ONLY COPY).

The authoritative reference and input builder live on the scoring server;
editing this copy changes nothing except your own understanding.
"""

import jax, jax.numpy as jnp
import numpy as np

N_NODES = 10000
D_FEAT = 256
D_HID = 128
N_ADJ = 160000
N_LINK = 20000

def setup_inputs(seed: int = 0) -> dict:
    key = jax.random.key(seed)
    k = jax.random.split(key, 9)
    x = jax.random.normal(k[0], (N_NODES, D_FEAT), dtype=jnp.float32)
    edges = jax.random.randint(k[1], (2, N_LINK), 0, N_NODES, dtype=jnp.int64 if jax.config.jax_enable_x64 else jnp.int32)
    adj = jax.random.randint(k[2], (2, N_ADJ), 0, N_NODES, dtype=jnp.int64 if jax.config.jax_enable_x64 else jnp.int32)
    # GNN layer params (mean-aggregation GCN-style conv)
    W_gnn = jax.random.normal(k[3], (D_FEAT, D_FEAT), dtype=jnp.float32) * (1.0 / np.sqrt(D_FEAT))
    b_gnn = jnp.zeros((D_FEAT,), dtype=jnp.float32)
    # Link predictor params (Hadamard-product MLP)
    W1 = jax.random.normal(k[4], (D_FEAT, D_HID), dtype=jnp.float32) * (1.0 / np.sqrt(D_FEAT))
    b1 = jnp.zeros((D_HID,), dtype=jnp.float32)
    W2 = jax.random.normal(k[5], (D_HID, 1), dtype=jnp.float32) * (1.0 / np.sqrt(D_HID))
    b2 = jnp.zeros((1,), dtype=jnp.float32)
    return {"x": x, "edges": edges, "adj": adj, "W_gnn": W_gnn, "b_gnn": b_gnn, "W1": W1, "b1": b1, "W2": W2, "b2": b2}

def reference(x, edges, adj, W_gnn, b_gnn, W1, b1, W2, b2):
    # ---- self.gnn(x, adj): mean-aggregation graph conv + linear + relu ----
    src = adj[0]
    dst = adj[1]
    msgs = jnp.take(x, src, axis=0)                              # gather [E, d]
    agg = jax.ops.segment_sum(msgs, dst, num_segments=N_NODES)   # scatter-add [N, d]
    deg = jax.ops.segment_sum(jnp.ones((adj.shape[1],), dtype=jnp.float32), dst, num_segments=N_NODES)
    deg = jnp.clip(deg, 1.0, None)
    agg = agg / deg[:, None]
    h = jax.nn.relu(agg @ W_gnn + b_gnn)                         # [N, d]
    # ---- self.linkpred(h[edges[0]], h[edges[1]]) ----
    h_i = jnp.take(h, edges[0], axis=0)                          # gather [B, d]
    h_j = jnp.take(h, edges[1], axis=0)                          # gather [B, d]
    z = h_i * h_j
    z = jax.nn.relu(z @ W1 + b1)
    logits = (z @ W2 + b2).squeeze(-1)                           # [B]
    return jax.nn.sigmoid(logits)

if __name__ == "__main__":
    import jax
    _d = setup_inputs()
    print(jax.jit(kernel)(*tuple(_d.values())))

</pallas_src>

<mosaic_0001>
#map = affine_map<(d0, d1) -> (0, 0)>
#map1 = affine_map<(d0, d1) -> (0)>
#map2 = affine_map<(d0, d1) -> (0, 0, 0)>
module attributes {stable_mosaic.version = 14 : i64} {
  func.func @_p1_body(%arg0: i32, %arg1: i32, %arg2: memref<20000x128xf32, #tpu.memory_space<hbm>>, %arg3: memref<2560x128xi32, #tpu.memory_space<hbm>>, %arg4: memref<2560x128xi32, #tpu.memory_space<hbm>>, %arg5: memref<128x128xf32, #tpu.memory_space<hbm>>, %arg6: memref<632xf32, #tpu.memory_space<hbm>>, %arg7: memref<128xf32, #tpu.memory_space<hbm>>, %arg8: memref<2x10112x128xf32, #tpu.memory_space<hbm>>, %arg9: memref<10112xf32, #tpu.memory_space<hbm>>, %arg10: memref<10112xf32, #tpu.memory_space<hbm>>, %arg11: memref<10112x128xf32, #tpu.memory_space<vmem_shared>>, %arg12: memref<10112xf32, #tpu.memory_space<vmem_shared>>, %arg13: memref<40x128xi32, #tpu.memory_space<vmem>>, %arg14: memref<40x128xi32, #tpu.memory_space<vmem>>, %arg15: memref<128x128xf32, #tpu.memory_space<vmem>>, %arg16: memref<128x128xf32, #tpu.memory_space<vmem>>, %arg17: memref<128xf32, #tpu.memory_space<vmem>>, %arg18: memref<632xf32, #tpu.memory_space<vmem>>, %arg19: memref<!tpu.dma_semaphore, #tpu.memory_space<semaphore_mem>>, %arg20: memref<!tpu.dma_semaphore, #tpu.memory_space<semaphore_mem>>, %arg21: memref<!tpu.dma_semaphore, #tpu.memory_space<semaphore_mem>>, %arg22: memref<!tpu.dma_semaphore, #tpu.memory_space<semaphore_mem>>) attributes {dimension_semantics = [#tpu.dimension_semantics<core_parallel>, #tpu.dimension_semantics<subcore_parallel>], iteration_bounds = array<i64: 2, 16>, scalar_prefetch = 0 : i64, scratch_operands = 12 : i64, tpu.core_type = #tpu.core_type<sc_vector_subcore>, window_params = [{transform_indices = #map}, {transform_indices = #map}, {transform_indices = #map}, {transform_indices = #map}, {transform_indices = #map1}, {transform_indices = #map1}, {transform_indices = #map2}, {transform_indices = #map1}, {transform_indices = #map1}]} {
    %mul3A = arith.constant 16 : i32
    %mul3A_0 = arith.muli %arg0, %mul3A : i32
    %add3A = arith.addi %mul3A_0, %arg1 : i32
    "tpu.region"() ({
      %run_scoped3A = tpu.sem_alloc : memref<!tpu.dma_semaphore, #tpu.memory_space<semaphore_mem>>
      tpu.enqueue_dma source(%arg7 : memref<128xf32, #tpu.memory_space<hbm>>) target(%arg17 : memref<128xf32, #tpu.memory_space<vmem>>) target_semaphore(%run_scoped3A : memref<!tpu.dma_semaphore, #tpu.memory_space<semaphore_mem>>)
      tpu.wait_dma2 semaphore(%run_scoped3A : memref<!tpu.dma_semaphore, #tpu.memory_space<semaphore_mem>>) src(%arg7 : memref<128xf32, #tpu.memory_space<hbm>>) dst(%arg17 : memref<128xf32, #tpu.memory_space<vmem>>)
      tpu.yield
    }) : () -> ()
    "tpu.region"() ({
      %run_scoped3A = tpu.sem_alloc : memref<!tpu.dma_semaphore, #tpu.memory_space<semaphore_mem>>
      tpu.enqueue_dma source(%arg5 : memref<128x128xf32, #tpu.memory_space<hbm>>) target(%arg15 : memref<128x128xf32, #tpu.memory_space<vmem>>) target_semaphore(%run_scoped3A : memref<!tpu.dma_semaphore, #tpu.memory_space<semaphore_mem>>)
      tpu.wait_dma2 semaphore(%run_scoped3A : memref<!tpu.dma_semaphore, #tpu.memory_space<semaphore_mem>>) src(%arg5 : memref<128x128xf32, #tpu.memory_space<hbm>>) dst(%arg15 : memref<128x128xf32, #tpu.memory_space<vmem>>)
      tpu.yield
    }) : () -> ()
    %mul3A_1 = arith.constant 632 : i32
    %mul3A_2 = arith.muli %arg1, %mul3A_1 : i32
    %add3A_3 = arith.constant 0 : i32
    %add3A_4 = arith.addi %mul3A_2, %add3A_3 : i32
    "tpu.region"() ({
      %run_scoped3A = tpu.sem_alloc : memref<!tpu.dma_semaphore, #tpu.memory_space<semaphore_mem>>
      %dma_start3A_188 = arith.constant 0 : i32
      %dma_start3A_189 = tpu.memref_slice %arg11[%add3A_4, %dma_start3A_188] : memref<10112x128xf32, #tpu.memory_space<vmem_shared>> -> memref<128x128xf32, #tpu.memory_space<vmem_shared>>
      %dma_start3A_190 = arith.constant 0 : i32
      %dma_start3A_191 = tpu.memref_slice %arg11[%add3A_4, %dma_start3A_190] : memref<10112x128xf32, #tpu.memory_space<vmem_shared>> -> memref<128x128xf32, #tpu.memory_space<vmem_shared>>
      tpu.enqueue_dma source(%arg15 : memref<128x128xf32, #tpu.memory_space<vmem>>) target(%dma_start3A_191 : memref<128x128xf32, #tpu.memory_space<vmem_shared>>) target_semaphore(%run_scoped3A : memref<!tpu.dma_semaphore, #tpu.memory_space<semaphore_mem>>)
      %dma_wait3A_192 = arith.constant 0 : i32
      %dma_wait3A_193 = tpu.memref_slice %arg11[%add3A_4, %dma_wait3A_192] : memref<10112x128xf32, #tpu.memory_space<vmem_shared>> -> memref<128x128xf32, #tpu.memory_space<vmem_shared>>
      %dma_wait3A_194 = arith.constant 0 : i32
      %dma_wait3A_195 = tpu.memref_slice %arg11[%add3A_4, %dma_wait3A_194] : memref<10112x128xf32, #tpu.memory_space<vmem_shared>> -> memref<128x128xf32, #tpu.memory_space<vmem_shared>>
      tpu.wait_dma2 semaphore(%run_scoped3A : memref<!tpu.dma_semaphore, #tpu.memory_space<semaphore_mem>>) src(%arg15 : memref<128x128xf32, #tpu.memory_space<vmem>>) dst(%dma_wait3A_195 : memref<128x128xf32, #tpu.memory_space<vmem_shared>>)
      tpu.yield
    }) : () -> ()
    %mul3A_5 = arith.constant 632 : i32
    %mul3A_6 = arith.muli %arg1, %mul3A_5 : i32
    %add3A_7 = arith.constant 128 : i32
    %add3A_8 = arith.addi %mul3A_6, %add3A_7 : i32
    "tpu.region"() ({
      %run_scoped3A = tpu.sem_alloc : memref<!tpu.dma_semaphore, #tpu.memory_space<semaphore_mem>>
      %dma_start3A_188 = arith.constant 0 : i32
      %dma_start3A_189 = tpu.memref_slice %arg11[%add3A_8, %dma_start3A_188] : memref<10112x128xf32, #tpu.memory_space<vmem_shared>> -> memref<128x128xf32, #tpu.memory_space<vmem_shared>>
      %dma_start3A_190 = arith.constant 0 : i32
      %dma_start3A_191 = tpu.memref_slice %arg11[%add3A_8, %dma_start3A_190] : memref<10112x128xf32, #tpu.memory_space<vmem_shared>> -> memref<128x128xf32, #tpu.memory_space<vmem_shared>>
      tpu.enqueue_dma source(%arg15 : memref<128x128xf32, #tpu.memory_space<vmem>>) target(%dma_start3A_191 : memref<128x128xf32, #tpu.memory_space<vmem_shared>>) target_semaphore(%run_scoped3A : memref<!tpu.dma_semaphore, #tpu.memory_space<semaphore_mem>>)
      %dma_wait3A_192 = arith.constant 0 : i32
      %dma_wait3A_193 = tpu.memref_slice %arg11[%add3A_8, %dma_wait3A_192] : memref<10112x128xf32, #tpu.memory_space<vmem_shared>> -> memref<128x128xf32, #tpu.memory_space<vmem_shared>>
      %dma_wait3A_194 = arith.constant 0 : i32
      %dma_wait3A_195 = tpu.memref_slice %arg11[%add3A_8, %dma_wait3A_194] : memref<10112x128xf32, #tpu.memory_space<vmem_shared>> -> memref<128x128xf32, #tpu.memory_space<vmem_shared>>
      tpu.wait_dma2 semaphore(%run_scoped3A : memref<!tpu.dma_semaphore, #tpu.memory_space<semaphore_mem>>) src(%arg15 : memref<128x128xf32, #tpu.memory_space<vmem>>) dst(%dma_wait3A_195 : memref<128x128xf32, #tpu.memory_space<vmem_shared>>)
      tpu.yield
    }) : () -> ()
    %mul3A_9 = arith.constant 632 : i32
    %mul3A_10 = arith.muli %arg1, %mul3A_9 : i32
    %add3A_11 = arith.constant 256 : i32
    %add3A_12 = arith.addi %mul3A_10, %add3A_11 : i32
    "tpu.region"() ({
      %run_scoped3A = tpu.sem_alloc : memref<!tpu.dma_semaphore, #tpu.memory_space<semaphore_mem>>
      %dma_start3A_188 = arith.constant 0 : i32
      %dma_start3A_189 = tpu.memref_slice %arg11[%add3A_12, %dma_start3A_188] : memref<10112x128xf32, #tpu.memory_space<vmem_shared>> -> memref<128x128xf32, #tpu.memory_space<vmem_shared>>
      %dma_start3A_190 = arith.constant 0 : i32
      %dma_start3A_191 = tpu.memref_slice %arg11[%add3A_12, %dma_start3A_190] : memref<10112x128xf32, #tpu.memory_space<vmem_shared>> -> memref<128x128xf32, #tpu.memory_space<vmem_shared>>
      tpu.enqueue_dma source(%arg15 : memref<128x128xf32, #tpu.memory_space<vmem>>) target(%dma_start3A_191 : memref<128x128xf32, #tpu.memory_space<vmem_shared>>) target_semaphore(%run_scoped3A : memref<!tpu.dma_semaphore, #tpu.memory_space<semaphore_mem>>)
      %dma_wait3A_192 = arith.constant 0 : i32
      %dma_wait3A_193 = tpu.memref_slice %arg11[%add3A_12, %dma_wait3A_192] : memref<10112x128xf32, #tpu.memory_space<vmem_shared>> -> memref<128x128xf32, #tpu.memory_space<vmem_shared>>
      %dma_wait3A_194 = arith.constant 0 : i32
      %dma_wait3A_195 = tpu.memref_slice %arg11[%add3A_12, %dma_wait3A_194] : memref<10112x128xf32, #tpu.memory_space<vmem_shared>> -> memref<128x128xf32, #tpu.memory_space<vmem_shared>>
      tpu.wait_dma2 semaphore(%run_scoped3A : memref<!tpu.dma_semaphore, #tpu.memory_space<semaphore_mem>>) src(%arg15 : memref<128x128xf32, #tpu.memory_space<vmem>>) dst(%dma_wait3A_195 : memref<128x128xf32, #tpu.memory_space<vmem_shared>>)
      tpu.yield
    }) : () -> ()
    %mul3A_13 = arith.constant 632 : i32
    %mul3A_14 = arith.muli %arg1, %mul3A_13 : i32
    %add3A_15 = arith.constant 384 : i32
    %add3A_16 = arith.addi %mul3A_14, %add3A_15 : i32
    "tpu.region"() ({
      %run_scoped3A = tpu.sem_alloc : memref<!tpu.dma_semaphore, #tpu.memory_space<semaphore_mem>>
      %dma_start3A_188 = arith.constant 0 : i32
      %dma_start3A_189 = tpu.memref_slice %arg11[%add3A_16, %dma_start3A_188] : memref<10112x128xf32, #tpu.memory_space<vmem_shared>> -> memref<128x128xf32, #tpu.memory_space<vmem_shared>>
      %dma_start3A_190 = arith.constant 0 : i32
      %dma_start3A_191 = tpu.memref_slice %arg11[%add3A_16, %dma_start3A_190] : memref<10112x128xf32, #tpu.memory_space<vmem_shared>> -> memref<128x128xf32, #tpu.memory_space<vmem_shared>>
      tpu.enqueue_dma source(%arg15 : memref<128x128xf32, #tpu.memory_space<vmem>>) target(%dma_start3A_191 : memref<128x128xf32, #tpu.memory_space<vmem_shared>>) target_semaphore(%run_scoped3A : memref<!tpu.dma_semaphore, #tpu.memory_space<semaphore_mem>>)
      %dma_wait3A_192 = arith.constant 0 : i32
      %dma_wait3A_193 = tpu.memref_slice %arg11[%add3A_16, %dma_wait3A_192] : memref<10112x128xf32, #tpu.memory_space<vmem_shared>> -> memref<128x128xf32, #tpu.memory_space<vmem_shared>>
      %dma_wait3A_194 = arith.constant 0 : i32
      %dma_wait3A_195 = tpu.memref_slice %arg11[%add3A_16, %dma_wait3A_194] : memref<10112x128xf32, #tpu.memory_space<vmem_shared>> -> memref<128x128xf32, #tpu.memory_space<vmem_shared>>
      tpu.wait_dma2 semaphore(%run_scoped3A : memref<!tpu.dma_semaphore, #tpu.memory_space<semaphore_mem>>) src(%arg15 : memref<128x128xf32, #tpu.memory_space<vmem>>) dst(%dma_wait3A_195 : memref<128x128xf32, #tpu.memory_space<vmem_shared>>)
      tpu.yield
    }) : () -> ()
    %mul3A_17 = arith.constant 632 : i32
    %mul3A_18 = arith.muli %arg1, %mul3A_17 : i32
    %add3A_19 = arith.constant 512 : i32
    %add3A_20 = arith.addi %mul3A_18, %add3A_19 : i32
    "tpu.region"() ({
      %run_scoped3A = tpu.sem_alloc : memref<!tpu.dma_semaphore, #tpu.memory_space<semaphore_mem>>
      %dma_start3A_188 = arith.constant 0 : i32
      %dma_start3A_189 = arith.constant 0 : i32
      %dma_start3A_190 = tpu.memref_slice %arg15[%dma_start3A_188, %dma_start3A_189] : memref<128x128xf32, #tpu.memory_space<vmem>> -> memref<120x128xf32, #tpu.memory_space<vmem>>
      %dma_start3A_191 = arith.constant 0 : i32
      %dma_start3A_192 = tpu.memref_slice %arg11[%add3A_20, %dma_start3A_191] : memref<10112x128xf32, #tpu.memory_space<vmem_shared>> -> memref<120x128xf32, #tpu.memory_space<vmem_shared>>
      %dma_start3A_193 = arith.constant 0 : i32
      %dma_start3A_194 = tpu.memref_slice %arg11[%add3A_20, %dma_start3A_193] : memref<10112x128xf32, #tpu.memory_space<vmem_shared>> -> memref<120x128xf32, #tpu.memory_space<vmem_shared>>
      %dma_start3A_195 = arith.constant 0 : i32
      %dma_start3A_196 = arith.constant 0 : i32
      %dma_start3A_197 = tpu.memref_slice %arg15[%dma_start3A_195, %dma_start3A_196] : memref<128x128xf32, #tpu.memory_space<vmem>> -> memref<120x128xf32, #tpu.memory_space<vmem>>
      tpu.enqueue_dma source(%dma_start3A_197 : memref<120x128xf32, #tpu.memory_space<vmem>>) target(%dma_start3A_194 : memref<120x128xf32, #tpu.memory_space<vmem_shared>>) target_semaphore(%run_scoped3A : memref<!tpu.dma_semaphore, #tpu.memory_space<semaphore_mem>>)
      %dma_wait3A_198 = arith.constant 0 : i32
      %dma_wait3A_199 = arith.constant 0 : i32
      %dma_wait3A_200 = tpu.memref_slice %arg15[%dma_wait3A_198, %dma_wait3A_199] : memref<128x128xf32, #tpu.memory_space<vmem>> -> memref<120x128xf32, #tpu.memory_space<vmem>>
      %dma_wait3A_201 = arith.constant 0 : i32
      %dma_wait3A_202 = tpu.memref_slice %arg11[%add3A_20, %dma_wait3A_201] : memref<10112x128xf32, #tpu.memory_space<vmem_shared>> -> memref<120x128xf32, #tpu.memory_space<vmem_shared>>
      %dma_wait3A_203 = arith.constant 0 : i32
      %dma_wait3A_204 = tpu.memref_slice %arg11[%add3A_20, %dma_wait3A_203] : memref<10112x128xf32, #tpu.memory_space<vmem_shared>> -> memref<120x128xf32, #tpu.memory_space<vmem_shared>>
      %dma_wait3A_205 = arith.constant 0 : i32
      %dma_wait3A_206 = arith.constant 0 : i32
      %dma_wait3A_207 = tpu.memref_slice %arg15[%dma_wait3A_205, %dma_wait3A_206] : memref<128x128xf32, #tpu.memory_space<vmem>> -> memref<120x128xf32, #tpu.memory_space<vmem>>
      tpu.wait_dma2 semaphore(%run_scoped3A : memref<!tpu.dma_semaphore, #tpu.memory_space<semaphore_mem>>) src(%dma_wait3A_207 : memref<120x128xf32, #tpu.memory_space<vmem>>) dst(%dma_wait3A_204 : memref<120x128xf32, #tpu.memory_space<vmem_shared>>)
      tpu.yield
    }) : () -> ()
    "tpu.region"() ({
      %run_scoped3A = tpu.sem_alloc : memref<!tpu.dma_semaphore, #tpu.memory_space<semaphore_mem>>
      %dma_start3A_188 = arith.constant 0 : i32
      %dma_start3A_189 = tpu.memref_slice %arg18[%dma_start3A_188] : memref<632xf32, #tpu.memory_space<vmem>> -> memref<632xf32, #tpu.memory_space<vmem>>
      %dma_start3A_190 = arith.constant 0 : i32
      %dma_start3A_191 = tpu.memref_slice %arg18[%dma_start3A_190] : memref<632xf32, #tpu.memory_space<vmem>> -> memref<632xf32, #tpu.memory_space<vmem>>
      tpu.enqueue_dma source(%arg6 : memref<632xf32, #tpu.memory_space<hbm>>) target(%dma_start3A_191 : memref<632xf32, #tpu.memory_space<vmem>>) target_semaphore(%run_scoped3A : memref<!tpu.dma_semaphore, #tpu.memory_space<semaphore_mem>>)
      %dma_wait3A_192 = arith.constant 0 : i32
      %dma_wait3A_193 = tpu.memref_slice %arg18[%dma_wait3A_192] : memref<632xf32, #tpu.memory_space<vmem>> -> memref<632xf32, #tpu.memory_space<vmem>>
      %dma_wait3A_194 = arith.constant 0 : i32
      %dma_wait3A_195 = tpu.memref_slice %arg18[%dma_wait3A_194] : memref<632xf32, #tpu.memory_space<vmem>> -> memref<632xf32, #tpu.memory_space<vmem>>
      tpu.wait_dma2 semaphore(%run_scoped3A : memref<!tpu.dma_semaphore, #tpu.memory_space<semaphore_mem>>) src(%arg6 : memref<632xf32, #tpu.memory_space<hbm>>) dst(%dma_wait3A_195 : memref<632xf32, #tpu.memory_space<vmem>>)
      tpu.yield
    }) : () -> ()
    %mul3A_21 = arith.constant 632 : i32
    %mul3A_22 = arith.muli %arg1, %mul3A_21 : i32
    "tpu.region"() ({
      %run_scoped3A = tpu.sem_alloc : memref<!tpu.dma_semaphore, #tpu.memory_space<semaphore_mem>>
      %dma_start3A_188 = arith.constant 0 : i32
      %dma_start3A_189 = tpu.memref_slice %arg18[%dma_start3A_188] : memref<632xf32, #tpu.memory_space<vmem>> -> memref<632xf32, #tpu.memory_space<vmem>>
      %dma_start3A_190 = tpu.memref_slice %arg12[%mul3A_22] : memref<10112xf32, #tpu.memory_space<vmem_shared>> -> memref<632xf32, #tpu.memory_space<vmem_shared>>
      %dma_start3A_191 = tpu.memref_slice %arg12[%mul3A_22] : memref<10112xf32, #tpu.memory_space<vmem_shared>> -> memref<632xf32, #tpu.memory_space<vmem_shared>>
      %dma_start3A_192 = arith.constant 0 : i32
      %dma_start3A_193 = tpu.memref_slice %arg18[%dma_start3A_192] : memref<632xf32, #tpu.memory_space<vmem>> -> memref<632xf32, #tpu.memory_space<vmem>>
      tpu.enqueue_dma source(%dma_start3A_193 : memref<632xf32, #tpu.memory_space<vmem>>) target(%dma_start3A_191 : memref<632xf32, #tpu.memory_space<vmem_shared>>) target_semaphore(%run_scoped3A : memref<!tpu.dma_semaphore, #tpu.memory_space<semaphore_mem>>)
      %dma_wait3A_194 = arith.constant 0 : i32
      %dma_wait3A_195 = tpu.memref_slice %arg18[%dma_wait3A_194] : memref<632xf32, #tpu.memory_space<vmem>> -> memref<632xf32, #tpu.memory_space<vmem>>
      %dma_wait3A_196 = tpu.memref_slice %arg12[%mul3A_22] : memref<10112xf32, #tpu.memory_space<vmem_shared>> -> memref<632xf32, #tpu.memory_space<vmem_shared>>
      %dma_wait3A_197 = tpu.memref_slice %arg12[%mul3A_22] : memref<10112xf32, #tpu.memory_space<vmem_shared>> -> memref<632xf32, #tpu.memory_space<vmem_shared>>
      %dma_wait3A_198 = arith.constant 0 : i32
      %dma_wait3A_199 = tpu.memref_slice %arg18[%dma_wait3A_198] : memref<632xf32, #tpu.memory_space<vmem>> -> memref<632xf32, #tpu.memory_space<vmem>>
      tpu.wait_dma2 semaphore(%run_scoped3A : memref<!tpu.dma_semaphore, #tpu.memory_space<semaphore_mem>>) src(%dma_wait3A_199 : memref<632xf32, #tpu.memory_space<vmem>>) dst(%dma_wait3A_197 : memref<632xf32, #tpu.memory_space<vmem_shared>>)
      tpu.yield
    }) : () -> ()
    %barrier3A = arith.constant 0 : index
    tpu.barrier barrier_id(%barrier3A)
    %mul3A_23 = arith.constant 80 : i32
    %mul3A_24 = arith.muli %add3A, %mul3A_23 : i32
    %add3A_25 = arith.constant 0 : i32
    %add3A_26 = arith.addi %mul3A_24, %add3A_25 : i32
    "tpu.region"() ({
      %run_scoped3A = tpu.sem_alloc : memref<!tpu.dma_semaphore, #tpu.memory_space<semaphore_mem>>
      %dma_start3A_188 = arith.constant 0 : i32
      %dma_start3A_189 = tpu.memref_slice %arg3[%add3A_26, %dma_start3A_188] : memref<2560x128xi32, #tpu.memory_space<hbm>> -> memref<40x128xi32, #tpu.memory_space<hbm>>
      %dma_start3A_190 = arith.constant 0 : i32
      %dma_start3A_191 = tpu.memref_slice %arg3[%add3A_26, %dma_start3A_190] : memref<2560x128xi32, #tpu.memory_space<hbm>> -> memref<40x128xi32, #tpu.memory_space<hbm>>
      tpu.enqueue_dma source(%dma_start3A_191 : memref<40x128xi32, #tpu.memory_space<hbm>>) target(%arg13 : memref<40x128xi32, #tpu.memory_space<vmem>>) target_semaphore(%run_scoped3A : memref<!tpu.dma_semaphore, #tpu.memory_space<semaphore_mem>>)
      %dma_wait3A_192 = arith.constant 0 : i32
      %dma_wait3A_193 = tpu.memref_slice %arg3[%add3A_26, %dma_wait3A_192] : memref<2560x128xi32, #tpu.memory_space<hbm>> -> memref<40x128xi32, #tpu.memory_space<hbm>>
      %dma_wait3A_194 = arith.constant 0 : i32
      %dma_wait3A_195 = tpu.memref_slice %arg3[%add3A_26, %dma_wait3A_194] : memref<2560x128xi32, #tpu.memory_space<hbm>> -> memref<40x128xi32, #tpu.memory_space<hbm>>
      tpu.wait_dma2 semaphore(%run_scoped3A : memref<!tpu.dma_semaphore, #tpu.memory_space<semaphore_mem>>) src(%dma_wait3A_195 : memref<40x128xi32, #tpu.memory_space<hbm>>) dst(%arg13 : memref<40x128xi32, #tpu.memory_space<vmem>>)
      tpu.yield
    }) : () -> ()
    "tpu.region"() ({
      %run_scoped3A = tpu.sem_alloc : memref<!tpu.dma_semaphore, #tpu.memory_space<semaphore_mem>>
      %dma_start3A_188 = arith.constant 0 : i32
      %dma_start3A_189 = tpu.memref_slice %arg4[%add3A_26, %dma_start3A_188] : memref<2560x128xi32, #tpu.memory_space<hbm>> -> memref<40x128xi32, #tpu.memory_space<hbm>>
      %dma_start3A_190 = arith.constant 0 : i32
      %dma_start3A_191 = tpu.memref_slice %arg4[%add3A_26, %dma_start3A_190] : memref<2560x128xi32, #tpu.memory_space<hbm>> -> memref<40x128xi32, #tpu.memory_space<hbm>>
      tpu.enqueue_dma source(%dma_start3A_191 : memref<40x128xi32, #tpu.memory_space<hbm>>) target(%arg14 : memref<40x128xi32, #tpu.memory_space<vmem>>) target_semaphore(%run_scoped3A : memref<!tpu.dma_semaphore, #tpu.memory_space<semaphore_mem>>)
      %dma_wait3A_192 = arith.constant 0 : i32
      %dma_wait3A_193 = tpu.memref_slice %arg4[%add3A_26, %dma_wait3A_192] : memref<2560x128xi32, #tpu.memory_space<hbm>> -> memref<40x128xi32, #tpu.memory_space<hbm>>
      %dma_wait3A_194 = arith.constant 0 : i32
      %dma_wait3A_195 = tpu.memref_slice %arg4[%add3A_26, %dma_wait3A_194] : memref<2560x128xi32, #tpu.memory_space<hbm>> -> memref<40x128xi32, #tpu.memory_space<hbm>>
      tpu.wait_dma2 semaphore(%run_scoped3A : memref<!tpu.dma_semaphore, #tpu.memory_space<semaphore_mem>>) src(%dma_wait3A_195 : memref<40x128xi32, #tpu.memory_space<hbm>>) dst(%arg14 : memref<40x128xi32, #tpu.memory_space<vmem>>)
      tpu.yield
    }) : () -> ()
    %eq3A = arith.constant 0 : i32
    %eq3A_27 = arith.cmpi eq, %arg0, %eq3A : i32
    %dma_start3A = arith.constant 0 : i32
    %dma_start3A_28 = arith.constant 0 : i32
    %dma_start3A_29 = tpu.memref_slice %arg13[%dma_start3A, %dma_start3A_28] : memref<40x128xi32, #tpu.memory_space<vmem>> -> memref<1x128xi32, #tpu.memory_space<vmem>>
    %dma_start3A_30 = tpu.memref_squeeze %dma_start3A_29 : memref<1x128xi32, #tpu.memory_space<vmem>> -> memref<128xi32, #tpu.memory_space<vmem>>
    %dma_start3A_31 = arith.constant 0 : i32
    %dma_start3A_32 = arith.constant 0 : i32
    %dma_start3A_33 = tpu.memref_slice %arg2[%dma_start3A_31, %dma_start3A_32] : memref<20000x128xf32, #tpu.memory_space<hbm>> -> memref<20000x128xf32, #tpu.memory_space<hbm>>
    tpu.enqueue_indirect_dma source(%dma_start3A_33 : memref<20000x128xf32, #tpu.memory_space<hbm>>) target(%arg15 : memref<128x128xf32, #tpu.memory_space<vmem>>) offsets(%dma_start3A_30 : memref<128xi32, #tpu.memory_space<vmem>>) semaphore(%arg19 : memref<!tpu.dma_semaphore, #tpu.memory_space<semaphore_mem>>)
    %dma_start3A_34 = arith.constant 1 : i32
    %dma_start3A_35 = arith.constant 0 : i32
    %dma_start3A_36 = tpu.memref_slice %arg13[%dma_start3A_34, %dma_start3A_35] : memref<40x128xi32, #tpu.memory_space<vmem>> -> memref<1x128xi32, #tpu.memory_space<vmem>>
    %dma_start3A_37 = tpu.memref_squeeze %dma_start3A_36 : memref<1x128xi32, #tpu.memory_space<vmem>> -> memref<128xi32, #tpu.memory_space<vmem>>
    %dma_start3A_38 = arith.constant 0 : i32
    %dma_start3A_39 = arith.constant 0 : i32
    %dma_start3A_40 = tpu.memref_slice %arg2[%dma_start3A_38, %dma_start3A_39] : memref<20000x128xf32, #tpu.memory_space<hbm>> -> memref<20000x128xf32, #tpu.memory_space<hbm>>
    tpu.enqueue_indirect_dma source(%dma_start3A_40 : memref<20000x128xf32, #tpu.memory_space<hbm>>) target(%arg16 : memref<128x128xf32, #tpu.memory_space<vmem>>) offsets(%dma_start3A_37 : memref<128xi32, #tpu.memory_space<vmem>>) semaphore(%arg20 : memref<!tpu.dma_semaphore, #tpu.memory_space<semaphore_mem>>)
    %dma_wait3A = arith.constant 0 : i32
    %dma_wait3A_41 = arith.constant 0 : i32
    %dma_wait3A_42 = tpu.memref_slice %arg13[%dma_wait3A, %dma_wait3A_41] : memref<40x128xi32, #tpu.memory_space<vmem>> -> memref<1x128xi32, #tpu.memory_space<vmem>>
    %dma_wait3A_43 = tpu.memref_squeeze %dma_wait3A_42 : memref<1x128xi32, #tpu.memory_space<vmem>> -> memref<128xi32, #tpu.memory_space<vmem>>
    %dma_wait3A_44 = arith.constant 0 : i32
    %dma_wait3A_45 = arith.constant 0 : i32
    %dma_wait3A_46 = tpu.memref_slice %arg2[%dma_wait3A_44, %dma_wait3A_45] : memref<20000x128xf32, #tpu.memory_space<hbm>> -> memref<20000x128xf32, #tpu.memory_space<hbm>>
    tpu.wait_indirect_dma semaphore(%arg19 : memref<!tpu.dma_semaphore, #tpu.memory_space<semaphore_mem>>) src(%dma_wait3A_46 : memref<20000x128xf32, #tpu.memory_space<hbm>>) dst(%arg15 : memref<128x128xf32, #tpu.memory_space<vmem>>)
    %dma_start3A_47 = arith.constant 0 : i32
    %dma_start3A_48 = arith.constant 0 : i32
    %dma_start3A_49 = tpu.memref_slice %arg14[%dma_start3A_47, %dma_start3A_48] : memref<40x128xi32, #tpu.memory_space<vmem>> -> memref<1x128xi32, #tpu.memory_space<vmem>>
    %dma_start3A_50 = tpu.memref_squeeze %dma_start3A_49 : memref<1x128xi32, #tpu.memory_space<vmem>> -> memref<128xi32, #tpu.memory_space<vmem>>
    %dma_start3A_51 = arith.constant 0 : i32
    %dma_start3A_52 = arith.constant 0 : i32
    %dma_start3A_53 = tpu.memref_slice %arg11[%dma_start3A_51, %dma_start3A_52] : memref<10112x128xf32, #tpu.memory_space<vmem_shared>> -> memref<10112x128xf32, #tpu.memory_space<vmem_shared>>
    tpu.enqueue_indirect_dma source(%arg15 : memref<128x128xf32, #tpu.memory_space<vmem>>) target(%dma_start3A_53 : memref<10112x128xf32, #tpu.memory_space<vmem_shared>>) offsets(%dma_start3A_50 : memref<128xi32, #tpu.memory_space<vmem>>) semaphore(%arg21 : memref<!tpu.dma_semaphore, #tpu.memory_space<semaphore_mem>>) {add = true}
    %convert_element_type3A = arith.extui %eq3A_27 : i1 to i32
    %cond3A = arith.constant 0 : i32
    %cond3A_54 = arith.cmpi ne, %convert_element_type3A, %cond3A : i32
    scf.if %cond3A_54 {
      %dma_start3A_188 = arith.constant 0 : i32
      %dma_start3A_189 = arith.constant 0 : i32
      %dma_start3A_190 = tpu.memref_slice %arg14[%dma_start3A_188, %dma_start3A_189] : memref<40x128xi32, #tpu.memory_space<vmem>> -> memref<1x128xi32, #tpu.memory_space<vmem>>
      %dma_start3A_191 = tpu.memref_squeeze %dma_start3A_190 : memref<1x128xi32, #tpu.memory_space<vmem>> -> memref<128xi32, #tpu.memory_space<vmem>>
      %dma_start3A_192 = arith.constant 0 : i32
      %dma_start3A_193 = tpu.memref_slice %arg12[%dma_start3A_192] : memref<10112xf32, #tpu.memory_space<vmem_shared>> -> memref<10112xf32, #tpu.memory_space<vmem_shared>>
      tpu.enqueue_indirect_dma source(%arg17 : memref<128xf32, #tpu.memory_space<vmem>>) target(%dma_start3A_193 : memref<10112xf32, #tpu.memory_space<vmem_shared>>) offsets(%dma_start3A_191 : memref<128xi32, #tpu.memory_space<vmem>>) semaphore(%arg22 : memref<!tpu.dma_semaphore, #tpu.memory_space<semaphore_mem>>) {add = true}
    } else {
    }
    %scan3A = arith.constant 0 : i32
    %scan3A_55 = arith.constant 0 : i32
    %scan3A_56 = arith.constant 19 : i32
    %scan3A_57 = arith.addi %scan3A_55, %scan3A_56 : i32
    %scan3A_58 = arith.constant 1 : i32
    scf.for %scan3A_188 = %scan3A_55 to %scan3A_57 step %scan3A_58  : i32 {
      %mul3A_189 = arith.constant 2 : i32
      %mul3A_190 = arith.muli %mul3A_189, %scan3A_188 : i32
      %add3A_191 = arith.constant 1 : i32
      %add3A_192 = arith.addi %mul3A_190, %add3A_191 : i32
      %dma_wait3A_193 = arith.constant 0 : i32
      %dma_wait3A_194 = arith.constant 0 : i32
      %dma_wait3A_195 = tpu.memref_slice %arg14[%dma_wait3A_193, %dma_wait3A_194] : memref<40x128xi32, #tpu.memory_space<vmem>> -> memref<1x128xi32, #tpu.memory_space<vmem>>
      %dma_wait3A_196 = tpu.memref_squeeze %dma_wait3A_195 : memref<1x128xi32, #tpu.memory_space<vmem>> -> memref<128xi32, #tpu.memory_space<vmem>>
      %dma_wait3A_197 = arith.constant 0 : i32
      %dma_wait3A_198 = arith.constant 0 : i32
      %dma_wait3A_199 = tpu.memref_slice %arg11[%dma_wait3A_197, %dma_wait3A_198] : memref<10112x128xf32, #tpu.memory_space<vmem_shared>> -> memref<10112x128xf32, #tpu.memory_space<vmem_shared>>
      tpu.wait_indirect_dma semaphore(%arg21 : memref<!tpu.dma_semaphore, #tpu.memory_space<semaphore_mem>>) src(%arg15 : memref<128x128xf32, #tpu.memory_space<vmem>>) dst(%dma_wait3A_199 : memref<10112x128xf32, #tpu.memory_space<vmem_shared>>)
      %add3A_200 = arith.constant 1 : i32
      %add3A_201 = arith.addi %add3A_192, %add3A_200 : i32
      %dma_start3A_202 = arith.constant 0 : i32
      %dma_start3A_203 = tpu.memref_slice %arg13[%add3A_201, %dma_start3A_202] : memref<40x128xi32, #tpu.memory_space<vmem>> -> memref<1x128xi32, #tpu.memory_space<vmem>>
      %dma_start3A_204 = tpu.memref_squeeze %dma_start3A_203 : memref<1x128xi32, #tpu.memory_space<vmem>> -> memref<128xi32, #tpu.memory_space<vmem>>
      %dma_start3A_205 = arith.constant 0 : i32
      %dma_start3A_206 = arith.constant 0 : i32
      %dma_start3A_207 = tpu.memref_slice %arg2[%dma_start3A_205, %dma_start3A_206] : memref<20000x128xf32, #tpu.memory_space<hbm>> -> memref<20000x128xf32, #tpu.memory_space<hbm>>
      tpu.enqueue_indirect_dma source(%dma_start3A_207 : memref<20000x128xf32, #tpu.memory_space<hbm>>) target(%arg15 : memref<128x128xf32, #tpu.memory_space<vmem>>) offsets(%dma_start3A_204 : memref<128xi32, #tpu.memory_space<vmem>>) semaphore(%arg19 : memref<!tpu.dma_semaphore, #tpu.memory_space<semaphore_mem>>)
      %dma_wait3A_208 = arith.constant 0 : i32
      %dma_wait3A_209 = arith.constant 0 : i32
      %dma_wait3A_210 = tpu.memref_slice %arg13[%dma_wait3A_208, %dma_wait3A_209] : memref<40x128xi32, #tpu.memory_space<vmem>> -> memref<1x128xi32, #tpu.memory_space<vmem>>
      %dma_wait3A_211 = tpu.memref_squeeze %dma_wait3A_210 : memref<1x128xi32, #tpu.memory_space<vmem>> -> memref<128xi32, #tpu.memory_space<vmem>>
      %dma_wait3A_212 = arith.constant 0 : i32
      %dma_wait3A_213 = arith.constant 0 : i32
      %dma_wait3A_214 = tpu.memref_slice %arg2[%dma_wait3A_212, %dma_wait3A_213] : memref<20000x128xf32, #tpu.memory_space<hbm>> -> memref<20000x128xf32, #tpu.memory_space<hbm>>
      tpu.wait_indirect_dma semaphore(%arg20 : memref<!tpu.dma_semaphore, #tpu.memory_space<semaphore_mem>>) src(%dma_wait3A_214 : memref<20000x128xf32, #tpu.memory_space<hbm>>) dst(%arg16 : memref<128x128xf32, #tpu.memory_space<vmem>>)
      %dma_start3A_215 = arith.constant 0 : i32
      %dma_start3A_216 = tpu.memref_slice %arg14[%add3A_192, %dma_start3A_215] : memref<40x128xi32, #tpu.memory_space<vmem>> -> memref<1x128xi32, #tpu.memory_space<vmem>>
      %dma_start3A_217 = tpu.memref_squeeze %dma_start3A_216 : memref<1x128xi32, #tpu.memory_space<vmem>> -> memref<128xi32, #tpu.memory_space<vmem>>
      %dma_start3A_218 = arith.constant 0 : i32
      %dma_start3A_219 = arith.constant 0 : i32
      %dma_start3A_220 = tpu.memref_slice %arg11[%dma_start3A_218, %dma_start3A_219] : memref<10112x128xf32, #tpu.memory_space<vmem_shared>> -> memref<10112x128xf32, #tpu.memory_space<vmem_shared>>
      tpu.enqueue_indirect_dma source(%arg16 : memref<128x128xf32, #tpu.memory_space<vmem>>) target(%dma_start3A_220 : memref<10112x128xf32, #tpu.memory_space<vmem_shared>>) offsets(%dma_start3A_217 : memref<128xi32, #tpu.memory_space<vmem>>) semaphore(%arg21 : memref<!tpu.dma_semaphore, #tpu.memory_space<semaphore_mem>>) {add = true}
      %convert_element_type3A_221 = arith.extui %eq3A_27 : i1 to i32
      %cond3A_222 = arith.constant 0 : i32
      %cond3A_223 = arith.cmpi ne, %convert_element_type3A_221, %cond3A_222 : i32
      scf.if %cond3A_223 {
        %dma_start3A_257 = arith.constant 0 : i32
        %dma_start3A_258 = tpu.memref_slice %arg14[%add3A_192, %dma_start3A_257] : memref<40x128xi32, #tpu.memory_space<vmem>> -> memref<1x128xi32, #tpu.memory_space<vmem>>
        %dma_start3A_259 = tpu.memref_squeeze %dma_start3A_258 : memref<1x128xi32, #tpu.memory_space<vmem>> -> memref<128xi32, #tpu.memory_space<vmem>>
        %dma_start3A_260 = arith.constant 0 : i32
        %dma_start3A_261 = tpu.memref_slice %arg12[%dma_start3A_260] : memref<10112xf32, #tpu.memory_space<vmem_shared>> -> memref<10112xf32, #tpu.memory_space<vmem_shared>>
        tpu.enqueue_indirect_dma source(%arg17 : memref<128xf32, #tpu.memory_space<vmem>>) target(%dma_start3A_261 : memref<10112xf32, #tpu.memory_space<vmem_shared>>) offsets(%dma_start3A_259 : memref<128xi32, #tpu.memory_space<vmem>>) semaphore(%arg22 : memref<!tpu.dma_semaphore, #tpu.memory_space<semaphore_mem>>) {add = true}
      } else {
      }
      %add3A_224 = arith.constant 1 : i32
      %add3A_225 = arith.addi %add3A_192, %add3A_224 : i32
      %dma_wait3A_226 = arith.constant 0 : i32
      %dma_wait3A_227 = arith.constant 0 : i32
      %dma_wait3A_228 = tpu.memref_slice %arg14[%dma_wait3A_226, %dma_wait3A_227] : memref<40x128xi32, #tpu.memory_space<vmem>> -> memref<1x128xi32, #tpu.memory_space<vmem>>
      %dma_wait3A_229 = tpu.memref_squeeze %dma_wait3A_228 : memref<1x128xi32, #tpu.memory_space<vmem>> -> memref<128xi32, #tpu.memory_space<vmem>>
      %dma_wait3A_230 = arith.constant 0 : i32
      %dma_wait3A_231 = arith.constant 0 : i32
      %dma_wait3A_232 = tpu.memref_slice %arg11[%dma_wait3A_230, %dma_wait3A_231] : memref<10112x128xf32, #tpu.memory_space<vmem_shared>> -> memref<10112x128xf32, #tpu.memory_space<vmem_shared>>
      tpu.wait_indirect_dma semaphore(%arg21 : memref<!tpu.dma_semaphore, #tpu.memory_space<semaphore_mem>>) src(%arg16 : memref<128x128xf32, #tpu.memory_space<vmem>>) dst(%dma_wait3A_232 : memref<10112x128xf32, #tpu.memory_space<vmem_shared>>)
      %add3A_233 = arith.constant 1 : i32
      %add3A_234 = arith.addi %add3A_225, %add3A_233 : i32
      %dma_start3A_235 = arith.constant 0 : i32
      %dma_start3A_236 = tpu.memref_slice %arg13[%add3A_234, %dma_start3A_235] : memref<40x128xi32, #tpu.memory_space<vmem>> -> memref<1x128xi32, #tpu.memory_space<vmem>>
      %dma_start3A_237 = tpu.memref_squeeze %dma_start3A_236 : memref<1x128xi32, #tpu.memory_space<vmem>> -> memref<128xi32, #tpu.memory_space<vmem>>
      %dma_start3A_238 = arith.constant 0 : i32
      %dma_start3A_239 = arith.constant 0 : i32
      %dma_start3A_240 = tpu.memref_slice %arg2[%dma_start3A_238, %dma_start3A_239] : memref<20000x128xf32, #tpu.memory_space<hbm>> -> memref<20000x128xf32, #tpu.memory_space<hbm>>
      tpu.enqueue_indirect_dma source(%dma_start3A_240 : memref<20000x128xf32, #tpu.memory_space<hbm>>) target(%arg16 : memref<128x128xf32, #tpu.memory_space<vmem>>) offsets(%dma_start3A_237 : memref<128xi32, #tpu.memory_space<vmem>>) semaphore(%arg20 : memref<!tpu.dma_semaphore, #tpu.memory_space<semaphore_mem>>)
      %dma_wait3A_241 = arith.constant 0 : i32
      %dma_wait3A_242 = arith.constant 0 : i32
      %dma_wait3A_243 = tpu.memref_slice %arg13[%dma_wait3A_241, %dma_wait3A_242] : memref<40x128xi32, #tpu.memory_space<vmem>> -> memref<1x128xi32, #tpu.memory_space<vmem>>
      %dma_wait3A_244 = tpu.memref_squeeze %dma_wait3A_243 : memref<1x128xi32, #tpu.memory_space<vmem>> -> memref<128xi32, #tpu.memory_space<vmem>>
      %dma_wait3A_245 = arith.constant 0 : i32
      %dma_wait3A_246 = arith.constant 0 : i32
      %dma_wait3A_247 = tpu.memref_slice %arg2[%dma_wait3A_245, %dma_wait3A_246] : memref<20000x128xf32, #tpu.memory_space<hbm>> -> memref<20000x128xf32, #tpu.memory_space<hbm>>
      tpu.wait_indirect_dma semaphore(%arg19 : memref<!tpu.dma_semaphore, #tpu.memory_space<semaphore_mem>>) src(%dma_wait3A_247 : memref<20000x128xf32, #tpu.memory_space<hbm>>) dst(%arg15 : memref<128x128xf32, #tpu.memory_space<vmem>>)
      %dma_start3A_248 = arith.constant 0 : i32
      %dma_start3A_249 = tpu.memref_slice %arg14[%add3A_225, %dma_start3A_248] : memref<40x128xi32, #tpu.memory_space<vmem>> -> memref<1x128xi32, #tpu.memory_space<vmem>>
      %dma_start3A_250 = tpu.memref_squeeze %dma_start3A_249 : memref<1x128xi32, #tpu.memory_space<vmem>> -> memref<128xi32, #tpu.memory_space<vmem>>
      %dma_start3A_251 = arith.constant 0 : i32
      %dma_start3A_252 = arith.constant 0 : i32
      %dma_start3A_253 = tpu.memref_slice %arg11[%dma_start3A_251, %dma_start3A_252] : memref<10112x128xf32, #tpu.memory_space<vmem_shared>> -> memref<10112x128xf32, #tpu.memory_space<vmem_shared>>
      tpu.enqueue_indirect_dma source(%arg15 : memref<128x128xf32, #tpu.memory_space<vmem>>) target(%dma_start3A_253 : memref<10112x128xf32, #tpu.memory_space<vmem_shared>>) offsets(%dma_start3A_250 : memref<128xi32, #tpu.memory_space<vmem>>) semaphore(%arg21 : memref<!tpu.dma_semaphore, #tpu.memory_space<semaphore_mem>>) {add = true}
      %convert_element_type3A_254 = arith.extui %eq3A_27 : i1 to i32
      %cond3A_255 = arith.constant 0 : i32
      %cond3A_256 = arith.cmpi ne, %convert_element_type3A_254, %cond3A_255 : i32
      scf.if %cond3A_256 {
        %dma_start3A_257 = arith.constant 0 : i32
        %dma_start3A_258 = tpu.memref_slice %arg14[%add3A_225, %dma_start3A_257] : memref<40x128xi32, #tpu.memory_space<vmem>> -> memref<1x128xi32, #tpu.memory_space<vmem>>
        %dma_start3A_259 = tpu.memref_squeeze %dma_start3A_258 : memref<1x128xi32, #tpu.memory_space<vmem>> -> memref<128xi32, #tpu.memory_space<vmem>>
        %dma_start3A_260 = arith.constant 0 : i32
        %dma_start3A_261 = tpu.memref_slice %arg12[%dma_start3A_260] : memref<10112xf32, #tpu.memory_space<vmem_shared>> -> memref<10112xf32, #tpu.memory_space<vmem_shared>>
        tpu.enqueue_indirect_dma source(%arg17 : memref<128xf32, #tpu.memory_space<vmem>>) target(%dma_start3A_261 : memref<10112xf32, #tpu.memory_space<vmem_shared>>) offsets(%dma_start3A_259 : memref<128xi32, #tpu.memory_space<vmem>>) semaphore(%arg22 : memref<!tpu.dma_semaphore, #tpu.memory_space<semaphore_mem>>) {add = true}
      } else {
      }
    }
    %scan3A_59 = arith.constant 19 : i32
    %dma_wait3A_60 = arith.constant 0 : i32
    %dma_wait3A_61 = arith.constant 0 : i32
    %dma_wait3A_62 = tpu.memref_slice %arg14[%dma_wait3A_60, %dma_wait3A_61] : memref<40x128xi32, #tpu.memory_space<vmem>> -> memref<1x128xi32, #tpu.memory_space<vmem>>
    %dma_wait3A_63 = tpu.memref_squeeze %dma_wait3A_62 : memref<1x128xi32, #tpu.memory_space<vmem>> -> memref<128xi32, #tpu.memory_space<vmem>>
    %dma_wait3A_64 = arith.constant 0 : i32
    %dma_wait3A_65 = arith.constant 0 : i32
    %dma_wait3A_66 = tpu.memref_slice %arg11[%dma_wait3A_64, %dma_wait3A_65] : memref<10112x128xf32, #tpu.memory_space<vmem_shared>> -> memref<10112x128xf32, #tpu.memory_space<vmem_shared>>
    tpu.wait_indirect_dma semaphore(%arg21 : memref<!tpu.dma_semaphore, #tpu.memory_space<semaphore_mem>>) src(%arg15 : memref<128x128xf32, #tpu.memory_space<vmem>>) dst(%dma_wait3A_66 : memref<10112x128xf32, #tpu.memory_space<vmem_shared>>)
    %dma_wait3A_67 = arith.constant 0 : i32
    %dma_wait3A_68 = arith.constant 0 : i32
    %dma_wait3A_69 = tpu.memref_slice %arg13[%dma_wait3A_67, %dma_wait3A_68] : memref<40x128xi32, #tpu.memory_space<vmem>> -> memref<1x128xi32, #tpu.memory_space<vmem>>
    %dma_wait3A_70 = tpu.memref_squeeze %dma_wait3A_69 : memref<1x128xi32, #tpu.memory_space<vmem>> -> memref<128xi32, #tpu.memory_space<vmem>>
    %dma_wait3A_71 = arith.constant 0 : i32
    %dma_wait3A_72 = arith.constant 0 : i32
    %dma_wait3A_73 = tpu.memref_slice %arg2[%dma_wait3A_71, %dma_wait3A_72] : memref<20000x128xf32, #tpu.memory_space<hbm>> -> memref<20000x128xf32, #tpu.memory_space<hbm>>
    tpu.wait_indirect_dma semaphore(%arg20 : memref<!tpu.dma_semaphore, #tpu.memory_space<semaphore_mem>>) src(%dma_wait3A_73 : memref<20000x128xf32, #tpu.memory_space<hbm>>) dst(%arg16 : memref<128x128xf32, #tpu.memory_space<vmem>>)
    %dma_start3A_74 = arith.constant 39 : i32
    %dma_start3A_75 = arith.constant 0 : i32
    %dma_start3A_76 = tpu.memref_slice %arg14[%dma_start3A_74, %dma_start3A_75] : memref<40x128xi32, #tpu.memory_space<vmem>> -> memref<1x128xi32, #tpu.memory_space<vmem>>
    %dma_start3A_77 = tpu.memref_squeeze %dma_start3A_76 : memref<1x128xi32, #tpu.memory_space<vmem>> -> memref<128xi32, #tpu.memory_space<vmem>>
    %dma_start3A_78 = arith.constant 0 : i32
    %dma_start3A_79 = arith.constant 0 : i32
    %dma_start3A_80 = tpu.memref_slice %arg11[%dma_start3A_78, %dma_start3A_79] : memref<10112x128xf32, #tpu.memory_space<vmem_shared>> -> memref<10112x128xf32, #tpu.memory_space<vmem_shared>>
    tpu.enqueue_indirect_dma source(%arg16 : memref<128x128xf32, #tpu.memory_space<vmem>>) target(%dma_start3A_80 : memref<10112x128xf32, #tpu.memory_space<vmem_shared>>) offsets(%dma_start3A_77 : memref<128xi32, #tpu.memory_space<vmem>>) semaphore(%arg21 : memref<!tpu.dma_semaphore, #tpu.memory_space<semaphore_mem>>) {add = true}
    %convert_element_type3A_81 = arith.extui %eq3A_27 : i1 to i32
    %cond3A_82 = arith.constant 0 : i32
    %cond3A_83 = arith.cmpi ne, %convert_element_type3A_81, %cond3A_82 : i32
    scf.if %cond3A_83 {
      %dma_start3A_188 = arith.constant 39 : i32
      %dma_start3A_189 = arith.constant 0 : i32
      %dma_start3A_190 = tpu.memref_slice %arg14[%dma_start3A_188, %dma_start3A_189] : memref<40x128xi32, #tpu.memory_space<vmem>> -> memref<1x128xi32, #tpu.memory_space<vmem>>
      %dma_start3A_191 = tpu.memref_squeeze %dma_start3A_190 : memref<1x128xi32, #tpu.memory_space<vmem>> -> memref<128xi32, #tpu.memory_space<vmem>>
      %dma_start3A_192 = arith.constant 0 : i32
      %dma_start3A_193 = tpu.memref_slice %arg12[%dma_start3A_192] : memref<10112xf32, #tpu.memory_space<vmem_shared>> -> memref<10112xf32, #tpu.memory_space<vmem_shared>>
      tpu.enqueue_indirect_dma source(%arg17 : memref<128xf32, #tpu.memory_space<vmem>>) target(%dma_start3A_193 : memref<10112xf32, #tpu.memory_space<vmem_shared>>) offsets(%dma_start3A_191 : memref<128xi32, #tpu.memory_space<vmem>>) semaphore(%arg22 : memref<!tpu.dma_semaphore, #tpu.memory_space<semaphore_mem>>) {add = true}
    } else {
    }
    %dma_wait3A_84 = arith.constant 0 : i32
    %dma_wait3A_85 = arith.constant 0 : i32
    %dma_wait3A_86 = tpu.memref_slice %arg14[%dma_wait3A_84, %dma_wait3A_85] : memref<40x128xi32, #tpu.memory_space<vmem>> -> memref<1x128xi32, #tpu.memory_space<vmem>>
    %dma_wait3A_87 = tpu.memref_squeeze %dma_wait3A_86 : memref<1x128xi32, #tpu.memory_space<vmem>> -> memref<128xi32, #tpu.memory_space<vmem>>
    %dma_wait3A_88 = arith.constant 0 : i32
    %dma_wait3A_89 = arith.constant 0 : i32
    %dma_wait3A_90 = tpu.memref_slice %arg11[%dma_wait3A_88, %dma_wait3A_89] : memref<10112x128xf32, #tpu.memory_space<vmem_shared>> -> memref<10112x128xf32, #tpu.memory_space<vmem_shared>>
    tpu.wait_indirect_dma semaphore(%arg21 : memref<!tpu.dma_semaphore, #tpu.memory_space<semaphore_mem>>) src(%arg16 : memref<128x128xf32, #tpu.memory_space<vmem>>) dst(%dma_wait3A_90 : memref<10112x128xf32, #tpu.memory_space<vmem_shared>>)
    %convert_element_type3A_91 = arith.extui %eq3A_27 : i1 to i32
    %cond3A_92 = arith.constant 0 : i32
    %cond3A_93 = arith.cmpi ne, %convert_element_type3A_91, %cond3A_92 : i32
    scf.if %cond3A_93 {
      %dma_wait3A_188 = arith.constant 0 : i32
      %dma_wait3A_189 = arith.constant 0 : i32
      %dma_wait3A_190 = tpu.memref_slice %arg14[%dma_wait3A_188, %dma_wait3A_189] : memref<40x128xi32, #tpu.memory_space<vmem>> -> memref<1x128xi32, #tpu.memory_space<vmem>>
      %dma_wait3A_191 = tpu.memref_squeeze %dma_wait3A_190 : memref<1x128xi32, #tpu.memory_space<vmem>> -> memref<128xi32, #tpu.memory_space<vmem>>
      %dma_wait3A_192 = arith.constant 0 : i32
      %dma_wait3A_193 = tpu.memref_slice %arg12[%dma_wait3A_192] : memref<10112xf32, #tpu.memory_space<vmem_shared>> -> memref<10112xf32, #tpu.memory_space<vmem_shared>>
      tpu.wait_indirect_dma semaphore(%arg22 : memref<!tpu.dma_semaphore, #tpu.memory_space<semaphore_mem>>) src(%arg17 : memref<128xf32, #tpu.memory_space<vmem>>) dst(%dma_wait3A_193 : memref<10112xf32, #tpu.memory_space<vmem_shared>>)
      %dma_wait3A_194 = arith.constant 0 : i32
      %dma_wait3A_195 = arith.constant 0 : i32
      %dma_wait3A_196 = tpu.memref_slice %arg14[%dma_wait3A_194, %dma_wait3A_195] : memref<40x128xi32, #tpu.memory_space<vmem>> -> memref<1x128xi32, #tpu.memory_space<vmem>>
      %dma_wait3A_197 = tpu.memref_squeeze %dma_wait3A_196 : memref<1x128xi32, #tpu.memory_space<vmem>> -> memref<128xi32, #tpu.memory_space<vmem>>
      %dma_wait3A_198 = arith.constant 0 : i32
      %dma_wait3A_199 = tpu.memref_slice %arg12[%dma_wait3A_198] : memref<10112xf32, #tpu.memory_space<vmem_shared>> -> memref<10112xf32, #tpu.memory_space<vmem_shared>>
      tpu.wait_indirect_dma semaphore(%arg22 : memref<!tpu.dma_semaphore, #tpu.memory_space<semaphore_mem>>) src(%arg17 : memref<128xf32, #tpu.memory_space<vmem>>) dst(%dma_wait3A_199 : memref<10112xf32, #tpu.memory_space<vmem_shared>>)
      %dma_wait3A_200 = arith.constant 0 : i32
      %dma_wait3A_201 = arith.constant 0 : i32
      %dma_wait3A_202 = tpu.memref_slice %arg14[%dma_wait3A_200, %dma_wait3A_201] : memref<40x128xi32, #tpu.memory_space<vmem>> -> memref<1x128xi32, #tpu.memory_space<vmem>>
      %dma_wait3A_203 = tpu.memref_squeeze %dma_wait3A_202 : memref<1x128xi32, #tpu.memory_space<vmem>> -> memref<128xi32, #tpu.memory_space<vmem>>
      %dma_wait3A_204 = arith.constant 0 : i32
      %dma_wait3A_205 = tpu.memref_slice %arg12[%dma_wait3A_204] : memref<10112xf32, #tpu.memory_space<vmem_shared>> -> memref<10112xf32, #tpu.memory_space<vmem_shared>>
      tpu.wait_indirect_dma semaphore(%arg22 : memref<!tpu.dma_semaphore, #tpu.memory_space<semaphore_mem>>) src(%arg17 : memref<128xf32, #tpu.memory_space<vmem>>) dst(%dma_wait3A_205 : memref<10112xf32, #tpu.memory_space<vmem_shared>>)
      %dma_wait3A_206 = arith.constant 0 : i32
      %dma_wait3A_207 = arith.constant 0 : i32
      %dma_wait3A_208 = tpu.memref_slice %arg14[%dma_wait3A_206, %dma_wait3A_207] : memref<40x128xi32, #tpu.memory_space<vmem>> -> memref<1x128xi32, #tpu.memory_space<vmem>>
      %dma_wait3A_209 = tpu.memref_squeeze %dma_wait3A_208 : memref<1x128xi32, #tpu.memory_space<vmem>> -> memref<128xi32, #tpu.memory_space<vmem>>
      %dma_wait3A_210 = arith.constant 0 : i32
      %dma_wait3A_211 = tpu.memref_slice %arg12[%dma_wait3A_210] : memref<10112xf32, #tpu.memory_space<vmem_shared>> -> memref<10112xf32, #tpu.memory_space<vmem_shared>>
      tpu.wait_indirect_dma semaphore(%arg22 : memref<!tpu.dma_semaphore, #tpu.memory_space<semaphore_mem>>) src(%arg17 : memref<128xf32, #tpu.memory_space<vmem>>) dst(%dma_wait3A_211 : memref<10112xf32, #tpu.memory_space<vmem_shared>>)
      %dma_wait3A_212 = arith.constant 0 : i32
      %dma_wait3A_213 = arith.constant 0 : i32
      %dma_wait3A_214 = tpu.memref_slice %arg14[%dma_wait3A_212, %dma_wait3A_213] : memref<40x128xi32, #tpu.memory_space<vmem>> -> memref<1x128xi32, #tpu.memory_space<vmem>>
      %dma_wait3A_215 = tpu.memref_squeeze %dma_wait3A_214 : memref<1x128xi32, #tpu.memory_space<vmem>> -> memref<128xi32, #tpu.memory_space<vmem>>
      %dma_wait3A_216 = arith.constant 0 : i32
      %dma_wait3A_217 = tpu.memref_slice %arg12[%dma_wait3A_216] : memref<10112xf32, #tpu.memory_space<vmem_shared>> -> memref<10112xf32, #tpu.memory_space<vmem_shared>>
      tpu.wait_indirect_dma semaphore(%arg22 : memref<!tpu.dma_semaphore, #tpu.memory_space<semaphore_mem>>) src(%arg17 : memref<128xf32, #tpu.memory_space<vmem>>) dst(%dma_wait3A_217 : memref<10112xf32, #tpu.memory_space<vmem_shared>>)
      %dma_wait3A_218 = arith.constant 0 : i32
      %dma_wait3A_219 = arith.constant 0 : i32
      %dma_wait3A_220 = tpu.memref_slice %arg14[%dma_wait3A_218, %dma_wait3A_219] : memref<40x128xi32, #tpu.memory_space<vmem>> -> memref<1x128xi32, #tpu.memory_space<vmem>>
      %dma_wait3A_221 = tpu.memref_squeeze %dma_wait3A_220 : memref<1x128xi32, #tpu.memory_space<vmem>> -> memref<128xi32, #tpu.memory_space<vmem>>
      %dma_wait3A_222 = arith.constant 0 : i32
      %dma_wait3A_223 = tpu.memref_slice %arg12[%dma_wait3A_222] : memref<10112xf32, #tpu.memory_space<vmem_shared>> -> memref<10112xf32, #tpu.memory_space<vmem_shared>>
      tpu.wait_indirect_dma semaphore(%arg22 : memref<!tpu.dma_semaphore, #tpu.memory_space<semaphore_mem>>) src(%arg17 : memref<128xf32, #tpu.memory_space<vmem>>) dst(%dma_wait3A_223 : memref<10112xf32, #tpu.memory_space<vmem_shared>>)
      %dma_wait3A_224 = arith.constant 0 : i32
      %dma_wait3A_225 = arith.constant 0 : i32
      %dma_wait3A_226 = tpu.memref_slice %arg14[%dma_wait3A_224, %dma_wait3A_225] : memref<40x128xi32, #tpu.memory_space<vmem>> -> memref<1x128xi32, #tpu.memory_space<vmem>>
      %dma_wait3A_227 = tpu.memref_squeeze %dma_wait3A_226 : memref<1x128xi32, #tpu.memory_space<vmem>> -> memref<128xi32, #tpu.memory_space<vmem>>
      %dma_wait3A_228 = arith.constant 0 : i32
      %dma_wait3A_229 = tpu.memref_slice %arg12[%dma_wait3A_228] : memref<10112xf32, #tpu.memory_space<vmem_shared>> -> memref<10112xf32, #tpu.memory_space<vmem_shared>>
      tpu.wait_indirect_dma semaphore(%arg22 : memref<!tpu.dma_semaphore, #tpu.memory_space<semaphore_mem>>) src(%arg17 : memref<128xf32, #tpu.memory_space<vmem>>) dst(%dma_wait3A_229 : memref<10112xf32, #tpu.memory_space<vmem_shared>>)
      %dma_wait3A_230 = arith.constant 0 : i32
      %dma_wait3A_231 = arith.constant 0 : i32
      %dma_wait3A_232 = tpu.memref_slice %arg14[%dma_wait3A_230, %dma_wait3A_231] : memref<40x128xi32, #tpu.memory_space<vmem>> -> memref<1x128xi32, #tpu.memory_space<vmem>>
      %dma_wait3A_233 = tpu.memref_squeeze %dma_wait3A_232 : memref<1x128xi32, #tpu.memory_space<vmem>> -> memref<128xi32, #tpu.memory_space<vmem>>
      %dma_wait3A_234 = arith.constant 0 : i32
      %dma_wait3A_235 = tpu.memref_slice %arg12[%dma_wait3A_234] : memref<10112xf32, #tpu.memory_space<vmem_shared>> -> memref<10112xf32, #tpu.memory_space<vmem_shared>>
      tpu.wait_indirect_dma semaphore(%arg22 : memref<!tpu.dma_semaphore, #tpu.memory_space<semaphore_mem>>) src(%arg17 : memref<128xf32, #tpu.memory_space<vmem>>) dst(%dma_wait3A_235 : memref<10112xf32, #tpu.memory_space<vmem_shared>>)
      %dma_wait3A_236 = arith.constant 0 : i32
      %dma_wait3A_237 = arith.constant 0 : i32
      %dma_wait3A_238 = tpu.memref_slice %arg14[%dma_wait3A_236, %dma_wait3A_237] : memref<40x128xi32, #tpu.memory_space<vmem>> -> memref<1x128xi32, #tpu.memory_space<vmem>>
      %dma_wait3A_239 = tpu.memref_squeeze %dma_wait3A_238 : memref<1x128xi32, #tpu.memory_space<vmem>> -> memref<128xi32, #tpu.memory_space<vmem>>
      %dma_wait3A_240 = arith.constant 0 : i32
      %dma_wait3A_241 = tpu.memref_slice %arg12[%dma_wait3A_240] : memref<10112xf32, #tpu.memory_space<vmem_shared>> -> memref<10112xf32, #tpu.memory_space<vmem_shared>>
      tpu.wait_indirect_dma semaphore(%arg22 : memref<!tpu.dma_semaphore, #tpu.memory_space<semaphore_mem>>) src(%arg17 : memref<128xf32, #tpu.memory_space<vmem>>) dst(%dma_wait3A_241 : memref<10112xf32, #tpu.memory_space<vmem_shared>>)
      %dma_wait3A_242 = arith.constant 0 : i32
      %dma_wait3A_243 = arith.constant 0 : i32
      %dma_wait3A_244 = tpu.memref_slice %arg14[%dma_wait3A_242, %dma_wait3A_243] : memref<40x128xi32, #tpu.memory_space<vmem>> -> memref<1x128xi32, #tpu.memory_space<vmem>>
      %dma_wait3A_245 = tpu.memref_squeeze %dma_wait3A_244 : memref<1x128xi32, #tpu.memory_space<vmem>> -> memref<128xi32, #tpu.memory_space<vmem>>
      %dma_wait3A_246 = arith.constant 0 : i32
      %dma_wait3A_247 = tpu.memref_slice %arg12[%dma_wait3A_246] : memref<10112xf32, #tpu.memory_space<vmem_shared>> -> memref<10112xf32, #tpu.memory_space<vmem_shared>>
      tpu.wait_indirect_dma semaphore(%arg22 : memref<!tpu.dma_semaphore, #tpu.memory_space<semaphore_mem>>) src(%arg17 : memref<128xf32, #tpu.memory_space<vmem>>) dst(%dma_wait3A_247 : memref<10112xf32, #tpu.memory_space<vmem_shared>>)
      %dma_wait3A_248 = arith.constant 0 : i32
      %dma_wait3A_249 = arith.constant 0 : i32
      %dma_wait3A_250 = tpu.memref_slice %arg14[%dma_wait3A_248, %dma_wait3A_249] : memref<40x128xi32, #tpu.memory_space<vmem>> -> memref<1x128xi32, #tpu.memory_space<vmem>>
      %dma_wait3A_251 = tpu.memref_squeeze %dma_wait3A_250 : memref<1x128xi32, #tpu.memory_space<vmem>> -> memref<128xi32, #tpu.memory_space<vmem>>
      %dma_wait3A_252 = arith.constant 0 : i32
      %dma_wait3A_253 = tpu.memref_slice %arg12[%dma_wait3A_252] : memref<10112xf32, #tpu.memory_space<vmem_shared>> -> memref<10112xf32, #tpu.memory_space<vmem_shared>>
      tpu.wait_indirect_dma semaphore(%arg22 : memref<!tpu.dma_semaphore, #tpu.memory_space<semaphore_mem>>) src(%arg17 : memref<128xf32, #tpu.memory_space<vmem>>) dst(%dma_wait3A_253 : memref<10112xf32, #tpu.memory_space<vmem_shared>>)
      %dma_wait3A_254 = arith.constant 0 : i32
      %dma_wait3A_255 = arith.constant 0 : i32
      %dma_wait3A_256 = tpu.memref_slice %arg14[%dma_wait3A_254, %dma_wait3A_255] : memref<40x128xi32, #tpu.memory_space<vmem>> -> memref<1x128xi32, #tpu.memory_space<vmem>>
      %dma_wait3A_257 = tpu.memref_squeeze %dma_wait3A_256 : memref<1x128xi32, #tpu.memory_space<vmem>> -> memref<128xi32, #tpu.memory_space<vmem>>
      %dma_wait3A_258 = arith.constant 0 : i32
      %dma_wait3A_259 = tpu.memref_slice %arg12[%dma_wait3A_258] : memref<10112xf32, #tpu.memory_space<vmem_shared>> -> memref<10112xf32, #tpu.memory_space<vmem_shared>>
      tpu.wait_indirect_dma semaphore(%arg22 : memref<!tpu.dma_semaphore, #tpu.memory_space<semaphore_mem>>) src(%arg17 : memref<128xf32, #tpu.memory_space<vmem>>) dst(%dma_wait3A_259 : memref<10112xf32, #tpu.memory_space<vmem_shared>>)
      %dma_wait3A_260 = arith.constant 0 : i32
      %dma_wait3A_261 = arith.constant 0 : i32
      %dma_wait3A_262 = tpu.memref_slice %arg14[%dma_wait3A_260, %dma_wait3A_261] : memref<40x128xi32, #tpu.memory_space<vmem>> -> memref<1x128xi32, #tpu.memory_space<vmem>>
      %dma_wait3A_263 = tpu.memref_squeeze %dma_wait3A_262 : memref<1x128xi32, #tpu.memory_space<vmem>> -> memref<128xi32, #tpu.memory_space<vmem>>
      %dma_wait3A_264 = arith.constant 0 : i32
      %dma_wait3A_265 = tpu.memref_slice %arg12[%dma_wait3A_264] : memref<10112xf32, #tpu.memory_space<vmem_shared>> -> memref<10112xf32, #tpu.memory_space<vmem_shared>>
      tpu.wait_indirect_dma semaphore(%arg22 : memref<!tpu.dma_semaphore, #tpu.memory_space<semaphore_mem>>) src(%arg17 : memref<128xf32, #tpu.memory_space<vmem>>) dst(%dma_wait3A_265 : memref<10112xf32, #tpu.memory_space<vmem_shared>>)
      %dma_wait3A_266 = arith.constant 0 : i32
      %dma_wait3A_267 = arith.constant 0 : i32
      %dma_wait3A_268 = tpu.memref_slice %arg14[%dma_wait3A_266, %dma_wait3A_267] : memref<40x128xi32, #tpu.memory_space<vmem>> -> memref<1x128xi32, #tpu.memory_space<vmem>>
      %dma_wait3A_269 = tpu.memref_squeeze %dma_wait3A_268 : memref<1x128xi32, #tpu.memory_space<vmem>> -> memref<128xi32, #tpu.memory_space<vmem>>
      %dma_wait3A_270 = arith.constant 0 : i32
      %dma_wait3A_271 = tpu.memref_slice %arg12[%dma_wait3A_270] : memref<10112xf32, #tpu.memory_space<vmem_shared>> -> memref<10112xf32, #tpu.memory_space<vmem_shared>>
      tpu.wait_indirect_dma semaphore(%arg22 : memref<!tpu.dma_semaphore, #tpu.memory_space<semaphore_mem>>) src(%arg17 : memref<128xf32, #tpu.memory_space<vmem>>) dst(%dma_wait3A_271 : memref<10112xf32, #tpu.memory_space<vmem_shared>>)
      %dma_wait3A_272 = arith.constant 0 : i32
      %dma_wait3A_273 = arith.constant 0 : i32
      %dma_wait3A_274 = tpu.memref_slice %arg14[%dma_wait3A_272, %dma_wait3A_273] : memref<40x128xi32, #tpu.memory_space<vmem>> -> memref<1x128xi32, #tpu.memory_space<vmem>>
      %dma_wait3A_275 = tpu.memref_squeeze %dma_wait3A_274 : memref<1x128xi32, #tpu.memory_space<vmem>> -> memref<128xi32, #tpu.memory_space<vmem>>
      %dma_wait3A_276 = arith.constant 0 : i32
      %dma_wait3A_277 = tpu.memref_slice %arg12[%dma_wait3A_276] : memref<10112xf32, #tpu.memory_space<vmem_shared>> -> memref<10112xf32, #tpu.memory_space<vmem_shared>>
      tpu.wait_indirect_dma semaphore(%arg22 : memref<!tpu.dma_semaphore, #tpu.memory_space<semaphore_mem>>) src(%arg17 : memref<128xf32, #tpu.memory_space<vmem>>) dst(%dma_wait3A_277 : memref<10112xf32, #tpu.memory_space<vmem_shared>>)
      %dma_wait3A_278 = arith.constant 0 : i32
      %dma_wait3A_279 = arith.constant 0 : i32
      %dma_wait3A_280 = tpu.memref_slice %arg14[%dma_wait3A_278, %dma_wait3A_279] : memref<40x128xi32, #tpu.memory_space<vmem>> -> memref<1x128xi32, #tpu.memory_space<vmem>>
      %dma_wait3A_281 = tpu.memref_squeeze %dma_wait3A_280 : memref<1x128xi32, #tpu.memory_space<vmem>> -> memref<128xi32, #tpu.memory_space<vmem>>
      %dma_wait3A_282 = arith.constant 0 : i32
      %dma_wait3A_283 = tpu.memref_slice %arg12[%dma_wait3A_282] : memref<10112xf32, #tpu.memory_space<vmem_shared>> -> memref<10112xf32, #tpu.memory_space<vmem_shared>>
      tpu.wait_indirect_dma semaphore(%arg22 : memref<!tpu.dma_semaphore, #tpu.memory_space<semaphore_mem>>) src(%arg17 : memref<128xf32, #tpu.memory_space<vmem>>) dst(%dma_wait3A_283 : memref<10112xf32, #tpu.memory_space<vmem_shared>>)
      %dma_wait3A_284 = arith.constant 0 : i32
      %dma_wait3A_285 = arith.constant 0 : i32
      %dma_wait3A_286 = tpu.memref_slice %arg14[%dma_wait3A_284, %dma_wait3A_285] : memref<40x128xi32, #tpu.memory_space<vmem>> -> memref<1x128xi32, #tpu.memory_space<vmem>>
      %dma_wait3A_287 = tpu.memref_squeeze %dma_wait3A_286 : memref<1x128xi32, #tpu.memory_space<vmem>> -> memref<128xi32, #tpu.memory_space<vmem>>
      %dma_wait3A_288 = arith.constant 0 : i32
      %dma_wait3A_289 = tpu.memref_slice %arg12[%dma_wait3A_288] : memref<10112xf32, #tpu.memory_space<vmem_shared>> -> memref<10112xf32, #tpu.memory_space<vmem_shared>>
      tpu.wait_indirect_dma semaphore(%arg22 : memref<!tpu.dma_semaphore, #tpu.memory_space<semaphore_mem>>) src(%arg17 : memref<128xf32, #tpu.memory_space<vmem>>) dst(%dma_wait3A_289 : memref<10112xf32, #tpu.memory_space<vmem_shared>>)
      %dma_wait3A_290 = arith.constant 0 : i32
      %dma_wait3A_291 = arith.constant 0 : i32
      %dma_wait3A_292 = tpu.memref_slice %arg14[%dma_wait3A_290, %dma_wait3A_291] : memref<40x128xi32, #tpu.memory_space<vmem>> -> memref<1x128xi32, #tpu.memory_space<vmem>>
      %dma_wait3A_293 = tpu.memref_squeeze %dma_wait3A_292 : memref<1x128xi32, #tpu.memory_space<vmem>> -> memref<128xi32, #tpu.memory_space<vmem>>
      %dma_wait3A_294 = arith.constant 0 : i32
      %dma_wait3A_295 = tpu.memref_slice %arg12[%dma_wait3A_294] : memref<10112xf32, #tpu.memory_space<vmem_shared>> -> memref<10112xf32, #tpu.memory_space<vmem_shared>>
      tpu.wait_indirect_dma semaphore(%arg22 : memref<!tpu.dma_semaphore, #tpu.memory_space<semaphore_mem>>) src(%arg17 : memref<128xf32, #tpu.memory_space<vmem>>) dst(%dma_wait3A_295 : memref<10112xf32, #tpu.memory_space<vmem_shared>>)
      %dma_wait3A_296 = arith.constant 0 : i32
      %dma_wait3A_297 = arith.constant 0 : i32
      %dma_wait3A_298 = tpu.memref_slice %arg14[%dma_wait3A_296, %dma_wait3A_297] : memref<40x128xi32, #tpu.memory_space<vmem>> -> memref<1x128xi32, #tpu.memory_space<vmem>>
      %dma_wait3A_299 = tpu.memref_squeeze %dma_wait3A_298 : memref<1x128xi32, #tpu.memory_space<vmem>> -> memref<128xi32, #tpu.memory_space<vmem>>
      %dma_wait3A_300 = arith.constant 0 : i32
      %dma_wait3A_301 = tpu.memref_slice %arg12[%dma_wait3A_300] : memref<10112xf32, #tpu.memory_space<vmem_shared>> -> memref<10112xf32, #tpu.memory_space<vmem_shared>>
      tpu.wait_indirect_dma semaphore(%arg22 : memref<!tpu.dma_semaphore, #tpu.memory_space<semaphore_mem>>) src(%arg17 : memref<128xf32, #tpu.memory_space<vmem>>) dst(%dma_wait3A_301 : memref<10112xf32, #tpu.memory_space<vmem_shared>>)
      %dma_wait3A_302 = arith.constant 0 : i32
      %dma_wait3A_303 = arith.constant 0 : i32
      %dma_wait3A_304 = tpu.memref_slice %arg14[%dma_wait3A_302, %dma_wait3A_303] : memref<40x128xi32, #tpu.memory_space<vmem>> -> memref<1x128xi32, #tpu.memory_space<vmem>>
      %dma_wait3A_305 = tpu.memref_squeeze %dma_wait3A_304 : memref<1x128xi32, #tpu.memory_space<vmem>> -> memref<128xi32, #tpu.memory_space<vmem>>
      %dma_wait3A_306 = arith.constant 0 : i32
      %dma_wait3A_307 = tpu.memref_slice %arg12[%dma_wait3A_306] : memref<10112xf32, #tpu.memory_space<vmem_shared>> -> memref<10112xf32, #tpu.memory_space<vmem_shared>>
      tpu.wait_indirect_dma semaphore(%arg22 : memref<!tpu.dma_semaphore, #tpu.memory_space<semaphore_mem>>) src(%arg17 : memref<128xf32, #tpu.memory_space<vmem>>) dst(%dma_wait3A_307 : memref<10112xf32, #tpu.memory_space<vmem_shared>>)
      %dma_wait3A_308 = arith.constant 0 : i32
      %dma_wait3A_309 = arith.constant 0 : i32
      %dma_wait3A_310 = tpu.memref_slice %arg14[%dma_wait3A_308, %dma_wait3A_309] : memref<40x128xi32, #tpu.memory_space<vmem>> -> memref<1x128xi32, #tpu.memory_space<vmem>>
      %dma_wait3A_311 = tpu.memref_squeeze %dma_wait3A_310 : memref<1x128xi32, #tpu.memory_space<vmem>> -> memref<128xi32, #tpu.memory_space<vmem>>
      %dma_wait3A_312 = arith.constant 0 : i32
      %dma_wait3A_313 = tpu.memref_slice %arg12[%dma_wait3A_312] : memref<10112xf32, #tpu.memory_space<vmem_shared>> -> memref<10112xf32, #tpu.memory_space<vmem_shared>>
      tpu.wait_indirect_dma semaphore(%arg22 : memref<!tpu.dma_semaphore, #tpu.memory_space<semaphore_mem>>) src(%arg17 : memref<128xf32, #tpu.memory_space<vmem>>) dst(%dma_wait3A_313 : memref<10112xf32, #tpu.memory_space<vmem_shared>>)
      %dma_wait3A_314 = arith.constant 0 : i32
      %dma_wait3A_315 = arith.constant 0 : i32
      %dma_wait3A_316 = tpu.memref_slice %arg14[%dma_wait3A_314, %dma_wait3A_315] : memref<40x128xi32, #tpu.memory_space<vmem>> -> memref<1x128xi32, #tpu.memory_space<vmem>>
      %dma_wait3A_317 = tpu.memref_squeeze %dma_wait3A_316 : memref<1x128xi32, #tpu.memory_space<vmem>> -> memref<128xi32, #tpu.memory_space<vmem>>
      %dma_wait3A_318 = arith.constant 0 : i32
      %dma_wait3A_319 = tpu.memref_slice %arg12[%dma_wait3A_318] : memref<10112xf32, #tpu.memory_space<vmem_shared>> -> memref<10112xf32, #tpu.memory_space<vmem_shared>>
      tpu.wait_indirect_dma semaphore(%arg22 : memref<!tpu.dma_semaphore, #tpu.memory_space<semaphore_mem>>) src(%arg17 : memref<128xf32, #tpu.memory_space<vmem>>) dst(%dma_wait3A_319 : memref<10112xf32, #tpu.memory_space<vmem_shared>>)
      %dma_wait3A_320 = arith.constant 0 : i32
      %dma_wait3A_321 = arith.constant 0 : i32
      %dma_wait3A_322 = tpu.memref_slice %arg14[%dma_wait3A_320, %dma_wait3A_321] : memref<40x128xi32, #tpu.memory_space<vmem>> -> memref<1x128xi32, #tpu.memory_space<vmem>>
      %dma_wait3A_323 = tpu.memref_squeeze %dma_wait3A_322 : memref<1x128xi32, #tpu.memory_space<vmem>> -> memref<128xi32, #tpu.memory_space<vmem>>
      %dma_wait3A_324 = arith.constant 0 : i32
      %dma_wait3A_325 = tpu.memref_slice %arg12[%dma_wait3A_324] : memref<10112xf32, #tpu.memory_space<vmem_shared>> -> memref<10112xf32, #tpu.memory_space<vmem_shared>>
      tpu.wait_indirect_dma semaphore(%arg22 : memref<!tpu.dma_semaphore, #tpu.memory_space<semaphore_mem>>) src(%arg17 : memref<128xf32, #tpu.memory_space<vmem>>) dst(%dma_wait3A_325 : memref<10112xf32, #tpu.memory_space<vmem_shared>>)
      %dma_wait3A_326 = arith.constant 0 : i32
      %dma_wait3A_327 = arith.constant 0 : i32
      %dma_wait3A_328 = tpu.memref_slice %arg14[%dma_wait3A_326, %dma_wait3A_327] : memref<40x128xi32, #tpu.memory_space<vmem>> -> memref<1x128xi32, #tpu.memory_space<vmem>>
      %dma_wait3A_329 = tpu.memref_squeeze %dma_wait3A_328 : memref<1x128xi32, #tpu.memory_space<vmem>> -> memref<128xi32, #tpu.memory_space<vmem>>
      %dma_wait3A_330 = arith.constant 0 : i32
      %dma_wait3A_331 = tpu.memref_slice %arg12[%dma_wait3A_330] : memref<10112xf32, #tpu.memory_space<vmem_shared>> -> memref<10112xf32, #tpu.memory_space<vmem_shared>>
      tpu.wait_indirect_dma semaphore(%arg22 : memref<!tpu.dma_semaphore, #tpu.memory_space<semaphore_mem>>) src(%arg17 : memref<128xf32, #tpu.memory_space<vmem>>) dst(%dma_wait3A_331 : memref<10112xf32, #tpu.memory_space<vmem_shared>>)
      %dma_wait3A_332 = arith.constant 0 : i32
      %dma_wait3A_333 = arith.constant 0 : i32
      %dma_wait3A_334 = tpu.memref_slice %arg14[%dma_wait3A_332, %dma_wait3A_333] : memref<40x128xi32, #tpu.memory_space<vmem>> -> memref<1x128xi32, #tpu.memory_space<vmem>>
      %dma_wait3A_335 = tpu.memref_squeeze %dma_wait3A_334 : memref<1x128xi32, #tpu.memory_space<vmem>> -> memref<128xi32, #tpu.memory_space<vmem>>
      %dma_wait3A_336 = arith.constant 0 : i32
      %dma_wait3A_337 = tpu.memref_slice %arg12[%dma_wait3A_336] : memref<10112xf32, #tpu.memory_space<vmem_shared>> -> memref<10112xf32, #tpu.memory_space<vmem_shared>>
      tpu.wait_indirect_dma semaphore(%arg22 : memref<!tpu.dma_semaphore, #tpu.memory_space<semaphore_mem>>) src(%arg17 : memref<128xf32, #tpu.memory_space<vmem>>) dst(%dma_wait3A_337 : memref<10112xf32, #tpu.memory_space<vmem_shared>>)
      %dma_wait3A_338 = arith.constant 0 : i32
      %dma_wait3A_339 = arith.constant 0 : i32
      %dma_wait3A_340 = tpu.memref_slice %arg14[%dma_wait3A_338, %dma_wait3A_339] : memref<40x128xi32, #tpu.memory_space<vmem>> -> memref<1x128xi32, #tpu.memory_space<vmem>>
      %dma_wait3A_341 = tpu.memref_squeeze %dma_wait3A_340 : memref<1x128xi32, #tpu.memory_space<vmem>> -> memref<128xi32, #tpu.memory_space<vmem>>
      %dma_wait3A_342 = arith.constant 0 : i32
      %dma_wait3A_343 = tpu.memref_slice %arg12[%dma_wait3A_342] : memref<10112xf32, #tpu.memory_space<vmem_shared>> -> memref<10112xf32, #tpu.memory_space<vmem_shared>>
      tpu.wait_indirect_dma semaphore(%arg22 : memref<!tpu.dma_semaphore, #tpu.memory_space<semaphore_mem>>) src(%arg17 : memref<128xf32, #tpu.memory_space<vmem>>) dst(%dma_wait3A_343 : memref<10112xf32, #tpu.memory_space<vmem_shared>>)
      %dma_wait3A_344 = arith.constant 0 : i32
      %dma_wait3A_345 = arith.constant 0 : i32
      %dma_wait3A_346 = tpu.memref_slice %arg14[%dma_wait3A_344, %dma_wait3A_345] : memref<40x128xi32, #tpu.memory_space<vmem>> -> memref<1x128xi32, #tpu.memory_space<vmem>>
      %dma_wait3A_347 = tpu.memref_squeeze %dma_wait3A_346 : memref<1x128xi32, #tpu.memory_space<vmem>> -> memref<128xi32, #tpu.memory_space<vmem>>
      %dma_wait3A_348 = arith.constant 0 : i32
      %dma_wait3A_349 = tpu.memref_slice %arg12[%dma_wait3A_348] : memref<10112xf32, #tpu.memory_space<vmem_shared>> -> memref<10112xf32, #tpu.memory_space<vmem_shared>>
      tpu.wait_indirect_dma semaphore(%arg22 : memref<!tpu.dma_semaphore, #tpu.memory_space<semaphore_mem>>) src(%arg17 : memref<128xf32, #tpu.memory_space<vmem>>) dst(%dma_wait3A_349 : memref<10112xf32, #tpu.memory_space<vmem_shared>>)
      %dma_wait3A_350 = arith.constant 0 : i32
      %dma_wait3A_351 = arith.constant 0 : i32
      %dma_wait3A_352 = tpu.memref_slice %arg14[%dma_wait3A_350, %dma_wait3A_351] : memref<40x128xi32, #tpu.memory_space<vmem>> -> memref<1x128xi32, #tpu.memory_space<vmem>>
      %dma_wait3A_353 = tpu.memref_squeeze %dma_wait3A_352 : memref<1x128xi32, #tpu.memory_space<vmem>> -> memref<128xi32, #tpu.memory_space<vmem>>
      %dma_wait3A_354 = arith.constant 0 : i32
      %dma_wait3A_355 = tpu.memref_slice %arg12[%dma_wait3A_354] : memref<10112xf32, #tpu.memory_space<vmem_shared>> -> memref<10112xf32, #tpu.memory_space<vmem_shared>>
      tpu.wait_indirect_dma semaphore(%arg22 : memref<!tpu.dma_semaphore, #tpu.memory_space<semaphore_mem>>) src(%arg17 : memref<128xf32, #tpu.memory_space<vmem>>) dst(%dma_wait3A_355 : memref<10112xf32, #tpu.memory_space<vmem_shared>>)
      %dma_wait3A_356 = arith.constant 0 : i32
      %dma_wait3A_357 = arith.constant 0 : i32
      %dma_wait3A_358 = tpu.memref_slice %arg14[%dma_wait3A_356, %dma_wait3A_357] : memref<40x128xi32, #tpu.memory_space<vmem>> -> memref<1x128xi32, #tpu.memory_space<vmem>>
      %dma_wait3A_359 = tpu.memref_squeeze %dma_wait3A_358 : memref<1x128xi32, #tpu.memory_space<vmem>> -> memref<128xi32, #tpu.memory_space<vmem>>
      %dma_wait3A_360 = arith.constant 0 : i32
      %dma_wait3A_361 = tpu.memref_slice %arg12[%dma_wait3A_360] : memref<10112xf32, #tpu.memory_space<vmem_shared>> -> memref<10112xf32, #tpu.memory_space<vmem_shared>>
      tpu.wait_indirect_dma semaphore(%arg22 : memref<!tpu.dma_semaphore, #tpu.memory_space<semaphore_mem>>) src(%arg17 : memref<128xf32, #tpu.memory_space<vmem>>) dst(%dma_wait3A_361 : memref<10112xf32, #tpu.memory_space<vmem_shared>>)
      %dma_wait3A_362 = arith.constant 0 : i32
      %dma_wait3A_363 = arith.constant 0 : i32
      %dma_wait3A_364 = tpu.memref_slice %arg14[%dma_wait3A_362, %dma_wait3A_363] : memref<40x128xi32, #tpu.memory_space<vmem>> -> memref<1x128xi32, #tpu.memory_space<vmem>>
      %dma_wait3A_365 = tpu.memref_squeeze %dma_wait3A_364 : memref<1x128xi32, #tpu.memory_space<vmem>> -> memref<128xi32, #tpu.memory_space<vmem>>
      %dma_wait3A_366 = arith.constant 0 : i32
      %dma_wait3A_367 = tpu.memref_slice %arg12[%dma_wait3A_366] : memref<10112xf32, #tpu.memory_space<vmem_shared>> -> memref<10112xf32, #tpu.memory_space<vmem_shared>>
      tpu.wait_indirect_dma semaphore(%arg22 : memref<!tpu.dma_semaphore, #tpu.memory_space<semaphore_mem>>) src(%arg17 : memref<128xf32, #tpu.memory_space<vmem>>) dst(%dma_wait3A_367 : memref<10112xf32, #tpu.memory_space<vmem_shared>>)
      %dma_wait3A_368 = arith.constant 0 : i32
      %dma_wait3A_369 = arith.constant 0 : i32
      %dma_wait3A_370 = tpu.memref_slice %arg14[%dma_wait3A_368, %dma_wait3A_369] : memref<40x128xi32, #tpu.memory_space<vmem>> -> memref<1x128xi32, #tpu.memory_space<vmem>>
      %dma_wait3A_371 = tpu.memref_squeeze %dma_wait3A_370 : memref<1x128xi32, #tpu.memory_space<vmem>> -> memref<128xi32, #tpu.memory_space<vmem>>
      %dma_wait3A_372 = arith.constant 0 : i32
      %dma_wait3A_373 = tpu.memref_slice %arg12[%dma_wait3A_372] : memref<10112xf32, #tpu.memory_space<vmem_shared>> -> memref<10112xf32, #tpu.memory_space<vmem_shared>>
      tpu.wait_indirect_dma semaphore(%arg22 : memref<!tpu.dma_semaphore, #tpu.memory_space<semaphore_mem>>) src(%arg17 : memref<128xf32, #tpu.memory_space<vmem>>) dst(%dma_wait3A_373 : memref<10112xf32, #tpu.memory_space<vmem_shared>>)
      %dma_wait3A_374 = arith.constant 0 : i32
      %dma_wait3A_375 = arith.constant 0 : i32
      %dma_wait3A_376 = tpu.memref_slice %arg14[%dma_wait3A_374, %dma_wait3A_375] : memref<40x128xi32, #tpu.memory_space<vmem>> -> memref<1x128xi32, #tpu.memory_space<vmem>>
      %dma_wait3A_377 = tpu.memref_squeeze %dma_wait3A_376 : memref<1x128xi32, #tpu.memory_space<vmem>> -> memref<128xi32, #tpu.memory_space<vmem>>
      %dma_wait3A_378 = arith.constant 0 : i32
      %dma_wait3A_379 = tpu.memref_slice %arg12[%dma_wait3A_378] : memref<10112xf32, #tpu.memory_space<vmem_shared>> -> memref<10112xf32, #tpu.memory_space<vmem_shared>>
      tpu.wait_indirect_dma semaphore(%arg22 : memref<!tpu.dma_semaphore, #tpu.memory_space<semaphore_mem>>) src(%arg17 : memref<128xf32, #tpu.memory_space<vmem>>) dst(%dma_wait3A_379 : memref<10112xf32, #tpu.memory_space<vmem_shared>>)
      %dma_wait3A_380 = arith.constant 0 : i32
      %dma_wait3A_381 = arith.constant 0 : i32
      %dma_wait3A_382 = tpu.memref_slice %arg14[%dma_wait3A_380, %dma_wait3A_381] : memref<40x128xi32, #tpu.memory_space<vmem>> -> memref<1x128xi32, #tpu.memory_space<vmem>>
      %dma_wait3A_383 = tpu.memref_squeeze %dma_wait3A_382 : memref<1x128xi32, #tpu.memory_space<vmem>> -> memref<128xi32, #tpu.memory_space<vmem>>
      %dma_wait3A_384 = arith.constant 0 : i32
      %dma_wait3A_385 = tpu.memref_slice %arg12[%dma_wait3A_384] : memref<10112xf32, #tpu.memory_space<vmem_shared>> -> memref<10112xf32, #tpu.memory_space<vmem_shared>>
      tpu.wait_indirect_dma semaphore(%arg22 : memref<!tpu.dma_semaphore, #tpu.memory_space<semaphore_mem>>) src(%arg17 : memref<128xf32, #tpu.memory_space<vmem>>) dst(%dma_wait3A_385 : memref<10112xf32, #tpu.memory_space<vmem_shared>>)
      %dma_wait3A_386 = arith.constant 0 : i32
      %dma_wait3A_387 = arith.constant 0 : i32
      %dma_wait3A_388 = tpu.memref_slice %arg14[%dma_wait3A_386, %dma_wait3A_387] : memref<40x128xi32, #tpu.memory_space<vmem>> -> memref<1x128xi32, #tpu.memory_space<vmem>>
      %dma_wait3A_389 = tpu.memref_squeeze %dma_wait3A_388 : memref<1x128xi32, #tpu.memory_space<vmem>> -> memref<128xi32, #tpu.memory_space<vmem>>
      %dma_wait3A_390 = arith.constant 0 : i32
      %dma_wait3A_391 = tpu.memref_slice %arg12[%dma_wait3A_390] : memref<10112xf32, #tpu.memory_space<vmem_shared>> -> memref<10112xf32, #tpu.memory_space<vmem_shared>>
      tpu.wait_indirect_dma semaphore(%arg22 : memref<!tpu.dma_semaphore, #tpu.memory_space<semaphore_mem>>) src(%arg17 : memref<128xf32, #tpu.memory_space<vmem>>) dst(%dma_wait3A_391 : memref<10112xf32, #tpu.memory_space<vmem_shared>>)
      %dma_wait3A_392 = arith.constant 0 : i32
      %dma_wait3A_393 = arith.constant 0 : i32
      %dma_wait3A_394 = tpu.memref_slice %arg14[%dma_wait3A_392, %dma_wait3A_393] : memref<40x128xi32, #tpu.memory_space<vmem>> -> memref<1x128xi32, #tpu.memory_space<vmem>>
      %dma_wait3A_395 = tpu.memref_squeeze %dma_wait3A_394 : memref<1x128xi32, #tpu.memory_space<vmem>> -> memref<128xi32, #tpu.memory_space<vmem>>
      %dma_wait3A_396 = arith.constant 0 : i32
      %dma_wait3A_397 = tpu.memref_slice %arg12[%dma_wait3A_396] : memref<10112xf32, #tpu.memory_space<vmem_shared>> -> memref<10112xf32, #tpu.memory_space<vmem_shared>>
      tpu.wait_indirect_dma semaphore(%arg22 : memref<!tpu.dma_semaphore, #tpu.memory_space<semaphore_mem>>) src(%arg17 : memref<128xf32, #tpu.memory_space<vmem>>) dst(%dma_wait3A_397 : memref<10112xf32, #tpu.memory_space<vmem_shared>>)
      %dma_wait3A_398 = arith.constant 0 : i32
      %dma_wait3A_399 = arith.constant 0 : i32
      %dma_wait3A_400 = tpu.memref_slice %arg14[%dma_wait3A_398, %dma_wait3A_399] : memref<40x128xi32, #tpu.memory_space<vmem>> -> memref<1x128xi32, #tpu.memory_space<vmem>>
      %dma_wait3A_401 = tpu.memref_squeeze %dma_wait3A_400 : memref<1x128xi32, #tpu.memory_space<vmem>> -> memref<128xi32, #tpu.memory_space<vmem>>
      %dma_wait3A_402 = arith.constant 0 : i32
      %dma_wait3A_403 = tpu.memref_slice %arg12[%dma_wait3A_402] : memref<10112xf32, #tpu.memory_space<vmem_shared>> -> memref<10112xf32, #tpu.memory_space<vmem_shared>>
      tpu.wait_indirect_dma semaphore(%arg22 : memref<!tpu.dma_semaphore, #tpu.memory_space<semaphore_mem>>) src(%arg17 : memref<128xf32, #tpu.memory_space<vmem>>) dst(%dma_wait3A_403 : memref<10112xf32, #tpu.memory_space<vmem_shared>>)
      %dma_wait3A_404 = arith.constant 0 : i32
      %dma_wait3A_405 = arith.constant 0 : i32
      %dma_wait3A_406 = tpu.memref_slice %arg14[%dma_wait3A_404, %dma_wait3A_405] : memref<40x128xi32, #tpu.memory_space<vmem>> -> memref<1x128xi32, #tpu.memory_space<vmem>>
      %dma_wait3A_407 = tpu.memref_squeeze %dma_wait3A_406 : memref<1x128xi32, #tpu.memory_space<vmem>> -> memref<128xi32, #tpu.memory_space<vmem>>
      %dma_wait3A_408 = arith.constant 0 : i32
      %dma_wait3A_409 = tpu.memref_slice %arg12[%dma_wait3A_408] : memref<10112xf32, #tpu.memory_space<vmem_shared>> -> memref<10112xf32, #tpu.memory_space<vmem_shared>>
      tpu.wait_indirect_dma semaphore(%arg22 : memref<!tpu.dma_semaphore, #tpu.memory_space<semaphore_mem>>) src(%arg17 : memref<128xf32, #tpu.memory_space<vmem>>) dst(%dma_wait3A_409 : memref<10112xf32, #tpu.memory_space<vmem_shared>>)
      %dma_wait3A_410 = arith.constant 0 : i32
      %dma_wait3A_411 = arith.constant 0 : i32
      %dma_wait3A_412 = tpu.memref_slice %arg14[%dma_wait3A_410, %dma_wait3A_411] : memref<40x128xi32, #tpu.memory_space<vmem>> -> memref<1x128xi32, #tpu.memory_space<vmem>>
      %dma_wait3A_413 = tpu.memref_squeeze %dma_wait3A_412 : memref<1x128xi32, #tpu.memory_space<vmem>> -> memref<128xi32, #tpu.memory_space<vmem>>
      %dma_wait3A_414 = arith.constant 0 : i32
      %dma_wait3A_415 = tpu.memref_slice %arg12[%dma_wait3A_414] : memref<10112xf32, #tpu.memory_space<vmem_shared>> -> memref<10112xf32, #tpu.memory_space<vmem_shared>>
      tpu.wait_indirect_dma semaphore(%arg22 : memref<!tpu.dma_semaphore, #tpu.memory_space<semaphore_mem>>) src(%arg17 : memref<128xf32, #tpu.memory_space<vmem>>) dst(%dma_wait3A_415 : memref<10112xf32, #tpu.memory_space<vmem_shared>>)
      %dma_wait3A_416 = arith.constant 0 : i32
      %dma_wait3A_417 = arith.constant 0 : i32
      %dma_wait3A_418 = tpu.memref_slice %arg14[%dma_wait3A_416, %dma_wait3A_417] : memref<40x128xi32, #tpu.memory_space<vmem>> -> memref<1x128xi32, #tpu.memory_space<vmem>>
      %dma_wait3A_419 = tpu.memref_squeeze %dma_wait3A_418 : memref<1x128xi32, #tpu.memory_space<vmem>> -> memref<128xi32, #tpu.memory_space<vmem>>
      %dma_wait3A_420 = arith.constant 0 : i32
      %dma_wait3A_421 = tpu.memref_slice %arg12[%dma_wait3A_420] : memref<10112xf32, #tpu.memory_space<vmem_shared>> -> memref<10112xf32, #tpu.memory_space<vmem_shared>>
      tpu.wait_indirect_dma semaphore(%arg22 : memref<!tpu.dma_semaphore, #tpu.memory_space<semaphore_mem>>) src(%arg17 : memref<128xf32, #tpu.memory_space<vmem>>) dst(%dma_wait3A_421 : memref<10112xf32, #tpu.memory_space<vmem_shared>>)
      %dma_wait3A_422 = arith.constant 0 : i32
      %dma_wait3A_423 = arith.constant 0 : i32
      %dma_wait3A_424 = tpu.memref_slice %arg14[%dma_wait3A_422, %dma_wait3A_423] : memref<40x128xi32, #tpu.memory_space<vmem>> -> memref<1x128xi32, #tpu.memory_space<vmem>>
      %dma_wait3A_425 = tpu.memref_squeeze %dma_wait3A_424 : memref<1x128xi32, #tpu.memory_space<vmem>> -> memref<128xi32, #tpu.memory_space<vmem>>
      %dma_wait3A_426 = arith.constant 0 : i32
      %dma_wait3A_427 = tpu.memref_slice %arg12[%dma_wait3A_426] : memref<10112xf32, #tpu.memory_space<vmem_shared>> -> memref<10112xf32, #tpu.memory_space<vmem_shared>>
      tpu.wait_indirect_dma semaphore(%arg22 : memref<!tpu.dma_semaphore, #tpu.memory_space<semaphore_mem>>) src(%arg17 : memref<128xf32, #tpu.memory_space<vmem>>) dst(%dma_wait3A_427 : memref<10112xf32, #tpu.memory_space<vmem_shared>>)
    } else {
    }
    %mul3A_94 = arith.constant 80 : i32
    %mul3A_95 = arith.muli %add3A, %mul3A_94 : i32
    %add3A_96 = arith.constant 40 : i32
    %add3A_97 = arith.addi %mul3A_95, %add3A_96 : i32
    "tpu.region"() ({
      %run_scoped3A = tpu.sem_alloc : memref<!tpu.dma_semaphore, #tpu.memory_space<semaphore_mem>>
      %dma_start3A_188 = arith.constant 0 : i32
      %dma_start3A_189 = tpu.memref_slice %arg3[%add3A_97, %dma_start3A_188] : memref<2560x128xi32, #tpu.memory_space<hbm>> -> memref<40x128xi32, #tpu.memory_space<hbm>>
      %dma_start3A_190 = arith.constant 0 : i32
      %dma_start3A_191 = tpu.memref_slice %arg3[%add3A_97, %dma_start3A_190] : memref<2560x128xi32, #tpu.memory_space<hbm>> -> memref<40x128xi32, #tpu.memory_space<hbm>>
      tpu.enqueue_dma source(%dma_start3A_191 : memref<40x128xi32, #tpu.memory_space<hbm>>) target(%arg13 : memref<40x128xi32, #tpu.memory_space<vmem>>) target_semaphore(%run_scoped3A : memref<!tpu.dma_semaphore, #tpu.memory_space<semaphore_mem>>)
      %dma_wait3A_192 = arith.constant 0 : i32
      %dma_wait3A_193 = tpu.memref_slice %arg3[%add3A_97, %dma_wait3A_192] : memref<2560x128xi32, #tpu.memory_space<hbm>> -> memref<40x128xi32, #tpu.memory_space<hbm>>
      %dma_wait3A_194 = arith.constant 0 : i32
      %dma_wait3A_195 = tpu.memref_slice %arg3[%add3A_97, %dma_wait3A_194] : memref<2560x128xi32, #tpu.memory_space<hbm>> -> memref<40x128xi32, #tpu.memory_space<hbm>>
      tpu.wait_dma2 semaphore(%run_scoped3A : memref<!tpu.dma_semaphore, #tpu.memory_space<semaphore_mem>>) src(%dma_wait3A_195 : memref<40x128xi32, #tpu.memory_space<hbm>>) dst(%arg13 : memref<40x128xi32, #tpu.memory_space<vmem>>)
      tpu.yield
    }) : () -> ()
    "tpu.region"() ({
      %run_scoped3A = tpu.sem_alloc : memref<!tpu.dma_semaphore, #tpu.memory_space<semaphore_mem>>
      %dma_start3A_188 = arith.constant 0 : i32
      %dma_start3A_189 = tpu.memref_slice %arg4[%add3A_97, %dma_start3A_188] : memref<2560x128xi32, #tpu.memory_space<hbm>> -> memref<40x128xi32, #tpu.memory_space<hbm>>
      %dma_start3A_190 = arith.constant 0 : i32
      %dma_start3A_191 = tpu.memref_slice %arg4[%add3A_97, %dma_start3A_190] : memref<2560x128xi32, #tpu.memory_space<hbm>> -> memref<40x128xi32, #tpu.memory_space<hbm>>
      tpu.enqueue_dma source(%dma_start3A_191 : memref<40x128xi32, #tpu.memory_space<hbm>>) target(%arg14 : memref<40x128xi32, #tpu.memory_space<vmem>>) target_semaphore(%run_scoped3A : memref<!tpu.dma_semaphore, #tpu.memory_space<semaphore_mem>>)
      %dma_wait3A_192 = arith.constant 0 : i32
      %dma_wait3A_193 = tpu.memref_slice %arg4[%add3A_97, %dma_wait3A_192] : memref<2560x128xi32, #tpu.memory_space<hbm>> -> memref<40x128xi32, #tpu.memory_space<hbm>>
      %dma_wait3A_194 = arith.constant 0 : i32
      %dma_wait3A_195 = tpu.memref_slice %arg4[%add3A_97, %dma_wait3A_194] : memref<2560x128xi32, #tpu.memory_space<hbm>> -> memref<40x128xi32, #tpu.memory_space<hbm>>
      tpu.wait_dma2 semaphore(%run_scoped3A : memref<!tpu.dma_semaphore, #tpu.memory_space<semaphore_mem>>) src(%dma_wait3A_195 : memref<40x128xi32, #tpu.memory_space<hbm>>) dst(%arg14 : memref<40x128xi32, #tpu.memory_space<vmem>>)
      tpu.yield
    }) : () -> ()
    %eq3A_98 = arith.constant 1 : i32
    %eq3A_99 = arith.cmpi eq, %arg0, %eq3A_98 : i32
    %dma_start3A_100 = arith.constant 0 : i32
    %dma_start3A_101 = arith.constant 0 : i32
    %dma_start3A_102 = tpu.memref_slice %arg13[%dma_start3A_100, %dma_start3A_101] : memref<40x128xi32, #tpu.memory_space<vmem>> -> memref<1x128xi32, #tpu.memory_space<vmem>>
    %dma_start3A_103 = tpu.memref_squeeze %dma_start3A_102 : memref<1x128xi32, #tpu.memory_space<vmem>> -> memref<128xi32, #tpu.memory_space<vmem>>
    %dma_start3A_104 = arith.constant 0 : i32
    %dma_start3A_105 = arith.constant 0 : i32
    %dma_start3A_106 = tpu.memref_slice %arg2[%dma_start3A_104, %dma_start3A_105] : memref<20000x128xf32, #tpu.memory_space<hbm>> -> memref<20000x128xf32, #tpu.memory_space<hbm>>
    tpu.enqueue_indirect_dma source(%dma_start3A_106 : memref<20000x128xf32, #tpu.memory_space<hbm>>) target(%arg15 : memref<128x128xf32, #tpu.memory_space<vmem>>) offsets(%dma_start3A_103 : memref<128xi32, #tpu.memory_space<vmem>>) semaphore(%arg19 : memref<!tpu.dma_semaphore, #tpu.memory_space<semaphore_mem>>)
    %dma_start3A_107 = arith.constant 1 : i32
    %dma_start3A_108 = arith.constant 0 : i32
    %dma_start3A_109 = tpu.memref_slice %arg13[%dma_start3A_107, %dma_start3A_108] : memref<40x128xi32, #tpu.memory_space<vmem>> -> memref<1x128xi32, #tpu.memory_space<vmem>>
    %dma_start3A_110 = tpu.memref_squeeze %dma_start3A_109 : memref<1x128xi32, #tpu.memory_space<vmem>> -> memref<128xi32, #tpu.memory_space<vmem>>
    %dma_start3A_111 = arith.constant 0 : i32
    %dma_start3A_112 = arith.constant 0 : i32
    %dma_start3A_113 = tpu.memref_slice %arg2[%dma_start3A_111, %dma_start3A_112] : memref<20000x128xf32, #tpu.memory_space<hbm>> -> memref<20000x128xf32, #tpu.memory_space<hbm>>
    tpu.enqueue_indirect_dma source(%dma_start3A_113 : memref<20000x128xf32, #tpu.memory_space<hbm>>) target(%arg16 : memref<128x128xf32, #tpu.memory_space<vmem>>) offsets(%dma_start3A_110 : memref<128xi32, #tpu.memory_space<vmem>>) semaphore(%arg20 : memref<!tpu.dma_semaphore, #tpu.memory_space<semaphore_mem>>)
    %dma_wait3A_114 = arith.constant 0 : i32
    %dma_wait3A_115 = arith.constant 0 : i32
    %dma_wait3A_116 = tpu.memref_slice %arg13[%dma_wait3A_114, %dma_wait3A_115] : memref<40x128xi32, #tpu.memory_space<vmem>> -> memref<1x128xi32, #tpu.memory_space<vmem>>
    %dma_wait3A_117 = tpu.memref_squeeze %dma_wait3A_116 : memref<1x128xi32, #tpu.memory_space<vmem>> -> memref<128xi32, #tpu.memory_space<vmem>>
    %dma_wait3A_118 = arith.constant 0 : i32
    %dma_wait3A_119 = arith.constant 0 : i32
    %dma_wait3A_120 = tpu.memref_slice %arg2[%dma_wait3A_118, %dma_wait3A_119] : memref<20000x128xf32, #tpu.memory_space<hbm>> -> memref<20000x128xf32, #tpu.memory_space<hbm>>
    tpu.wait_indirect_dma semaphore(%arg19 : memref<!tpu.dma_semaphore, #tpu.memory_space<semaphore_mem>>) src(%dma_wait3A_120 : memref<20000x128xf32, #tpu.memory_space<hbm>>) dst(%arg15 : memref<128x128xf32, #tpu.memory_space<vmem>>)
    %dma_start3A_121 = arith.constant 0 : i32
    %dma_start3A_122 = arith.constant 0 : i32
    %dma_start3A_123 = tpu.memref_slice %arg14[%dma_start3A_121, %dma_start3A_122] : memref<40x128xi32, #tpu.memory_space<vmem>> -> memref<1x128xi32, #tpu.memory_space<vmem>>
    %dma_start3A_124 = tpu.memref_squeeze %dma_start3A_123 : memref<1x128xi32, #tpu.memory_space<vmem>> -> memref<128xi32, #tpu.memory_space<vmem>>
    %dma_start3A_125 = arith.constant 0 : i32
    %dma_start3A_126 = arith.constant 0 : i32
    %dma_start3A_127 = tpu.memref_slice %arg11[%dma_start3A_125, %dma_start3A_126] : memref<10112x128xf32, #tpu.memory_space<vmem_shared>> -> memref<10112x128xf32, #tpu.memory_space<vmem_shared>>
    tpu.enqueue_indirect_dma source(%arg15 : memref<128x128xf32, #tpu.memory_space<vmem>>) target(%dma_start3A_127 : memref<10112x128xf32, #tpu.memory_space<vmem_shared>>) offsets(%dma_start3A_124 : memref<128xi32, #tpu.memory_space<vmem>>) semaphore(%arg21 : memref<!tpu.dma_semaphore, #tpu.memory_space<semaphore_mem>>) {add = true}
    %convert_element_type3A_128 = arith.extui %eq3A_99 : i1 to i32
    %cond3A_129 = arith.constant 0 : i32
    %cond3A_130 = arith.cmpi ne, %convert_element_type3A_128, %cond3A_129 : i32
    scf.if %cond3A_130 {
      %dma_start3A_188 = arith.constant 0 : i32
      %dma_start3A_189 = arith.constant 0 : i32
      %dma_start3A_190 = tpu.memref_slice %arg14[%dma_start3A_188, %dma_start3A_189] : memref<40x128xi32, #tpu.memory_space<vmem>> -> memref<1x128xi32, #tpu.memory_space<vmem>>
      %dma_start3A_191 = tpu.memref_squeeze %dma_start3A_190 : memref<1x128xi32, #tpu.memory_space<vmem>> -> memref<128xi32, #tpu.memory_space<vmem>>
      %dma_start3A_192 = arith.constant 0 : i32
      %dma_start3A_193 = tpu.memref_slice %arg12[%dma_start3A_192] : memref<10112xf32, #tpu.memory_space<vmem_shared>> -> memref<10112xf32, #tpu.memory_space<vmem_shared>>
      tpu.enqueue_indirect_dma source(%arg17 : memref<128xf32, #tpu.memory_space<vmem>>) target(%dma_start3A_193 : memref<10112xf32, #tpu.memory_space<vmem_shared>>) offsets(%dma_start3A_191 : memref<128xi32, #tpu.memory_space<vmem>>) semaphore(%arg22 : memref<!tpu.dma_semaphore, #tpu.memory_space<semaphore_mem>>) {add = true}
    } else {
    }
    %scan3A_131 = arith.constant 0 : i32
    %scan3A_132 = arith.constant 0 : i32
    %scan3A_133 = arith.constant 19 : i32
    %scan3A_134 = arith.addi %scan3A_132, %scan3A_133 : i32
    %scan3A_135 = arith.constant 1 : i32
    scf.for %scan3A_188 = %scan3A_132 to %scan3A_134 step %scan3A_135  : i32 {
      %mul3A_189 = arith.constant 2 : i32
      %mul3A_190 = arith.muli %mul3A_189, %scan3A_188 : i32
      %add3A_191 = arith.constant 1 : i32
      %add3A_192 = arith.addi %mul3A_190, %add3A_191 : i32
      %dma_wait3A_193 = arith.constant 0 : i32
      %dma_wait3A_194 = arith.constant 0 : i32
      %dma_wait3A_195 = tpu.memref_slice %arg14[%dma_wait3A_193, %dma_wait3A_194] : memref<40x128xi32, #tpu.memory_space<vmem>> -> memref<1x128xi32, #tpu.memory_space<vmem>>
      %dma_wait3A_196 = tpu.memref_squeeze %dma_wait3A_195 : memref<1x128xi32, #tpu.memory_space<vmem>> -> memref<128xi32, #tpu.memory_space<vmem>>
      %dma_wait3A_197 = arith.constant 0 : i32
      %dma_wait3A_198 = arith.constant 0 : i32
      %dma_wait3A_199 = tpu.memref_slice %arg11[%dma_wait3A_197, %dma_wait3A_198] : memref<10112x128xf32, #tpu.memory_space<vmem_shared>> -> memref<10112x128xf32, #tpu.memory_space<vmem_shared>>
      tpu.wait_indirect_dma semaphore(%arg21 : memref<!tpu.dma_semaphore, #tpu.memory_space<semaphore_mem>>) src(%arg15 : memref<128x128xf32, #tpu.memory_space<vmem>>) dst(%dma_wait3A_199 : memref<10112x128xf32, #tpu.memory_space<vmem_shared>>)
      %add3A_200 = arith.constant 1 : i32
      %add3A_201 = arith.addi %add3A_192, %add3A_200 : i32
      %dma_start3A_202 = arith.constant 0 : i32
      %dma_start3A_203 = tpu.memref_slice %arg13[%add3A_201, %dma_start3A_202] : memref<40x128xi32, #tpu.memory_space<vmem>> -> memref<1x128xi32, #tpu.memory_space<vmem>>
      %dma_start3A_204 = tpu.memref_squeeze %dma_start3A_203 : memref<1x128xi32, #tpu.memory_space<vmem>> -> memref<128xi32, #tpu.memory_space<vmem>>
      %dma_start3A_205 = arith.constant 0 : i32
      %dma_start3A_206 = arith.constant 0 : i32
      %dma_start3A_207 = tpu.memref_slice %arg2[%dma_start3A_205, %dma_start3A_206] : memref<20000x128xf32, #tpu.memory_space<hbm>> -> memref<20000x128xf32, #tpu.memory_space<hbm>>
      tpu.enqueue_indirect_dma source(%dma_start3A_207 : memref<20000x128xf32, #tpu.memory_space<hbm>>) target(%arg15 : memref<128x128xf32, #tpu.memory_space<vmem>>) offsets(%dma_start3A_204 : memref<128xi32, #tpu.memory_space<vmem>>) semaphore(%arg19 : memref<!tpu.dma_semaphore, #tpu.memory_space<semaphore_mem>>)
      %dma_wait3A_208 = arith.constant 0 : i32
      %dma_wait3A_209 = arith.constant 0 : i32
      %dma_wait3A_210 = tpu.memref_slice %arg13[%dma_wait3A_208, %dma_wait3A_209] : memref<40x128xi32, #tpu.memory_space<vmem>> -> memref<1x128xi32, #tpu.memory_space<vmem>>
      %dma_wait3A_211 = tpu.memref_squeeze %dma_wait3A_210 : memref<1x128xi32, #tpu.memory_space<vmem>> -> memref<128xi32, #tpu.memory_space<vmem>>
      %dma_wait3A_212 = arith.constant 0 : i32
      %dma_wait3A_213 = arith.constant 0 : i32
      %dma_wait3A_214 = tpu.memref_slice %arg2[%dma_wait3A_212, %dma_wait3A_213] : memref<20000x128xf32, #tpu.memory_space<hbm>> -> memref<20000x128xf32, #tpu.memory_space<hbm>>
      tpu.wait_indirect_dma semaphore(%arg20 : memref<!tpu.dma_semaphore, #tpu.memory_space<semaphore_mem>>) src(%dma_wait3A_214 : memref<20000x128xf32, #tpu.memory_space<hbm>>) dst(%arg16 : memref<128x128xf32, #tpu.memory_space<vmem>>)
      %dma_start3A_215 = arith.constant 0 : i32
      %dma_start3A_216 = tpu.memref_slice %arg14[%add3A_192, %dma_start3A_215] : memref<40x128xi32, #tpu.memory_space<vmem>> -> memref<1x128xi32, #tpu.memory_space<vmem>>
      %dma_start3A_217 = tpu.memref_squeeze %dma_start3A_216 : memref<1x128xi32, #tpu.memory_space<vmem>> -> memref<128xi32, #tpu.memory_space<vmem>>
      %dma_start3A_218 = arith.constant 0 : i32
      %dma_start3A_219 = arith.constant 0 : i32
      %dma_start3A_220 = tpu.memref_slice %arg11[%dma_start3A_218, %dma_start3A_219] : memref<10112x128xf32, #tpu.memory_space<vmem_shared>> -> memref<10112x128xf32, #tpu.memory_space<vmem_shared>>
      tpu.enqueue_indirect_dma source(%arg16 : memref<128x128xf32, #tpu.memory_space<vmem>>) target(%dma_start3A_220 : memref<10112x128xf32, #tpu.memory_space<vmem_shared>>) offsets(%dma_start3A_217 : memref<128xi32, #tpu.memory_space<vmem>>) semaphore(%arg21 : memref<!tpu.dma_semaphore, #tpu.memory_space<semaphore_mem>>) {add = true}
      %convert_element_type3A_221 = arith.extui %eq3A_99 : i1 to i32
      %cond3A_222 = arith.constant 0 : i32
      %cond3A_223 = arith.cmpi ne, %convert_element_type3A_221, %cond3A_222 : i32
      scf.if %cond3A_223 {
        %dma_start3A_257 = arith.constant 0 : i32
        %dma_start3A_258 = tpu.memref_slice %arg14[%add3A_192, %dma_start3A_257] : memref<40x128xi32, #tpu.memory_space<vmem>> -> memref<1x128xi32, #tpu.memory_space<vmem>>
        %dma_start3A_259 = tpu.memref_squeeze %dma_start3A_258 : memref<1x128xi32, #tpu.memory_space<vmem>> -> memref<128xi32, #tpu.memory_space<vmem>>
        %dma_start3A_260 = arith.constant 0 : i32
        %dma_start3A_261 = tpu.memref_slice %arg12[%dma_start3A_260] : memref<10112xf32, #tpu.memory_space<vmem_shared>> -> memref<10112xf32, #tpu.memory_space<vmem_shared>>
        tpu.enqueue_indirect_dma source(%arg17 : memref<128xf32, #tpu.memory_space<vmem>>) target(%dma_start3A_261 : memref<10112xf32, #tpu.memory_space<vmem_shared>>) offsets(%dma_start3A_259 : memref<128xi32, #tpu.memory_space<vmem>>) semaphore(%arg22 : memref<!tpu.dma_semaphore, #tpu.memory_space<semaphore_mem>>) {add = true}
      } else {
      }
      %add3A_224 = arith.constant 1 : i32
      %add3A_225 = arith.addi %add3A_192, %add3A_224 : i32
      %dma_wait3A_226 = arith.constant 0 : i32
      %dma_wait3A_227 = arith.constant 0 : i32
      %dma_wait3A_228 = tpu.memref_slice %arg14[%dma_wait3A_226, %dma_wait3A_227] : memref<40x128xi32, #tpu.memory_space<vmem>> -> memref<1x128xi32, #tpu.memory_space<vmem>>
      %dma_wait3A_229 = tpu.memref_squeeze %dma_wait3A_228 : memref<1x128xi32, #tpu.memory_space<vmem>> -> memref<128xi32, #tpu.memory_space<vmem>>
      %dma_wait3A_230 = arith.constant 0 : i32
      %dma_wait3A_231 = arith.constant 0 : i32
      %dma_wait3A_232 = tpu.memref_slice %arg11[%dma_wait3A_230, %dma_wait3A_231] : memref<10112x128xf32, #tpu.memory_space<vmem_shared>> -> memref<10112x128xf32, #tpu.memory_space<vmem_shared>>
      tpu.wait_indirect_dma semaphore(%arg21 : memref<!tpu.dma_semaphore, #tpu.memory_space<semaphore_mem>>) src(%arg16 : memref<128x128xf32, #tpu.memory_space<vmem>>) dst(%dma_wait3A_232 : memref<10112x128xf32, #tpu.memory_space<vmem_shared>>)
      %add3A_233 = arith.constant 1 : i32
      %add3A_234 = arith.addi %add3A_225, %add3A_233 : i32
      %dma_start3A_235 = arith.constant 0 : i32
      %dma_start3A_236 = tpu.memref_slice %arg13[%add3A_234, %dma_start3A_235] : memref<40x128xi32, #tpu.memory_space<vmem>> -> memref<1x128xi32, #tpu.memory_space<vmem>>
      %dma_start3A_237 = tpu.memref_squeeze %dma_start3A_236 : memref<1x128xi32, #tpu.memory_space<vmem>> -> memref<128xi32, #tpu.memory_space<vmem>>
      %dma_start3A_238 = arith.constant 0 : i32
      %dma_start3A_239 = arith.constant 0 : i32
      %dma_start3A_240 = tpu.memref_slice %arg2[%dma_start3A_238, %dma_start3A_239] : memref<20000x128xf32, #tpu.memory_space<hbm>> -> memref<20000x128xf32, #tpu.memory_space<hbm>>
      tpu.enqueue_indirect_dma source(%dma_start3A_240 : memref<20000x128xf32, #tpu.memory_space<hbm>>) target(%arg16 : memref<128x128xf32, #tpu.memory_space<vmem>>) offsets(%dma_start3A_237 : memref<128xi32, #tpu.memory_space<vmem>>) semaphore(%arg20 : memref<!tpu.dma_semaphore, #tpu.memory_space<semaphore_mem>>)
      %dma_wait3A_241 = arith.constant 0 : i32
      %dma_wait3A_242 = arith.constant 0 : i32
      %dma_wait3A_243 = tpu.memref_slice %arg13[%dma_wait3A_241, %dma_wait3A_242] : memref<40x128xi32, #tpu.memory_space<vmem>> -> memref<1x128xi32, #tpu.memory_space<vmem>>
      %dma_wait3A_244 = tpu.memref_squeeze %dma_wait3A_243 : memref<1x128xi32, #tpu.memory_space<vmem>> -> memref<128xi32, #tpu.memory_space<vmem>>
      %dma_wait3A_245 = arith.constant 0 : i32
      %dma_wait3A_246 = arith.constant 0 : i32
      %dma_wait3A_247 = tpu.memref_slice %arg2[%dma_wait3A_245, %dma_wait3A_246] : memref<20000x128xf32, #tpu.memory_space<hbm>> -> memref<20000x128xf32, #tpu.memory_space<hbm>>
      tpu.wait_indirect_dma semaphore(%arg19 : memref<!tpu.dma_semaphore, #tpu.memory_space<semaphore_mem>>) src(%dma_wait3A_247 : memref<20000x128xf32, #tpu.memory_space<hbm>>) dst(%arg15 : memref<128x128xf32, #tpu.memory_space<vmem>>)
      %dma_start3A_248 = arith.constant 0 : i32
      %dma_start3A_249 = tpu.memref_slice %arg14[%add3A_225, %dma_start3A_248] : memref<40x128xi32, #tpu.memory_space<vmem>> -> memref<1x128xi32, #tpu.memory_space<vmem>>
      %dma_start3A_250 = tpu.memref_squeeze %dma_start3A_249 : memref<1x128xi32, #tpu.memory_space<vmem>> -> memref<128xi32, #tpu.memory_space<vmem>>
      %dma_start3A_251 = arith.constant 0 : i32
      %dma_start3A_252 = arith.constant 0 : i32
      %dma_start3A_253 = tpu.memref_slice %arg11[%dma_start3A_251, %dma_start3A_252] : memref<10112x128xf32, #tpu.memory_space<vmem_shared>> -> memref<10112x128xf32, #tpu.memory_space<vmem_shared>>
      tpu.enqueue_indirect_dma source(%arg15 : memref<128x128xf32, #tpu.memory_space<vmem>>) target(%dma_start3A_253 : memref<10112x128xf32, #tpu.memory_space<vmem_shared>>) offsets(%dma_start3A_250 : memref<128xi32, #tpu.memory_space<vmem>>) semaphore(%arg21 : memref<!tpu.dma_semaphore, #tpu.memory_space<semaphore_mem>>) {add = true}
      %convert_element_type3A_254 = arith.extui %eq3A_99 : i1 to i32
      %cond3A_255 = arith.constant 0 : i32
      %cond3A_256 = arith.cmpi ne, %convert_element_type3A_254, %cond3A_255 : i32
      scf.if %cond3A_256 {
        %dma_start3A_257 = arith.constant 0 : i32
        %dma_start3A_258 = tpu.memref_slice %arg14[%add3A_225, %dma_start3A_257] : memref<40x128xi32, #tpu.memory_space<vmem>> -> memref<1x128xi32, #tpu.memory_space<vmem>>
        %dma_start3A_259 = tpu.memref_squeeze %dma_start3A_258 : memref<1x128xi32, #tpu.memory_space<vmem>> -> memref<128xi32, #tpu.memory_space<vmem>>
        %dma_start3A_260 = arith.constant 0 : i32
        %dma_start3A_261 = tpu.memref_slice %arg12[%dma_start3A_260] : memref<10112xf32, #tpu.memory_space<vmem_shared>> -> memref<10112xf32, #tpu.memory_space<vmem_shared>>
        tpu.enqueue_indirect_dma source(%arg17 : memref<128xf32, #tpu.memory_space<vmem>>) target(%dma_start3A_261 : memref<10112xf32, #tpu.memory_space<vmem_shared>>) offsets(%dma_start3A_259 : memref<128xi32, #tpu.memory_space<vmem>>) semaphore(%arg22 : memref<!tpu.dma_semaphore, #tpu.memory_space<semaphore_mem>>) {add = true}
      } else {
      }
    }
    %scan3A_136 = arith.constant 19 : i32
    %dma_wait3A_137 = arith.constant 0 : i32
    %dma_wait3A_138 = arith.constant 0 : i32
    %dma_wait3A_139 = tpu.memref_slice %arg14[%dma_wait3A_137, %dma_wait3A_138] : memref<40x128xi32, #tpu.memory_space<vmem>> -> memref<1x128xi32, #tpu.memory_space<vmem>>
    %dma_wait3A_140 = tpu.memref_squeeze %dma_wait3A_139 : memref<1x128xi32, #tpu.memory_space<vmem>> -> memref<128xi32, #tpu.memory_space<vmem>>
    %dma_wait3A_141 = arith.constant 0 : i32
    %dma_wait3A_142 = arith.constant 0 : i32
    %dma_wait3A_143 = tpu.memref_slice %arg11[%dma_wait3A_141, %dma_wait3A_142] : memref<10112x128xf32, #tpu.memory_space<vmem_shared>> -> memref<10112x128xf32, #tpu.memory_space<vmem_shared>>
    tpu.wait_indirect_dma semaphore(%arg21 : memref<!tpu.dma_semaphore, #tpu.memory_space<semaphore_mem>>) src(%arg15 : memref<128x128xf32, #tpu.memory_space<vmem>>) dst(%dma_wait3A_143 : memref<10112x128xf32, #tpu.memory_space<vmem_shared>>)
    %dma_wait3A_144 = arith.constant 0 : i32
    %dma_wait3A_145 = arith.constant 0 : i32
    %dma_wait3A_146 = tpu.memref_slice %arg13[%dma_wait3A_144, %dma_wait3A_145] : memref<40x128xi32, #tpu.memory_space<vmem>> -> memref<1x128xi32, #tpu.memory_space<vmem>>
    %dma_wait3A_147 = tpu.memref_squeeze %dma_wait3A_146 : memref<1x128xi32, #tpu.memory_space<vmem>> -> memref<128xi32, #tpu.memory_space<vmem>>
    %dma_wait3A_148 = arith.constant 0 : i32
    %dma_wait3A_149 = arith.constant 0 : i32
    %dma_wait3A_150 = tpu.memref_slice %arg2[%dma_wait3A_148, %dma_wait3A_149] : memref<20000x128xf32, #tpu.memory_space<hbm>> -> memref<20000x128xf32, #tpu.memory_space<hbm>>
    tpu.wait_indirect_dma semaphore(%arg20 : memref<!tpu.dma_semaphore, #tpu.memory_space<semaphore_mem>>) src(%dma_wait3A_150 : memref<20000x128xf32, #tpu.memory_space<hbm>>) dst(%arg16 : memref<128x128xf32, #tpu.memory_space<vmem>>)
    %dma_start3A_151 = arith.constant 39 : i32
    %dma_start3A_152 = arith.constant 0 : i32
    %dma_start3A_153 = tpu.memref_slice %arg14[%dma_start3A_151, %dma_start3A_152] : memref<40x128xi32, #tpu.memory_space<vmem>> -> memref<1x128xi32, #tpu.memory_space<vmem>>
    %dma_start3A_154 = tpu.memref_squeeze %dma_start3A_153 : memref<1x128xi32, #tpu.memory_space<vmem>> -> memref<128xi32, #tpu.memory_space<vmem>>
    %dma_start3A_155 = arith.constant 0 : i32
    %dma_start3A_156 = arith.constant 0 : i32
    %dma_start3A_157 = tpu.memref_slice %arg11[%dma_start3A_155, %dma_start3A_156] : memref<10112x128xf32, #tpu.memory_space<vmem_shared>> -> memref<10112x128xf32, #tpu.memory_space<vmem_shared>>
    tpu.enqueue_indirect_dma source(%arg16 : memref<128x128xf32, #tpu.memory_space<vmem>>) target(%dma_start3A_157 : memref<10112x128xf32, #tpu.memory_space<vmem_shared>>) offsets(%dma_start3A_154 : memref<128xi32, #tpu.memory_space<vmem>>) semaphore(%arg21 : memref<!tpu.dma_semaphore, #tpu.memory_space<semaphore_mem>>) {add = true}
    %convert_element_type3A_158 = arith.extui %eq3A_99 : i1 to i32
    %cond3A_159 = arith.constant 0 : i32
    %cond3A_160 = arith.cmpi ne, %convert_element_type3A_158, %cond3A_159 : i32
    scf.if %cond3A_160 {
      %dma_start3A_188 = arith.constant 39 : i32
      %dma_start3A_189 = arith.constant 0 : i32
      %dma_start3A_190 = tpu.memref_slice %arg14[%dma_start3A_188, %dma_start3A_189] : memref<40x128xi32, #tpu.memory_space<vmem>> -> memref<1x128xi32, #tpu.memory_space<vmem>>
      %dma_start3A_191 = tpu.memref_squeeze %dma_start3A_190 : memref<1x128xi32, #tpu.memory_space<vmem>> -> memref<128xi32, #tpu.memory_space<vmem>>
      %dma_start3A_192 = arith.constant 0 : i32
      %dma_start3A_193 = tpu.memref_slice %arg12[%dma_start3A_192] : memref<10112xf32, #tpu.memory_space<vmem_shared>> -> memref<10112xf32, #tpu.memory_space<vmem_shared>>
      tpu.enqueue_indirect_dma source(%arg17 : memref<128xf32, #tpu.memory_space<vmem>>) target(%dma_start3A_193 : memref<10112xf32, #tpu.memory_space<vmem_shared>>) offsets(%dma_start3A_191 : memref<128xi32, #tpu.memory_space<vmem>>) semaphore(%arg22 : memref<!tpu.dma_semaphore, #tpu.memory_space<semaphore_mem>>) {add = true}
    } else {
    }
    %dma_wait3A_161 = arith.constant 0 : i32
    %dma_wait3A_162 = arith.constant 0 : i32
    %dma_wait3A_163 = tpu.memref_slice %arg14[%dma_wait3A_161, %dma_wait3A_162] : memref<40x128xi32, #tpu.memory_space<vmem>> -> memref<1x128xi32, #tpu.memory_space<vmem>>
    %dma_wait3A_164 = tpu.memref_squeeze %dma_wait3A_163 : memref<1x128xi32, #tpu.memory_space<vmem>> -> memref<128xi32, #tpu.memory_space<vmem>>
    %dma_wait3A_165 = arith.constant 0 : i32
    %dma_wait3A_166 = arith.constant 0 : i32
    %dma_wait3A_167 = tpu.memref_slice %arg11[%dma_wait3A_165, %dma_wait3A_166] : memref<10112x128xf32, #tpu.memory_space<vmem_shared>> -> memref<10112x128xf32, #tpu.memory_space<vmem_shared>>
    tpu.wait_indirect_dma semaphore(%arg21 : memref<!tpu.dma_semaphore, #tpu.memory_space<semaphore_mem>>) src(%arg16 : memref<128x128xf32, #tpu.memory_space<vmem>>) dst(%dma_wait3A_167 : memref<10112x128xf32, #tpu.memory_space<vmem_shared>>)
    %convert_element_type3A_168 = arith.extui %eq3A_99 : i1 to i32
    %cond3A_169 = arith.constant 0 : i32
    %cond3A_170 = arith.cmpi ne, %convert_element_type3A_168, %cond3A_169 : i32
    scf.if %cond3A_170 {
      %dma_wait3A_188 = arith.constant 0 : i32
      %dma_wait3A_189 = arith.constant 0 : i32
      %dma_wait3A_190 = tpu.memref_slice %arg14[%dma_wait3A_188, %dma_wait3A_189] : memref<40x128xi32, #tpu.memory_space<vmem>> -> memref<1x128xi32, #tpu.memory_space<vmem>>
      %dma_wait3A_191 = tpu.memref_squeeze %dma_wait3A_190 : memref<1x128xi32, #tpu.memory_space<vmem>> -> memref<128xi32, #tpu.memory_space<vmem>>
      %dma_wait3A_192 = arith.constant 0 : i32
      %dma_wait3A_193 = tpu.memref_slice %arg12[%dma_wait3A_192] : memref<10112xf32, #tpu.memory_space<vmem_shared>> -> memref<10112xf32, #tpu.memory_space<vmem_shared>>
      tpu.wait_indirect_dma semaphore(%arg22 : memref<!tpu.dma_semaphore, #tpu.memory_space<semaphore_mem>>) src(%arg17 : memref<128xf32, #tpu.memory_space<vmem>>) dst(%dma_wait3A_193 : memref<10112xf32, #tpu.memory_space<vmem_shared>>)
      %dma_wait3A_194 = arith.constant 0 : i32
      %dma_wait3A_195 = arith.constant 0 : i32
      %dma_wait3A_196 = tpu.memref_slice %arg14[%dma_wait3A_194, %dma_wait3A_195] : memref<40x128xi32, #tpu.memory_space<vmem>> -> memref<1x128xi32, #tpu.memory_space<vmem>>
      %dma_wait3A_197 = tpu.memref_squeeze %dma_wait3A_196 : memref<1x128xi32, #tpu.memory_space<vmem>> -> memref<128xi32, #tpu.memory_space<vmem>>
      %dma_wait3A_198 = arith.constant 0 : i32
      %dma_wait3A_199 = tpu.memref_slice %arg12[%dma_wait3A_198] : memref<10112xf32, #tpu.memory_space<vmem_shared>> -> memref<10112xf32, #tpu.memory_space<vmem_shared>>
      tpu.wait_indirect_dma semaphore(%arg22 : memref<!tpu.dma_semaphore, #tpu.memory_space<semaphore_mem>>) src(%arg17 : memref<128xf32, #tpu.memory_space<vmem>>) dst(%dma_wait3A_199 : memref<10112xf32, #tpu.memory_space<vmem_shared>>)
      %dma_wait3A_200 = arith.constant 0 : i32
      %dma_wait3A_201 = arith.constant 0 : i32
      %dma_wait3A_202 = tpu.memref_slice %arg14[%dma_wait3A_200, %dma_wait3A_201] : memref<40x128xi32, #tpu.memory_space<vmem>> -> memref<1x128xi32, #tpu.memory_space<vmem>>
      %dma_wait3A_203 = tpu.memref_squeeze %dma_wait3A_202 : memref<1x128xi32, #tpu.memory_space<vmem>> -> memref<128xi32, #tpu.memory_space<vmem>>
      %dma_wait3A_204 = arith.constant 0 : i32
      %dma_wait3A_205 = tpu.memref_slice %arg12[%dma_wait3A_204] : memref<10112xf32, #tpu.memory_space<vmem_shared>> -> memref<10112xf32, #tpu.memory_space<vmem_shared>>
      tpu.wait_indirect_dma semaphore(%arg22 : memref<!tpu.dma_semaphore, #tpu.memory_space<semaphore_mem>>) src(%arg17 : memref<128xf32, #tpu.memory_space<vmem>>) dst(%dma_wait3A_205 : memref<10112xf32, #tpu.memory_space<vmem_shared>>)
      %dma_wait3A_206 = arith.constant 0 : i32
      %dma_wait3A_207 = arith.constant 0 : i32
      %dma_wait3A_208 = tpu.memref_slice %arg14[%dma_wait3A_206, %dma_wait3A_207] : memref<40x128xi32, #tpu.memory_space<vmem>> -> memref<1x128xi32, #tpu.memory_space<vmem>>
      %dma_wait3A_209 = tpu.memref_squeeze %dma_wait3A_208 : memref<1x128xi32, #tpu.memory_space<vmem>> -> memref<128xi32, #tpu.memory_space<vmem>>
      %dma_wait3A_210 = arith.constant 0 : i32
      %dma_wait3A_211 = tpu.memref_slice %arg12[%dma_wait3A_210] : memref<10112xf32, #tpu.memory_space<vmem_shared>> -> memref<10112xf32, #tpu.memory_space<vmem_shared>>
      tpu.wait_indirect_dma semaphore(%arg22 : memref<!tpu.dma_semaphore, #tpu.memory_space<semaphore_mem>>) src(%arg17 : memref<128xf32, #tpu.memory_space<vmem>>) dst(%dma_wait3A_211 : memref<10112xf32, #tpu.memory_space<vmem_shared>>)
      %dma_wait3A_212 = arith.constant 0 : i32
      %dma_wait3A_213 = arith.constant 0 : i32
      %dma_wait3A_214 = tpu.memref_slice %arg14[%dma_wait3A_212, %dma_wait3A_213] : memref<40x128xi32, #tpu.memory_space<vmem>> -> memref<1x128xi32, #tpu.memory_space<vmem>>
      %dma_wait3A_215 = tpu.memref_squeeze %dma_wait3A_214 : memref<1x128xi32, #tpu.memory_space<vmem>> -> memref<128xi32, #tpu.memory_space<vmem>>
      %dma_wait3A_216 = arith.constant 0 : i32
      %dma_wait3A_217 = tpu.memref_slice %arg12[%dma_wait3A_216] : memref<10112xf32, #tpu.memory_space<vmem_shared>> -> memref<10112xf32, #tpu.memory_space<vmem_shared>>
      tpu.wait_indirect_dma semaphore(%arg22 : memref<!tpu.dma_semaphore, #tpu.memory_space<semaphore_mem>>) src(%arg17 : memref<128xf32, #tpu.memory_space<vmem>>) dst(%dma_wait3A_217 : memref<10112xf32, #tpu.memory_space<vmem_shared>>)
      %dma_wait3A_218 = arith.constant 0 : i32
      %dma_wait3A_219 = arith.constant 0 : i32
      %dma_wait3A_220 = tpu.memref_slice %arg14[%dma_wait3A_218, %dma_wait3A_219] : memref<40x128xi32, #tpu.memory_space<vmem>> -> memref<1x128xi32, #tpu.memory_space<vmem>>
      %dma_wait3A_221 = tpu.memref_squeeze %dma_wait3A_220 : memref<1x128xi32, #tpu.memory_space<vmem>> -> memref<128xi32, #tpu.memory_space<vmem>>
      %dma_wait3A_222 = arith.constant 0 : i32
      %dma_wait3A_223 = tpu.memref_slice %arg12[%dma_wait3A_222] : memref<10112xf32, #tpu.memory_space<vmem_shared>> -> memref<10112xf32, #tpu.memory_space<vmem_shared>>
      tpu.wait_indirect_dma semaphore(%arg22 : memref<!tpu.dma_semaphore, #tpu.memory_space<semaphore_mem>>) src(%arg17 : memref<128xf32, #tpu.memory_space<vmem>>) dst(%dma_wait3A_223 : memref<10112xf32, #tpu.memory_space<vmem_shared>>)
      %dma_wait3A_224 = arith.constant 0 : i32
      %dma_wait3A_225 = arith.constant 0 : i32
      %dma_wait3A_226 = tpu.memref_slice %arg14[%dma_wait3A_224, %dma_wait3A_225] : memref<40x128xi32, #tpu.memory_space<vmem>> -> memref<1x128xi32, #tpu.memory_space<vmem>>
      %dma_wait3A_227 = tpu.memref_squeeze %dma_wait3A_226 : memref<1x128xi32, #tpu.memory_space<vmem>> -> memref<128xi32, #tpu.memory_space<vmem>>
      %dma_wait3A_228 = arith.constant 0 : i32
      %dma_wait3A_229 = tpu.memref_slice %arg12[%dma_wait3A_228] : memref<10112xf32, #tpu.memory_space<vmem_shared>> -> memref<10112xf32, #tpu.memory_space<vmem_shared>>
      tpu.wait_indirect_dma semaphore(%arg22 : memref<!tpu.dma_semaphore, #tpu.memory_space<semaphore_mem>>) src(%arg17 : memref<128xf32, #tpu.memory_space<vmem>>) dst(%dma_wait3A_229 : memref<10112xf32, #tpu.memory_space<vmem_shared>>)
      %dma_wait3A_230 = arith.constant 0 : i32
      %dma_wait3A_231 = arith.constant 0 : i32
      %dma_wait3A_232 = tpu.memref_slice %arg14[%dma_wait3A_230, %dma_wait3A_231] : memref<40x128xi32, #tpu.memory_space<vmem>> -> memref<1x128xi32, #tpu.memory_space<vmem>>
      %dma_wait3A_233 = tpu.memref_squeeze %dma_wait3A_232 : memref<1x128xi32, #tpu.memory_space<vmem>> -> memref<128xi32, #tpu.memory_space<vmem>>
      %dma_wait3A_234 = arith.constant 0 : i32
      %dma_wait3A_235 = tpu.memref_slice %arg12[%dma_wait3A_234] : memref<10112xf32, #tpu.memory_space<vmem_shared>> -> memref<10112xf32, #tpu.memory_space<vmem_shared>>
      tpu.wait_indirect_dma semaphore(%arg22 : memref<!tpu.dma_semaphore, #tpu.memory_space<semaphore_mem>>) src(%arg17 : memref<128xf32, #tpu.memory_space<vmem>>) dst(%dma_wait3A_235 : memref<10112xf32, #tpu.memory_space<vmem_shared>>)
      %dma_wait3A_236 = arith.constant 0 : i32
      %dma_wait3A_237 = arith.constant 0 : i32
      %dma_wait3A_238 = tpu.memref_slice %arg14[%dma_wait3A_236, %dma_wait3A_237] : memref<40x128xi32, #tpu.memory_space<vmem>> -> memref<1x128xi32, #tpu.memory_space<vmem>>
      %dma_wait3A_239 = tpu.memref_squeeze %dma_wait3A_238 : memref<1x128xi32, #tpu.memory_space<vmem>> -> memref<128xi32, #tpu.memory_space<vmem>>
      %dma_wait3A_240 = arith.constant 0 : i32
      %dma_wait3A_241 = tpu.memref_slice %arg12[%dma_wait3A_240] : memref<10112xf32, #tpu.memory_space<vmem_shared>> -> memref<10112xf32, #tpu.memory_space<vmem_shared>>
      tpu.wait_indirect_dma semaphore(%arg22 : memref<!tpu.dma_semaphore, #tpu.memory_space<semaphore_mem>>) src(%arg17 : memref<128xf32, #tpu.memory_space<vmem>>) dst(%dma_wait3A_241 : memref<10112xf32, #tpu.memory_space<vmem_shared>>)
      %dma_wait3A_242 = arith.constant 0 : i32
      %dma_wait3A_243 = arith.constant 0 : i32
      %dma_wait3A_244 = tpu.memref_slice %arg14[%dma_wait3A_242, %dma_wait3A_243] : memref<40x128xi32, #tpu.memory_space<vmem>> -> memref<1x128xi32, #tpu.memory_space<vmem>>
      %dma_wait3A_245 = tpu.memref_squeeze %dma_wait3A_244 : memref<1x128xi32, #tpu.memory_space<vmem>> -> memref<128xi32, #tpu.memory_space<vmem>>
      %dma_wait3A_246 = arith.constant 0 : i32
      %dma_wait3A_247 = tpu.memref_slice %arg12[%dma_wait3A_246] : memref<10112xf32, #tpu.memory_space<vmem_shared>> -> memref<10112xf32, #tpu.memory_space<vmem_shared>>
      tpu.wait_indirect_dma semaphore(%arg22 : memref<!tpu.dma_semaphore, #tpu.memory_space<semaphore_mem>>) src(%arg17 : memref<128xf32, #tpu.memory_space<vmem>>) dst(%dma_wait3A_247 : memref<10112xf32, #tpu.memory_space<vmem_shared>>)
      %dma_wait3A_248 = arith.constant 0 : i32
      %dma_wait3A_249 = arith.constant 0 : i32
      %dma_wait3A_250 = tpu.memref_slice %arg14[%dma_wait3A_248, %dma_wait3A_249] : memref<40x128xi32, #tpu.memory_space<vmem>> -> memref<1x128xi32, #tpu.memory_space<vmem>>
      %dma_wait3A_251 = tpu.memref_squeeze %dma_wait3A_250 : memref<1x128xi32, #tpu.memory_space<vmem>> -> memref<128xi32, #tpu.memory_space<vmem>>
      %dma_wait3A_252 = arith.constant 0 : i32
      %dma_wait3A_253 = tpu.memref_slice %arg12[%dma_wait3A_252] : memref<10112xf32, #tpu.memory_space<vmem_shared>> -> memref<10112xf32, #tpu.memory_space<vmem_shared>>
      tpu.wait_indirect_dma semaphore(%arg22 : memref<!tpu.dma_semaphore, #tpu.memory_space<semaphore_mem>>) src(%arg17 : memref<128xf32, #tpu.memory_space<vmem>>) dst(%dma_wait3A_253 : memref<10112xf32, #tpu.memory_space<vmem_shared>>)
      %dma_wait3A_254 = arith.constant 0 : i32
      %dma_wait3A_255 = arith.constant 0 : i32
      %dma_wait3A_256 = tpu.memref_slice %arg14[%dma_wait3A_254, %dma_wait3A_255] : memref<40x128xi32, #tpu.memory_space<vmem>> -> memref<1x128xi32, #tpu.memory_space<vmem>>
      %dma_wait3A_257 = tpu.memref_squeeze %dma_wait3A_256 : memref<1x128xi32, #tpu.memory_space<vmem>> -> memref<128xi32, #tpu.memory_space<vmem>>
      %dma_wait3A_258 = arith.constant 0 : i32
      %dma_wait3A_259 = tpu.memref_slice %arg12[%dma_wait3A_258] : memref<10112xf32, #tpu.memory_space<vmem_shared>> -> memref<10112xf32, #tpu.memory_space<vmem_shared>>
      tpu.wait_indirect_dma semaphore(%arg22 : memref<!tpu.dma_semaphore, #tpu.memory_space<semaphore_mem>>) src(%arg17 : memref<128xf32, #tpu.memory_space<vmem>>) dst(%dma_wait3A_259 : memref<10112xf32, #tpu.memory_space<vmem_shared>>)
      %dma_wait3A_260 = arith.constant 0 : i32
      %dma_wait3A_261 = arith.constant 0 : i32
      %dma_wait3A_262 = tpu.memref_slice %arg14[%dma_wait3A_260, %dma_wait3A_261] : memref<40x128xi32, #tpu.memory_space<vmem>> -> memref<1x128xi32, #tpu.memory_space<vmem>>
      %dma_wait3A_263 = tpu.memref_squeeze %dma_wait3A_262 : memref<1x128xi32, #tpu.memory_space<vmem>> -> memref<128xi32, #tpu.memory_space<vmem>>
      %dma_wait3A_264 = arith.constant 0 : i32
      %dma_wait3A_265 = tpu.memref_slice %arg12[%dma_wait3A_264] : memref<10112xf32, #tpu.memory_space<vmem_shared>> -> memref<10112xf32, #tpu.memory_space<vmem_shared>>
      tpu.wait_indirect_dma semaphore(%arg22 : memref<!tpu.dma_semaphore, #tpu.memory_space<semaphore_mem>>) src(%arg17 : memref<128xf32, #tpu.memory_space<vmem>>) dst(%dma_wait3A_265 : memref<10112xf32, #tpu.memory_space<vmem_shared>>)
      %dma_wait3A_266 = arith.constant 0 : i32
      %dma_wait3A_267 = arith.constant 0 : i32
      %dma_wait3A_268 = tpu.memref_slice %arg14[%dma_wait3A_266, %dma_wait3A_267] : memref<40x128xi32, #tpu.memory_space<vmem>> -> memref<1x128xi32, #tpu.memory_space<vmem>>
      %dma_wait3A_269 = tpu.memref_squeeze %dma_wait3A_268 : memref<1x128xi32, #tpu.memory_space<vmem>> -> memref<128xi32, #tpu.memory_space<vmem>>
      %dma_wait3A_270 = arith.constant 0 : i32
      %dma_wait3A_271 = tpu.memref_slice %arg12[%dma_wait3A_270] : memref<10112xf32, #tpu.memory_space<vmem_shared>> -> memref<10112xf32, #tpu.memory_space<vmem_shared>>
      tpu.wait_indirect_dma semaphore(%arg22 : memref<!tpu.dma_semaphore, #tpu.memory_space<semaphore_mem>>) src(%arg17 : memref<128xf32, #tpu.memory_space<vmem>>) dst(%dma_wait3A_271 : memref<10112xf32, #tpu.memory_space<vmem_shared>>)
      %dma_wait3A_272 = arith.constant 0 : i32
      %dma_wait3A_273 = arith.constant 0 : i32
      %dma_wait3A_274 = tpu.memref_slice %arg14[%dma_wait3A_272, %dma_wait3A_273] : memref<40x128xi32, #tpu.memory_space<vmem>> -> memref<1x128xi32, #tpu.memory_space<vmem>>
      %dma_wait3A_275 = tpu.memref_squeeze %dma_wait3A_274 : memref<1x128xi32, #tpu.memory_space<vmem>> -> memref<128xi32, #tpu.memory_space<vmem>>
      %dma_wait3A_276 = arith.constant 0 : i32
      %dma_wait3A_277 = tpu.memref_slice %arg12[%dma_wait3A_276] : memref<10112xf32, #tpu.memory_space<vmem_shared>> -> memref<10112xf32, #tpu.memory_space<vmem_shared>>
      tpu.wait_indirect_dma semaphore(%arg22 : memref<!tpu.dma_semaphore, #tpu.memory_space<semaphore_mem>>) src(%arg17 : memref<128xf32, #tpu.memory_space<vmem>>) dst(%dma_wait3A_277 : memref<10112xf32, #tpu.memory_space<vmem_shared>>)
      %dma_wait3A_278 = arith.constant 0 : i32
      %dma_wait3A_279 = arith.constant 0 : i32
      %dma_wait3A_280 = tpu.memref_slice %arg14[%dma_wait3A_278, %dma_wait3A_279] : memref<40x128xi32, #tpu.memory_space<vmem>> -> memref<1x128xi32, #tpu.memory_space<vmem>>
      %dma_wait3A_281 = tpu.memref_squeeze %dma_wait3A_280 : memref<1x128xi32, #tpu.memory_space<vmem>> -> memref<128xi32, #tpu.memory_space<vmem>>
      %dma_wait3A_282 = arith.constant 0 : i32
      %dma_wait3A_283 = tpu.memref_slice %arg12[%dma_wait3A_282] : memref<10112xf32, #tpu.memory_space<vmem_shared>> -> memref<10112xf32, #tpu.memory_space<vmem_shared>>
      tpu.wait_indirect_dma semaphore(%arg22 : memref<!tpu.dma_semaphore, #tpu.memory_space<semaphore_mem>>) src(%arg17 : memref<128xf32, #tpu.memory_space<vmem>>) dst(%dma_wait3A_283 : memref<10112xf32, #tpu.memory_space<vmem_shared>>)
      %dma_wait3A_284 = arith.constant 0 : i32
      %dma_wait3A_285 = arith.constant 0 : i32
      %dma_wait3A_286 = tpu.memref_slice %arg14[%dma_wait3A_284, %dma_wait3A_285] : memref<40x128xi32, #tpu.memory_space<vmem>> -> memref<1x128xi32, #tpu.memory_space<vmem>>
      %dma_wait3A_287 = tpu.memref_squeeze %dma_wait3A_286 : memref<1x128xi32, #tpu.memory_space<vmem>> -> memref<128xi32, #tpu.memory_space<vmem>>
      %dma_wait3A_288 = arith.constant 0 : i32
      %dma_wait3A_289 = tpu.memref_slice %arg12[%dma_wait3A_288] : memref<10112xf32, #tpu.memory_space<vmem_shared>> -> memref<10112xf32, #tpu.memory_space<vmem_shared>>
      tpu.wait_indirect_dma semaphore(%arg22 : memref<!tpu.dma_semaphore, #tpu.memory_space<semaphore_mem>>) src(%arg17 : memref<128xf32, #tpu.memory_space<vmem>>) dst(%dma_wait3A_289 : memref<10112xf32, #tpu.memory_space<vmem_shared>>)
      %dma_wait3A_290 = arith.constant 0 : i32
      %dma_wait3A_291 = arith.constant 0 : i32
      %dma_wait3A_292 = tpu.memref_slice %arg14[%dma_wait3A_290, %dma_wait3A_291] : memref<40x128xi32, #tpu.memory_space<vmem>> -> memref<1x128xi32, #tpu.memory_space<vmem>>
      %dma_wait3A_293 = tpu.memref_squeeze %dma_wait3A_292 : memref<1x128xi32, #tpu.memory_space<vmem>> -> memref<128xi32, #tpu.memory_space<vmem>>
      %dma_wait3A_294 = arith.constant 0 : i32
      %dma_wait3A_295 = tpu.memref_slice %arg12[%dma_wait3A_294] : memref<10112xf32, #tpu.memory_space<vmem_shared>> -> memref<10112xf32, #tpu.memory_space<vmem_shared>>
      tpu.wait_indirect_dma semaphore(%arg22 : memref<!tpu.dma_semaphore, #tpu.memory_space<semaphore_mem>>) src(%arg17 : memref<128xf32, #tpu.memory_space<vmem>>) dst(%dma_wait3A_295 : memref<10112xf32, #tpu.memory_space<vmem_shared>>)
      %dma_wait3A_296 = arith.constant 0 : i32
      %dma_wait3A_297 = arith.constant 0 : i32
      %dma_wait3A_298 = tpu.memref_slice %arg14[%dma_wait3A_296, %dma_wait3A_297] : memref<40x128xi32, #tpu.memory_space<vmem>> -> memref<1x128xi32, #tpu.memory_space<vmem>>
      %dma_wait3A_299 = tpu.memref_squeeze %dma_wait3A_298 : memref<1x128xi32, #tpu.memory_space<vmem>> -> memref<128xi32, #tpu.memory_space<vmem>>
      %dma_wait3A_300 = arith.constant 0 : i32
      %dma_wait3A_301 = tpu.memref_slice %arg12[%dma_wait3A_300] : memref<10112xf32, #tpu.memory_space<vmem_shared>> -> memref<10112xf32, #tpu.memory_space<vmem_shared>>
      tpu.wait_indirect_dma semaphore(%arg22 : memref<!tpu.dma_semaphore, #tpu.memory_space<semaphore_mem>>) src(%arg17 : memref<128xf32, #tpu.memory_space<vmem>>) dst(%dma_wait3A_301 : memref<10112xf32, #tpu.memory_space<vmem_shared>>)
      %dma_wait3A_302 = arith.constant 0 : i32
      %dma_wait3A_303 = arith.constant 0 : i32
      %dma_wait3A_304 = tpu.memref_slice %arg14[%dma_wait3A_302, %dma_wait3A_303] : memref<40x128xi32, #tpu.memory_space<vmem>> -> memref<1x128xi32, #tpu.memory_space<vmem>>
      %dma_wait3A_305 = tpu.memref_squeeze %dma_wait3A_304 : memref<1x128xi32, #tpu.memory_space<vmem>> -> memref<128xi32, #tpu.memory_space<vmem>>
      %dma_wait3A_306 = arith.constant 0 : i32
      %dma_wait3A_307 = tpu.memref_slice %arg12[%dma_wait3A_306] : memref<10112xf32, #tpu.memory_space<vmem_shared>> -> memref<10112xf32, #tpu.memory_space<vmem_shared>>
      tpu.wait_indirect_dma semaphore(%arg22 : memref<!tpu.dma_semaphore, #tpu.memory_space<semaphore_mem>>) src(%arg17 : memref<128xf32, #tpu.memory_space<vmem>>) dst(%dma_wait3A_307 : memref<10112xf32, #tpu.memory_space<vmem_shared>>)
      %dma_wait3A_308 = arith.constant 0 : i32
      %dma_wait3A_309 = arith.constant 0 : i32
      %dma_wait3A_310 = tpu.memref_slice %arg14[%dma_wait3A_308, %dma_wait3A_309] : memref<40x128xi32, #tpu.memory_space<vmem>> -> memref<1x128xi32, #tpu.memory_space<vmem>>
      %dma_wait3A_311 = tpu.memref_squeeze %dma_wait3A_310 : memref<1x128xi32, #tpu.memory_space<vmem>> -> memref<128xi32, #tpu.memory_space<vmem>>
      %dma_wait3A_312 = arith.constant 0 : i32
      %dma_wait3A_313 = tpu.memref_slice %arg12[%dma_wait3A_312] : memref<10112xf32, #tpu.memory_space<vmem_shared>> -> memref<10112xf32, #tpu.memory_space<vmem_shared>>
      tpu.wait_indirect_dma semaphore(%arg22 : memref<!tpu.dma_semaphore, #tpu.memory_space<semaphore_mem>>) src(%arg17 : memref<128xf32, #tpu.memory_space<vmem>>) dst(%dma_wait3A_313 : memref<10112xf32, #tpu.memory_space<vmem_shared>>)
      %dma_wait3A_314 = arith.constant 0 : i32
      %dma_wait3A_315 = arith.constant 0 : i32
      %dma_wait3A_316 = tpu.memref_slice %arg14[%dma_wait3A_314, %dma_wait3A_315] : memref<40x128xi32, #tpu.memory_space<vmem>> -> memref<1x128xi32, #tpu.memory_space<vmem>>
      %dma_wait3A_317 = tpu.memref_squeeze %dma_wait3A_316 : memref<1x128xi32, #tpu.memory_space<vmem>> -> memref<128xi32, #tpu.memory_space<vmem>>
      %dma_wait3A_318 = arith.constant 0 : i32
      %dma_wait3A_319 = tpu.memref_slice %arg12[%dma_wait3A_318] : memref<10112xf32, #tpu.memory_space<vmem_shared>> -> memref<10112xf32, #tpu.memory_space<vmem_shared>>
      tpu.wait_indirect_dma semaphore(%arg22 : memref<!tpu.dma_semaphore, #tpu.memory_space<semaphore_mem>>) src(%arg17 : memref<128xf32, #tpu.memory_space<vmem>>) dst(%dma_wait3A_319 : memref<10112xf32, #tpu.memory_space<vmem_shared>>)
      %dma_wait3A_320 = arith.constant 0 : i32
      %dma_wait3A_321 = arith.constant 0 : i32
      %dma_wait3A_322 = tpu.memref_slice %arg14[%dma_wait3A_320, %dma_wait3A_321] : memref<40x128xi32, #tpu.memory_space<vmem>> -> memref<1x128xi32, #tpu.memory_space<vmem>>
      %dma_wait3A_323 = tpu.memref_squeeze %dma_wait3A_322 : memref<1x128xi32, #tpu.memory_space<vmem>> -> memref<128xi32, #tpu.memory_space<vmem>>
      %dma_wait3A_324 = arith.constant 0 : i32
      %dma_wait3A_325 = tpu.memref_slice %arg12[%dma_wait3A_324] : memref<10112xf32, #tpu.memory_space<vmem_shared>> -> memref<10112xf32, #tpu.memory_space<vmem_shared>>
      tpu.wait_indirect_dma semaphore(%arg22 : memref<!tpu.dma_semaphore, #tpu.memory_space<semaphore_mem>>) src(%arg17 : memref<128xf32, #tpu.memory_space<vmem>>) dst(%dma_wait3A_325 : memref<10112xf32, #tpu.memory_space<vmem_shared>>)
      %dma_wait3A_326 = arith.constant 0 : i32
      %dma_wait3A_327 = arith.constant 0 : i32
      %dma_wait3A_328 = tpu.memref_slice %arg14[%dma_wait3A_326, %dma_wait3A_327] : memref<40x128xi32, #tpu.memory_space<vmem>> -> memref<1x128xi32, #tpu.memory_space<vmem>>
      %dma_wait3A_329 = tpu.memref_squeeze %dma_wait3A_328 : memref<1x128xi32, #tpu.memory_space<vmem>> -> memref<128xi32, #tpu.memory_space<vmem>>
      %dma_wait3A_330 = arith.constant 0 : i32
      %dma_wait3A_331 = tpu.memref_slice %arg12[%dma_wait3A_330] : memref<10112xf32, #tpu.memory_space<vmem_shared>> -> memref<10112xf32, #tpu.memory_space<vmem_shared>>
      tpu.wait_indirect_dma semaphore(%arg22 : memref<!tpu.dma_semaphore, #tpu.memory_space<semaphore_mem>>) src(%arg17 : memref<128xf32, #tpu.memory_space<vmem>>) dst(%dma_wait3A_331 : memref<10112xf32, #tpu.memory_space<vmem_shared>>)
      %dma_wait3A_332 = arith.constant 0 : i32
      %dma_wait3A_333 = arith.constant 0 : i32
      %dma_wait3A_334 = tpu.memref_slice %arg14[%dma_wait3A_332, %dma_wait3A_333] : memref<40x128xi32, #tpu.memory_space<vmem>> -> memref<1x128xi32, #tpu.memory_space<vmem>>
      %dma_wait3A_335 = tpu.memref_squeeze %dma_wait3A_334 : memref<1x128xi32, #tpu.memory_space<vmem>> -> memref<128xi32, #tpu.memory_space<vmem>>
      %dma_wait3A_336 = arith.constant 0 : i32
      %dma_wait3A_337 = tpu.memref_slice %arg12[%dma_wait3A_336] : memref<10112xf32, #tpu.memory_space<vmem_shared>> -> memref<10112xf32, #tpu.memory_space<vmem_shared>>
      tpu.wait_indirect_dma semaphore(%arg22 : memref<!tpu.dma_semaphore, #tpu.memory_space<semaphore_mem>>) src(%arg17 : memref<128xf32, #tpu.memory_space<vmem>>) dst(%dma_wait3A_337 : memref<10112xf32, #tpu.memory_space<vmem_shared>>)
      %dma_wait3A_338 = arith.constant 0 : i32
      %dma_wait3A_339 = arith.constant 0 : i32
      %dma_wait3A_340 = tpu.memref_slice %arg14[%dma_wait3A_338, %dma_wait3A_339] : memref<40x128xi32, #tpu.memory_space<vmem>> -> memref<1x128xi32, #tpu.memory_space<vmem>>
      %dma_wait3A_341 = tpu.memref_squeeze %dma_wait3A_340 : memref<1x128xi32, #tpu.memory_space<vmem>> -> memref<128xi32, #tpu.memory_space<vmem>>
      %dma_wait3A_342 = arith.constant 0 : i32
      %dma_wait3A_343 = tpu.memref_slice %arg12[%dma_wait3A_342] : memref<10112xf32, #tpu.memory_space<vmem_shared>> -> memref<10112xf32, #tpu.memory_space<vmem_shared>>
      tpu.wait_indirect_dma semaphore(%arg22 : memref<!tpu.dma_semaphore, #tpu.memory_space<semaphore_mem>>) src(%arg17 : memref<128xf32, #tpu.memory_space<vmem>>) dst(%dma_wait3A_343 : memref<10112xf32, #tpu.memory_space<vmem_shared>>)
      %dma_wait3A_344 = arith.constant 0 : i32
      %dma_wait3A_345 = arith.constant 0 : i32
      %dma_wait3A_346 = tpu.memref_slice %arg14[%dma_wait3A_344, %dma_wait3A_345] : memref<40x128xi32, #tpu.memory_space<vmem>> -> memref<1x128xi32, #tpu.memory_space<vmem>>
      %dma_wait3A_347 = tpu.memref_squeeze %dma_wait3A_346 : memref<1x128xi32, #tpu.memory_space<vmem>> -> memref<128xi32, #tpu.memory_space<vmem>>
      %dma_wait3A_348 = arith.constant 0 : i32
      %dma_wait3A_349 = tpu.memref_slice %arg12[%dma_wait3A_348] : memref<10112xf32, #tpu.memory_space<vmem_shared>> -> memref<10112xf32, #tpu.memory_space<vmem_shared>>
      tpu.wait_indirect_dma semaphore(%arg22 : memref<!tpu.dma_semaphore, #tpu.memory_space<semaphore_mem>>) src(%arg17 : memref<128xf32, #tpu.memory_space<vmem>>) dst(%dma_wait3A_349 : memref<10112xf32, #tpu.memory_space<vmem_shared>>)
      %dma_wait3A_350 = arith.constant 0 : i32
      %dma_wait3A_351 = arith.constant 0 : i32
      %dma_wait3A_352 = tpu.memref_slice %arg14[%dma_wait3A_350, %dma_wait3A_351] : memref<40x128xi32, #tpu.memory_space<vmem>> -> memref<1x128xi32, #tpu.memory_space<vmem>>
      %dma_wait3A_353 = tpu.memref_squeeze %dma_wait3A_352 : memref<1x128xi32, #tpu.memory_space<vmem>> -> memref<128xi32, #tpu.memory_space<vmem>>
      %dma_wait3A_354 = arith.constant 0 : i32
      %dma_wait3A_355 = tpu.memref_slice %arg12[%dma_wait3A_354] : memref<10112xf32, #tpu.memory_space<vmem_shared>> -> memref<10112xf32, #tpu.memory_space<vmem_shared>>
      tpu.wait_indirect_dma semaphore(%arg22 : memref<!tpu.dma_semaphore, #tpu.memory_space<semaphore_mem>>) src(%arg17 : memref<128xf32, #tpu.memory_space<vmem>>) dst(%dma_wait3A_355 : memref<10112xf32, #tpu.memory_space<vmem_shared>>)
      %dma_wait3A_356 = arith.constant 0 : i32
      %dma_wait3A_357 = arith.constant 0 : i32
      %dma_wait3A_358 = tpu.memref_slice %arg14[%dma_wait3A_356, %dma_wait3A_357] : memref<40x128xi32, #tpu.memory_space<vmem>> -> memref<1x128xi32, #tpu.memory_space<vmem>>
      %dma_wait3A_359 = tpu.memref_squeeze %dma_wait3A_358 : memref<1x128xi32, #tpu.memory_space<vmem>> -> memref<128xi32, #tpu.memory_space<vmem>>
      %dma_wait3A_360 = arith.constant 0 : i32
      %dma_wait3A_361 = tpu.memref_slice %arg12[%dma_wait3A_360] : memref<10112xf32, #tpu.memory_space<vmem_shared>> -> memref<10112xf32, #tpu.memory_space<vmem_shared>>
      tpu.wait_indirect_dma semaphore(%arg22 : memref<!tpu.dma_semaphore, #tpu.memory_space<semaphore_mem>>) src(%arg17 : memref<128xf32, #tpu.memory_space<vmem>>) dst(%dma_wait3A_361 : memref<10112xf32, #tpu.memory_space<vmem_shared>>)
      %dma_wait3A_362 = arith.constant 0 : i32
      %dma_wait3A_363 = arith.constant 0 : i32
      %dma_wait3A_364 = tpu.memref_slice %arg14[%dma_wait3A_362, %dma_wait3A_363] : memref<40x128xi32, #tpu.memory_space<vmem>> -> memref<1x128xi32, #tpu.memory_space<vmem>>
      %dma_wait3A_365 = tpu.memref_squeeze %dma_wait3A_364 : memref<1x128xi32, #tpu.memory_space<vmem>> -> memref<128xi32, #tpu.memory_space<vmem>>
      %dma_wait3A_366 = arith.constant 0 : i32
      %dma_wait3A_367 = tpu.memref_slice %arg12[%dma_wait3A_366] : memref<10112xf32, #tpu.memory_space<vmem_shared>> -> memref<10112xf32, #tpu.memory_space<vmem_shared>>
      tpu.wait_indirect_dma semaphore(%arg22 : memref<!tpu.dma_semaphore, #tpu.memory_space<semaphore_mem>>) src(%arg17 : memref<128xf32, #tpu.memory_space<vmem>>) dst(%dma_wait3A_367 : memref<10112xf32, #tpu.memory_space<vmem_shared>>)
      %dma_wait3A_368 = arith.constant 0 : i32
      %dma_wait3A_369 = arith.constant 0 : i32
      %dma_wait3A_370 = tpu.memref_slice %arg14[%dma_wait3A_368, %dma_wait3A_369] : memref<40x128xi32, #tpu.memory_space<vmem>> -> memref<1x128xi32, #tpu.memory_space<vmem>>
      %dma_wait3A_371 = tpu.memref_squeeze %dma_wait3A_370 : memref<1x128xi32, #tpu.memory_space<vmem>> -> memref<128xi32, #tpu.memory_space<vmem>>
      %dma_wait3A_372 = arith.constant 0 : i32
      %dma_wait3A_373 = tpu.memref_slice %arg12[%dma_wait3A_372] : memref<10112xf32, #tpu.memory_space<vmem_shared>> -> memref<10112xf32, #tpu.memory_space<vmem_shared>>
      tpu.wait_indirect_dma semaphore(%arg22 : memref<!tpu.dma_semaphore, #tpu.memory_space<semaphore_mem>>) src(%arg17 : memref<128xf32, #tpu.memory_space<vmem>>) dst(%dma_wait3A_373 : memref<10112xf32, #tpu.memory_space<vmem_shared>>)
      %dma_wait3A_374 = arith.constant 0 : i32
      %dma_wait3A_375 = arith.constant 0 : i32
      %dma_wait3A_376 = tpu.memref_slice %arg14[%dma_wait3A_374, %dma_wait3A_375] : memref<40x128xi32, #tpu.memory_space<vmem>> -> memref<1x128xi32, #tpu.memory_space<vmem>>
      %dma_wait3A_377 = tpu.memref_squeeze %dma_wait3A_376 : memref<1x128xi32, #tpu.memory_space<vmem>> -> memref<128xi32, #tpu.memory_space<vmem>>
      %dma_wait3A_378 = arith.constant 0 : i32
      %dma_wait3A_379 = tpu.memref_slice %arg12[%dma_wait3A_378] : memref<10112xf32, #tpu.memory_space<vmem_shared>> -> memref<10112xf32, #tpu.memory_space<vmem_shared>>
      tpu.wait_indirect_dma semaphore(%arg22 : memref<!tpu.dma_semaphore, #tpu.memory_space<semaphore_mem>>) src(%arg17 : memref<128xf32, #tpu.memory_space<vmem>>) dst(%dma_wait3A_379 : memref<10112xf32, #tpu.memory_space<vmem_shared>>)
      %dma_wait3A_380 = arith.constant 0 : i32
      %dma_wait3A_381 = arith.constant 0 : i32
      %dma_wait3A_382 = tpu.memref_slice %arg14[%dma_wait3A_380, %dma_wait3A_381] : memref<40x128xi32, #tpu.memory_space<vmem>> -> memref<1x128xi32, #tpu.memory_space<vmem>>
      %dma_wait3A_383 = tpu.memref_squeeze %dma_wait3A_382 : memref<1x128xi32, #tpu.memory_space<vmem>> -> memref<128xi32, #tpu.memory_space<vmem>>
      %dma_wait3A_384 = arith.constant 0 : i32
      %dma_wait3A_385 = tpu.memref_slice %arg12[%dma_wait3A_384] : memref<10112xf32, #tpu.memory_space<vmem_shared>> -> memref<10112xf32, #tpu.memory_space<vmem_shared>>
      tpu.wait_indirect_dma semaphore(%arg22 : memref<!tpu.dma_semaphore, #tpu.memory_space<semaphore_mem>>) src(%arg17 : memref<128xf32, #tpu.memory_space<vmem>>) dst(%dma_wait3A_385 : memref<10112xf32, #tpu.memory_space<vmem_shared>>)
      %dma_wait3A_386 = arith.constant 0 : i32
      %dma_wait3A_387 = arith.constant 0 : i32
      %dma_wait3A_388 = tpu.memref_slice %arg14[%dma_wait3A_386, %dma_wait3A_387] : memref<40x128xi32, #tpu.memory_space<vmem>> -> memref<1x128xi32, #tpu.memory_space<vmem>>
      %dma_wait3A_389 = tpu.memref_squeeze %dma_wait3A_388 : memref<1x128xi32, #tpu.memory_space<vmem>> -> memref<128xi32, #tpu.memory_space<vmem>>
      %dma_wait3A_390 = arith.constant 0 : i32
      %dma_wait3A_391 = tpu.memref_slice %arg12[%dma_wait3A_390] : memref<10112xf32, #tpu.memory_space<vmem_shared>> -> memref<10112xf32, #tpu.memory_space<vmem_shared>>
      tpu.wait_indirect_dma semaphore(%arg22 : memref<!tpu.dma_semaphore, #tpu.memory_space<semaphore_mem>>) src(%arg17 : memref<128xf32, #tpu.memory_space<vmem>>) dst(%dma_wait3A_391 : memref<10112xf32, #tpu.memory_space<vmem_shared>>)
      %dma_wait3A_392 = arith.constant 0 : i32
      %dma_wait3A_393 = arith.constant 0 : i32
      %dma_wait3A_394 = tpu.memref_slice %arg14[%dma_wait3A_392, %dma_wait3A_393] : memref<40x128xi32, #tpu.memory_space<vmem>> -> memref<1x128xi32, #tpu.memory_space<vmem>>
      %dma_wait3A_395 = tpu.memref_squeeze %dma_wait3A_394 : memref<1x128xi32, #tpu.memory_space<vmem>> -> memref<128xi32, #tpu.memory_space<vmem>>
      %dma_wait3A_396 = arith.constant 0 : i32
      %dma_wait3A_397 = tpu.memref_slice %arg12[%dma_wait3A_396] : memref<10112xf32, #tpu.memory_space<vmem_shared>> -> memref<10112xf32, #tpu.memory_space<vmem_shared>>
      tpu.wait_indirect_dma semaphore(%arg22 : memref<!tpu.dma_semaphore, #tpu.memory_space<semaphore_mem>>) src(%arg17 : memref<128xf32, #tpu.memory_space<vmem>>) dst(%dma_wait3A_397 : memref<10112xf32, #tpu.memory_space<vmem_shared>>)
      %dma_wait3A_398 = arith.constant 0 : i32
      %dma_wait3A_399 = arith.constant 0 : i32
      %dma_wait3A_400 = tpu.memref_slice %arg14[%dma_wait3A_398, %dma_wait3A_399] : memref<40x128xi32, #tpu.memory_space<vmem>> -> memref<1x128xi32, #tpu.memory_space<vmem>>
      %dma_wait3A_401 = tpu.memref_squeeze %dma_wait3A_400 : memref<1x128xi32, #tpu.memory_space<vmem>> -> memref<128xi32, #tpu.memory_space<vmem>>
      %dma_wait3A_402 = arith.constant 0 : i32
      %dma_wait3A_403 = tpu.memref_slice %arg12[%dma_wait3A_402] : memref<10112xf32, #tpu.memory_space<vmem_shared>> -> memref<10112xf32, #tpu.memory_space<vmem_shared>>
      tpu.wait_indirect_dma semaphore(%arg22 : memref<!tpu.dma_semaphore, #tpu.memory_space<semaphore_mem>>) src(%arg17 : memref<128xf32, #tpu.memory_space<vmem>>) dst(%dma_wait3A_403 : memref<10112xf32, #tpu.memory_space<vmem_shared>>)
      %dma_wait3A_404 = arith.constant 0 : i32
      %dma_wait3A_405 = arith.constant 0 : i32
      %dma_wait3A_406 = tpu.memref_slice %arg14[%dma_wait3A_404, %dma_wait3A_405] : memref<40x128xi32, #tpu.memory_space<vmem>> -> memref<1x128xi32, #tpu.memory_space<vmem>>
      %dma_wait3A_407 = tpu.memref_squeeze %dma_wait3A_406 : memref<1x128xi32, #tpu.memory_space<vmem>> -> memref<128xi32, #tpu.memory_space<vmem>>
      %dma_wait3A_408 = arith.constant 0 : i32
      %dma_wait3A_409 = tpu.memref_slice %arg12[%dma_wait3A_408] : memref<10112xf32, #tpu.memory_space<vmem_shared>> -> memref<10112xf32, #tpu.memory_space<vmem_shared>>
      tpu.wait_indirect_dma semaphore(%arg22 : memref<!tpu.dma_semaphore, #tpu.memory_space<semaphore_mem>>) src(%arg17 : memref<128xf32, #tpu.memory_space<vmem>>) dst(%dma_wait3A_409 : memref<10112xf32, #tpu.memory_space<vmem_shared>>)
      %dma_wait3A_410 = arith.constant 0 : i32
      %dma_wait3A_411 = arith.constant 0 : i32
      %dma_wait3A_412 = tpu.memref_slice %arg14[%dma_wait3A_410, %dma_wait3A_411] : memref<40x128xi32, #tpu.memory_space<vmem>> -> memref<1x128xi32, #tpu.memory_space<vmem>>
      %dma_wait3A_413 = tpu.memref_squeeze %dma_wait3A_412 : memref<1x128xi32, #tpu.memory_space<vmem>> -> memref<128xi32, #tpu.memory_space<vmem>>
      %dma_wait3A_414 = arith.constant 0 : i32
      %dma_wait3A_415 = tpu.memref_slice %arg12[%dma_wait3A_414] : memref<10112xf32, #tpu.memory_space<vmem_shared>> -> memref<10112xf32, #tpu.memory_space<vmem_shared>>
      tpu.wait_indirect_dma semaphore(%arg22 : memref<!tpu.dma_semaphore, #tpu.memory_space<semaphore_mem>>) src(%arg17 : memref<128xf32, #tpu.memory_space<vmem>>) dst(%dma_wait3A_415 : memref<10112xf32, #tpu.memory_space<vmem_shared>>)
      %dma_wait3A_416 = arith.constant 0 : i32
      %dma_wait3A_417 = arith.constant 0 : i32
      %dma_wait3A_418 = tpu.memref_slice %arg14[%dma_wait3A_416, %dma_wait3A_417] : memref<40x128xi32, #tpu.memory_space<vmem>> -> memref<1x128xi32, #tpu.memory_space<vmem>>
      %dma_wait3A_419 = tpu.memref_squeeze %dma_wait3A_418 : memref<1x128xi32, #tpu.memory_space<vmem>> -> memref<128xi32, #tpu.memory_space<vmem>>
      %dma_wait3A_420 = arith.constant 0 : i32
      %dma_wait3A_421 = tpu.memref_slice %arg12[%dma_wait3A_420] : memref<10112xf32, #tpu.memory_space<vmem_shared>> -> memref<10112xf32, #tpu.memory_space<vmem_shared>>
      tpu.wait_indirect_dma semaphore(%arg22 : memref<!tpu.dma_semaphore, #tpu.memory_space<semaphore_mem>>) src(%arg17 : memref<128xf32, #tpu.memory_space<vmem>>) dst(%dma_wait3A_421 : memref<10112xf32, #tpu.memory_space<vmem_shared>>)
      %dma_wait3A_422 = arith.constant 0 : i32
      %dma_wait3A_423 = arith.constant 0 : i32
      %dma_wait3A_424 = tpu.memref_slice %arg14[%dma_wait3A_422, %dma_wait3A_423] : memref<40x128xi32, #tpu.memory_space<vmem>> -> memref<1x128xi32, #tpu.memory_space<vmem>>
      %dma_wait3A_425 = tpu.memref_squeeze %dma_wait3A_424 : memref<1x128xi32, #tpu.memory_space<vmem>> -> memref<128xi32, #tpu.memory_space<vmem>>
      %dma_wait3A_426 = arith.constant 0 : i32
      %dma_wait3A_427 = tpu.memref_slice %arg12[%dma_wait3A_426] : memref<10112xf32, #tpu.memory_space<vmem_shared>> -> memref<10112xf32, #tpu.memory_space<vmem_shared>>
      tpu.wait_indirect_dma semaphore(%arg22 : memref<!tpu.dma_semaphore, #tpu.memory_space<semaphore_mem>>) src(%arg17 : memref<128xf32, #tpu.memory_space<vmem>>) dst(%dma_wait3A_427 : memref<10112xf32, #tpu.memory_space<vmem_shared>>)
    } else {
    }
    %barrier3A_171 = arith.constant 0 : index
    tpu.barrier barrier_id(%barrier3A_171)
    %mul3A_172 = arith.constant 632 : i32
    %mul3A_173 = arith.muli %arg1, %mul3A_172 : i32
    %mul3A_174 = arith.constant 632 : i32
    %mul3A_175 = arith.muli %arg1, %mul3A_174 : i32
    "tpu.region"() ({
      %run_scoped3A = tpu.sem_alloc : memref<!tpu.dma_semaphore, #tpu.memory_space<semaphore_mem>>
      %dma_start3A_188 = arith.constant 0 : i32
      %dma_start3A_189 = tpu.memref_slice %arg8[%arg0, %mul3A_175, %dma_start3A_188] : memref<2x10112x128xf32, #tpu.memory_space<hbm>> -> memref<1x632x128xf32, #tpu.memory_space<hbm>>
      %dma_start3A_190 = tpu.memref_squeeze %dma_start3A_189 : memref<1x632x128xf32, #tpu.memory_space<hbm>> -> memref<632x128xf32, #tpu.memory_space<hbm>>
      %dma_start3A_191 = arith.constant 0 : i32
      %dma_start3A_192 = tpu.memref_slice %arg11[%mul3A_173, %dma_start3A_191] : memref<10112x128xf32, #tpu.memory_space<vmem_shared>> -> memref<632x128xf32, #tpu.memory_space<vmem_shared>>
      tpu.enqueue_dma source(%dma_start3A_192 : memref<632x128xf32, #tpu.memory_space<vmem_shared>>) target(%dma_start3A_190 : memref<632x128xf32, #tpu.memory_space<hbm>>) target_semaphore(%run_scoped3A : memref<!tpu.dma_semaphore, #tpu.memory_space<semaphore_mem>>)
      %dma_wait3A_193 = arith.constant 0 : i32
      %dma_wait3A_194 = tpu.memref_slice %arg8[%arg0, %mul3A_175, %dma_wait3A_193] : memref<2x10112x128xf32, #tpu.memory_space<hbm>> -> memref<1x632x128xf32, #tpu.memory_space<hbm>>
      %dma_wait3A_195 = tpu.memref_squeeze %dma_wait3A_194 : memref<1x632x128xf32, #tpu.memory_space<hbm>> -> memref<632x128xf32, #tpu.memory_space<hbm>>
      %dma_wait3A_196 = arith.constant 0 : i32
      %dma_wait3A_197 = tpu.memref_slice %arg11[%mul3A_173, %dma_wait3A_196] : memref<10112x128xf32, #tpu.memory_space<vmem_shared>> -> memref<632x128xf32, #tpu.memory_space<vmem_shared>>
      tpu.wait_dma2 semaphore(%run_scoped3A : memref<!tpu.dma_semaphore, #tpu.memory_space<semaphore_mem>>) src(%dma_wait3A_197 : memref<632x128xf32, #tpu.memory_space<vmem_shared>>) dst(%dma_wait3A_195 : memref<632x128xf32, #tpu.memory_space<hbm>>)
      tpu.yield
    }) : () -> ()
    %mul3A_176 = arith.constant 632 : i32
    %mul3A_177 = arith.muli %arg1, %mul3A_176 : i32
    "tpu.region"() ({
      %run_scoped3A = tpu.sem_alloc : memref<!tpu.dma_semaphore, #tpu.memory_space<semaphore_mem>>
      %dma_start3A_188 = arith.constant 0 : i32
      %dma_start3A_189 = tpu.memref_slice %arg18[%dma_start3A_188] : memref<632xf32, #tpu.memory_space<vmem>> -> memref<632xf32, #tpu.memory_space<vmem>>
      %dma_start3A_190 = tpu.memref_slice %arg12[%mul3A_177] : memref<10112xf32, #tpu.memory_space<vmem_shared>> -> memref<632xf32, #tpu.memory_space<vmem_shared>>
      %dma_start3A_191 = arith.constant 0 : i32
      %dma_start3A_192 = tpu.memref_slice %arg18[%dma_start3A_191] : memref<632xf32, #tpu.memory_space<vmem>> -> memref<632xf32, #tpu.memory_space<vmem>>
      %dma_start3A_193 = tpu.memref_slice %arg12[%mul3A_177] : memref<10112xf32, #tpu.memory_space<vmem_shared>> -> memref<632xf32, #tpu.memory_space<vmem_shared>>
      tpu.enqueue_dma source(%dma_start3A_193 : memref<632xf32, #tpu.memory_space<vmem_shared>>) target(%dma_start3A_192 : memref<632xf32, #tpu.memory_space<vmem>>) target_semaphore(%run_scoped3A : memref<!tpu.dma_semaphore, #tpu.memory_space<semaphore_mem>>)
      %dma_wait3A_194 = arith.constant 0 : i32
      %dma_wait3A_195 = tpu.memref_slice %arg18[%dma_wait3A_194] : memref<632xf32, #tpu.memory_space<vmem>> -> memref<632xf32, #tpu.memory_space<vmem>>
      %dma_wait3A_196 = tpu.memref_slice %arg12[%mul3A_177] : memref<10112xf32, #tpu.memory_space<vmem_shared>> -> memref<632xf32, #tpu.memory_space<vmem_shared>>
      %dma_wait3A_197 = arith.constant 0 : i32
      %dma_wait3A_198 = tpu.memref_slice %arg18[%dma_wait3A_197] : memref<632xf32, #tpu.memory_space<vmem>> -> memref<632xf32, #tpu.memory_space<vmem>>
      %dma_wait3A_199 = tpu.memref_slice %arg12[%mul3A_177] : memref<10112xf32, #tpu.memory_space<vmem_shared>> -> memref<632xf32, #tpu.memory_space<vmem_shared>>
      tpu.wait_dma2 semaphore(%run_scoped3A : memref<!tpu.dma_semaphore, #tpu.memory_space<semaphore_mem>>) src(%dma_wait3A_199 : memref<632xf32, #tpu.memory_space<vmem_shared>>) dst(%dma_wait3A_198 : memref<632xf32, #tpu.memory_space<vmem>>)
      tpu.yield
    }) : () -> ()
    %eq3A_178 = arith.constant 0 : i32
    %eq3A_179 = arith.cmpi eq, %arg0, %eq3A_178 : i32
    %convert_element_type3A_180 = arith.extui %eq3A_179 : i1 to i32
    %cond3A_181 = arith.constant 0 : i32
    %cond3A_182 = arith.cmpi ne, %convert_element_type3A_180, %cond3A_181 : i32
    scf.if %cond3A_182 {
      %mul3A_188 = arith.constant 632 : i32
      %mul3A_189 = arith.muli %arg1, %mul3A_188 : i32
      "tpu.region"() ({
        %run_scoped3A = tpu.sem_alloc : memref<!tpu.dma_semaphore, #tpu.memory_space<semaphore_mem>>
        %dma_start3A_190 = arith.constant 0 : i32
        %dma_start3A_191 = tpu.memref_slice %arg18[%dma_start3A_190] : memref<632xf32, #tpu.memory_space<vmem>> -> memref<632xf32, #tpu.memory_space<vmem>>
        %dma_start3A_192 = tpu.memref_slice %arg9[%mul3A_189] : memref<10112xf32, #tpu.memory_space<hbm>> -> memref<632xf32, #tpu.memory_space<hbm>>
        %dma_start3A_193 = tpu.memref_slice %arg9[%mul3A_189] : memref<10112xf32, #tpu.memory_space<hbm>> -> memref<632xf32, #tpu.memory_space<hbm>>
        %dma_start3A_194 = arith.constant 0 : i32
        %dma_start3A_195 = tpu.memref_slice %arg18[%dma_start3A_194] : memref<632xf32, #tpu.memory_space<vmem>> -> memref<632xf32, #tpu.memory_space<vmem>>
        tpu.enqueue_dma source(%dma_start3A_195 : memref<632xf32, #tpu.memory_space<vmem>>) target(%dma_start3A_193 : memref<632xf32, #tpu.memory_space<hbm>>) target_semaphore(%run_scoped3A : memref<!tpu.dma_semaphore, #tpu.memory_space<semaphore_mem>>)
        %dma_wait3A_196 = arith.constant 0 : i32
        %dma_wait3A_197 = tpu.memref_slice %arg18[%dma_wait3A_196] : memref<632xf32, #tpu.memory_space<vmem>> -> memref<632xf32, #tpu.memory_space<vmem>>
        %dma_wait3A_198 = tpu.memref_slice %arg9[%mul3A_189] : memref<10112xf32, #tpu.memory_space<hbm>> -> memref<632xf32, #tpu.memory_space<hbm>>
        %dma_wait3A_199 = tpu.memref_slice %arg9[%mul3A_189] : memref<10112xf32, #tpu.memory_space<hbm>> -> memref<632xf32, #tpu.memory_space<hbm>>
        %dma_wait3A_200 = arith.constant 0 : i32
        %dma_wait3A_201 = tpu.memref_slice %arg18[%dma_wait3A_200] : memref<632xf32, #tpu.memory_space<vmem>> -> memref<632xf32, #tpu.memory_space<vmem>>
        tpu.wait_dma2 semaphore(%run_scoped3A : memref<!tpu.dma_semaphore, #tpu.memory_space<semaphore_mem>>) src(%dma_wait3A_201 : memref<632xf32, #tpu.memory_space<vmem>>) dst(%dma_wait3A_199 : memref<632xf32, #tpu.memory_space<hbm>>)
        tpu.yield
      }) : () -> ()
    } else {
    }
    %eq3A_183 = arith.constant 1 : i32
    %eq3A_184 = arith.cmpi eq, %arg0, %eq3A_183 : i32
    %convert_element_type3A_185 = arith.extui %eq3A_184 : i1 to i32
    %cond3A_186 = arith.constant 0 : i32
    %cond3A_187 = arith.cmpi ne, %convert_element_type3A_185, %cond3A_186 : i32
    scf.if %cond3A_187 {
      %mul3A_188 = arith.constant 632 : i32
      %mul3A_189 = arith.muli %arg1, %mul3A_188 : i32
      "tpu.region"() ({
        %run_scoped3A = tpu.sem_alloc : memref<!tpu.dma_semaphore, #tpu.memory_space<semaphore_mem>>
        %dma_start3A_190 = arith.constant 0 : i32
        %dma_start3A_191 = tpu.memref_slice %arg18[%dma_start3A_190] : memref<632xf32, #tpu.memory_space<vmem>> -> memref<632xf32, #tpu.memory_space<vmem>>
        %dma_start3A_192 = tpu.memref_slice %arg10[%mul3A_189] : memref<10112xf32, #tpu.memory_space<hbm>> -> memref<632xf32, #tpu.memory_space<hbm>>
        %dma_start3A_193 = tpu.memref_slice %arg10[%mul3A_189] : memref<10112xf32, #tpu.memory_space<hbm>> -> memref<632xf32, #tpu.memory_space<hbm>>
        %dma_start3A_194 = arith.constant 0 : i32
        %dma_start3A_195 = tpu.memref_slice %arg18[%dma_start3A_194] : memref<632xf32, #tpu.memory_space<vmem>> -> memref<632xf32, #tpu.memory_space<vmem>>
        tpu.enqueue_dma source(%dma_start3A_195 : memref<632xf32, #tpu.memory_space<vmem>>) target(%dma_start3A_193 : memref<632xf32, #tpu.memory_space<hbm>>) target_semaphore(%run_scoped3A : memref<!tpu.dma_semaphore, #tpu.memory_space<semaphore_mem>>)
        %dma_wait3A_196 = arith.constant 0 : i32
        %dma_wait3A_197 = tpu.memref_slice %arg18[%dma_wait3A_196] : memref<632xf32, #tpu.memory_space<vmem>> -> memref<632xf32, #tpu.memory_space<vmem>>
        %dma_wait3A_198 = tpu.memref_slice %arg10[%mul3A_189] : memref<10112xf32, #tpu.memory_space<hbm>> -> memref<632xf32, #tpu.memory_space<hbm>>
        %dma_wait3A_199 = tpu.memref_slice %arg10[%mul3A_189] : memref<10112xf32, #tpu.memory_space<hbm>> -> memref<632xf32, #tpu.memory_space<hbm>>
        %dma_wait3A_200 = arith.constant 0 : i32
        %dma_wait3A_201 = tpu.memref_slice %arg18[%dma_wait3A_200] : memref<632xf32, #tpu.memory_space<vmem>> -> memref<632xf32, #tpu.memory_space<vmem>>
        tpu.wait_dma2 semaphore(%run_scoped3A : memref<!tpu.dma_semaphore, #tpu.memory_space<semaphore_mem>>) src(%dma_wait3A_201 : memref<632xf32, #tpu.memory_space<vmem>>) dst(%dma_wait3A_199 : memref<632xf32, #tpu.memory_space<hbm>>)
        tpu.yield
      }) : () -> ()
    } else {
    }
    return
  }
}

#map = affine_map<(d0, d1) -> (0, 0)>
module attributes {stable_mosaic.version = 14 : i64} {
  func.func @_p3_body(%arg0: i32, %arg1: i32, %arg2: memref<10000x256xf32, #tpu.memory_space<hbm>>, %arg3: memref<320x128xi32, #tpu.memory_space<hbm>>, %arg4: memref<20480x256xf32, #tpu.memory_space<hbm>>, %arg5: memref<20480x256xf32, #tpu.memory_space<hbm>>, %arg6: memref<16x128xi32, #tpu.memory_space<vmem>>, %arg7: memref<128x256xf32, #tpu.memory_space<vmem>>, %arg8: memref<128x256xf32, #tpu.memory_space<vmem>>, %arg9: memref<128x256xf32, #tpu.memory_space<vmem>>, %arg10: memref<!tpu.dma_semaphore, #tpu.memory_space<semaphore_mem>>, %arg11: memref<!tpu.dma_semaphore, #tpu.memory_space<semaphore_mem>>, %arg12: memref<!tpu.dma_semaphore, #tpu.memory_space<semaphore_mem>>, %arg13: memref<!tpu.dma_semaphore, #tpu.memory_space<semaphore_mem>>, %arg14: memref<!tpu.dma_semaphore, #tpu.memory_space<semaphore_mem>>, %arg15: memref<!tpu.dma_semaphore, #tpu.memory_space<semaphore_mem>>) attributes {dimension_semantics = [#tpu.dimension_semantics<core_parallel>, #tpu.dimension_semantics<subcore_parallel>], iteration_bounds = array<i64: 2, 16>, scalar_prefetch = 0 : i64, scratch_operands = 10 : i64, tpu.core_type = #tpu.core_type<sc_vector_subcore>, window_params = [{transform_indices = #map}, {transform_indices = #map}, {transform_indices = #map}, {transform_indices = #map}]} {
    %mul3A = arith.constant 16 : i32
    %mul3A_0 = arith.muli %arg0, %mul3A : i32
    %add3A = arith.addi %mul3A_0, %arg1 : i32
    %mul3A_1 = arith.constant 10 : i32
    %mul3A_2 = arith.muli %add3A, %mul3A_1 : i32
    %jit3A = arith.constant 8 : i32
    %div3A = arith.divsi %mul3A_2, %jit3A : i32
    %sign3A = arith.constant 0 : i32
    %sign3A_3 = arith.cmpi sgt, %mul3A_2, %sign3A : i32
    %sign3A_4 = arith.extui %sign3A_3 : i1 to i32
    %sign3A_5 = arith.constant 0 : i32
    %sign3A_6 = arith.cmpi slt, %mul3A_2, %sign3A_5 : i32
    %sign3A_7 = arith.extui %sign3A_6 : i1 to i32
    %sign3A_8 = arith.subi %sign3A_4, %sign3A_7 : i32
    %sign3A_9 = arith.constant 0 : i32
    %sign3A_10 = arith.cmpi sgt, %jit3A, %sign3A_9 : i32
    %sign3A_11 = arith.extui %sign3A_10 : i1 to i32
    %sign3A_12 = arith.constant 0 : i32
    %sign3A_13 = arith.cmpi slt, %jit3A, %sign3A_12 : i32
    %sign3A_14 = arith.extui %sign3A_13 : i1 to i32
    %sign3A_15 = arith.subi %sign3A_11, %sign3A_14 : i32
    %ne3A = arith.cmpi ne, %sign3A_8, %sign3A_15 : i32
    %rem3A = arith.remsi %mul3A_2, %jit3A : i32
    %ne3A_16 = arith.constant 0 : i32
    %ne3A_17 = arith.cmpi ne, %rem3A, %ne3A_16 : i32
    %and3A = arith.andi %ne3A, %ne3A_17 : i1
    %sub3A = arith.constant 1 : i32
    %sub3A_18 = arith.subi %div3A, %sub3A : i32
    %select_n3A = arith.select %and3A, %sub3A_18, %div3A : i32
    %mul3A_19 = arith.constant 8 : i32
    %mul3A_20 = arith.muli %select_n3A, %mul3A_19 : i32
    %sub3A_21 = arith.subi %mul3A_2, %mul3A_20 : i32
    "tpu.region"() ({
      %run_scoped3A = tpu.sem_alloc : memref<!tpu.dma_semaphore, #tpu.memory_space<semaphore_mem>>
      %dma_start3A_650 = arith.constant 0 : i32
      %dma_start3A_651 = tpu.memref_slice %arg3[%mul3A_20, %dma_start3A_650] : memref<320x128xi32, #tpu.memory_space<hbm>> -> memref<16x128xi32, #tpu.memory_space<hbm>>
      %dma_start3A_652 = arith.constant 0 : i32
      %dma_start3A_653 = tpu.memref_slice %arg3[%mul3A_20, %dma_start3A_652] : memref<320x128xi32, #tpu.memory_space<hbm>> -> memref<16x128xi32, #tpu.memory_space<hbm>>
      tpu.enqueue_dma source(%dma_start3A_653 : memref<16x128xi32, #tpu.memory_space<hbm>>) target(%arg6 : memref<16x128xi32, #tpu.memory_space<vmem>>) target_semaphore(%run_scoped3A : memref<!tpu.dma_semaphore, #tpu.memory_space<semaphore_mem>>)
      %dma_wait3A_654 = arith.constant 0 : i32
      %dma_wait3A_655 = tpu.memref_slice %arg3[%mul3A_20, %dma_wait3A_654] : memref<320x128xi32, #tpu.memory_space<hbm>> -> memref<16x128xi32, #tpu.memory_space<hbm>>
      %dma_wait3A_656 = arith.constant 0 : i32
      %dma_wait3A_657 = tpu.memref_slice %arg3[%mul3A_20, %dma_wait3A_656] : memref<320x128xi32, #tpu.memory_space<hbm>> -> memref<16x128xi32, #tpu.memory_space<hbm>>
      tpu.wait_dma2 semaphore(%run_scoped3A : memref<!tpu.dma_semaphore, #tpu.memory_space<semaphore_mem>>) src(%dma_wait3A_657 : memref<16x128xi32, #tpu.memory_space<hbm>>) dst(%arg6 : memref<16x128xi32, #tpu.memory_space<vmem>>)
      tpu.yield
    }) : () -> ()
    %add3A_22 = arith.constant 0 : i32
    %add3A_23 = arith.addi %sub3A_21, %add3A_22 : i32
    %dma_start3A = arith.constant 0 : i32
    %dma_start3A_24 = tpu.memref_slice %arg6[%add3A_23, %dma_start3A] : memref<16x128xi32, #tpu.memory_space<vmem>> -> memref<1x128xi32, #tpu.memory_space<vmem>>
    %dma_start3A_25 = tpu.memref_squeeze %dma_start3A_24 : memref<1x128xi32, #tpu.memory_space<vmem>> -> memref<128xi32, #tpu.memory_space<vmem>>
    %dma_start3A_26 = arith.constant 0 : i32
    %dma_start3A_27 = arith.constant 0 : i32
    %dma_start3A_28 = tpu.memref_slice %arg2[%dma_start3A_26, %dma_start3A_27] : memref<10000x256xf32, #tpu.memory_space<hbm>> -> memref<10000x256xf32, #tpu.memory_space<hbm>>
    tpu.enqueue_indirect_dma source(%dma_start3A_28 : memref<10000x256xf32, #tpu.memory_space<hbm>>) target(%arg7 : memref<128x256xf32, #tpu.memory_space<vmem>>) offsets(%dma_start3A_25 : memref<128xi32, #tpu.memory_space<vmem>>) semaphore(%arg10 : memref<!tpu.dma_semaphore, #tpu.memory_space<semaphore_mem>>)
    %add3A_29 = arith.constant 1 : i32
    %add3A_30 = arith.addi %sub3A_21, %add3A_29 : i32
    %dma_start3A_31 = arith.constant 0 : i32
    %dma_start3A_32 = tpu.memref_slice %arg6[%add3A_30, %dma_start3A_31] : memref<16x128xi32, #tpu.memory_space<vmem>> -> memref<1x128xi32, #tpu.memory_space<vmem>>
    %dma_start3A_33 = tpu.memref_squeeze %dma_start3A_32 : memref<1x128xi32, #tpu.memory_space<vmem>> -> memref<128xi32, #tpu.memory_space<vmem>>
    %dma_start3A_34 = arith.constant 0 : i32
    %dma_start3A_35 = arith.constant 0 : i32
    %dma_start3A_36 = tpu.memref_slice %arg2[%dma_start3A_34, %dma_start3A_35] : memref<10000x256xf32, #tpu.memory_space<hbm>> -> memref<10000x256xf32, #tpu.memory_space<hbm>>
    tpu.enqueue_indirect_dma source(%dma_start3A_36 : memref<10000x256xf32, #tpu.memory_space<hbm>>) target(%arg8 : memref<128x256xf32, #tpu.memory_space<vmem>>) offsets(%dma_start3A_33 : memref<128xi32, #tpu.memory_space<vmem>>) semaphore(%arg11 : memref<!tpu.dma_semaphore, #tpu.memory_space<semaphore_mem>>)
    %add3A_37 = arith.constant 2 : i32
    %add3A_38 = arith.addi %sub3A_21, %add3A_37 : i32
    %dma_start3A_39 = arith.constant 0 : i32
    %dma_start3A_40 = tpu.memref_slice %arg6[%add3A_38, %dma_start3A_39] : memref<16x128xi32, #tpu.memory_space<vmem>> -> memref<1x128xi32, #tpu.memory_space<vmem>>
    %dma_start3A_41 = tpu.memref_squeeze %dma_start3A_40 : memref<1x128xi32, #tpu.memory_space<vmem>> -> memref<128xi32, #tpu.memory_space<vmem>>
    %dma_start3A_42 = arith.constant 0 : i32
    %dma_start3A_43 = arith.constant 0 : i32
    %dma_start3A_44 = tpu.memref_slice %arg2[%dma_start3A_42, %dma_start3A_43] : memref<10000x256xf32, #tpu.memory_space<hbm>> -> memref<10000x256xf32, #tpu.memory_space<hbm>>
    tpu.enqueue_indirect_dma source(%dma_start3A_44 : memref<10000x256xf32, #tpu.memory_space<hbm>>) target(%arg9 : memref<128x256xf32, #tpu.memory_space<vmem>>) offsets(%dma_start3A_41 : memref<128xi32, #tpu.memory_space<vmem>>) semaphore(%arg12 : memref<!tpu.dma_semaphore, #tpu.memory_space<semaphore_mem>>)
    %dma_wait3A = arith.constant 0 : i32
    %dma_wait3A_45 = arith.constant 0 : i32
    %dma_wait3A_46 = tpu.memref_slice %arg6[%dma_wait3A, %dma_wait3A_45] : memref<16x128xi32, #tpu.memory_space<vmem>> -> memref<1x128xi32, #tpu.memory_space<vmem>>
    %dma_wait3A_47 = tpu.memref_squeeze %dma_wait3A_46 : memref<1x128xi32, #tpu.memory_space<vmem>> -> memref<128xi32, #tpu.memory_space<vmem>>
    %dma_wait3A_48 = arith.constant 0 : i32
    %dma_wait3A_49 = arith.constant 0 : i32
    %dma_wait3A_50 = tpu.memref_slice %arg2[%dma_wait3A_48, %dma_wait3A_49] : memref<10000x256xf32, #tpu.memory_space<hbm>> -> memref<10000x256xf32, #tpu.memory_space<hbm>>
    tpu.wait_indirect_dma semaphore(%arg10 : memref<!tpu.dma_semaphore, #tpu.memory_space<semaphore_mem>>) src(%dma_wait3A_50 : memref<10000x256xf32, #tpu.memory_space<hbm>>) dst(%arg7 : memref<128x256xf32, #tpu.memory_space<vmem>>)
    %mul3A_51 = arith.constant 640 : i32
    %mul3A_52 = arith.muli %add3A, %mul3A_51 : i32
    %add3A_53 = arith.constant 0 : i32
    %add3A_54 = arith.addi %mul3A_52, %add3A_53 : i32
    %dma_start3A_55 = arith.constant 0 : i32
    %dma_start3A_56 = arith.constant 0 : i32
    %dma_start3A_57 = tpu.memref_slice %arg7[%dma_start3A_55, %dma_start3A_56] : memref<128x256xf32, #tpu.memory_space<vmem>> -> memref<64x256xf32, #tpu.memory_space<vmem>>
    %dma_start3A_58 = arith.constant 0 : i32
    %dma_start3A_59 = tpu.memref_slice %arg4[%add3A_54, %dma_start3A_58] : memref<20480x256xf32, #tpu.memory_space<hbm>> -> memref<64x256xf32, #tpu.memory_space<hbm>>
    %dma_start3A_60 = arith.constant 0 : i32
    %dma_start3A_61 = tpu.memref_slice %arg4[%add3A_54, %dma_start3A_60] : memref<20480x256xf32, #tpu.memory_space<hbm>> -> memref<64x256xf32, #tpu.memory_space<hbm>>
    %dma_start3A_62 = arith.constant 0 : i32
    %dma_start3A_63 = arith.constant 0 : i32
    %dma_start3A_64 = tpu.memref_slice %arg7[%dma_start3A_62, %dma_start3A_63] : memref<128x256xf32, #tpu.memory_space<vmem>> -> memref<64x256xf32, #tpu.memory_space<vmem>>
    tpu.enqueue_dma source(%dma_start3A_64 : memref<64x256xf32, #tpu.memory_space<vmem>>) target(%dma_start3A_61 : memref<64x256xf32, #tpu.memory_space<hbm>>) target_semaphore(%arg13 : memref<!tpu.dma_semaphore, #tpu.memory_space<semaphore_mem>>)
    %dma_start3A_65 = arith.constant 64 : i32
    %dma_start3A_66 = arith.constant 0 : i32
    %dma_start3A_67 = tpu.memref_slice %arg7[%dma_start3A_65, %dma_start3A_66] : memref<128x256xf32, #tpu.memory_space<vmem>> -> memref<64x256xf32, #tpu.memory_space<vmem>>
    %dma_start3A_68 = arith.constant 0 : i32
    %dma_start3A_69 = tpu.memref_slice %arg5[%add3A_54, %dma_start3A_68] : memref<20480x256xf32, #tpu.memory_space<hbm>> -> memref<64x256xf32, #tpu.memory_space<hbm>>
    %dma_start3A_70 = arith.constant 0 : i32
    %dma_start3A_71 = tpu.memref_slice %arg5[%add3A_54, %dma_start3A_70] : memref<20480x256xf32, #tpu.memory_space<hbm>> -> memref<64x256xf32, #tpu.memory_space<hbm>>
    %dma_start3A_72 = arith.constant 64 : i32
    %dma_start3A_73 = arith.constant 0 : i32
    %dma_start3A_74 = tpu.memref_slice %arg7[%dma_start3A_72, %dma_start3A_73] : memref<128x256xf32, #tpu.memory_space<vmem>> -> memref<64x256xf32, #tpu.memory_space<vmem>>
    tpu.enqueue_dma source(%dma_start3A_74 : memref<64x256xf32, #tpu.memory_space<vmem>>) target(%dma_start3A_71 : memref<64x256xf32, #tpu.memory_space<hbm>>) target_semaphore(%arg13 : memref<!tpu.dma_semaphore, #tpu.memory_space<semaphore_mem>>)
    %dma_wait3A_75 = arith.constant 0 : i32
    %dma_wait3A_76 = arith.constant 0 : i32
    %dma_wait3A_77 = tpu.memref_slice %arg7[%dma_wait3A_75, %dma_wait3A_76] : memref<128x256xf32, #tpu.memory_space<vmem>> -> memref<64x256xf32, #tpu.memory_space<vmem>>
    %dma_wait3A_78 = arith.constant 0 : i32
    %dma_wait3A_79 = arith.constant 0 : i32
    %dma_wait3A_80 = tpu.memref_slice %arg4[%dma_wait3A_78, %dma_wait3A_79] : memref<20480x256xf32, #tpu.memory_space<hbm>> -> memref<64x256xf32, #tpu.memory_space<hbm>>
    %dma_wait3A_81 = arith.constant 0 : i32
    %dma_wait3A_82 = arith.constant 0 : i32
    %dma_wait3A_83 = tpu.memref_slice %arg4[%dma_wait3A_81, %dma_wait3A_82] : memref<20480x256xf32, #tpu.memory_space<hbm>> -> memref<64x256xf32, #tpu.memory_space<hbm>>
    %dma_wait3A_84 = arith.constant 0 : i32
    %dma_wait3A_85 = arith.constant 0 : i32
    %dma_wait3A_86 = tpu.memref_slice %arg7[%dma_wait3A_84, %dma_wait3A_85] : memref<128x256xf32, #tpu.memory_space<vmem>> -> memref<64x256xf32, #tpu.memory_space<vmem>>
    tpu.wait_dma2 semaphore(%arg13 : memref<!tpu.dma_semaphore, #tpu.memory_space<semaphore_mem>>) src(%dma_wait3A_86 : memref<64x256xf32, #tpu.memory_space<vmem>>) dst(%dma_wait3A_83 : memref<64x256xf32, #tpu.memory_space<hbm>>)
    %dma_wait3A_87 = arith.constant 64 : i32
    %dma_wait3A_88 = arith.constant 0 : i32
    %dma_wait3A_89 = tpu.memref_slice %arg7[%dma_wait3A_87, %dma_wait3A_88] : memref<128x256xf32, #tpu.memory_space<vmem>> -> memref<64x256xf32, #tpu.memory_space<vmem>>
    %dma_wait3A_90 = arith.constant 0 : i32
    %dma_wait3A_91 = arith.constant 0 : i32
    %dma_wait3A_92 = tpu.memref_slice %arg5[%dma_wait3A_90, %dma_wait3A_91] : memref<20480x256xf32, #tpu.memory_space<hbm>> -> memref<64x256xf32, #tpu.memory_space<hbm>>
    %dma_wait3A_93 = arith.constant 0 : i32
    %dma_wait3A_94 = arith.constant 0 : i32
    %dma_wait3A_95 = tpu.memref_slice %arg5[%dma_wait3A_93, %dma_wait3A_94] : memref<20480x256xf32, #tpu.memory_space<hbm>> -> memref<64x256xf32, #tpu.memory_space<hbm>>
    %dma_wait3A_96 = arith.constant 64 : i32
    %dma_wait3A_97 = arith.constant 0 : i32
    %dma_wait3A_98 = tpu.memref_slice %arg7[%dma_wait3A_96, %dma_wait3A_97] : memref<128x256xf32, #tpu.memory_space<vmem>> -> memref<64x256xf32, #tpu.memory_space<vmem>>
    tpu.wait_dma2 semaphore(%arg13 : memref<!tpu.dma_semaphore, #tpu.memory_space<semaphore_mem>>) src(%dma_wait3A_98 : memref<64x256xf32, #tpu.memory_space<vmem>>) dst(%dma_wait3A_95 : memref<64x256xf32, #tpu.memory_space<hbm>>)
    %add3A_99 = arith.constant 3 : i32
    %add3A_100 = arith.addi %sub3A_21, %add3A_99 : i32
    %dma_start3A_101 = arith.constant 0 : i32
    %dma_start3A_102 = tpu.memref_slice %arg6[%add3A_100, %dma_start3A_101] : memref<16x128xi32, #tpu.memory_space<vmem>> -> memref<1x128xi32, #tpu.memory_space<vmem>>
    %dma_start3A_103 = tpu.memref_squeeze %dma_start3A_102 : memref<1x128xi32, #tpu.memory_space<vmem>> -> memref<128xi32, #tpu.memory_space<vmem>>
    %dma_start3A_104 = arith.constant 0 : i32
    %dma_start3A_105 = arith.constant 0 : i32
    %dma_start3A_106 = tpu.memref_slice %arg2[%dma_start3A_104, %dma_start3A_105] : memref<10000x256xf32, #tpu.memory_space<hbm>> -> memref<10000x256xf32, #tpu.memory_space<hbm>>
    tpu.enqueue_indirect_dma source(%dma_start3A_106 : memref<10000x256xf32, #tpu.memory_space<hbm>>) target(%arg7 : memref<128x256xf32, #tpu.memory_space<vmem>>) offsets(%dma_start3A_103 : memref<128xi32, #tpu.memory_space<vmem>>) semaphore(%arg10 : memref<!tpu.dma_semaphore, #tpu.memory_space<semaphore_mem>>)
    %dma_wait3A_107 = arith.constant 0 : i32
    %dma_wait3A_108 = arith.constant 0 : i32
    %dma_wait3A_109 = tpu.memref_slice %arg6[%dma_wait3A_107, %dma_wait3A_108] : memref<16x128xi32, #tpu.memory_space<vmem>> -> memref<1x128xi32, #tpu.memory_space<vmem>>
    %dma_wait3A_110 = tpu.memref_squeeze %dma_wait3A_109 : memref<1x128xi32, #tpu.memory_space<vmem>> -> memref<128xi32, #tpu.memory_space<vmem>>
    %dma_wait3A_111 = arith.constant 0 : i32
    %dma_wait3A_112 = arith.constant 0 : i32
    %dma_wait3A_113 = tpu.memref_slice %arg2[%dma_wait3A_111, %dma_wait3A_112] : memref<10000x256xf32, #tpu.memory_space<hbm>> -> memref<10000x256xf32, #tpu.memory_space<hbm>>
    tpu.wait_indirect_dma semaphore(%arg11 : memref<!tpu.dma_semaphore, #tpu.memory_space<semaphore_mem>>) src(%dma_wait3A_113 : memref<10000x256xf32, #tpu.memory_space<hbm>>) dst(%arg8 : memref<128x256xf32, #tpu.memory_space<vmem>>)
    %mul3A_114 = arith.constant 640 : i32
    %mul3A_115 = arith.muli %add3A, %mul3A_114 : i32
    %add3A_116 = arith.constant 64 : i32
    %add3A_117 = arith.addi %mul3A_115, %add3A_116 : i32
    %dma_start3A_118 = arith.constant 0 : i32
    %dma_start3A_119 = arith.constant 0 : i32
    %dma_start3A_120 = tpu.memref_slice %arg8[%dma_start3A_118, %dma_start3A_119] : memref<128x256xf32, #tpu.memory_space<vmem>> -> memref<64x256xf32, #tpu.memory_space<vmem>>
    %dma_start3A_121 = arith.constant 0 : i32
    %dma_start3A_122 = tpu.memref_slice %arg4[%add3A_117, %dma_start3A_121] : memref<20480x256xf32, #tpu.memory_space<hbm>> -> memref<64x256xf32, #tpu.memory_space<hbm>>
    %dma_start3A_123 = arith.constant 0 : i32
    %dma_start3A_124 = tpu.memref_slice %arg4[%add3A_117, %dma_start3A_123] : memref<20480x256xf32, #tpu.memory_space<hbm>> -> memref<64x256xf32, #tpu.memory_space<hbm>>
    %dma_start3A_125 = arith.constant 0 : i32
    %dma_start3A_126 = arith.constant 0 : i32
    %dma_start3A_127 = tpu.memref_slice %arg8[%dma_start3A_125, %dma_start3A_126] : memref<128x256xf32, #tpu.memory_space<vmem>> -> memref<64x256xf32, #tpu.memory_space<vmem>>
    tpu.enqueue_dma source(%dma_start3A_127 : memref<64x256xf32, #tpu.memory_space<vmem>>) target(%dma_start3A_124 : memref<64x256xf32, #tpu.memory_space<hbm>>) target_semaphore(%arg14 : memref<!tpu.dma_semaphore, #tpu.memory_space<semaphore_mem>>)
    %dma_start3A_128 = arith.constant 64 : i32
    %dma_start3A_129 = arith.constant 0 : i32
    %dma_start3A_130 = tpu.memref_slice %arg8[%dma_start3A_128, %dma_start3A_129] : memref<128x256xf32, #tpu.memory_space<vmem>> -> memref<64x256xf32, #tpu.memory_space<vmem>>
    %dma_start3A_131 = arith.constant 0 : i32
    %dma_start3A_132 = tpu.memref_slice %arg5[%add3A_117, %dma_start3A_131] : memref<20480x256xf32, #tpu.memory_space<hbm>> -> memref<64x256xf32, #tpu.memory_space<hbm>>
    %dma_start3A_133 = arith.constant 0 : i32
    %dma_start3A_134 = tpu.memref_slice %arg5[%add3A_117, %dma_start3A_133] : memref<20480x256xf32, #tpu.memory_space<hbm>> -> memref<64x256xf32, #tpu.memory_space<hbm>>
    %dma_start3A_135 = arith.constant 64 : i32
    %dma_start3A_136 = arith.constant 0 : i32
    %dma_start3A_137 = tpu.memref_slice %arg8[%dma_start3A_135, %dma_start3A_136] : memref<128x256xf32, #tpu.memory_space<vmem>> -> memref<64x256xf32, #tpu.memory_space<vmem>>
    tpu.enqueue_dma source(%dma_start3A_137 : memref<64x256xf32, #tpu.memory_space<vmem>>) target(%dma_start3A_134 : memref<64x256xf32, #tpu.memory_space<hbm>>) target_semaphore(%arg14 : memref<!tpu.dma_semaphore, #tpu.memory_space<semaphore_mem>>)
    %dma_wait3A_138 = arith.constant 0 : i32
    %dma_wait3A_139 = arith.constant 0 : i32
    %dma_wait3A_140 = tpu.memref_slice %arg8[%dma_wait3A_138, %dma_wait3A_139] : memref<128x256xf32, #tpu.memory_space<vmem>> -> memref<64x256xf32, #tpu.memory_space<vmem>>
    %dma_wait3A_141 = arith.constant 0 : i32
    %dma_wait3A_142 = arith.constant 0 : i32
    %dma_wait3A_143 = tpu.memref_slice %arg4[%dma_wait3A_141, %dma_wait3A_142] : memref<20480x256xf32, #tpu.memory_space<hbm>> -> memref<64x256xf32, #tpu.memory_space<hbm>>
    %dma_wait3A_144 = arith.constant 0 : i32
    %dma_wait3A_145 = arith.constant 0 : i32
    %dma_wait3A_146 = tpu.memref_slice %arg4[%dma_wait3A_144, %dma_wait3A_145] : memref<20480x256xf32, #tpu.memory_space<hbm>> -> memref<64x256xf32, #tpu.memory_space<hbm>>
    %dma_wait3A_147 = arith.constant 0 : i32
    %dma_wait3A_148 = arith.constant 0 : i32
    %dma_wait3A_149 = tpu.memref_slice %arg8[%dma_wait3A_147, %dma_wait3A_148] : memref<128x256xf32, #tpu.memory_space<vmem>> -> memref<64x256xf32, #tpu.memory_space<vmem>>
    tpu.wait_dma2 semaphore(%arg14 : memref<!tpu.dma_semaphore, #tpu.memory_space<semaphore_mem>>) src(%dma_wait3A_149 : memref<64x256xf32, #tpu.memory_space<vmem>>) dst(%dma_wait3A_146 : memref<64x256xf32, #tpu.memory_space<hbm>>)
    %dma_wait3A_150 = arith.constant 64 : i32
    %dma_wait3A_151 = arith.constant 0 : i32
    %dma_wait3A_152 = tpu.memref_slice %arg8[%dma_wait3A_150, %dma_wait3A_151] : memref<128x256xf32, #tpu.memory_space<vmem>> -> memref<64x256xf32, #tpu.memory_space<vmem>>
    %dma_wait3A_153 = arith.constant 0 : i32
    %dma_wait3A_154 = arith.constant 0 : i32
    %dma_wait3A_155 = tpu.memref_slice %arg5[%dma_wait3A_153, %dma_wait3A_154] : memref<20480x256xf32, #tpu.memory_space<hbm>> -> memref<64x256xf32, #tpu.memory_space<hbm>>
    %dma_wait3A_156 = arith.constant 0 : i32
    %dma_wait3A_157 = arith.constant 0 : i32
    %dma_wait3A_158 = tpu.memref_slice %arg5[%dma_wait3A_156, %dma_wait3A_157] : memref<20480x256xf32, #tpu.memory_space<hbm>> -> memref<64x256xf32, #tpu.memory_space<hbm>>
    %dma_wait3A_159 = arith.constant 64 : i32
    %dma_wait3A_160 = arith.constant 0 : i32
    %dma_wait3A_161 = tpu.memref_slice %arg8[%dma_wait3A_159, %dma_wait3A_160] : memref<128x256xf32, #tpu.memory_space<vmem>> -> memref<64x256xf32, #tpu.memory_space<vmem>>
    tpu.wait_dma2 semaphore(%arg14 : memref<!tpu.dma_semaphore, #tpu.memory_space<semaphore_mem>>) src(%dma_wait3A_161 : memref<64x256xf32, #tpu.memory_space<vmem>>) dst(%dma_wait3A_158 : memref<64x256xf32, #tpu.memory_space<hbm>>)
    %add3A_162 = arith.constant 4 : i32
    %add3A_163 = arith.addi %sub3A_21, %add3A_162 : i32
    %dma_start3A_164 = arith.constant 0 : i32
    %dma_start3A_165 = tpu.memref_slice %arg6[%add3A_163, %dma_start3A_164] : memref<16x128xi32, #tpu.memory_space<vmem>> -> memref<1x128xi32, #tpu.memory_space<vmem>>
    %dma_start3A_166 = tpu.memref_squeeze %dma_start3A_165 : memref<1x128xi32, #tpu.memory_space<vmem>> -> memref<128xi32, #tpu.memory_space<vmem>>
    %dma_start3A_167 = arith.constant 0 : i32
    %dma_start3A_168 = arith.constant 0 : i32
    %dma_start3A_169 = tpu.memref_slice %arg2[%dma_start3A_167, %dma_start3A_168] : memref<10000x256xf32, #tpu.memory_space<hbm>> -> memref<10000x256xf32, #tpu.memory_space<hbm>>
    tpu.enqueue_indirect_dma source(%dma_start3A_169 : memref<10000x256xf32, #tpu.memory_space<hbm>>) target(%arg8 : memref<128x256xf32, #tpu.memory_space<vmem>>) offsets(%dma_start3A_166 : memref<128xi32, #tpu.memory_space<vmem>>) semaphore(%arg11 : memref<!tpu.dma_semaphore, #tpu.memory_space<semaphore_mem>>)
    %dma_wait3A_170 = arith.constant 0 : i32
    %dma_wait3A_171 = arith.constant 0 : i32
    %dma_wait3A_172 = tpu.memref_slice %arg6[%dma_wait3A_170, %dma_wait3A_171] : memref<16x128xi32, #tpu.memory_space<vmem>> -> memref<1x128xi32, #tpu.memory_space<vmem>>
    %dma_wait3A_173 = tpu.memref_squeeze %dma_wait3A_172 : memref<1x128xi32, #tpu.memory_space<vmem>> -> memref<128xi32, #tpu.memory_space<vmem>>
    %dma_wait3A_174 = arith.constant 0 : i32
    %dma_wait3A_175 = arith.constant 0 : i32
    %dma_wait3A_176 = tpu.memref_slice %arg2[%dma_wait3A_174, %dma_wait3A_175] : memref<10000x256xf32, #tpu.memory_space<hbm>> -> memref<10000x256xf32, #tpu.memory_space<hbm>>
    tpu.wait_indirect_dma semaphore(%arg12 : memref<!tpu.dma_semaphore, #tpu.memory_space<semaphore_mem>>) src(%dma_wait3A_176 : memref<10000x256xf32, #tpu.memory_space<hbm>>) dst(%arg9 : memref<128x256xf32, #tpu.memory_space<vmem>>)
    %mul3A_177 = arith.constant 640 : i32
    %mul3A_178 = arith.muli %add3A, %mul3A_177 : i32
    %add3A_179 = arith.constant 128 : i32
    %add3A_180 = arith.addi %mul3A_178, %add3A_179 : i32
    %dma_start3A_181 = arith.constant 0 : i32
    %dma_start3A_182 = arith.constant 0 : i32
    %dma_start3A_183 = tpu.memref_slice %arg9[%dma_start3A_181, %dma_start3A_182] : memref<128x256xf32, #tpu.memory_space<vmem>> -> memref<64x256xf32, #tpu.memory_space<vmem>>
    %dma_start3A_184 = arith.constant 0 : i32
    %dma_start3A_185 = tpu.memref_slice %arg4[%add3A_180, %dma_start3A_184] : memref<20480x256xf32, #tpu.memory_space<hbm>> -> memref<64x256xf32, #tpu.memory_space<hbm>>
    %dma_start3A_186 = arith.constant 0 : i32
    %dma_start3A_187 = tpu.memref_slice %arg4[%add3A_180, %dma_start3A_186] : memref<20480x256xf32, #tpu.memory_space<hbm>> -> memref<64x256xf32, #tpu.memory_space<hbm>>
    %dma_start3A_188 = arith.constant 0 : i32
    %dma_start3A_189 = arith.constant 0 : i32
    %dma_start3A_190 = tpu.memref_slice %arg9[%dma_start3A_188, %dma_start3A_189] : memref<128x256xf32, #tpu.memory_space<vmem>> -> memref<64x256xf32, #tpu.memory_space<vmem>>
    tpu.enqueue_dma source(%dma_start3A_190 : memref<64x256xf32, #tpu.memory_space<vmem>>) target(%dma_start3A_187 : memref<64x256xf32, #tpu.memory_space<hbm>>) target_semaphore(%arg15 : memref<!tpu.dma_semaphore, #tpu.memory_space<semaphore_mem>>)
    %dma_start3A_191 = arith.constant 64 : i32
    %dma_start3A_192 = arith.constant 0 : i32
    %dma_start3A_193 = tpu.memref_slice %arg9[%dma_start3A_191, %dma_start3A_192] : memref<128x256xf32, #tpu.memory_space<vmem>> -> memref<64x256xf32, #tpu.memory_space<vmem>>
    %dma_start3A_194 = arith.constant 0 : i32
    %dma_start3A_195 = tpu.memref_slice %arg5[%add3A_180, %dma_start3A_194] : memref<20480x256xf32, #tpu.memory_space<hbm>> -> memref<64x256xf32, #tpu.memory_space<hbm>>
    %dma_start3A_196 = arith.constant 0 : i32
    %dma_start3A_197 = tpu.memref_slice %arg5[%add3A_180, %dma_start3A_196] : memref<20480x256xf32, #tpu.memory_space<hbm>> -> memref<64x256xf32, #tpu.memory_space<hbm>>
    %dma_start3A_198 = arith.constant 64 : i32
    %dma_start3A_199 = arith.constant 0 : i32
    %dma_start3A_200 = tpu.memref_slice %arg9[%dma_start3A_198, %dma_start3A_199] : memref<128x256xf32, #tpu.memory_space<vmem>> -> memref<64x256xf32, #tpu.memory_space<vmem>>
    tpu.enqueue_dma source(%dma_start3A_200 : memref<64x256xf32, #tpu.memory_space<vmem>>) target(%dma_start3A_197 : memref<64x256xf32, #tpu.memory_space<hbm>>) target_semaphore(%arg15 : memref<!tpu.dma_semaphore, #tpu.memory_space<semaphore_mem>>)
    %dma_wait3A_201 = arith.constant 0 : i32
    %dma_wait3A_202 = arith.constant 0 : i32
    %dma_wait3A_203 = tpu.memref_slice %arg9[%dma_wait3A_201, %dma_wait3A_202] : memref<128x256xf32, #tpu.memory_space<vmem>> -> memref<64x256xf32, #tpu.memory_space<vmem>>
    %dma_wait3A_204 = arith.constant 0 : i32
    %dma_wait3A_205 = arith.constant 0 : i32
    %dma_wait3A_206 = tpu.memref_slice %arg4[%dma_wait3A_204, %dma_wait3A_205] : memref<20480x256xf32, #tpu.memory_space<hbm>> -> memref<64x256xf32, #tpu.memory_space<hbm>>
    %dma_wait3A_207 = arith.constant 0 : i32
    %dma_wait3A_208 = arith.constant 0 : i32
    %dma_wait3A_209 = tpu.memref_slice %arg4[%dma_wait3A_207, %dma_wait3A_208] : memref<20480x256xf32, #tpu.memory_space<hbm>> -> memref<64x256xf32, #tpu.memory_space<hbm>>
    %dma_wait3A_210 = arith.constant 0 : i32
    %dma_wait3A_211 = arith.constant 0 : i32
    %dma_wait3A_212 = tpu.memref_slice %arg9[%dma_wait3A_210, %dma_wait3A_211] : memref<128x256xf32, #tpu.memory_space<vmem>> -> memref<64x256xf32, #tpu.memory_space<vmem>>
    tpu.wait_dma2 semaphore(%arg15 : memref<!tpu.dma_semaphore, #tpu.memory_space<semaphore_mem>>) src(%dma_wait3A_212 : memref<64x256xf32, #tpu.memory_space<vmem>>) dst(%dma_wait3A_209 : memref<64x256xf32, #tpu.memory_space<hbm>>)
    %dma_wait3A_213 = arith.constant 64 : i32
    %dma_wait3A_214 = arith.constant 0 : i32
    %dma_wait3A_215 = tpu.memref_slice %arg9[%dma_wait3A_213, %dma_wait3A_214] : memref<128x256xf32, #tpu.memory_space<vmem>> -> memref<64x256xf32, #tpu.memory_space<vmem>>
    %dma_wait3A_216 = arith.constant 0 : i32
    %dma_wait3A_217 = arith.constant 0 : i32
    %dma_wait3A_218 = tpu.memref_slice %arg5[%dma_wait3A_216, %dma_wait3A_217] : memref<20480x256xf32, #tpu.memory_space<hbm>> -> memref<64x256xf32, #tpu.memory_space<hbm>>
    %dma_wait3A_219 = arith.constant 0 : i32
    %dma_wait3A_220 = arith.constant 0 : i32
    %dma_wait3A_221 = tpu.memref_slice %arg5[%dma_wait3A_219, %dma_wait3A_220] : memref<20480x256xf32, #tpu.memory_space<hbm>> -> memref<64x256xf32, #tpu.memory_space<hbm>>
    %dma_wait3A_222 = arith.constant 64 : i32
    %dma_wait3A_223 = arith.constant 0 : i32
    %dma_wait3A_224 = tpu.memref_slice %arg9[%dma_wait3A_222, %dma_wait3A_223] : memref<128x256xf32, #tpu.memory_space<vmem>> -> memref<64x256xf32, #tpu.memory_space<vmem>>
    tpu.wait_dma2 semaphore(%arg15 : memref<!tpu.dma_semaphore, #tpu.memory_space<semaphore_mem>>) src(%dma_wait3A_224 : memref<64x256xf32, #tpu.memory_space<vmem>>) dst(%dma_wait3A_221 : memref<64x256xf32, #tpu.memory_space<hbm>>)
    %add3A_225 = arith.constant 5 : i32
    %add3A_226 = arith.addi %sub3A_21, %add3A_225 : i32
    %dma_start3A_227 = arith.constant 0 : i32
    %dma_start3A_228 = tpu.memref_slice %arg6[%add3A_226, %dma_start3A_227] : memref<16x128xi32, #tpu.memory_space<vmem>> -> memref<1x128xi32, #tpu.memory_space<vmem>>
    %dma_start3A_229 = tpu.memref_squeeze %dma_start3A_228 : memref<1x128xi32, #tpu.memory_space<vmem>> -> memref<128xi32, #tpu.memory_space<vmem>>
    %dma_start3A_230 = arith.constant 0 : i32
    %dma_start3A_231 = arith.constant 0 : i32
    %dma_start3A_232 = tpu.memref_slice %arg2[%dma_start3A_230, %dma_start3A_231] : memref<10000x256xf32, #tpu.memory_space<hbm>> -> memref<10000x256xf32, #tpu.memory_space<hbm>>
    tpu.enqueue_indirect_dma source(%dma_start3A_232 : memref<10000x256xf32, #tpu.memory_space<hbm>>) target(%arg9 : memref<128x256xf32, #tpu.memory_space<vmem>>) offsets(%dma_start3A_229 : memref<128xi32, #tpu.memory_space<vmem>>) semaphore(%arg12 : memref<!tpu.dma_semaphore, #tpu.memory_space<semaphore_mem>>)
    %dma_wait3A_233 = arith.constant 0 : i32
    %dma_wait3A_234 = arith.constant 0 : i32
    %dma_wait3A_235 = tpu.memref_slice %arg6[%dma_wait3A_233, %dma_wait3A_234] : memref<16x128xi32, #tpu.memory_space<vmem>> -> memref<1x128xi32, #tpu.memory_space<vmem>>
    %dma_wait3A_236 = tpu.memref_squeeze %dma_wait3A_235 : memref<1x128xi32, #tpu.memory_space<vmem>> -> memref<128xi32, #tpu.memory_space<vmem>>
    %dma_wait3A_237 = arith.constant 0 : i32
    %dma_wait3A_238 = arith.constant 0 : i32
    %dma_wait3A_239 = tpu.memref_slice %arg2[%dma_wait3A_237, %dma_wait3A_238] : memref<10000x256xf32, #tpu.memory_space<hbm>> -> memref<10000x256xf32, #tpu.memory_space<hbm>>
    tpu.wait_indirect_dma semaphore(%arg10 : memref<!tpu.dma_semaphore, #tpu.memory_space<semaphore_mem>>) src(%dma_wait3A_239 : memref<10000x256xf32, #tpu.memory_space<hbm>>) dst(%arg7 : memref<128x256xf32, #tpu.memory_space<vmem>>)
    %mul3A_240 = arith.constant 640 : i32
    %mul3A_241 = arith.muli %add3A, %mul3A_240 : i32
    %add3A_242 = arith.constant 192 : i32
    %add3A_243 = arith.addi %mul3A_241, %add3A_242 : i32
    %dma_start3A_244 = arith.constant 0 : i32
    %dma_start3A_245 = arith.constant 0 : i32
    %dma_start3A_246 = tpu.memref_slice %arg7[%dma_start3A_244, %dma_start3A_245] : memref<128x256xf32, #tpu.memory_space<vmem>> -> memref<64x256xf32, #tpu.memory_space<vmem>>
    %dma_start3A_247 = arith.constant 0 : i32
    %dma_start3A_248 = tpu.memref_slice %arg4[%add3A_243, %dma_start3A_247] : memref<20480x256xf32, #tpu.memory_space<hbm>> -> memref<64x256xf32, #tpu.memory_space<hbm>>
    %dma_start3A_249 = arith.constant 0 : i32
    %dma_start3A_250 = tpu.memref_slice %arg4[%add3A_243, %dma_start3A_249] : memref<20480x256xf32, #tpu.memory_space<hbm>> -> memref<64x256xf32, #tpu.memory_space<hbm>>
    %dma_start3A_251 = arith.constant 0 : i32
    %dma_start3A_252 = arith.constant 0 : i32
    %dma_start3A_253 = tpu.memref_slice %arg7[%dma_start3A_251, %dma_start3A_252] : memref<128x256xf32, #tpu.memory_space<vmem>> -> memref<64x256xf32, #tpu.memory_space<vmem>>
    tpu.enqueue_dma source(%dma_start3A_253 : memref<64x256xf32, #tpu.memory_space<vmem>>) target(%dma_start3A_250 : memref<64x256xf32, #tpu.memory_space<hbm>>) target_semaphore(%arg13 : memref<!tpu.dma_semaphore, #tpu.memory_space<semaphore_mem>>)
    %dma_start3A_254 = arith.constant 64 : i32
    %dma_start3A_255 = arith.constant 0 : i32
    %dma_start3A_256 = tpu.memref_slice %arg7[%dma_start3A_254, %dma_start3A_255] : memref<128x256xf32, #tpu.memory_space<vmem>> -> memref<64x256xf32, #tpu.memory_space<vmem>>
    %dma_start3A_257 = arith.constant 0 : i32
    %dma_start3A_258 = tpu.memref_slice %arg5[%add3A_243, %dma_start3A_257] : memref<20480x256xf32, #tpu.memory_space<hbm>> -> memref<64x256xf32, #tpu.memory_space<hbm>>
    %dma_start3A_259 = arith.constant 0 : i32
    %dma_start3A_260 = tpu.memref_slice %arg5[%add3A_243, %dma_start3A_259] : memref<20480x256xf32, #tpu.memory_space<hbm>> -> memref<64x256xf32, #tpu.memory_space<hbm>>
    %dma_start3A_261 = arith.constant 64 : i32
    %dma_start3A_262 = arith.constant 0 : i32
    %dma_start3A_263 = tpu.memref_slice %arg7[%dma_start3A_261, %dma_start3A_262] : memref<128x256xf32, #tpu.memory_space<vmem>> -> memref<64x256xf32, #tpu.memory_space<vmem>>
    tpu.enqueue_dma source(%dma_start3A_263 : memref<64x256xf32, #tpu.memory_space<vmem>>) target(%dma_start3A_260 : memref<64x256xf32, #tpu.memory_space<hbm>>) target_semaphore(%arg13 : memref<!tpu.dma_semaphore, #tpu.memory_space<semaphore_mem>>)
    %dma_wait3A_264 = arith.constant 0 : i32
    %dma_wait3A_265 = arith.constant 0 : i32
    %dma_wait3A_266 = tpu.memref_slice %arg7[%dma_wait3A_264, %dma_wait3A_265] : memref<128x256xf32, #tpu.memory_space<vmem>> -> memref<64x256xf32, #tpu.memory_space<vmem>>
    %dma_wait3A_267 = arith.constant 0 : i32
    %dma_wait3A_268 = arith.constant 0 : i32
    %dma_wait3A_269 = tpu.memref_slice %arg4[%dma_wait3A_267, %dma_wait3A_268] : memref<20480x256xf32, #tpu.memory_space<hbm>> -> memref<64x256xf32, #tpu.memory_space<hbm>>
    %dma_wait3A_270 = arith.constant 0 : i32
    %dma_wait3A_271 = arith.constant 0 : i32
    %dma_wait3A_272 = tpu.memref_slice %arg4[%dma_wait3A_270, %dma_wait3A_271] : memref<20480x256xf32, #tpu.memory_space<hbm>> -> memref<64x256xf32, #tpu.memory_space<hbm>>
    %dma_wait3A_273 = arith.constant 0 : i32
    %dma_wait3A_274 = arith.constant 0 : i32
    %dma_wait3A_275 = tpu.memref_slice %arg7[%dma_wait3A_273, %dma_wait3A_274] : memref<128x256xf32, #tpu.memory_space<vmem>> -> memref<64x256xf32, #tpu.memory_space<vmem>>
    tpu.wait_dma2 semaphore(%arg13 : memref<!tpu.dma_semaphore, #tpu.memory_space<semaphore_mem>>) src(%dma_wait3A_275 : memref<64x256xf32, #tpu.memory_space<vmem>>) dst(%dma_wait3A_272 : memref<64x256xf32, #tpu.memory_space<hbm>>)
    %dma_wait3A_276 = arith.constant 64 : i32
    %dma_wait3A_277 = arith.constant 0 : i32
    %dma_wait3A_278 = tpu.memref_slice %arg7[%dma_wait3A_276, %dma_wait3A_277] : memref<128x256xf32, #tpu.memory_space<vmem>> -> memref<64x256xf32, #tpu.memory_space<vmem>>
    %dma_wait3A_279 = arith.constant 0 : i32
    %dma_wait3A_280 = arith.constant 0 : i32
    %dma_wait3A_281 = tpu.memref_slice %arg5[%dma_wait3A_279, %dma_wait3A_280] : memref<20480x256xf32, #tpu.memory_space<hbm>> -> memref<64x256xf32, #tpu.memory_space<hbm>>
    %dma_wait3A_282 = arith.constant 0 : i32
    %dma_wait3A_283 = arith.constant 0 : i32
    %dma_wait3A_284 = tpu.memref_slice %arg5[%dma_wait3A_282, %dma_wait3A_283] : memref<20480x256xf32, #tpu.memory_space<hbm>> -> memref<64x256xf32, #tpu.memory_space<hbm>>
    %dma_wait3A_285 = arith.constant 64 : i32
    %dma_wait3A_286 = arith.constant 0 : i32
    %dma_wait3A_287 = tpu.memref_slice %arg7[%dma_wait3A_285, %dma_wait3A_286] : memref<128x256xf32, #tpu.memory_space<vmem>> -> memref<64x256xf32, #tpu.memory_space<vmem>>
    tpu.wait_dma2 semaphore(%arg13 : memref<!tpu.dma_semaphore, #tpu.memory_space<semaphore_mem>>) src(%dma_wait3A_287 : memref<64x256xf32, #tpu.memory_space<vmem>>) dst(%dma_wait3A_284 : memref<64x256xf32, #tpu.memory_space<hbm>>)
    %add3A_288 = arith.constant 6 : i32
    %add3A_289 = arith.addi %sub3A_21, %add3A_288 : i32
    %dma_start3A_290 = arith.constant 0 : i32
    %dma_start3A_291 = tpu.memref_slice %arg6[%add3A_289, %dma_start3A_290] : memref<16x128xi32, #tpu.memory_space<vmem>> -> memref<1x128xi32, #tpu.memory_space<vmem>>
    %dma_start3A_292 = tpu.memref_squeeze %dma_start3A_291 : memref<1x128xi32, #tpu.memory_space<vmem>> -> memref<128xi32, #tpu.memory_space<vmem>>
    %dma_start3A_293 = arith.constant 0 : i32
    %dma_start3A_294 = arith.constant 0 : i32
    %dma_start3A_295 = tpu.memref_slice %arg2[%dma_start3A_293, %dma_start3A_294] : memref<10000x256xf32, #tpu.memory_space<hbm>> -> memref<10000x256xf32, #tpu.memory_space<hbm>>
    tpu.enqueue_indirect_dma source(%dma_start3A_295 : memref<10000x256xf32, #tpu.memory_space<hbm>>) target(%arg7 : memref<128x256xf32, #tpu.memory_space<vmem>>) offsets(%dma_start3A_292 : memref<128xi32, #tpu.memory_space<vmem>>) semaphore(%arg10 : memref<!tpu.dma_semaphore, #tpu.memory_space<semaphore_mem>>)
    %dma_wait3A_296 = arith.constant 0 : i32
    %dma_wait3A_297 = arith.constant 0 : i32
    %dma_wait3A_298 = tpu.memref_slice %arg6[%dma_wait3A_296, %dma_wait3A_297] : memref<16x128xi32, #tpu.memory_space<vmem>> -> memref<1x128xi32, #tpu.memory_space<vmem>>
    %dma_wait3A_299 = tpu.memref_squeeze %dma_wait3A_298 : memref<1x128xi32, #tpu.memory_space<vmem>> -> memref<128xi32, #tpu.memory_space<vmem>>
    %dma_wait3A_300 = arith.constant 0 : i32
    %dma_wait3A_301 = arith.constant 0 : i32
    %dma_wait3A_302 = tpu.memref_slice %arg2[%dma_wait3A_300, %dma_wait3A_301] : memref<10000x256xf32, #tpu.memory_space<hbm>> -> memref<10000x256xf32, #tpu.memory_space<hbm>>
    tpu.wait_indirect_dma semaphore(%arg11 : memref<!tpu.dma_semaphore, #tpu.memory_space<semaphore_mem>>) src(%dma_wait3A_302 : memref<10000x256xf32, #tpu.memory_space<hbm>>) dst(%arg8 : memref<128x256xf32, #tpu.memory_space<vmem>>)
    %mul3A_303 = arith.constant 640 : i32
    %mul3A_304 = arith.muli %add3A, %mul3A_303 : i32
    %add3A_305 = arith.constant 256 : i32
    %add3A_306 = arith.addi %mul3A_304, %add3A_305 : i32
    %dma_start3A_307 = arith.constant 0 : i32
    %dma_start3A_308 = arith.constant 0 : i32
    %dma_start3A_309 = tpu.memref_slice %arg8[%dma_start3A_307, %dma_start3A_308] : memref<128x256xf32, #tpu.memory_space<vmem>> -> memref<64x256xf32, #tpu.memory_space<vmem>>
    %dma_start3A_310 = arith.constant 0 : i32
    %dma_start3A_311 = tpu.memref_slice %arg4[%add3A_306, %dma_start3A_310] : memref<20480x256xf32, #tpu.memory_space<hbm>> -> memref<64x256xf32, #tpu.memory_space<hbm>>
    %dma_start3A_312 = arith.constant 0 : i32
    %dma_start3A_313 = tpu.memref_slice %arg4[%add3A_306, %dma_start3A_312] : memref<20480x256xf32, #tpu.memory_space<hbm>> -> memref<64x256xf32, #tpu.memory_space<hbm>>
    %dma_start3A_314 = arith.constant 0 : i32
    %dma_start3A_315 = arith.constant 0 : i32
    %dma_start3A_316 = tpu.memref_slice %arg8[%dma_start3A_314, %dma_start3A_315] : memref<128x256xf32, #tpu.memory_space<vmem>> -> memref<64x256xf32, #tpu.memory_space<vmem>>
    tpu.enqueue_dma source(%dma_start3A_316 : memref<64x256xf32, #tpu.memory_space<vmem>>) target(%dma_start3A_313 : memref<64x256xf32, #tpu.memory_space<hbm>>) target_semaphore(%arg14 : memref<!tpu.dma_semaphore, #tpu.memory_space<semaphore_mem>>)
    %dma_start3A_317 = arith.constant 64 : i32
    %dma_start3A_318 = arith.constant 0 : i32
    %dma_start3A_319 = tpu.memref_slice %arg8[%dma_start3A_317, %dma_start3A_318] : memref<128x256xf32, #tpu.memory_space<vmem>> -> memref<64x256xf32, #tpu.memory_space<vmem>>
    %dma_start3A_320 = arith.constant 0 : i32
    %dma_start3A_321 = tpu.memref_slice %arg5[%add3A_306, %dma_start3A_320] : memref<20480x256xf32, #tpu.memory_space<hbm>> -> memref<64x256xf32, #tpu.memory_space<hbm>>
    %dma_start3A_322 = arith.constant 0 : i32
    %dma_start3A_323 = tpu.memref_slice %arg5[%add3A_306, %dma_start3A_322] : memref<20480x256xf32, #tpu.memory_space<hbm>> -> memref<64x256xf32, #tpu.memory_space<hbm>>
    %dma_start3A_324 = arith.constant 64 : i32
    %dma_start3A_325 = arith.constant 0 : i32
    %dma_start3A_326 = tpu.memref_slice %arg8[%dma_start3A_324, %dma_start3A_325] : memref<128x256xf32, #tpu.memory_space<vmem>> -> memref<64x256xf32, #tpu.memory_space<vmem>>
    tpu.enqueue_dma source(%dma_start3A_326 : memref<64x256xf32, #tpu.memory_space<vmem>>) target(%dma_start3A_323 : memref<64x256xf32, #tpu.memory_space<hbm>>) target_semaphore(%arg14 : memref<!tpu.dma_semaphore, #tpu.memory_space<semaphore_mem>>)
    %dma_wait3A_327 = arith.constant 0 : i32
    %dma_wait3A_328 = arith.constant 0 : i32
    %dma_wait3A_329 = tpu.memref_slice %arg8[%dma_wait3A_327, %dma_wait3A_328] : memref<128x256xf32, #tpu.memory_space<vmem>> -> memref<64x256xf32, #tpu.memory_space<vmem>>
    %dma_wait3A_330 = arith.constant 0 : i32
    %dma_wait3A_331 = arith.constant 0 : i32
    %dma_wait3A_332 = tpu.memref_slice %arg4[%dma_wait3A_330, %dma_wait3A_331] : memref<20480x256xf32, #tpu.memory_space<hbm>> -> memref<64x256xf32, #tpu.memory_space<hbm>>
    %dma_wait3A_333 = arith.constant 0 : i32
    %dma_wait3A_334 = arith.constant 0 : i32
    %dma_wait3A_335 = tpu.memref_slice %arg4[%dma_wait3A_333, %dma_wait3A_334] : memref<20480x256xf32, #tpu.memory_space<hbm>> -> memref<64x256xf32, #tpu.memory_space<hbm>>
    %dma_wait3A_336 = arith.constant 0 : i32
    %dma_wait3A_337 = arith.constant 0 : i32
    %dma_wait3A_338 = tpu.memref_slice %arg8[%dma_wait3A_336, %dma_wait3A_337] : memref<128x256xf32, #tpu.memory_space<vmem>> -> memref<64x256xf32, #tpu.memory_space<vmem>>
    tpu.wait_dma2 semaphore(%arg14 : memref<!tpu.dma_semaphore, #tpu.memory_space<semaphore_mem>>) src(%dma_wait3A_338 : memref<64x256xf32, #tpu.memory_space<vmem>>) dst(%dma_wait3A_335 : memref<64x256xf32, #tpu.memory_space<hbm>>)
    %dma_wait3A_339 = arith.constant 64 : i32
    %dma_wait3A_340 = arith.constant 0 : i32
    %dma_wait3A_341 = tpu.memref_slice %arg8[%dma_wait3A_339, %dma_wait3A_340] : memref<128x256xf32, #tpu.memory_space<vmem>> -> memref<64x256xf32, #tpu.memory_space<vmem>>
    %dma_wait3A_342 = arith.constant 0 : i32
    %dma_wait3A_343 = arith.constant 0 : i32
    %dma_wait3A_344 = tpu.memref_slice %arg5[%dma_wait3A_342, %dma_wait3A_343] : memref<20480x256xf32, #tpu.memory_space<hbm>> -> memref<64x256xf32, #tpu.memory_space<hbm>>
    %dma_wait3A_345 = arith.constant 0 : i32
    %dma_wait3A_346 = arith.constant 0 : i32
    %dma_wait3A_347 = tpu.memref_slice %arg5[%dma_wait3A_345, %dma_wait3A_346] : memref<20480x256xf32, #tpu.memory_space<hbm>> -> memref<64x256xf32, #tpu.memory_space<hbm>>
    %dma_wait3A_348 = arith.constant 64 : i32
    %dma_wait3A_349 = arith.constant 0 : i32
    %dma_wait3A_350 = tpu.memref_slice %arg8[%dma_wait3A_348, %dma_wait3A_349] : memref<128x256xf32, #tpu.memory_space<vmem>> -> memref<64x256xf32, #tpu.memory_space<vmem>>
    tpu.wait_dma2 semaphore(%arg14 : memref<!tpu.dma_semaphore, #tpu.memory_space<semaphore_mem>>) src(%dma_wait3A_350 : memref<64x256xf32, #tpu.memory_space<vmem>>) dst(%dma_wait3A_347 : memref<64x256xf32, #tpu.memory_space<hbm>>)
    %add3A_351 = arith.constant 7 : i32
    %add3A_352 = arith.addi %sub3A_21, %add3A_351 : i32
    %dma_start3A_353 = arith.constant 0 : i32
    %dma_start3A_354 = tpu.memref_slice %arg6[%add3A_352, %dma_start3A_353] : memref<16x128xi32, #tpu.memory_space<vmem>> -> memref<1x128xi32, #tpu.memory_space<vmem>>
    %dma_start3A_355 = tpu.memref_squeeze %dma_start3A_354 : memref<1x128xi32, #tpu.memory_space<vmem>> -> memref<128xi32, #tpu.memory_space<vmem>>
    %dma_start3A_356 = arith.constant 0 : i32
    %dma_start3A_357 = arith.constant 0 : i32
    %dma_start3A_358 = tpu.memref_slice %arg2[%dma_start3A_356, %dma_start3A_357] : memref<10000x256xf32, #tpu.memory_space<hbm>> -> memref<10000x256xf32, #tpu.memory_space<hbm>>
    tpu.enqueue_indirect_dma source(%dma_start3A_358 : memref<10000x256xf32, #tpu.memory_space<hbm>>) target(%arg8 : memref<128x256xf32, #tpu.memory_space<vmem>>) offsets(%dma_start3A_355 : memref<128xi32, #tpu.memory_space<vmem>>) semaphore(%arg11 : memref<!tpu.dma_semaphore, #tpu.memory_space<semaphore_mem>>)
    %dma_wait3A_359 = arith.constant 0 : i32
    %dma_wait3A_360 = arith.constant 0 : i32
    %dma_wait3A_361 = tpu.memref_slice %arg6[%dma_wait3A_359, %dma_wait3A_360] : memref<16x128xi32, #tpu.memory_space<vmem>> -> memref<1x128xi32, #tpu.memory_space<vmem>>
    %dma_wait3A_362 = tpu.memref_squeeze %dma_wait3A_361 : memref<1x128xi32, #tpu.memory_space<vmem>> -> memref<128xi32, #tpu.memory_space<vmem>>
    %dma_wait3A_363 = arith.constant 0 : i32
    %dma_wait3A_364 = arith.constant 0 : i32
    %dma_wait3A_365 = tpu.memref_slice %arg2[%dma_wait3A_363, %dma_wait3A_364] : memref<10000x256xf32, #tpu.memory_space<hbm>> -> memref<10000x256xf32, #tpu.memory_space<hbm>>
    tpu.wait_indirect_dma semaphore(%arg12 : memref<!tpu.dma_semaphore, #tpu.memory_space<semaphore_mem>>) src(%dma_wait3A_365 : memref<10000x256xf32, #tpu.memory_space<hbm>>) dst(%arg9 : memref<128x256xf32, #tpu.memory_space<vmem>>)
    %mul3A_366 = arith.constant 640 : i32
    %mul3A_367 = arith.muli %add3A, %mul3A_366 : i32
    %add3A_368 = arith.constant 320 : i32
    %add3A_369 = arith.addi %mul3A_367, %add3A_368 : i32
    %dma_start3A_370 = arith.constant 0 : i32
    %dma_start3A_371 = arith.constant 0 : i32
    %dma_start3A_372 = tpu.memref_slice %arg9[%dma_start3A_370, %dma_start3A_371] : memref<128x256xf32, #tpu.memory_space<vmem>> -> memref<64x256xf32, #tpu.memory_space<vmem>>
    %dma_start3A_373 = arith.constant 0 : i32
    %dma_start3A_374 = tpu.memref_slice %arg4[%add3A_369, %dma_start3A_373] : memref<20480x256xf32, #tpu.memory_space<hbm>> -> memref<64x256xf32, #tpu.memory_space<hbm>>
    %dma_start3A_375 = arith.constant 0 : i32
    %dma_start3A_376 = tpu.memref_slice %arg4[%add3A_369, %dma_start3A_375] : memref<20480x256xf32, #tpu.memory_space<hbm>> -> memref<64x256xf32, #tpu.memory_space<hbm>>
    %dma_start3A_377 = arith.constant 0 : i32
    %dma_start3A_378 = arith.constant 0 : i32
    %dma_start3A_379 = tpu.memref_slice %arg9[%dma_start3A_377, %dma_start3A_378] : memref<128x256xf32, #tpu.memory_space<vmem>> -> memref<64x256xf32, #tpu.memory_space<vmem>>
    tpu.enqueue_dma source(%dma_start3A_379 : memref<64x256xf32, #tpu.memory_space<vmem>>) target(%dma_start3A_376 : memref<64x256xf32, #tpu.memory_space<hbm>>) target_semaphore(%arg15 : memref<!tpu.dma_semaphore, #tpu.memory_space<semaphore_mem>>)
    %dma_start3A_380 = arith.constant 64 : i32
    %dma_start3A_381 = arith.constant 0 : i32
    %dma_start3A_382 = tpu.memref_slice %arg9[%dma_start3A_380, %dma_start3A_381] : memref<128x256xf32, #tpu.memory_space<vmem>> -> memref<64x256xf32, #tpu.memory_space<vmem>>
    %dma_start3A_383 = arith.constant 0 : i32
    %dma_start3A_384 = tpu.memref_slice %arg5[%add3A_369, %dma_start3A_383] : memref<20480x256xf32, #tpu.memory_space<hbm>> -> memref<64x256xf32, #tpu.memory_space<hbm>>
    %dma_start3A_385 = arith.constant 0 : i32
    %dma_start3A_386 = tpu.memref_slice %arg5[%add3A_369, %dma_start3A_385] : memref<20480x256xf32, #tpu.memory_space<hbm>> -> memref<64x256xf32, #tpu.memory_space<hbm>>
    %dma_start3A_387 = arith.constant 64 : i32
    %dma_start3A_388 = arith.constant 0 : i32
    %dma_start3A_389 = tpu.memref_slice %arg9[%dma_start3A_387, %dma_start3A_388] : memref<128x256xf32, #tpu.memory_space<vmem>> -> memref<64x256xf32, #tpu.memory_space<vmem>>
    tpu.enqueue_dma source(%dma_start3A_389 : memref<64x256xf32, #tpu.memory_space<vmem>>) target(%dma_start3A_386 : memref<64x256xf32, #tpu.memory_space<hbm>>) target_semaphore(%arg15 : memref<!tpu.dma_semaphore, #tpu.memory_space<semaphore_mem>>)
    %dma_wait3A_390 = arith.constant 0 : i32
    %dma_wait3A_391 = arith.constant 0 : i32
    %dma_wait3A_392 = tpu.memref_slice %arg9[%dma_wait3A_390, %dma_wait3A_391] : memref<128x256xf32, #tpu.memory_space<vmem>> -> memref<64x256xf32, #tpu.memory_space<vmem>>
    %dma_wait3A_393 = arith.constant 0 : i32
    %dma_wait3A_394 = arith.constant 0 : i32
    %dma_wait3A_395 = tpu.memref_slice %arg4[%dma_wait3A_393, %dma_wait3A_394] : memref<20480x256xf32, #tpu.memory_space<hbm>> -> memref<64x256xf32, #tpu.memory_space<hbm>>
    %dma_wait3A_396 = arith.constant 0 : i32
    %dma_wait3A_397 = arith.constant 0 : i32
    %dma_wait3A_398 = tpu.memref_slice %arg4[%dma_wait3A_396, %dma_wait3A_397] : memref<20480x256xf32, #tpu.memory_space<hbm>> -> memref<64x256xf32, #tpu.memory_space<hbm>>
    %dma_wait3A_399 = arith.constant 0 : i32
    %dma_wait3A_400 = arith.constant 0 : i32
    %dma_wait3A_401 = tpu.memref_slice %arg9[%dma_wait3A_399, %dma_wait3A_400] : memref<128x256xf32, #tpu.memory_space<vmem>> -> memref<64x256xf32, #tpu.memory_space<vmem>>
    tpu.wait_dma2 semaphore(%arg15 : memref<!tpu.dma_semaphore, #tpu.memory_space<semaphore_mem>>) src(%dma_wait3A_401 : memref<64x256xf32, #tpu.memory_space<vmem>>) dst(%dma_wait3A_398 : memref<64x256xf32, #tpu.memory_space<hbm>>)
    %dma_wait3A_402 = arith.constant 64 : i32
    %dma_wait3A_403 = arith.constant 0 : i32
    %dma_wait3A_404 = tpu.memref_slice %arg9[%dma_wait3A_402, %dma_wait3A_403] : memref<128x256xf32, #tpu.memory_space<vmem>> -> memref<64x256xf32, #tpu.memory_space<vmem>>
    %dma_wait3A_405 = arith.constant 0 : i32
    %dma_wait3A_406 = arith.constant 0 : i32
    %dma_wait3A_407 = tpu.memref_slice %arg5[%dma_wait3A_405, %dma_wait3A_406] : memref<20480x256xf32, #tpu.memory_space<hbm>> -> memref<64x256xf32, #tpu.memory_space<hbm>>
    %dma_wait3A_408 = arith.constant 0 : i32
    %dma_wait3A_409 = arith.constant 0 : i32
    %dma_wait3A_410 = tpu.memref_slice %arg5[%dma_wait3A_408, %dma_wait3A_409] : memref<20480x256xf32, #tpu.memory_space<hbm>> -> memref<64x256xf32, #tpu.memory_space<hbm>>
    %dma_wait3A_411 = arith.constant 64 : i32
    %dma_wait3A_412 = arith.constant 0 : i32
    %dma_wait3A_413 = tpu.memref_slice %arg9[%dma_wait3A_411, %dma_wait3A_412] : memref<128x256xf32, #tpu.memory_space<vmem>> -> memref<64x256xf32, #tpu.memory_space<vmem>>
    tpu.wait_dma2 semaphore(%arg15 : memref<!tpu.dma_semaphore, #tpu.memory_space<semaphore_mem>>) src(%dma_wait3A_413 : memref<64x256xf32, #tpu.memory_space<vmem>>) dst(%dma_wait3A_410 : memref<64x256xf32, #tpu.memory_space<hbm>>)
    %add3A_414 = arith.constant 8 : i32
    %add3A_415 = arith.addi %sub3A_21, %add3A_414 : i32
    %dma_start3A_416 = arith.constant 0 : i32
    %dma_start3A_417 = tpu.memref_slice %arg6[%add3A_415, %dma_start3A_416] : memref<16x128xi32, #tpu.memory_space<vmem>> -> memref<1x128xi32, #tpu.memory_space<vmem>>
    %dma_start3A_418 = tpu.memref_squeeze %dma_start3A_417 : memref<1x128xi32, #tpu.memory_space<vmem>> -> memref<128xi32, #tpu.memory_space<vmem>>
    %dma_start3A_419 = arith.constant 0 : i32
    %dma_start3A_420 = arith.constant 0 : i32
    %dma_start3A_421 = tpu.memref_slice %arg2[%dma_start3A_419, %dma_start3A_420] : memref<10000x256xf32, #tpu.memory_space<hbm>> -> memref<10000x256xf32, #tpu.memory_space<hbm>>
    tpu.enqueue_indirect_dma source(%dma_start3A_421 : memref<10000x256xf32, #tpu.memory_space<hbm>>) target(%arg9 : memref<128x256xf32, #tpu.memory_space<vmem>>) offsets(%dma_start3A_418 : memref<128xi32, #tpu.memory_space<vmem>>) semaphore(%arg12 : memref<!tpu.dma_semaphore, #tpu.memory_space<semaphore_mem>>)
    %dma_wait3A_422 = arith.constant 0 : i32
    %dma_wait3A_423 = arith.constant 0 : i32
    %dma_wait3A_424 = tpu.memref_slice %arg6[%dma_wait3A_422, %dma_wait3A_423] : memref<16x128xi32, #tpu.memory_space<vmem>> -> memref<1x128xi32, #tpu.memory_space<vmem>>
    %dma_wait3A_425 = tpu.memref_squeeze %dma_wait3A_424 : memref<1x128xi32, #tpu.memory_space<vmem>> -> memref<128xi32, #tpu.memory_space<vmem>>
    %dma_wait3A_426 = arith.constant 0 : i32
    %dma_wait3A_427 = arith.constant 0 : i32
    %dma_wait3A_428 = tpu.memref_slice %arg2[%dma_wait3A_426, %dma_wait3A_427] : memref<10000x256xf32, #tpu.memory_space<hbm>> -> memref<10000x256xf32, #tpu.memory_space<hbm>>
    tpu.wait_indirect_dma semaphore(%arg10 : memref<!tpu.dma_semaphore, #tpu.memory_space<semaphore_mem>>) src(%dma_wait3A_428 : memref<10000x256xf32, #tpu.memory_space<hbm>>) dst(%arg7 : memref<128x256xf32, #tpu.memory_space<vmem>>)
    %mul3A_429 = arith.constant 640 : i32
    %mul3A_430 = arith.muli %add3A, %mul3A_429 : i32
    %add3A_431 = arith.constant 384 : i32
    %add3A_432 = arith.addi %mul3A_430, %add3A_431 : i32
    %dma_start3A_433 = arith.constant 0 : i32
    %dma_start3A_434 = arith.constant 0 : i32
    %dma_start3A_435 = tpu.memref_slice %arg7[%dma_start3A_433, %dma_start3A_434] : memref<128x256xf32, #tpu.memory_space<vmem>> -> memref<64x256xf32, #tpu.memory_space<vmem>>
    %dma_start3A_436 = arith.constant 0 : i32
    %dma_start3A_437 = tpu.memref_slice %arg4[%add3A_432, %dma_start3A_436] : memref<20480x256xf32, #tpu.memory_space<hbm>> -> memref<64x256xf32, #tpu.memory_space<hbm>>
    %dma_start3A_438 = arith.constant 0 : i32
    %dma_start3A_439 = tpu.memref_slice %arg4[%add3A_432, %dma_start3A_438] : memref<20480x256xf32, #tpu.memory_space<hbm>> -> memref<64x256xf32, #tpu.memory_space<hbm>>
    %dma_start3A_440 = arith.constant 0 : i32
    %dma_start3A_441 = arith.constant 0 : i32
    %dma_start3A_442 = tpu.memref_slice %arg7[%dma_start3A_440, %dma_start3A_441] : memref<128x256xf32, #tpu.memory_space<vmem>> -> memref<64x256xf32, #tpu.memory_space<vmem>>
    tpu.enqueue_dma source(%dma_start3A_442 : memref<64x256xf32, #tpu.memory_space<vmem>>) target(%dma_start3A_439 : memref<64x256xf32, #tpu.memory_space<hbm>>) target_semaphore(%arg13 : memref<!tpu.dma_semaphore, #tpu.memory_space<semaphore_mem>>)
    %dma_start3A_443 = arith.constant 64 : i32
    %dma_start3A_444 = arith.constant 0 : i32
    %dma_start3A_445 = tpu.memref_slice %arg7[%dma_start3A_443, %dma_start3A_444] : memref<128x256xf32, #tpu.memory_space<vmem>> -> memref<64x256xf32, #tpu.memory_space<vmem>>
    %dma_start3A_446 = arith.constant 0 : i32
    %dma_start3A_447 = tpu.memref_slice %arg5[%add3A_432, %dma_start3A_446] : memref<20480x256xf32, #tpu.memory_space<hbm>> -> memref<64x256xf32, #tpu.memory_space<hbm>>
    %dma_start3A_448 = arith.constant 0 : i32
    %dma_start3A_449 = tpu.memref_slice %arg5[%add3A_432, %dma_start3A_448] : memref<20480x256xf32, #tpu.memory_space<hbm>> -> memref<64x256xf32, #tpu.memory_space<hbm>>
    %dma_start3A_450 = arith.constant 64 : i32
    %dma_start3A_451 = arith.constant 0 : i32
    %dma_start3A_452 = tpu.memref_slice %arg7[%dma_start3A_450, %dma_start3A_451] : memref<128x256xf32, #tpu.memory_space<vmem>> -> memref<64x256xf32, #tpu.memory_space<vmem>>
    tpu.enqueue_dma source(%dma_start3A_452 : memref<64x256xf32, #tpu.memory_space<vmem>>) target(%dma_start3A_449 : memref<64x256xf32, #tpu.memory_space<hbm>>) target_semaphore(%arg13 : memref<!tpu.dma_semaphore, #tpu.memory_space<semaphore_mem>>)
    %dma_wait3A_453 = arith.constant 0 : i32
    %dma_wait3A_454 = arith.constant 0 : i32
    %dma_wait3A_455 = tpu.memref_slice %arg7[%dma_wait3A_453, %dma_wait3A_454] : memref<128x256xf32, #tpu.memory_space<vmem>> -> memref<64x256xf32, #tpu.memory_space<vmem>>
    %dma_wait3A_456 = arith.constant 0 : i32
    %dma_wait3A_457 = arith.constant 0 : i32
    %dma_wait3A_458 = tpu.memref_slice %arg4[%dma_wait3A_456, %dma_wait3A_457] : memref<20480x256xf32, #tpu.memory_space<hbm>> -> memref<64x256xf32, #tpu.memory_space<hbm>>
    %dma_wait3A_459 = arith.constant 0 : i32
    %dma_wait3A_460 = arith.constant 0 : i32
    %dma_wait3A_461 = tpu.memref_slice %arg4[%dma_wait3A_459, %dma_wait3A_460] : memref<20480x256xf32, #tpu.memory_space<hbm>> -> memref<64x256xf32, #tpu.memory_space<hbm>>
    %dma_wait3A_462 = arith.constant 0 : i32
    %dma_wait3A_463 = arith.constant 0 : i32
    %dma_wait3A_464 = tpu.memref_slice %arg7[%dma_wait3A_462, %dma_wait3A_463] : memref<128x256xf32, #tpu.memory_space<vmem>> -> memref<64x256xf32, #tpu.memory_space<vmem>>
    tpu.wait_dma2 semaphore(%arg13 : memref<!tpu.dma_semaphore, #tpu.memory_space<semaphore_mem>>) src(%dma_wait3A_464 : memref<64x256xf32, #tpu.memory_space<vmem>>) dst(%dma_wait3A_461 : memref<64x256xf32, #tpu.memory_space<hbm>>)
    %dma_wait3A_465 = arith.constant 64 : i32
    %dma_wait3A_466 = arith.constant 0 : i32
    %dma_wait3A_467 = tpu.memref_slice %arg7[%dma_wait3A_465, %dma_wait3A_466] : memref<128x256xf32, #tpu.memory_space<vmem>> -> memref<64x256xf32, #tpu.memory_space<vmem>>
    %dma_wait3A_468 = arith.constant 0 : i32
    %dma_wait3A_469 = arith.constant 0 : i32
    %dma_wait3A_470 = tpu.memref_slice %arg5[%dma_wait3A_468, %dma_wait3A_469] : memref<20480x256xf32, #tpu.memory_space<hbm>> -> memref<64x256xf32, #tpu.memory_space<hbm>>
    %dma_wait3A_471 = arith.constant 0 : i32
    %dma_wait3A_472 = arith.constant 0 : i32
    %dma_wait3A_473 = tpu.memref_slice %arg5[%dma_wait3A_471, %dma_wait3A_472] : memref<20480x256xf32, #tpu.memory_space<hbm>> -> memref<64x256xf32, #tpu.memory_space<hbm>>
    %dma_wait3A_474 = arith.constant 64 : i32
    %dma_wait3A_475 = arith.constant 0 : i32
    %dma_wait3A_476 = tpu.memref_slice %arg7[%dma_wait3A_474, %dma_wait3A_475] : memref<128x256xf32, #tpu.memory_space<vmem>> -> memref<64x256xf32, #tpu.memory_space<vmem>>
    tpu.wait_dma2 semaphore(%arg13 : memref<!tpu.dma_semaphore, #tpu.memory_space<semaphore_mem>>) src(%dma_wait3A_476 : memref<64x256xf32, #tpu.memory_space<vmem>>) dst(%dma_wait3A_473 : memref<64x256xf32, #tpu.memory_space<hbm>>)
    %add3A_477 = arith.constant 9 : i32
    %add3A_478 = arith.addi %sub3A_21, %add3A_477 : i32
    %dma_start3A_479 = arith.constant 0 : i32
    %dma_start3A_480 = tpu.memref_slice %arg6[%add3A_478, %dma_start3A_479] : memref<16x128xi32, #tpu.memory_space<vmem>> -> memref<1x128xi32, #tpu.memory_space<vmem>>
    %dma_start3A_481 = tpu.memref_squeeze %dma_start3A_480 : memref<1x128xi32, #tpu.memory_space<vmem>> -> memref<128xi32, #tpu.memory_space<vmem>>
    %dma_start3A_482 = arith.constant 0 : i32
    %dma_start3A_483 = arith.constant 0 : i32
    %dma_start3A_484 = tpu.memref_slice %arg2[%dma_start3A_482, %dma_start3A_483] : memref<10000x256xf32, #tpu.memory_space<hbm>> -> memref<10000x256xf32, #tpu.memory_space<hbm>>
    tpu.enqueue_indirect_dma source(%dma_start3A_484 : memref<10000x256xf32, #tpu.memory_space<hbm>>) target(%arg7 : memref<128x256xf32, #tpu.memory_space<vmem>>) offsets(%dma_start3A_481 : memref<128xi32, #tpu.memory_space<vmem>>) semaphore(%arg10 : memref<!tpu.dma_semaphore, #tpu.memory_space<semaphore_mem>>)
    %dma_wait3A_485 = arith.constant 0 : i32
    %dma_wait3A_486 = arith.constant 0 : i32
    %dma_wait3A_487 = tpu.memref_slice %arg6[%dma_wait3A_485, %dma_wait3A_486] : memref<16x128xi32, #tpu.memory_space<vmem>> -> memref<1x128xi32, #tpu.memory_space<vmem>>
    %dma_wait3A_488 = tpu.memref_squeeze %dma_wait3A_487 : memref<1x128xi32, #tpu.memory_space<vmem>> -> memref<128xi32, #tpu.memory_space<vmem>>
    %dma_wait3A_489 = arith.constant 0 : i32
    %dma_wait3A_490 = arith.constant 0 : i32
    %dma_wait3A_491 = tpu.memref_slice %arg2[%dma_wait3A_489, %dma_wait3A_490] : memref<10000x256xf32, #tpu.memory_space<hbm>> -> memref<10000x256xf32, #tpu.memory_space<hbm>>
    tpu.wait_indirect_dma semaphore(%arg11 : memref<!tpu.dma_semaphore, #tpu.memory_space<semaphore_mem>>) src(%dma_wait3A_491 : memref<10000x256xf32, #tpu.memory_space<hbm>>) dst(%arg8 : memref<128x256xf32, #tpu.memory_space<vmem>>)
    %mul3A_492 = arith.constant 640 : i32
    %mul3A_493 = arith.muli %add3A, %mul3A_492 : i32
    %add3A_494 = arith.constant 448 : i32
    %add3A_495 = arith.addi %mul3A_493, %add3A_494 : i32
    %dma_start3A_496 = arith.constant 0 : i32
    %dma_start3A_497 = arith.constant 0 : i32
    %dma_start3A_498 = tpu.memref_slice %arg8[%dma_start3A_496, %dma_start3A_497] : memref<128x256xf32, #tpu.memory_space<vmem>> -> memref<64x256xf32, #tpu.memory_space<vmem>>
    %dma_start3A_499 = arith.constant 0 : i32
    %dma_start3A_500 = tpu.memref_slice %arg4[%add3A_495, %dma_start3A_499] : memref<20480x256xf32, #tpu.memory_space<hbm>> -> memref<64x256xf32, #tpu.memory_space<hbm>>
    %dma_start3A_501 = arith.constant 0 : i32
    %dma_start3A_502 = tpu.memref_slice %arg4[%add3A_495, %dma_start3A_501] : memref<20480x256xf32, #tpu.memory_space<hbm>> -> memref<64x256xf32, #tpu.memory_space<hbm>>
    %dma_start3A_503 = arith.constant 0 : i32
    %dma_start3A_504 = arith.constant 0 : i32
    %dma_start3A_505 = tpu.memref_slice %arg8[%dma_start3A_503, %dma_start3A_504] : memref<128x256xf32, #tpu.memory_space<vmem>> -> memref<64x256xf32, #tpu.memory_space<vmem>>
    tpu.enqueue_dma source(%dma_start3A_505 : memref<64x256xf32, #tpu.memory_space<vmem>>) target(%dma_start3A_502 : memref<64x256xf32, #tpu.memory_space<hbm>>) target_semaphore(%arg14 : memref<!tpu.dma_semaphore, #tpu.memory_space<semaphore_mem>>)
    %dma_start3A_506 = arith.constant 64 : i32
    %dma_start3A_507 = arith.constant 0 : i32
    %dma_start3A_508 = tpu.memref_slice %arg8[%dma_start3A_506, %dma_start3A_507] : memref<128x256xf32, #tpu.memory_space<vmem>> -> memref<64x256xf32, #tpu.memory_space<vmem>>
    %dma_start3A_509 = arith.constant 0 : i32
    %dma_start3A_510 = tpu.memref_slice %arg5[%add3A_495, %dma_start3A_509] : memref<20480x256xf32, #tpu.memory_space<hbm>> -> memref<64x256xf32, #tpu.memory_space<hbm>>
    %dma_start3A_511 = arith.constant 0 : i32
    %dma_start3A_512 = tpu.memref_slice %arg5[%add3A_495, %dma_start3A_511] : memref<20480x256xf32, #tpu.memory_space<hbm>> -> memref<64x256xf32, #tpu.memory_space<hbm>>
    %dma_start3A_513 = arith.constant 64 : i32
    %dma_start3A_514 = arith.constant 0 : i32
    %dma_start3A_515 = tpu.memref_slice %arg8[%dma_start3A_513, %dma_start3A_514] : memref<128x256xf32, #tpu.memory_space<vmem>> -> memref<64x256xf32, #tpu.memory_space<vmem>>
    tpu.enqueue_dma source(%dma_start3A_515 : memref<64x256xf32, #tpu.memory_space<vmem>>) target(%dma_start3A_512 : memref<64x256xf32, #tpu.memory_space<hbm>>) target_semaphore(%arg14 : memref<!tpu.dma_semaphore, #tpu.memory_space<semaphore_mem>>)
    %dma_wait3A_516 = arith.constant 0 : i32
    %dma_wait3A_517 = arith.constant 0 : i32
    %dma_wait3A_518 = tpu.memref_slice %arg6[%dma_wait3A_516, %dma_wait3A_517] : memref<16x128xi32, #tpu.memory_space<vmem>> -> memref<1x128xi32, #tpu.memory_space<vmem>>
    %dma_wait3A_519 = tpu.memref_squeeze %dma_wait3A_518 : memref<1x128xi32, #tpu.memory_space<vmem>> -> memref<128xi32, #tpu.memory_space<vmem>>
    %dma_wait3A_520 = arith.constant 0 : i32
    %dma_wait3A_521 = arith.constant 0 : i32
    %dma_wait3A_522 = tpu.memref_slice %arg2[%dma_wait3A_520, %dma_wait3A_521] : memref<10000x256xf32, #tpu.memory_space<hbm>> -> memref<10000x256xf32, #tpu.memory_space<hbm>>
    tpu.wait_indirect_dma semaphore(%arg12 : memref<!tpu.dma_semaphore, #tpu.memory_space<semaphore_mem>>) src(%dma_wait3A_522 : memref<10000x256xf32, #tpu.memory_space<hbm>>) dst(%arg9 : memref<128x256xf32, #tpu.memory_space<vmem>>)
    %mul3A_523 = arith.constant 640 : i32
    %mul3A_524 = arith.muli %add3A, %mul3A_523 : i32
    %add3A_525 = arith.constant 512 : i32
    %add3A_526 = arith.addi %mul3A_524, %add3A_525 : i32
    %dma_start3A_527 = arith.constant 0 : i32
    %dma_start3A_528 = arith.constant 0 : i32
    %dma_start3A_529 = tpu.memref_slice %arg9[%dma_start3A_527, %dma_start3A_528] : memref<128x256xf32, #tpu.memory_space<vmem>> -> memref<64x256xf32, #tpu.memory_space<vmem>>
    %dma_start3A_530 = arith.constant 0 : i32
    %dma_start3A_531 = tpu.memref_slice %arg4[%add3A_526, %dma_start3A_530] : memref<20480x256xf32, #tpu.memory_space<hbm>> -> memref<64x256xf32, #tpu.memory_space<hbm>>
    %dma_start3A_532 = arith.constant 0 : i32
    %dma_start3A_533 = tpu.memref_slice %arg4[%add3A_526, %dma_start3A_532] : memref<20480x256xf32, #tpu.memory_space<hbm>> -> memref<64x256xf32, #tpu.memory_space<hbm>>
    %dma_start3A_534 = arith.constant 0 : i32
    %dma_start3A_535 = arith.constant 0 : i32
    %dma_start3A_536 = tpu.memref_slice %arg9[%dma_start3A_534, %dma_start3A_535] : memref<128x256xf32, #tpu.memory_space<vmem>> -> memref<64x256xf32, #tpu.memory_space<vmem>>
    tpu.enqueue_dma source(%dma_start3A_536 : memref<64x256xf32, #tpu.memory_space<vmem>>) target(%dma_start3A_533 : memref<64x256xf32, #tpu.memory_space<hbm>>) target_semaphore(%arg15 : memref<!tpu.dma_semaphore, #tpu.memory_space<semaphore_mem>>)
    %dma_start3A_537 = arith.constant 64 : i32
    %dma_start3A_538 = arith.constant 0 : i32
    %dma_start3A_539 = tpu.memref_slice %arg9[%dma_start3A_537, %dma_start3A_538] : memref<128x256xf32, #tpu.memory_space<vmem>> -> memref<64x256xf32, #tpu.memory_space<vmem>>
    %dma_start3A_540 = arith.constant 0 : i32
    %dma_start3A_541 = tpu.memref_slice %arg5[%add3A_526, %dma_start3A_540] : memref<20480x256xf32, #tpu.memory_space<hbm>> -> memref<64x256xf32, #tpu.memory_space<hbm>>
    %dma_start3A_542 = arith.constant 0 : i32
    %dma_start3A_543 = tpu.memref_slice %arg5[%add3A_526, %dma_start3A_542] : memref<20480x256xf32, #tpu.memory_space<hbm>> -> memref<64x256xf32, #tpu.memory_space<hbm>>
    %dma_start3A_544 = arith.constant 64 : i32
    %dma_start3A_545 = arith.constant 0 : i32
    %dma_start3A_546 = tpu.memref_slice %arg9[%dma_start3A_544, %dma_start3A_545] : memref<128x256xf32, #tpu.memory_space<vmem>> -> memref<64x256xf32, #tpu.memory_space<vmem>>
    tpu.enqueue_dma source(%dma_start3A_546 : memref<64x256xf32, #tpu.memory_space<vmem>>) target(%dma_start3A_543 : memref<64x256xf32, #tpu.memory_space<hbm>>) target_semaphore(%arg15 : memref<!tpu.dma_semaphore, #tpu.memory_space<semaphore_mem>>)
    %dma_wait3A_547 = arith.constant 0 : i32
    %dma_wait3A_548 = arith.constant 0 : i32
    %dma_wait3A_549 = tpu.memref_slice %arg6[%dma_wait3A_547, %dma_wait3A_548] : memref<16x128xi32, #tpu.memory_space<vmem>> -> memref<1x128xi32, #tpu.memory_space<vmem>>
    %dma_wait3A_550 = tpu.memref_squeeze %dma_wait3A_549 : memref<1x128xi32, #tpu.memory_space<vmem>> -> memref<128xi32, #tpu.memory_space<vmem>>
    %dma_wait3A_551 = arith.constant 0 : i32
    %dma_wait3A_552 = arith.constant 0 : i32
    %dma_wait3A_553 = tpu.memref_slice %arg2[%dma_wait3A_551, %dma_wait3A_552] : memref<10000x256xf32, #tpu.memory_space<hbm>> -> memref<10000x256xf32, #tpu.memory_space<hbm>>
    tpu.wait_indirect_dma semaphore(%arg10 : memref<!tpu.dma_semaphore, #tpu.memory_space<semaphore_mem>>) src(%dma_wait3A_553 : memref<10000x256xf32, #tpu.memory_space<hbm>>) dst(%arg7 : memref<128x256xf32, #tpu.memory_space<vmem>>)
    %mul3A_554 = arith.constant 640 : i32
    %mul3A_555 = arith.muli %add3A, %mul3A_554 : i32
    %add3A_556 = arith.constant 576 : i32
    %add3A_557 = arith.addi %mul3A_555, %add3A_556 : i32
    %dma_start3A_558 = arith.constant 0 : i32
    %dma_start3A_559 = arith.constant 0 : i32
    %dma_start3A_560 = tpu.memref_slice %arg7[%dma_start3A_558, %dma_start3A_559] : memref<128x256xf32, #tpu.memory_space<vmem>> -> memref<64x256xf32, #tpu.memory_space<vmem>>
    %dma_start3A_561 = arith.constant 0 : i32
    %dma_start3A_562 = tpu.memref_slice %arg4[%add3A_557, %dma_start3A_561] : memref<20480x256xf32, #tpu.memory_space<hbm>> -> memref<64x256xf32, #tpu.memory_space<hbm>>
    %dma_start3A_563 = arith.constant 0 : i32
    %dma_start3A_564 = tpu.memref_slice %arg4[%add3A_557, %dma_start3A_563] : memref<20480x256xf32, #tpu.memory_space<hbm>> -> memref<64x256xf32, #tpu.memory_space<hbm>>
    %dma_start3A_565 = arith.constant 0 : i32
    %dma_start3A_566 = arith.constant 0 : i32
    %dma_start3A_567 = tpu.memref_slice %arg7[%dma_start3A_565, %dma_start3A_566] : memref<128x256xf32, #tpu.memory_space<vmem>> -> memref<64x256xf32, #tpu.memory_space<vmem>>
    tpu.enqueue_dma source(%dma_start3A_567 : memref<64x256xf32, #tpu.memory_space<vmem>>) target(%dma_start3A_564 : memref<64x256xf32, #tpu.memory_space<hbm>>) target_semaphore(%arg13 : memref<!tpu.dma_semaphore, #tpu.memory_space<semaphore_mem>>)
    %dma_start3A_568 = arith.constant 64 : i32
    %dma_start3A_569 = arith.constant 0 : i32
    %dma_start3A_570 = tpu.memref_slice %arg7[%dma_start3A_568, %dma_start3A_569] : memref<128x256xf32, #tpu.memory_space<vmem>> -> memref<64x256xf32, #tpu.memory_space<vmem>>
    %dma_start3A_571 = arith.constant 0 : i32
    %dma_start3A_572 = tpu.memref_slice %arg5[%add3A_557, %dma_start3A_571] : memref<20480x256xf32, #tpu.memory_space<hbm>> -> memref<64x256xf32, #tpu.memory_space<hbm>>
    %dma_start3A_573 = arith.constant 0 : i32
    %dma_start3A_574 = tpu.memref_slice %arg5[%add3A_557, %dma_start3A_573] : memref<20480x256xf32, #tpu.memory_space<hbm>> -> memref<64x256xf32, #tpu.memory_space<hbm>>
    %dma_start3A_575 = arith.constant 64 : i32
    %dma_start3A_576 = arith.constant 0 : i32
    %dma_start3A_577 = tpu.memref_slice %arg7[%dma_start3A_575, %dma_start3A_576] : memref<128x256xf32, #tpu.memory_space<vmem>> -> memref<64x256xf32, #tpu.memory_space<vmem>>
    tpu.enqueue_dma source(%dma_start3A_577 : memref<64x256xf32, #tpu.memory_space<vmem>>) target(%dma_start3A_574 : memref<64x256xf32, #tpu.memory_space<hbm>>) target_semaphore(%arg13 : memref<!tpu.dma_semaphore, #tpu.memory_space<semaphore_mem>>)
    %dma_wait3A_578 = arith.constant 0 : i32
    %dma_wait3A_579 = arith.constant 0 : i32
    %dma_wait3A_580 = tpu.memref_slice %arg8[%dma_wait3A_578, %dma_wait3A_579] : memref<128x256xf32, #tpu.memory_space<vmem>> -> memref<64x256xf32, #tpu.memory_space<vmem>>
    %dma_wait3A_581 = arith.constant 0 : i32
    %dma_wait3A_582 = arith.constant 0 : i32
    %dma_wait3A_583 = tpu.memref_slice %arg4[%dma_wait3A_581, %dma_wait3A_582] : memref<20480x256xf32, #tpu.memory_space<hbm>> -> memref<64x256xf32, #tpu.memory_space<hbm>>
    %dma_wait3A_584 = arith.constant 0 : i32
    %dma_wait3A_585 = arith.constant 0 : i32
    %dma_wait3A_586 = tpu.memref_slice %arg4[%dma_wait3A_584, %dma_wait3A_585] : memref<20480x256xf32, #tpu.memory_space<hbm>> -> memref<64x256xf32, #tpu.memory_space<hbm>>
    %dma_wait3A_587 = arith.constant 0 : i32
    %dma_wait3A_588 = arith.constant 0 : i32
    %dma_wait3A_589 = tpu.memref_slice %arg8[%dma_wait3A_587, %dma_wait3A_588] : memref<128x256xf32, #tpu.memory_space<vmem>> -> memref<64x256xf32, #tpu.memory_space<vmem>>
    tpu.wait_dma2 semaphore(%arg14 : memref<!tpu.dma_semaphore, #tpu.memory_space<semaphore_mem>>) src(%dma_wait3A_589 : memref<64x256xf32, #tpu.memory_space<vmem>>) dst(%dma_wait3A_586 : memref<64x256xf32, #tpu.memory_space<hbm>>)
    %dma_wait3A_590 = arith.constant 64 : i32
    %dma_wait3A_591 = arith.constant 0 : i32
    %dma_wait3A_592 = tpu.memref_slice %arg8[%dma_wait3A_590, %dma_wait3A_591] : memref<128x256xf32, #tpu.memory_space<vmem>> -> memref<64x256xf32, #tpu.memory_space<vmem>>
    %dma_wait3A_593 = arith.constant 0 : i32
    %dma_wait3A_594 = arith.constant 0 : i32
    %dma_wait3A_595 = tpu.memref_slice %arg5[%dma_wait3A_593, %dma_wait3A_594] : memref<20480x256xf32, #tpu.memory_space<hbm>> -> memref<64x256xf32, #tpu.memory_space<hbm>>
    %dma_wait3A_596 = arith.constant 0 : i32
    %dma_wait3A_597 = arith.constant 0 : i32
    %dma_wait3A_598 = tpu.memref_slice %arg5[%dma_wait3A_596, %dma_wait3A_597] : memref<20480x256xf32, #tpu.memory_space<hbm>> -> memref<64x256xf32, #tpu.memory_space<hbm>>
    %dma_wait3A_599 = arith.constant 64 : i32
    %dma_wait3A_600 = arith.constant 0 : i32
    %dma_wait3A_601 = tpu.memref_slice %arg8[%dma_wait3A_599, %dma_wait3A_600] : memref<128x256xf32, #tpu.memory_space<vmem>> -> memref<64x256xf32, #tpu.memory_space<vmem>>
    tpu.wait_dma2 semaphore(%arg14 : memref<!tpu.dma_semaphore, #tpu.memory_space<semaphore_mem>>) src(%dma_wait3A_601 : memref<64x256xf32, #tpu.memory_space<vmem>>) dst(%dma_wait3A_598 : memref<64x256xf32, #tpu.memory_space<hbm>>)
    %dma_wait3A_602 = arith.constant 0 : i32
    %dma_wait3A_603 = arith.constant 0 : i32
    %dma_wait3A_604 = tpu.memref_slice %arg9[%dma_wait3A_602, %dma_wait3A_603] : memref<128x256xf32, #tpu.memory_space<vmem>> -> memref<64x256xf32, #tpu.memory_space<vmem>>
    %dma_wait3A_605 = arith.constant 0 : i32
    %dma_wait3A_606 = arith.constant 0 : i32
    %dma_wait3A_607 = tpu.memref_slice %arg4[%dma_wait3A_605, %dma_wait3A_606] : memref<20480x256xf32, #tpu.memory_space<hbm>> -> memref<64x256xf32, #tpu.memory_space<hbm>>
    %dma_wait3A_608 = arith.constant 0 : i32
    %dma_wait3A_609 = arith.constant 0 : i32
    %dma_wait3A_610 = tpu.memref_slice %arg4[%dma_wait3A_608, %dma_wait3A_609] : memref<20480x256xf32, #tpu.memory_space<hbm>> -> memref<64x256xf32, #tpu.memory_space<hbm>>
    %dma_wait3A_611 = arith.constant 0 : i32
    %dma_wait3A_612 = arith.constant 0 : i32
    %dma_wait3A_613 = tpu.memref_slice %arg9[%dma_wait3A_611, %dma_wait3A_612] : memref<128x256xf32, #tpu.memory_space<vmem>> -> memref<64x256xf32, #tpu.memory_space<vmem>>
    tpu.wait_dma2 semaphore(%arg15 : memref<!tpu.dma_semaphore, #tpu.memory_space<semaphore_mem>>) src(%dma_wait3A_613 : memref<64x256xf32, #tpu.memory_space<vmem>>) dst(%dma_wait3A_610 : memref<64x256xf32, #tpu.memory_space<hbm>>)
    %dma_wait3A_614 = arith.constant 64 : i32
    %dma_wait3A_615 = arith.constant 0 : i32
    %dma_wait3A_616 = tpu.memref_slice %arg9[%dma_wait3A_614, %dma_wait3A_615] : memref<128x256xf32, #tpu.memory_space<vmem>> -> memref<64x256xf32, #tpu.memory_space<vmem>>
    %dma_wait3A_617 = arith.constant 0 : i32
    %dma_wait3A_618 = arith.constant 0 : i32
    %dma_wait3A_619 = tpu.memref_slice %arg5[%dma_wait3A_617, %dma_wait3A_618] : memref<20480x256xf32, #tpu.memory_space<hbm>> -> memref<64x256xf32, #tpu.memory_space<hbm>>
    %dma_wait3A_620 = arith.constant 0 : i32
    %dma_wait3A_621 = arith.constant 0 : i32
    %dma_wait3A_622 = tpu.memref_slice %arg5[%dma_wait3A_620, %dma_wait3A_621] : memref<20480x256xf32, #tpu.memory_space<hbm>> -> memref<64x256xf32, #tpu.memory_space<hbm>>
    %dma_wait3A_623 = arith.constant 64 : i32
    %dma_wait3A_624 = arith.constant 0 : i32
    %dma_wait3A_625 = tpu.memref_slice %arg9[%dma_wait3A_623, %dma_wait3A_624] : memref<128x256xf32, #tpu.memory_space<vmem>> -> memref<64x256xf32, #tpu.memory_space<vmem>>
    tpu.wait_dma2 semaphore(%arg15 : memref<!tpu.dma_semaphore, #tpu.memory_space<semaphore_mem>>) src(%dma_wait3A_625 : memref<64x256xf32, #tpu.memory_space<vmem>>) dst(%dma_wait3A_622 : memref<64x256xf32, #tpu.memory_space<hbm>>)
    %dma_wait3A_626 = arith.constant 0 : i32
    %dma_wait3A_627 = arith.constant 0 : i32
    %dma_wait3A_628 = tpu.memref_slice %arg7[%dma_wait3A_626, %dma_wait3A_627] : memref<128x256xf32, #tpu.memory_space<vmem>> -> memref<64x256xf32, #tpu.memory_space<vmem>>
    %dma_wait3A_629 = arith.constant 0 : i32
    %dma_wait3A_630 = arith.constant 0 : i32
    %dma_wait3A_631 = tpu.memref_slice %arg4[%dma_wait3A_629, %dma_wait3A_630] : memref<20480x256xf32, #tpu.memory_space<hbm>> -> memref<64x256xf32, #tpu.memory_space<hbm>>
    %dma_wait3A_632 = arith.constant 0 : i32
    %dma_wait3A_633 = arith.constant 0 : i32
    %dma_wait3A_634 = tpu.memref_slice %arg4[%dma_wait3A_632, %dma_wait3A_633] : memref<20480x256xf32, #tpu.memory_space<hbm>> -> memref<64x256xf32, #tpu.memory_space<hbm>>
    %dma_wait3A_635 = arith.constant 0 : i32
    %dma_wait3A_636 = arith.constant 0 : i32
    %dma_wait3A_637 = tpu.memref_slice %arg7[%dma_wait3A_635, %dma_wait3A_636] : memref<128x256xf32, #tpu.memory_space<vmem>> -> memref<64x256xf32, #tpu.memory_space<vmem>>
    tpu.wait_dma2 semaphore(%arg13 : memref<!tpu.dma_semaphore, #tpu.memory_space<semaphore_mem>>) src(%dma_wait3A_637 : memref<64x256xf32, #tpu.memory_space<vmem>>) dst(%dma_wait3A_634 : memref<64x256xf32, #tpu.memory_space<hbm>>)
    %dma_wait3A_638 = arith.constant 64 : i32
    %dma_wait3A_639 = arith.constant 0 : i32
    %dma_wait3A_640 = tpu.memref_slice %arg7[%dma_wait3A_638, %dma_wait3A_639] : memref<128x256xf32, #tpu.memory_space<vmem>> -> memref<64x256xf32, #tpu.memory_space<vmem>>
    %dma_wait3A_641 = arith.constant 0 : i32
    %dma_wait3A_642 = arith.constant 0 : i32
    %dma_wait3A_643 = tpu.memref_slice %arg5[%dma_wait3A_641, %dma_wait3A_642] : memref<20480x256xf32, #tpu.memory_space<hbm>> -> memref<64x256xf32, #tpu.memory_space<hbm>>
    %dma_wait3A_644 = arith.constant 0 : i32
    %dma_wait3A_645 = arith.constant 0 : i32
    %dma_wait3A_646 = tpu.memref_slice %arg5[%dma_wait3A_644, %dma_wait3A_645] : memref<20480x256xf32, #tpu.memory_space<hbm>> -> memref<64x256xf32, #tpu.memory_space<hbm>>
    %dma_wait3A_647 = arith.constant 64 : i32
    %dma_wait3A_648 = arith.constant 0 : i32
    %dma_wait3A_649 = tpu.memref_slice %arg7[%dma_wait3A_647, %dma_wait3A_648] : memref<128x256xf32, #tpu.memory_space<vmem>> -> memref<64x256xf32, #tpu.memory_space<vmem>>
    tpu.wait_dma2 semaphore(%arg13 : memref<!tpu.dma_semaphore, #tpu.memory_space<semaphore_mem>>) src(%dma_wait3A_649 : memref<64x256xf32, #tpu.memory_space<vmem>>) dst(%dma_wait3A_646 : memref<64x256xf32, #tpu.memory_space<hbm>>)
    return
  }
}

module attributes {stable_mosaic.version = 14 : i64} {
  func.func @_gnn_mm(%arg0: i32, %arg1: memref<1x2000x128xf32, #tpu.memory_space<vmem>>, %arg2: memref<1x2000x128xf32, #tpu.memory_space<vmem>>, %arg3: memref<2000x1xf32, #tpu.memory_space<vmem>>, %arg4: memref<2000x1xf32, #tpu.memory_space<vmem>>, %arg5: memref<1x128x256xf32, #tpu.memory_space<vmem>>, %arg6: memref<1x128x256xf32, #tpu.memory_space<vmem>>, %arg7: memref<1x256xf32, #tpu.memory_space<vmem>>, %arg8: memref<2000x256xf32, #tpu.memory_space<vmem>>) attributes {dimension_semantics = [#tpu.dimension_semantics<arbitrary>], iteration_bounds = array<i64: 5>, scalar_prefetch = 0 : i64, scratch_operands = 0 : i64, tpu.core_type = #tpu.core_type<tc>, window_params = [{transform_indices = @transform_0, window_bounds = array<i64: 1, 2000, 128>}, {transform_indices = @transform_1, window_bounds = array<i64: 1, 2000, 128>}, {transform_indices = @transform_2, window_bounds = array<i64: 2000, 1>}, {transform_indices = @transform_3, window_bounds = array<i64: 2000, 1>}, {transform_indices = @transform_4, window_bounds = array<i64: 1, 128, 256>}, {transform_indices = @transform_5, window_bounds = array<i64: 1, 128, 256>}, {pipeline_mode = #tpu.pipeline_mode<synchronous>, transform_indices = @transform_6, window_bounds = array<i64: 1, 256>}, {transform_indices = @transform_7, window_bounds = array<i64: 2000, 256>}]} {
    %get3A = arith.constant 0 : index
    %get3A_0 = arith.constant 0 : index
    %get3A_1 = vector.load %arg3[%get3A, %get3A_0] : memref<2000x1xf32, #tpu.memory_space<vmem>>, vector<2000x1xf32>
    %get3A_2 = arith.constant 0 : index
    %get3A_3 = arith.constant 0 : index
    %get3A_4 = vector.load %arg4[%get3A_2, %get3A_3] : memref<2000x1xf32, #tpu.memory_space<vmem>>, vector<2000x1xf32>
    %add3A = arith.addf %get3A_1, %get3A_4 : vector<2000x1xf32>
    %max3A = arith.constant 1.000000e+00 : f32
    %max3A_5 = vector.broadcast %max3A : f32 to vector<2000x1xf32>
    %max3A_6 = arith.maximumf %add3A, %max3A_5 : vector<2000x1xf32>
    %div3A = arith.constant 1.000000e+00 : f32
    %div3A_7 = vector.broadcast %div3A : f32 to vector<2000x1xf32>
    %div3A_8 = arith.divf %div3A_7, %max3A_6 : vector<2000x1xf32>
    %get3A_9 = arith.constant 0 : index
    %get3A_10 = arith.constant 0 : index
    %get3A_11 = arith.constant 0 : index
    %get3A_12 = vector.load %arg1[%get3A_9, %get3A_10, %get3A_11] : memref<1x2000x128xf32, #tpu.memory_space<vmem>>, vector<1x2000x128xf32>
    %get3A_13 = vector.shape_cast %get3A_12 : vector<1x2000x128xf32> to vector<2000x128xf32>
    %mul3A = vector.broadcast %div3A_8 : vector<2000x1xf32> to vector<2000x128xf32>
    %mul3A_14 = arith.mulf %get3A_13, %mul3A : vector<2000x128xf32>
    %get3A_15 = arith.constant 0 : index
    %get3A_16 = arith.constant 0 : index
    %get3A_17 = arith.constant 0 : index
    %get3A_18 = vector.load %arg5[%get3A_15, %get3A_16, %get3A_17] : memref<1x128x256xf32, #tpu.memory_space<vmem>>, vector<1x128x256xf32>
    %get3A_19 = vector.shape_cast %get3A_18 : vector<1x128x256xf32> to vector<128x256xf32>
    %dot_general3A = arith.constant dense<0.000000e+00> : vector<2000x256xf32>
    %dot_general3A_20 = tpu.matmul %mul3A_14, %get3A_19, %dot_general3A {dimension_numbers = #tpu.dot_dimension_numbers<[1], [0], [0], [1], [0, 0, 1, 1], [], []>, transpose_lhs_hint = false} : vector<2000x128xf32>, vector<128x256xf32>, vector<2000x256xf32> -> vector<2000x256xf32>
    %get3A_21 = arith.constant 0 : index
    %get3A_22 = arith.constant 0 : index
    %get3A_23 = arith.constant 0 : index
    %get3A_24 = vector.load %arg2[%get3A_21, %get3A_22, %get3A_23] : memref<1x2000x128xf32, #tpu.memory_space<vmem>>, vector<1x2000x128xf32>
    %get3A_25 = vector.shape_cast %get3A_24 : vector<1x2000x128xf32> to vector<2000x128xf32>
    %mul3A_26 = vector.broadcast %div3A_8 : vector<2000x1xf32> to vector<2000x128xf32>
    %mul3A_27 = arith.mulf %get3A_25, %mul3A_26 : vector<2000x128xf32>
    %get3A_28 = arith.constant 0 : index
    %get3A_29 = arith.constant 0 : index
    %get3A_30 = arith.constant 0 : index
    %get3A_31 = vector.load %arg6[%get3A_28, %get3A_29, %get3A_30] : memref<1x128x256xf32, #tpu.memory_space<vmem>>, vector<1x128x256xf32>
    %get3A_32 = vector.shape_cast %get3A_31 : vector<1x128x256xf32> to vector<128x256xf32>
    %dot_general3A_33 = arith.constant dense<0.000000e+00> : vector<2000x256xf32>
    %dot_general3A_34 = tpu.matmul %mul3A_27, %get3A_32, %dot_general3A_33 {dimension_numbers = #tpu.dot_dimension_numbers<[1], [0], [0], [1], [0, 0, 1, 1], [], []>, transpose_lhs_hint = false} : vector<2000x128xf32>, vector<128x256xf32>, vector<2000x256xf32> -> vector<2000x256xf32>
    %add3A_35 = arith.addf %dot_general3A_20, %dot_general3A_34 : vector<2000x256xf32>
    %get3A_36 = arith.constant 0 : index
    %get3A_37 = arith.constant 0 : index
    %get3A_38 = vector.load %arg7[%get3A_36, %get3A_37] : memref<1x256xf32, #tpu.memory_space<vmem>>, vector<1x256xf32>
    %add3A_39 = vector.broadcast %get3A_38 : vector<1x256xf32> to vector<2000x256xf32>
    %add3A_40 = arith.addf %add3A_35, %add3A_39 : vector<2000x256xf32>
    %max3A_41 = arith.constant 0.000000e+00 : f32
    %max3A_42 = vector.broadcast %max3A_41 : f32 to vector<2000x256xf32>
    %max3A_43 = arith.maximumf %add3A_40, %max3A_42 : vector<2000x256xf32>
    %swap3A = arith.constant 0 : index
    %swap3A_44 = arith.constant 0 : index
    %swap3A_45 = vector.load %arg8[%swap3A, %swap3A_44] : memref<2000x256xf32, #tpu.memory_space<vmem>>, vector<2000x256xf32>
    tpu.vector_store %arg8[%swap3A, %swap3A_44], %max3A_43 {strides = array<i32>} : memref<2000x256xf32, #tpu.memory_space<vmem>>, vector<2000x256xf32>,
    return
  }
  func.func @transform_0(%arg0: i32) -> (i32, i32, i32) {
    %c0_i32 = arith.constant 0 : i32
    %c0_i32_0 = arith.constant 0 : i32
    %c0_i32_1 = arith.constant 0 : i32
    return %c0_i32, %arg0, %c0_i32_0 : i32, i32, i32
  }
  func.func @transform_1(%arg0: i32) -> (i32, i32, i32) {
    %c1_i32 = arith.constant 1 : i32
    %c0_i32 = arith.constant 0 : i32
    %c0_i32_0 = arith.constant 0 : i32
    return %c1_i32, %arg0, %c0_i32 : i32, i32, i32
  }
  func.func @transform_2(%arg0: i32) -> (i32, i32) {
    %c0_i32 = arith.constant 0 : i32
    %c0_i32_0 = arith.constant 0 : i32
    return %arg0, %c0_i32 : i32, i32
  }
  func.func @transform_3(%arg0: i32) -> (i32, i32) {
    %c0_i32 = arith.constant 0 : i32
    %c0_i32_0 = arith.constant 0 : i32
    return %arg0, %c0_i32 : i32, i32
  }
  func.func @transform_4(%arg0: i32) -> (i32, i32, i32) {
    %c0_i32 = arith.constant 0 : i32
    %c0_i32_0 = arith.constant 0 : i32
    %c0_i32_1 = arith.constant 0 : i32
    %c0_i32_2 = arith.constant 0 : i32
    return %c0_i32, %c0_i32_0, %c0_i32_1 : i32, i32, i32
  }
  func.func @transform_5(%arg0: i32) -> (i32, i32, i32) {
    %c1_i32 = arith.constant 1 : i32
    %c0_i32 = arith.constant 0 : i32
    %c0_i32_0 = arith.constant 0 : i32
    %c0_i32_1 = arith.constant 0 : i32
    return %c1_i32, %c0_i32, %c0_i32_0 : i32, i32, i32
  }
  func.func @transform_6(%arg0: i32) -> (i32, i32) {
    %c0_i32 = arith.constant 0 : i32
    %c0_i32_0 = arith.constant 0 : i32
    %c0_i32_1 = arith.constant 0 : i32
    return %c0_i32, %c0_i32_0 : i32, i32
  }
  func.func @transform_7(%arg0: i32) -> (i32, i32) {
    %c0_i32 = arith.constant 0 : i32
    %c0_i32_0 = arith.constant 0 : i32
    return %arg0, %c0_i32 : i32, i32
  }
}

module attributes {stable_mosaic.version = 14 : i64} {
  func.func @_mlp(%arg0: i32, %arg1: memref<4096x256xf32, #tpu.memory_space<vmem>>, %arg2: memref<4096x256xf32, #tpu.memory_space<vmem>>, %arg3: memref<256x128xf32, #tpu.memory_space<vmem>>, %arg4: memref<1x128xf32, #tpu.memory_space<vmem>>, %arg5: memref<1x128xf32, #tpu.memory_space<vmem>>, %arg6: memref<1x1xf32, #tpu.memory_space<vmem>>, %arg7: memref<4096x1xf32, #tpu.memory_space<vmem>>) attributes {dimension_semantics = [#tpu.dimension_semantics<arbitrary>], iteration_bounds = array<i64: 5>, scalar_prefetch = 0 : i64, scratch_operands = 0 : i64, tpu.core_type = #tpu.core_type<tc>, window_params = [{transform_indices = @transform_0, window_bounds = array<i64: 4096, 256>}, {transform_indices = @transform_1, window_bounds = array<i64: 4096, 256>}, {pipeline_mode = #tpu.pipeline_mode<synchronous>, transform_indices = @transform_2, window_bounds = array<i64: 256, 128>}, {pipeline_mode = #tpu.pipeline_mode<synchronous>, transform_indices = @transform_3, window_bounds = array<i64: 1, 128>}, {pipeline_mode = #tpu.pipeline_mode<synchronous>, transform_indices = @transform_4, window_bounds = array<i64: 1, 128>}, {pipeline_mode = #tpu.pipeline_mode<synchronous>, transform_indices = @transform_5, window_bounds = array<i64: 1, 1>}, {transform_indices = @transform_6, window_bounds = array<i64: 4096, 1>}]} {
    %get3A = arith.constant 0 : index
    %get3A_0 = arith.constant 0 : index
    %get3A_1 = vector.load %arg1[%get3A, %get3A_0] : memref<4096x256xf32, #tpu.memory_space<vmem>>, vector<4096x256xf32>
    %get3A_2 = arith.constant 0 : index
    %get3A_3 = arith.constant 0 : index
    %get3A_4 = vector.load %arg2[%get3A_2, %get3A_3] : memref<4096x256xf32, #tpu.memory_space<vmem>>, vector<4096x256xf32>
    %mul3A = arith.mulf %get3A_1, %get3A_4 : vector<4096x256xf32>
    %get3A_5 = arith.constant 0 : index
    %get3A_6 = arith.constant 0 : index
    %get3A_7 = vector.load %arg3[%get3A_5, %get3A_6] : memref<256x128xf32, #tpu.memory_space<vmem>>, vector<256x128xf32>
    %dot_general3A = arith.constant dense<0.000000e+00> : vector<4096x128xf32>
    %dot_general3A_8 = tpu.matmul %mul3A, %get3A_7, %dot_general3A {dimension_numbers = #tpu.dot_dimension_numbers<[1], [0], [0], [1], [0, 0, 1, 1], [], []>, transpose_lhs_hint = false} : vector<4096x256xf32>, vector<256x128xf32>, vector<4096x128xf32> -> vector<4096x128xf32>
    %get3A_9 = arith.constant 0 : index
    %get3A_10 = arith.constant 0 : index
    %get3A_11 = vector.load %arg4[%get3A_9, %get3A_10] : memref<1x128xf32, #tpu.memory_space<vmem>>, vector<1x128xf32>
    %add3A = vector.broadcast %get3A_11 : vector<1x128xf32> to vector<4096x128xf32>
    %add3A_12 = arith.addf %dot_general3A_8, %add3A : vector<4096x128xf32>
    %max3A = arith.constant 0.000000e+00 : f32
    %max3A_13 = vector.broadcast %max3A : f32 to vector<4096x128xf32>
    %max3A_14 = arith.maximumf %add3A_12, %max3A_13 : vector<4096x128xf32>
    %get3A_15 = arith.constant 0 : index
    %get3A_16 = arith.constant 0 : index
    %get3A_17 = vector.load %arg5[%get3A_15, %get3A_16] : memref<1x128xf32, #tpu.memory_space<vmem>>, vector<1x128xf32>
    %mul3A_18 = vector.broadcast %get3A_17 : vector<1x128xf32> to vector<4096x128xf32>
    %mul3A_19 = arith.mulf %max3A_14, %mul3A_18 : vector<4096x128xf32>
    %reduce_sum3A = arith.constant dense<0.000000e+00> : vector<4096xf32>
    %reduce_sum3A_20 = vector.multi_reduction <add>, %mul3A_19, %reduce_sum3A [1] : vector<4096x128xf32> to vector<4096xf32>
    %broadcast_in_dim3A = vector.shape_cast %reduce_sum3A_20 : vector<4096xf32> to vector<4096x1xf32>
    %get3A_21 = arith.constant 0 : index
    %get3A_22 = arith.constant 0 : index
    %get3A_23 = vector.load %arg6[%get3A_21, %get3A_22] : memref<1x1xf32, #tpu.memory_space<vmem>>, vector<1x1xf32>
    %add3A_24 = vector.broadcast %get3A_23 : vector<1x1xf32> to vector<4096x1xf32>
    %add3A_25 = arith.addf %broadcast_in_dim3A, %add3A_24 : vector<4096x1xf32>
    %neg3A = arith.constant 0.000000e+00 : f32
    %neg3A_26 = vector.broadcast %neg3A : f32 to vector<4096x1xf32>
    %neg3A_27 = arith.subf %neg3A_26, %add3A_25 : vector<4096x1xf32>
    %exp3A = math.exp %neg3A_27 : vector<4096x1xf32>
    %add3A_28 = arith.constant 1.000000e+00 : f32
    %add3A_29 = vector.broadcast %add3A_28 : f32 to vector<4096x1xf32>
    %add3A_30 = arith.addf %add3A_29, %exp3A : vector<4096x1xf32>
    %div3A = arith.constant 1.000000e+00 : f32
    %div3A_31 = vector.broadcast %div3A : f32 to vector<4096x1xf32>
    %div3A_32 = arith.divf %div3A_31, %add3A_30 : vector<4096x1xf32>
    %swap3A = arith.constant 0 : index
    %swap3A_33 = arith.constant 0 : index
    %swap3A_34 = vector.load %arg7[%swap3A, %swap3A_33] : memref<4096x1xf32, #tpu.memory_space<vmem>>, vector<4096x1xf32>
    tpu.vector_store %arg7[%swap3A, %swap3A_33], %div3A_32 {strides = array<i32>} : memref<4096x1xf32, #tpu.memory_space<vmem>>, vector<4096x1xf32>,
    return
  }
  func.func @transform_0(%arg0: i32) -> (i32, i32) {
    %c0_i32 = arith.constant 0 : i32
    %c0_i32_0 = arith.constant 0 : i32
    return %arg0, %c0_i32 : i32, i32
  }
  func.func @transform_1(%arg0: i32) -> (i32, i32) {
    %c0_i32 = arith.constant 0 : i32
    %c0_i32_0 = arith.constant 0 : i32
    return %arg0, %c0_i32 : i32, i32
  }
  func.func @transform_2(%arg0: i32) -> (i32, i32) {
    %c0_i32 = arith.constant 0 : i32
    %c0_i32_0 = arith.constant 0 : i32
    %c0_i32_1 = arith.constant 0 : i32
    return %c0_i32, %c0_i32_0 : i32, i32
  }
  func.func @transform_3(%arg0: i32) -> (i32, i32) {
    %c0_i32 = arith.constant 0 : i32
    %c0_i32_0 = arith.constant 0 : i32
    %c0_i32_1 = arith.constant 0 : i32
    return %c0_i32, %c0_i32_0 : i32, i32
  }
  func.func @transform_4(%arg0: i32) -> (i32, i32) {
    %c0_i32 = arith.constant 0 : i32
    %c0_i32_0 = arith.constant 0 : i32
    %c0_i32_1 = arith.constant 0 : i32
    return %c0_i32, %c0_i32_0 : i32, i32
  }
  func.func @transform_5(%arg0: i32) -> (i32, i32) {
    %c0_i32 = arith.constant 0 : i32
    %c0_i32_0 = arith.constant 0 : i32
    %c0_i32_1 = arith.constant 0 : i32
    return %c0_i32, %c0_i32_0 : i32, i32
  }
  func.func @transform_6(%arg0: i32) -> (i32, i32) {
    %c0_i32 = arith.constant 0 : i32
    %c0_i32_0 = arith.constant 0 : i32
    return %arg0, %c0_i32 : i32, i32
  }
}

</mosaic_0001>

<sc_bundles>
// kernel: kernel.6.cloned.1.call-start
scs
__scs_entry_jumppad:
0x0: {  	(pc) =	sbr.rel $0x88, $3  }
0x1: {  	(tag) =	ssettag $0x0;
	lr =	simm.s32 $0x1  }
0x2: {  	[smem:$0x3F98] =	sst lr;
	_ =	strace $0xD0000000  }
0x3: {  	_ = 	snop  }
0x4: {  	_ = 	snop  }
0x5: {  	_ = 	snop  }
0x6: {  	_ = 	snop  }
0x7: {  	_ = 	snop  }
__scs_overlays_trampoline_lowered:
0x8: {  	[smem:$0x3FA7] =	sst s0  }
0x9: {  	[smem:$0x3FA8] =	sst s1  }
0xa: {  	[smem:$0x3FA9] =	sst s2  }
0xb: {  	[smem:$0x3FAA] =	sst s3  }
0xc: {  	[smem:$0x3FAB] =	sst s4  }
0xd: {  	[smem:$0x3FAC] =	sst s5  }
0xe: {  	[smem:$0x3FAD] =	sst s6  }
0xf: {  	[smem:$0x3FAE] =	sst s7  }
0x10: {  	[smem:$0x3FAF] =	sst s8  }
0x11: {  	[smem:$0x3FB0] =	sst s9;
	s0 =	simm.s32 @!p0 $0x0  }
0x12: {  	s1 =	sld [smem:$0x3F96];
	s0 =	simm.s32 @p0 $0x1  }
0x13: {  	[smem:$0x3FB1] =	sst s0;
	s0 =	simm.s32 @!p1 $0x0  }
0x14: {  	s2 =	sld [smem:$0x3F95];
	s0 =	simm.s32 @p1 $0x1  }
0x15: {  	[smem:$0x3FB2] =	sst s0;
	s0 =	simm.s32 @!p2 $0x0  }
0x16: {  	s3 =	sld [smem:$0x3FDB];
	s0 =	simm.s32 @p2 $0x1  }
0x17: {  	s4 =	simm.s32 $0x1BF5;
	[smem:$0x3FB4] =	sst s0  }
0x18: {  	s0 =	sld [smem:$0x3F97];
	_ =	swait.ge [sflag:s4], $0x0  }
0x19: {  	s7 =	sld [smem:$0x3F98]  }
0x1a: {  	s8 =	sadd.s32 $0xFFFFE003, lr  }
0x1b: {  	s9 =	sadd.s32 $0xFFFFFEF7, lr;
	s5 =	simm.s32 $0xFFFFFFFF;
	p2 =	slt.u32 s8, $0xFFFFF086  }
0x1c: {  	p1 =	slt.u32 s9, $0xF7A;
	s5 =	simm.s32 @!p2 $0x0  }
0x1d: {  	s5 =	simm.s32 @p1 $0x1;
	p0 =	seq.s32 s7, s2  }
0x1e: {  	s7 =	smul.u32 @!p0 $0xF7A, s2;
	p2 =	seq.s32 @!p0 s5, $0x0  }
0x1f: {  	s9 =	smul.u32 $0xF7A, s1;
	s8 =	simm.s32 @!p0 $0x1BF5;
	p2 =	por !p2, p0  }
0x20: {  	[sflag:s8] =	ssyncset.s32 @!p0 $0xFFFFF086;
	s6 =	sadd.s32 @!p0 s3, s7;
	s7 =	simm.s32 @!p0 $0x108  }
0x21: {  	s3 =	sadd.s32 s3, s9;
	s6 =	sadd.s32 @!p0 $0x88, s6;
	s7 =	simm.s32 @p2 $0x1082  }
0x22: {  	[simem:s7], [sflag:s8] =	dma.local @!p0 [hbm:s6], $0xF7A  }
0x23: {  	s9 =	sor.u32 $0xD0000000, s2;
	s6 =	simm.s32 $0x108;
	_ =	swait.ge @!p0 [sflag:s8], $0x0  }
0x24: {  	s3 =	sadd.s32 $0x88, s3;
	s6 =	simm.s32 @!p1 $0x1082;
	[sflag:s4] =	ssyncset.s32 $0xFFFFF086  }
0x25: {  	[simem:s6], [sflag:s4] =	dma.local [hbm:s3], $0xF7A  }
0x26: {  	[smem:$0x3F98] =	sst s1;
	(tag) =	ssettag s2;
	_ =	strace s9  }
0x27: {  	s1 =	sld [smem:$0x3FA8]  }
0x28: {  	s2 =	sld [smem:$0x3FA9]  }
0x29: {  	s4 =	sld [smem:$0x3FAB]  }
0x2a: {  	p0 =	seq.s32 s5, $0x0;
	s5 =	sld [smem:$0x3FAC]  }
0x2b: {  	s6 =	sld [smem:$0x3FAD]  }
0x2c: {  	s7 =	sld [smem:$0x3FAE]  }
0x2d: {  	s3 =	simm.s32 $0x108;
	s8 =	sld [smem:$0x3FAF]  }
0x2e: {  	s3 =	simm.s32 @!p0 $0x1082;
	s9 =	sld [smem:$0x3FB0]  }
0x2f: {  	lr =	sadd.s32 s0, s3;
	s0 =	sld [smem:$0x3FA7]  }
0x30: {  	s3 =	sld [smem:$0x3FAA]  }
0x31: {  	[smem:$0x3FB3] =	sst s10  }
0x32: {  	s10 =	sld [smem:$0x3FB1];
	_ =	sdelay $0x3  }
0x33: {  	p0 =	seq.s32 s10, $0x1;
	s10 =	sld [smem:$0x3FB3];
	_ =	sdelay $0x3  }
0x34: {  	[smem:$0x3FB3] =	sst s10  }
0x35: {  	s10 =	sld [smem:$0x3FB2];
	_ =	sdelay $0x3  }
0x36: {  	p1 =	seq.s32 s10, $0x1;
	s10 =	sld [smem:$0x3FB3];
	_ =	sdelay $0x3  }
0x37: {  	[smem:$0x3FB3] =	sst s10  }
0x38: {  	s10 =	sld [smem:$0x3FB4]  }
0x39: {  	_ = 	snop;
	(pc) =	sbr.ind lr, $3  }
0x3a: {  	_ = 	snop  }
0x3b: {  	_ = 	snop  }
0x3c: {  	p2 =	seq.s32 s10, $0x1;
	s10 =	sld [smem:$0x3FB3]  }
0x3d: {  	_ =	shalt  }
0x3e: {  	_ =	shalt  }
0x3f: {  	_ =	shalt  }
0x40: {  	_ =	shalt  }
0x41: {  	_ =	shalt  }
0x42: {  	_ =	shalt  }
0x43: {  	_ =	shalt  }
0x44: {  	_ =	shalt  }
0x45: {  	_ =	shalt  }
0x46: {  	_ =	shalt  }
0x47: {  	_ =	shalt  }
0x48: {  	_ =	shalt  }
0x49: {  	_ =	shalt  }
0x4a: {  	_ =	shalt  }
0x4b: {  	_ =	shalt  }
0x4c: {  	_ =	shalt  }
0x4d: {  	_ =	shalt  }
0x4e: {  	_ =	shalt  }
0x4f: {  	_ =	shalt  }
0x50: {  	_ =	shalt  }
0x51: {  	_ =	shalt  }
0x52: {  	_ =	shalt  }
0x53: {  	_ =	shalt  }
0x54: {  	_ =	shalt  }
0x55: {  	_ =	shalt  }
0x56: {  	_ =	shalt  }
0x57: {  	_ =	shalt  }
0x58: {  	_ =	shalt  }
0x59: {  	_ =	shalt  }
0x5a: {  	_ =	shalt  }
0x5b: {  	_ =	shalt  }
0x5c: {  	_ =	shalt  }
0x5d: {  	_ =	shalt  }
0x5e: {  	_ =	shalt  }
0x5f: {  	_ =	shalt  }
0x60: {  	_ =	shalt  }
0x61: {  	_ =	shalt  }
0x62: {  	_ =	shalt  }
0x63: {  	_ =	shalt  }
0x64: {  	_ =	shalt  }
0x65: {  	_ =	shalt  }
0x66: {  	_ =	shalt  }
0x67: {  	_ =	shalt  }
0x68: {  	_ =	shalt  }
0x69: {  	_ =	shalt  }
0x6a: {  	_ =	shalt  }
0x6b: {  	_ =	shalt  }
0x6c: {  	_ =	shalt  }
0x6d: {  	_ =	shalt  }
0x6e: {  	_ =	shalt  }
0x6f: {  	_ =	shalt  }
0x70: {  	_ =	shalt  }
0x71: {  	_ =	shalt  }
0x72: {  	_ =	shalt  }
0x73: {  	_ =	shalt  }
0x74: {  	_ =	shalt  }
0x75: {  	_ =	shalt  }
0x76: {  	_ =	shalt  }
0x77: {  	_ =	shalt  }
0x78: {  	_ =	shalt  }
0x79: {  	_ =	shalt  }
0x7a: {  	_ =	shalt  }
0x7b: {  	_ =	shalt  }
0x7c: {  	_ =	shalt  }
0x7d: {  	_ =	shalt  }
0x7e: {  	_ =	shalt  }
0x7f: {  	_ =	shalt  }
0x80: {  	_ =	shalt  }
0x81: {  	_ =	shalt  }
0x82: {  	_ =	shalt  }
0x83: {  	_ =	shalt  }
0x84: {  	_ =	shalt  }
0x85: {  	_ =	shalt  }
0x86: {  	_ =	shalt  }
0x87: {  	_ =	shalt  }
.Lfunc_end0:
.L_simem_size_0:
called_computation_lowered:
.L_overlay_start_0:
0x88: {  	s2 =	sld [smem:$0x3FD9]  }
0x89: {  	s3 =	sld [smem:$0x3FFE];
	_ =	sdelay $0x1  }
0x8a: {  	s1 =	srdreg.scid  }
0x8b: {  	s0 =	sand.u32 $0x1, s1  }
0x8c: {  	s17 =	sshll.u32 s0, $0xA;
	s2 =	sadd.s32 s3, s2  }
0x8d: {  	s2 =	sadd.s32 s2, s17  }
0x8e: {  	[smem:$0x3FBF] =	sst s2  }
0x8f: {  	_ = 	snop  }
0x90: {  	s2 =	sld [smem:$0x3FD0];
	(tm) =	ssettm $0x1  }
0x91: {  	s18 =	sld [smem:$0x3FFB];
	_ =	sdelay $0x3  }
0x92: {  	_ =	strace s18  }
0x93: {  	s3 =	sld [smem:$0x3FFC];
	_ =	sdelay $0x3  }
0x94: {  	_ =	strace s3  }
0x95: {  	s3 =	sld [smem:$0x3FFD];
	_ =	sdelay $0x3  }
0x96: {  	_ =	strace s3  }
0x97: {  	_ =	strace $0x8FFFFFFF  }
0x98: {  	s19 =	sld [smem:$0x3FDB];
	_ =	sdelay $0x1  }
0x99: {  	s4 =	simm.s32 $_scs_section_size  }
0x9a: {  	s5 =	simm.s32 $_size__tile_overlayer_lowered;
	s6 =	simm.s32 $_tile_overlayer_lowered  }
0x9b: {  	s22 =	simm.s32 $0x1BFF;
	s21 =	sshll.u32 s6, $0x1;
	s3 =	sadd.s32 s4, s19  }
0x9c: {  	s7 =	simm.s32 $0x0;
	s20 =	sshll.u32 s5, $0x1;
	s5 =	sadd.s32 s21, s3  }
0x9d: {  	[timem:s7], [sflag:s22] =	dma.local [hbm:s5], s20  }
0x9e: {  	_ =	swait.ge [sflag:s22], s20  }
0x9f: {  	s4 =	ssub.s32 $0x0, s20;
	[sflag:s22] =	ssyncset.done $0x0  }
0xa0: {  	[sflag:s22] =	ssyncadd.s32 s4;
	_ =	sdelay $0x1  }
0xa1: {  	s23 =	simm.s32 $0x1B8B  }
0xa2: {  	_ =	swait.ge [sflag:s23], $0x1  }
0xa3: {  	[sflag:s23] =	ssyncset.done $0x0  }
0xa4: {  	s25 =	simm.s32 $0x1B8E;
	s24 =	sld [smem:$0x3FFE];
	[sflag:s23] =	ssyncadd.s32 $0xFFFFFFFF  }
0xa5: {  	s26 =	simm.s32 $execute0_lowered;
	[smem:$0x3FD2] =	sst s25  }
0xa6: {  	s5 =	sshll.u32 s26, $0x1;
	_ =	strace $0x80000046;
	[dreg:$0x1] =	wrdreg $0xFFFFFFFF  }
0xa7: {  	s28 =	simm.s32 $_size_execute0_lowered;
	s3 =	sadd.s32 s3, s5;
	[dreg:$0x0] =	wrdreg $0x0  }
0xa8: {  	s5 =	sshll.u32 s28, $0x1;
	[dreg:$0x2] =	wrdreg s3  }
0xa9: {  	[dreg:$0x3] =	wrdreg s5  }
0xaa: {  	[dreg:$0x4] =	wrdreg $0xC0  }
0xab: {  	_ =	task [dreg:s7], $0x5FFFF  }
0xac: {  	[dreg:$0x1] =	wrdreg $0xFFFFFFFF  }
0xad: {  	[dreg:$0x0] =	wrdreg $0x60  }
0xae: {  	[dreg:$0x2] =	wrdreg s24  }
0xaf: {  	[dreg:$0x3] =	wrdreg s2  }
0xb0: {  	[dreg:$0x4] =	wrdreg $0x0  }
0xb1: {  	[dreg:$0x5] =	wrdreg $0x13C000  }
0xb2: {  	[dreg:$0x6] =	wrdreg $0x9  }
0xb3: {  	_ =	task.clear_ibuf [dreg:s7], $0x7FFFF;
	_ =	strace $0x90000046  }
0xb4: {  	s29 =	simm.s32 $0x9;
	_ =	strace $0x80000048  }
0xb5: {  	_ =	swait.ge [sflag:s29], $0x1  }
0xb6: {  	[sflag:s29] =	ssyncadd.s32 $0xFFFFFFFF  }
0xb7: {  	_ =	strace $0x90000048  }
0xb8: {  	_ =	sfence  }
0xb9: {  	s30 =	sld [smem:$0x0];
	_ =	sdelay $0x2  }
0xba: {  	s31 =	sshll.u32 s1, $0xD;
	s1 =	sshrl.u32 s1, $0x2  }
0xbb: {  	s3 =	sand.u32 $0x4000, s31;
	s1 =	sadd.s32 s1, s30  }
0xbc: {  	s0 =	sor.u32 s3, s0;
	s1 =	sshll.u32 s1, $0x11  }
0xbd: {  	s0 =	sor.u32 s1, s0  }
0xbe: {  	s0 =	sadd.s32 $0x8F2B, s0  }
0xbf: {  	[sflag:s0] =	ssyncadd.remote.s32 $0x1  }
0xc0: {  	_ =	sfence.sel $0xFFFF  }
0xc1: {  	[dreg:$0x0] =	wrdreg $0xFFFFFFFF;
	(pc) =	sbr.abs _section_cstart, $3  }
0xc2: {  	[dreg:$0x1] =	wrdreg $0xFFFFFFFF  }
0xc3: {  	_ =	task.clear_ibuf [dreg:s7], $0x2FFFF;
	_ =	strace $0x9FFFFFFF  }
0xc4: {  	(tm) =	ssettm $0x7FFFFFFF  }
0xc5: {  	_ =	shalt  }
tec
execute0_lowered:
.L_overlay_start_1:
0x0: {  	(tag) =	ssettag $0x1  }
0x1: {  	s0 =	rddreg [dreg:$0x0]  }
0x2: {  	s2 =	rddreg [dreg:$0x2]  }
0x3: {  	s3 =	rddreg [dreg:$0x3]  }
0x4: {  	s1 =	srdreg.scid;
	s5 =	simm.s32 $0x0;
	s12 =	stileid.u32  }
0x5: {  	s28 =	simm.s32 $0x1E6F8;
	s29 =	simm.s32 $0x13E78;
	s30 =	simm.s32 $0x15278  }
0x6: {  	s31 =	simm.s32 $0x80;
	s1 =	sand.u32 $0x1, s1;
	[smem:$0x7FF] =	sst s5  }
0x7: {  	s7 =	smul.u32 $0x13C00, s12;
	s6 =	sadd.s32 $0xA00, s0;
	s8 =	sadd.s32 $0x58C00, s0  }
0x8: {  	s9 =	sadd.s32 $0x4EC00, s0;
	s17 =	sadd.s32 $0x62E00, s0;
	s18 =	sadd.s32 $0x62C00, s0  }
0x9: {  	s20 =	smul.u32 $0x4F000, s12;
	_ =	strace $0x80000047;
	[dreg:$0x5] =	wrdreg s17  }
0xa: {  	s19 =	sadd.s32 $0x63000, s0;
	s4 =	smul.u32 $0x13C000, s1;
	[dreg:$0x6] =	wrdreg s18  }
0xb: {  	[dreg:$0x7] =	wrdreg s19;
	s21 =	ssub.s32 $0x2, s1;
	s10 =	sshll.u32 s1, $0x4  }
0xc: {  	p0 =	sne.s32 s1, $0x0;
	s10 =	sor.u32 s12, s10;
	s12 =	smul.u32 $0x278, s12  }
0xd: {  	p1 =	seq.s32 s1, $0x0;
	s1 =	simm.s32 $0x1A678;
	s22 =	smul.u32 $0x2800, s10  }
0xe: {  	s11 =	sshrl.u32 s21, $0x1;
	s4 =	sadd.s32 s7, s4;
	s10 =	smul.u32 $0x500, s10  }
0xf: {  	s7 =	sshrl.u32 s20, $0x2;
	s4 =	sshrl.u32 s4, $0x3;
	s16 =	sadd.s32 s12, s3  }
0x10: {  	s4 =	sadd.s32 s4, s0;
	s0 =	sadd.s32 $0x63600, s0;
	s26 =	sadd.s32 s8, s10  }
0x11: {  	s18 =	sadd.s32 s9, s10;
	s10 =	simm.s32 $0x3;
	[dreg:$0x8] =	wrdreg s0  }
0x12: {  	s0 =	ssub.s32 s21, s11;
	s11 =	sadd.s32 s7, s2;
	s7 =	sshrl.u32 s22, $0x3  }
0x13: {  	[dreg:$0xd] =	wrdreg s26;
	s21 =	sadd.s32 $0x63C00, s4;
	s22 =	sshrl.u32 s12, $0x3  }
0x14: {  	s26 =	simm.s32 $0x16678;
	s4 =	simm.s32 $0x2;
	s13 =	sadd.s32 $0x4000, s11  }
0x15: {  	s12 =	simm.s32 $0x0;
	s23 =	sadd.s32 $0x8000, s11;
	[dreg:$0x9] =	wrdreg s13  }
.Ltmp0:
0x16: {  	s24 =	sadd.s32 $0xC000, s11;
	[dreg:$0xa] =	wrdreg s23;
	(pc) =	sbr.rel .LBB2_1-.Ltmp0, $4  }
0x17: {  	s25 =	sadd.s32 $0x10000, s11;
	s7 =	sadd.s32 $0x280, s7;
	[dreg:$0xb] =	wrdreg s24  }
0x18: {  	[dreg:$0xc] =	wrdreg s25;
	s19 =	sadd.s32 s8, s7;
	s20 =	sadd.s32 s9, s7  }
0x19: {  	s23 =	smax.u32 s0, $0x1;
	s25 =	simm.s32 $0x5;
	s0 =	simm.s32 $0x13EF8  }
0x1a: {  	s9 =	simm.s32 $0x1;
	s7 =	simm.s32 $0x165F8;
	s8 =	simm.s32 $0x4  }
.LBB2_10:
0x1b: {  	_ =	swait.ge [sflag:s10], $0x4000  }
0x1c: {  	[sflag:s10] =	ssyncset.done $0x0  }
0x1d: {  	s13 =	rddreg [dreg:$0x7];
	[sflag:s10] =	ssyncadd.s32 $0xFFFFC000  }
.LBB2_11:
0x1e: {  	s14 =	stileid.u32  }
0x1f: {  	s14 =	sshll.u32 s14, $0x6  }
0x20: {  	[bflag:$0x0] =	sbarrier.arrive $0xFFFF;
	s15 =	sshrl.u32 s11, $0x3;
	s14 =	sor.u32 $0x1C05, s14  }
0x21: {  	[hbm:s21], [sflag:s14] =	dma.local [spmem:s15], $0x2780  }
0x22: {  	_ =	swait.ge [sflag:s25], $0x2780  }
0x23: {  	[sflag:s25] =	ssyncset.done $0x0  }
0x24: {  	[sflag:s25] =	ssyncadd.s32 $0xFFFFD880  }
0x25: {  	[tilespmem:s28], [sflag:$0x5] =	stream.linear.gather [spmem:s16], $0x278, $0x38;
	[tilespmem:$0x1E978] =	vst v63  }
0x26: {  	s12 =	sadd.s32 $0x1, s12;
	_ =	swait.ge [sflag:s25], $0x278  }
0x27: {  	p2 =	sne.s32 s12, s23;
	[sflag:s25] =	ssyncset.done $0x0  }
.Ltmp1:
0x28: {  	s13 =	sadd.s32 s13, s22;
	[sflag:s25] =	ssyncadd.s32 $0xFFFFFD88;
	(pc) =	sbr.rel @!p2 .LBB2_12-.Ltmp1, $4  }
0x29: {  	[hbm4b:s13+s5] =	stream.linear.scatter [tilespmem:s28], [sflag:$0x5], $0x278, $0x38;
	[tilespmem:$0x1E978] =	vst v63  }
0x2a: {  	_ =	swait.ge [sflag:s25], $0x278  }
0x2b: {  	[sflag:s25] =	ssyncset.done $0x0  }
0x2c: {  	[sflag:s25] =	ssyncadd.s32 $0xFFFFFD88  }
.LBB2_1:
0x2d: {  	s13 =	rddreg [dreg:$0x6];
	s14 =	simm.s32 $0x1E678  }
0x2e: {  	[tilespmem:s14], [sflag:$0x5] =	stream.linear.gather [hbm4b:s13+s5], $0x80, $0x38;
	[tilespmem:$0x1E978] =	vst v63  }
0x2f: {  	_ =	swait.ge [sflag:s25], $0x80  }
0x30: {  	[sflag:s25] =	ssyncset.done $0x0  }
0x31: {  	[sflag:s25] =	ssyncadd.s32 $0xFFFFFF80  }
0x32: {  	s24 =	rddreg [dreg:$0x1]  }
0x33: {  	[tilespmem:s26], [sflag:$0x5] =	stream.linear.gather [hbm4b:s24+s5], $0x4000, $0x38;
	[tilespmem:$0x1E978] =	vst v63  }
0x34: {  	_ =	swait.ge [sflag:s25], $0x4000  }
0x35: {  	[sflag:s25] =	ssyncset.done $0x0  }
0x36: {  	[sflag:s25] =	ssyncadd.s32 $0xFFFFC000  }
0x37: {  	[spmem:s11] =	stream.linear.scatter [tilespmem:s26], [sflag:$0x5], $0x4000, $0x38;
	[tilespmem:$0x1E978] =	vst v63  }
0x38: {  	_ =	swait.ge [sflag:s25], $0x4000  }
0x39: {  	[sflag:s25] =	ssyncset.done $0x0  }
0x3a: {  	s14 =	rddreg [dreg:$0x9];
	[sflag:s25] =	ssyncadd.s32 $0xFFFFC000  }
0x3b: {  	[spmem:s14] =	stream.linear.scatter [tilespmem:s26], [sflag:$0x5], $0x4000, $0x38;
	[tilespmem:$0x1E978] =	vst v63  }
0x3c: {  	_ =	swait.ge [sflag:s25], $0x4000  }
0x3d: {  	[sflag:s25] =	ssyncset.done $0x0  }
0x3e: {  	s15 =	rddreg [dreg:$0xa];
	[sflag:s25] =	ssyncadd.s32 $0xFFFFC000  }
0x3f: {  	[spmem:s15] =	stream.linear.scatter [tilespmem:s26], [sflag:$0x5], $0x4000, $0x38;
	[tilespmem:$0x1E978] =	vst v63  }
0x40: {  	_ =	swait.ge [sflag:s25], $0x4000  }
0x41: {  	[sflag:s25] =	ssyncset.done $0x0  }
0x42: {  	s17 =	rddreg [dreg:$0xb];
	[sflag:s25] =	ssyncadd.s32 $0xFFFFC000  }
0x43: {  	[spmem:s17] =	stream.linear.scatter [tilespmem:s26], [sflag:$0x5], $0x4000, $0x38;
	[tilespmem:$0x1E978] =	vst v63  }
0x44: {  	_ =	swait.ge [sflag:s25], $0x4000  }
0x45: {  	[sflag:s25] =	ssyncset.done $0x0  }
0x46: {  	s24 =	rddreg [dreg:$0xc];
	[sflag:s25] =	ssyncadd.s32 $0xFFFFC000  }
0x47: {  	[spmem:s24] =	stream.linear.scatter [tilespmem:s26], [sflag:$0x5], $0x3C00, $0x38;
	[tilespmem:$0x1E978] =	vst v63  }
0x48: {  	_ =	swait.ge [sflag:s25], $0x3C00  }
0x49: {  	[sflag:s25] =	ssyncset.done $0x0  }
0x4a: {  	s14 =	rddreg [dreg:$0x5];
	[sflag:s25] =	ssyncadd.s32 $0xFFFFC400  }
0x4b: {  	[tilespmem:s28], [sflag:$0x5] =	stream.linear.gather [hbm4b:s14+s5], $0x280, $0x38;
	[tilespmem:$0x1E978] =	vst v63  }
0x4c: {  	_ =	swait.ge [sflag:s25], $0x280  }
0x4d: {  	[sflag:s25] =	ssyncset.done $0x0  }
0x4e: {  	[sflag:s25] =	ssyncadd.s32 $0xFFFFFD80  }
0x4f: {  	[spmem:s16] =	stream.linear.scatter [tilespmem:s28], [sflag:$0x5], $0x278, $0x38;
	[tilespmem:$0x1E978] =	vst v63  }
0x50: {  	_ =	swait.ge [sflag:s25], $0x278  }
0x51: {  	[sflag:s25] =	ssyncset.done $0x0  }
0x52: {  	[sflag:s25] =	ssyncadd.s32 $0xFFFFFD88  }
0x53: {  	[bflag:$0x0] =	sbarrier.arrive $0xFFFF  }
0x54: {  	s15 =	rddreg [dreg:$0xd]  }
0x55: {  	[tilespmem:s29], [sflag:$0x5] =	stream.linear.gather [hbm4b:s15+s5], $0x1400, $0x38;
	[tilespmem:$0x1E978] =	vst v63  }
0x56: {  	_ =	swait.ge [sflag:s25], $0x1400  }
0x57: {  	[sflag:s25] =	ssyncset.done $0x0  }
0x58: {  	[sflag:s25] =	ssyncadd.s32 $0xFFFFEC00  }
0x59: {  	[tilespmem:s30], [sflag:$0x5] =	stream.linear.gather [hbm4b:s18+s5], $0x1400, $0x38;
	[tilespmem:$0x1E978] =	vst v63  }
0x5a: {  	_ =	swait.ge [sflag:s25], $0x1400  }
0x5b: {  	[sflag:s25] =	ssyncset.done $0x0  }
0x5c: {  	[sflag:s25] =	ssyncadd.s32 $0xFFFFEC00  }
0x5d: {  	[tilespmem:s26], [sflag:$0x1] =	stream.indirect.gather [hbm4b:s6+s31], $0x80, s29, s31, $0xb8;
	[tilespmem:$0x1E978] =	vst v63  }
0x5e: {  	_ = 	snop  }
0x5f: {  	[tilespmem:s1], [sflag:$0x2] =	stream.indirect.gather [hbm4b:s6+s31], $0x80, s0, s31, $0xb8;
	[tilespmem:$0x1E978] =	vst v63  }
0x60: {  	_ =	swait.ge [sflag:s9], $0x4000  }
0x61: {  	[sflag:s9] =	ssyncset.done $0x0  }
0x62: {  	[sflag:s9] =	ssyncadd.s32 $0xFFFFC000  }
0x63: {  	[spmem:s2] =	stream.indirect.scatter.add.f32 [tilespmem:s26], [sflag:$0x3], $0x80, s30, s31, $0xb8;
	[tilespmem:$0x1E978] =	vst v63  }
0x64: {  	s13 =	simm.s32 @!p0 $0x80;
	s14 =	simm.s32 @!p0 $0x1E678;
	s15 =	simm.s32 @!p0 $0x15278  }
0x65: {  	[spmem:s3] =	stream.indirect.scatter.add.f32 @!p0 [tilespmem:s14], [sflag:$0x4], $0x1, s15, s13, $0xb8;
	[tilespmem:$0x1E978] =	vst v63  }
0x66: {  	_ =	swait.ge [sflag:s10], $0x4000  }
0x67: {  	[sflag:s10] =	ssyncset.done $0x0  }
0x68: {  	s17 =	simm.s32 $0x13F78;
	[sflag:s10] =	ssyncadd.s32 $0xFFFFC000  }
0x69: {  	[tilespmem:s26], [sflag:$0x1] =	stream.indirect.gather [hbm4b:s6+s31], $0x80, s17, s31, $0xb8;
	[tilespmem:$0x1E978] =	vst v63  }
0x6a: {  	_ =	swait.ge [sflag:s4], $0x4000  }
0x6b: {  	[sflag:s4] =	ssyncset.done $0x0  }
0x6c: {  	s15 =	simm.s32 $0x152F8;
	[sflag:s4] =	ssyncadd.s32 $0xFFFFC000  }
0x6d: {  	[spmem:s2] =	stream.indirect.scatter.add.f32 [tilespmem:s1], [sflag:$0x3], $0x80, s15, s31, $0xb8;
	[tilespmem:$0x1E978] =	vst v63  }
0x6e: {  	_ = 	snop  }
0x6f: {  	[spmem:s3] =	stream.indirect.scatter.add.f32 @!p0 [tilespmem:s14], [sflag:$0x4], $0x1, s15, s13, $0xb8;
	[tilespmem:$0x1E978] =	vst v63  }
0x70: {  	_ =	swait.ge [sflag:s10], $0x4000  }
0x71: {  	[sflag:s10] =	ssyncset.done $0x0  }
0x72: {  	s24 =	simm.s32 $0x13FF8;
	[sflag:s10] =	ssyncadd.s32 $0xFFFFC000  }
0x73: {  	[tilespmem:s1], [sflag:$0x2] =	stream.indirect.gather [hbm4b:s6+s31], $0x80, s24, s31, $0xb8;
	[tilespmem:$0x1E978] =	vst v63  }
0x74: {  	_ =	swait.ge [sflag:s9], $0x4000  }
0x75: {  	[sflag:s9] =	ssyncset.done $0x0  }
0x76: {  	s15 =	simm.s32 $0xFFFFB800;
	s24 =	simm.s32 $0x15378;
	[sflag:s9] =	ssyncadd.s32 $0xFFFFC000  }
0x77: {  	[spmem:s2] =	stream.indirect.scatter.add.f32 [tilespmem:s26], [sflag:$0x3], $0x80, s24, s31, $0xb8;
	[tilespmem:$0x1E978] =	vst v63  }
.LBB2_2:
0x78: {  	[spmem:s3] =	stream.indirect.scatter.add.f32 @!p0 [tilespmem:s14], [sflag:$0x4], $0x1, s24, s13, $0xb8;
	[tilespmem:$0x1E978] =	vst v63  }
0x79: {  	s24 =	smov.u32 s15;
	s15 =	sadd.s32 $0x400, s15;
	_ =	swait.ge [sflag:s10], $0x4000  }
0x7a: {  	s24 =	sshra.s32 s24, $0x2;
	p2 =	sne.s32 s15, $0x0;
	[sflag:s10] =	ssyncset.done $0x0  }
0x7b: {  	s17 =	sadd.s32 $0x15278, s24;
	[sflag:s10] =	ssyncadd.s32 $0xFFFFC000  }
0x7c: {  	[tilespmem:s26], [sflag:$0x1] =	stream.indirect.gather [hbm4b:s6+s31], $0x80, s17, s31, $0xb8;
	[tilespmem:$0x1E978] =	vst v63  }
0x7d: {  	_ =	swait.ge [sflag:s4], $0x4000  }
0x7e: {  	[sflag:s4] =	ssyncset.done $0x0  }
0x7f: {  	s17 =	sadd.s32 $0x165F8, s24;
	[sflag:s4] =	ssyncadd.s32 $0xFFFFC000  }
0x80: {  	[spmem:s2] =	stream.indirect.scatter.add.f32 [tilespmem:s1], [sflag:$0x3], $0x80, s17, s31, $0xb8;
	[tilespmem:$0x1E978] =	vst v63  }
0x81: {  	_ = 	snop  }
0x82: {  	[spmem:s3] =	stream.indirect.scatter.add.f32 @!p0 [tilespmem:s14], [sflag:$0x4], $0x1, s17, s13, $0xb8;
	[tilespmem:$0x1E978] =	vst v63  }
0x83: {  	_ =	swait.ge [sflag:s10], $0x4000  }
0x84: {  	[sflag:s10] =	ssyncset.done $0x0  }
0x85: {  	s17 =	sadd.s32 $0x152F8, s24;
	[sflag:s10] =	ssyncadd.s32 $0xFFFFC000  }
0x86: {  	[tilespmem:s1], [sflag:$0x2] =	stream.indirect.gather [hbm4b:s6+s31], $0x80, s17, s31, $0xb8;
	[tilespmem:$0x1E978] =	vst v63  }
.Ltmp2:
0x87: {  	_ = 	snop;
	(pc) =	sbr.rel @p2 .LBB2_2-.Ltmp2, $4  }
0x88: {  	_ =	swait.ge [sflag:s9], $0x4000  }
0x89: {  	[sflag:s9] =	ssyncset.done $0x0  }
0x8a: {  	s24 =	sadd.s32 $0x16678, s24;
	[sflag:s9] =	ssyncadd.s32 $0xFFFFC000  }
0x8b: {  	[spmem:s2] =	stream.indirect.scatter.add.f32 [tilespmem:s26], [sflag:$0x3], $0x80, s24, s31, $0xb8;
	[tilespmem:$0x1E978] =	vst v63  }
0x8c: {  	[spmem:s3] =	stream.indirect.scatter.add.f32 @!p0 [tilespmem:s14], [sflag:$0x4], $0x1, s24, s13, $0xb8;
	[tilespmem:$0x1E978] =	vst v63  }
0x8d: {  	_ =	swait.ge [sflag:s10], $0x4000  }
0x8e: {  	[sflag:s10] =	ssyncset.done $0x0  }
.Ltmp3:
0x8f: {  	[sflag:s10] =	ssyncadd.s32 $0xFFFFC000;
	(pc) =	sbr.rel @p0 .LBB2_5-.Ltmp3, $4  }
0x90: {  	_ =	swait.ge [sflag:s4], $0x4000  }
0x91: {  	[sflag:s4] =	ssyncset.done $0x0  }
0x92: {  	[sflag:s4] =	ssyncadd.s32 $0xFFFFC000  }
0x93: {  	[spmem:s2] =	stream.indirect.scatter.add.f32 [tilespmem:s1], [sflag:$0x3], $0x80, s7, s31, $0xb8;
	[tilespmem:$0x1E978] =	vst v63  }
0x94: {  	s13 =	simm.s32 $0x1E678  }
0x95: {  	[spmem:s3] =	stream.indirect.scatter.add.f32 [tilespmem:s13], [sflag:$0x4], $0x1, s7, s31, $0xb8;
	[tilespmem:$0x1E978] =	vst v63  }
0x96: {  	_ =	swait.ge [sflag:s10], $0x4000  }
0x97: {  	[sflag:s10] =	ssyncset.done $0x0  }
0x98: {  	[sflag:s10] =	ssyncadd.s32 $0xFFFFC000  }
0x99: {  	_ =	swait.ge [sflag:s8], $0x80  }
0x9a: {  	[sflag:s8] =	ssyncset.done $0x0  }
0x9b: {  	[sflag:s8] =	ssyncadd.s32 $0xFFFFFF80  }
0x9c: {  	_ =	swait.ge [sflag:s8], $0x80  }
0x9d: {  	[sflag:s8] =	ssyncset.done $0x0  }
0x9e: {  	[sflag:s8] =	ssyncadd.s32 $0xFFFFFF80  }
0x9f: {  	_ =	swait.ge [sflag:s8], $0x80  }
0xa0: {  	[sflag:s8] =	ssyncset.done $0x0  }
0xa1: {  	[sflag:s8] =	ssyncadd.s32 $0xFFFFFF80  }
0xa2: {  	_ =	swait.ge [sflag:s8], $0x80  }
0xa3: {  	[sflag:s8] =	ssyncset.done $0x0  }
0xa4: {  	[sflag:s8] =	ssyncadd.s32 $0xFFFFFF80  }
0xa5: {  	_ =	swait.ge [sflag:s8], $0x80  }
0xa6: {  	[sflag:s8] =	ssyncset.done $0x0  }
0xa7: {  	[sflag:s8] =	ssyncadd.s32 $0xFFFFFF80  }
0xa8: {  	_ =	swait.ge [sflag:s8], $0x80  }
0xa9: {  	[sflag:s8] =	ssyncset.done $0x0  }
0xaa: {  	[sflag:s8] =	ssyncadd.s32 $0xFFFFFF80  }
0xab: {  	_ =	swait.ge [sflag:s8], $0x80  }
0xac: {  	[sflag:s8] =	ssyncset.done $0x0  }
0xad: {  	[sflag:s8] =	ssyncadd.s32 $0xFFFFFF80  }
0xae: {  	_ =	swait.ge [sflag:s8], $0x80  }
0xaf: {  	[sflag:s8] =	ssyncset.done $0x0  }
0xb0: {  	[sflag:s8] =	ssyncadd.s32 $0xFFFFFF80  }
0xb1: {  	_ =	swait.ge [sflag:s8], $0x80  }
0xb2: {  	[sflag:s8] =	ssyncset.done $0x0  }
0xb3: {  	[sflag:s8] =	ssyncadd.s32 $0xFFFFFF80  }
0xb4: {  	_ =	swait.ge [sflag:s8], $0x80  }
0xb5: {  	[sflag:s8] =	ssyncset.done $0x0  }
0xb6: {  	[sflag:s8] =	ssyncadd.s32 $0xFFFFFF80  }
0xb7: {  	_ =	swait.ge [sflag:s8], $0x80  }
0xb8: {  	[sflag:s8] =	ssyncset.done $0x0  }
0xb9: {  	[sflag:s8] =	ssyncadd.s32 $0xFFFFFF80  }
0xba: {  	_ =	swait.ge [sflag:s8], $0x80  }
0xbb: {  	[sflag:s8] =	ssyncset.done $0x0  }
0xbc: {  	[sflag:s8] =	ssyncadd.s32 $0xFFFFFF80  }
0xbd: {  	_ =	swait.ge [sflag:s8], $0x80  }
0xbe: {  	[sflag:s8] =	ssyncset.done $0x0  }
0xbf: {  	[sflag:s8] =	ssyncadd.s32 $0xFFFFFF80  }
0xc0: {  	_ =	swait.ge [sflag:s8], $0x80  }
0xc1: {  	[sflag:s8] =	ssyncset.done $0x0  }
0xc2: {  	[sflag:s8] =	ssyncadd.s32 $0xFFFFFF80  }
0xc3: {  	_ =	swait.ge [sflag:s8], $0x80  }
0xc4: {  	[sflag:s8] =	ssyncset.done $0x0  }
0xc5: {  	[sflag:s8] =	ssyncadd.s32 $0xFFFFFF80  }
0xc6: {  	_ =	swait.ge [sflag:s8], $0x80  }
0xc7: {  	[sflag:s8] =	ssyncset.done $0x0  }
0xc8: {  	[sflag:s8] =	ssyncadd.s32 $0xFFFFFF80  }
0xc9: {  	_ =	swait.ge [sflag:s8], $0x80  }
0xca: {  	[sflag:s8] =	ssyncset.done $0x0  }
0xcb: {  	[sflag:s8] =	ssyncadd.s32 $0xFFFFFF80  }
0xcc: {  	_ =	swait.ge [sflag:s8], $0x80  }
0xcd: {  	[sflag:s8] =	ssyncset.done $0x0  }
0xce: {  	[sflag:s8] =	ssyncadd.s32 $0xFFFFFF80  }
0xcf: {  	_ =	swait.ge [sflag:s8], $0x80  }
0xd0: {  	[sflag:s8] =	ssyncset.done $0x0  }
0xd1: {  	[sflag:s8] =	ssyncadd.s32 $0xFFFFFF80  }
0xd2: {  	_ =	swait.ge [sflag:s8], $0x80  }
0xd3: {  	[sflag:s8] =	ssyncset.done $0x0  }
0xd4: {  	[sflag:s8] =	ssyncadd.s32 $0xFFFFFF80  }
0xd5: {  	_ =	swait.ge [sflag:s8], $0x80  }
0xd6: {  	[sflag:s8] =	ssyncset.done $0x0  }
0xd7: {  	[sflag:s8] =	ssyncadd.s32 $0xFFFFFF80  }
0xd8: {  	_ =	swait.ge [sflag:s8], $0x80  }
0xd9: {  	[sflag:s8] =	ssyncset.done $0x0  }
0xda: {  	[sflag:s8] =	ssyncadd.s32 $0xFFFFFF80  }
0xdb: {  	_ =	swait.ge [sflag:s8], $0x80  }
0xdc: {  	[sflag:s8] =	ssyncset.done $0x0  }
0xdd: {  	[sflag:s8] =	ssyncadd.s32 $0xFFFFFF80  }
0xde: {  	_ =	swait.ge [sflag:s8], $0x80  }
0xdf: {  	[sflag:s8] =	ssyncset.done $0x0  }
0xe0: {  	[sflag:s8] =	ssyncadd.s32 $0xFFFFFF80  }
0xe1: {  	_ =	swait.ge [sflag:s8], $0x80  }
0xe2: {  	[sflag:s8] =	ssyncset.done $0x0  }
0xe3: {  	[sflag:s8] =	ssyncadd.s32 $0xFFFFFF80  }
0xe4: {  	_ =	swait.ge [sflag:s8], $0x80  }
0xe5: {  	[sflag:s8] =	ssyncset.done $0x0  }
0xe6: {  	[sflag:s8] =	ssyncadd.s32 $0xFFFFFF80  }
0xe7: {  	_ =	swait.ge [sflag:s8], $0x80  }
0xe8: {  	[sflag:s8] =	ssyncset.done $0x0  }
0xe9: {  	[sflag:s8] =	ssyncadd.s32 $0xFFFFFF80  }
0xea: {  	_ =	swait.ge [sflag:s8], $0x80  }
0xeb: {  	[sflag:s8] =	ssyncset.done $0x0  }
0xec: {  	[sflag:s8] =	ssyncadd.s32 $0xFFFFFF80  }
0xed: {  	_ =	swait.ge [sflag:s8], $0x80  }
0xee: {  	[sflag:s8] =	ssyncset.done $0x0  }
0xef: {  	[sflag:s8] =	ssyncadd.s32 $0xFFFFFF80  }
0xf0: {  	_ =	swait.ge [sflag:s8], $0x80  }
0xf1: {  	[sflag:s8] =	ssyncset.done $0x0  }
0xf2: {  	[sflag:s8] =	ssyncadd.s32 $0xFFFFFF80  }
0xf3: {  	_ =	swait.ge [sflag:s8], $0x80  }
0xf4: {  	[sflag:s8] =	ssyncset.done $0x0  }
0xf5: {  	[sflag:s8] =	ssyncadd.s32 $0xFFFFFF80  }
0xf6: {  	_ =	swait.ge [sflag:s8], $0x80  }
0xf7: {  	[sflag:s8] =	ssyncset.done $0x0  }
0xf8: {  	[sflag:s8] =	ssyncadd.s32 $0xFFFFFF80  }
0xf9: {  	_ =	swait.ge [sflag:s8], $0x80  }
0xfa: {  	[sflag:s8] =	ssyncset.done $0x0  }
0xfb: {  	[sflag:s8] =	ssyncadd.s32 $0xFFFFFF80  }
0xfc: {  	_ =	swait.ge [sflag:s8], $0x80  }
0xfd: {  	[sflag:s8] =	ssyncset.done $0x0  }
0xfe: {  	[sflag:s8] =	ssyncadd.s32 $0xFFFFFF80  }
0xff: {  	_ =	swait.ge [sflag:s8], $0x80  }
0x100: {  	[sflag:s8] =	ssyncset.done $0x0  }
0x101: {  	[sflag:s8] =	ssyncadd.s32 $0xFFFFFF80  }
0x102: {  	_ =	swait.ge [sflag:s8], $0x80  }
0x103: {  	[sflag:s8] =	ssyncset.done $0x0  }
0x104: {  	[sflag:s8] =	ssyncadd.s32 $0xFFFFFF80  }
0x105: {  	_ =	swait.ge [sflag:s8], $0x80  }
0x106: {  	[sflag:s8] =	ssyncset.done $0x0  }
0x107: {  	[sflag:s8] =	ssyncadd.s32 $0xFFFFFF80  }
0x108: {  	_ =	swait.ge [sflag:s8], $0x80  }
0x109: {  	[sflag:s8] =	ssyncset.done $0x0  }
0x10a: {  	[sflag:s8] =	ssyncadd.s32 $0xFFFFFF80  }
0x10b: {  	_ =	swait.ge [sflag:s8], $0x80  }
.Ltmp4:
0x10c: {  	[sflag:s8] =	ssyncset.done $0x0;
	(pc) =	sbr.rel .LBB2_6-.Ltmp4, $4  }
0x10d: {  	[sflag:s8] =	ssyncadd.s32 $0xFFFFFF80  }
0x10e: {  	_ =	swait.ge [sflag:s8], $0x80  }
0x10f: {  	[sflag:s8] =	ssyncset.done $0x0  }
0x110: {  	[sflag:s8] =	ssyncadd.s32 $0xFFFFFF80  }
.LBB2_5:
0x111: {  	_ =	swait.ge [sflag:s10], $0x4000  }
0x112: {  	[sflag:s10] =	ssyncset.done $0x0  }
0x113: {  	[sflag:s10] =	ssyncadd.s32 $0xFFFFC000  }
.LBB2_6:
0x114: {  	[tilespmem:s29], [sflag:$0x5] =	stream.linear.gather [hbm4b:s19+s5], $0x1400, $0x38;
	[tilespmem:$0x1E978] =	vst v63  }
0x115: {  	_ =	swait.ge [sflag:s25], $0x1400  }
0x116: {  	[sflag:s25] =	ssyncset.done $0x0  }
0x117: {  	[sflag:s25] =	ssyncadd.s32 $0xFFFFEC00  }
0x118: {  	[tilespmem:s30], [sflag:$0x5] =	stream.linear.gather [hbm4b:s20+s5], $0x1400, $0x38;
	[tilespmem:$0x1E978] =	vst v63  }
0x119: {  	_ =	swait.ge [sflag:s25], $0x1400  }
0x11a: {  	[sflag:s25] =	ssyncset.done $0x0  }
0x11b: {  	[sflag:s25] =	ssyncadd.s32 $0xFFFFEC00  }
0x11c: {  	[tilespmem:s26], [sflag:$0x1] =	stream.indirect.gather [hbm4b:s6+s31], $0x80, s29, s31, $0xb8;
	[tilespmem:$0x1E978] =	vst v63  }
0x11d: {  	_ = 	snop  }
0x11e: {  	[tilespmem:s1], [sflag:$0x2] =	stream.indirect.gather [hbm4b:s6+s31], $0x80, s0, s31, $0xb8;
	[tilespmem:$0x1E978] =	vst v63  }
0x11f: {  	_ =	swait.ge [sflag:s9], $0x4000  }
0x120: {  	[sflag:s9] =	ssyncset.done $0x0  }
0x121: {  	[sflag:s9] =	ssyncadd.s32 $0xFFFFC000  }
0x122: {  	[spmem:s2] =	stream.indirect.scatter.add.f32 [tilespmem:s26], [sflag:$0x3], $0x80, s30, s31, $0xb8;
	[tilespmem:$0x1E978] =	vst v63  }
0x123: {  	s13 =	simm.s32 @!p1 $0x80;
	s15 =	simm.s32 @!p1 $0x15278;
	s14 =	simm.s32 @!p1 $0x1E678  }
0x124: {  	[spmem:s3] =	stream.indirect.scatter.add.f32 @!p1 [tilespmem:s14], [sflag:$0x4], $0x1, s15, s13, $0xb8;
	[tilespmem:$0x1E978] =	vst v63  }
0x125: {  	_ =	swait.ge [sflag:s10], $0x4000  }
0x126: {  	[sflag:s10] =	ssyncset.done $0x0  }
0x127: {  	s17 =	simm.s32 $0x13F78;
	[sflag:s10] =	ssyncadd.s32 $0xFFFFC000  }
0x128: {  	[tilespmem:s26], [sflag:$0x1] =	stream.indirect.gather [hbm4b:s6+s31], $0x80, s17, s31, $0xb8;
	[tilespmem:$0x1E978] =	vst v63  }
0x129: {  	_ =	swait.ge [sflag:s4], $0x4000  }
0x12a: {  	[sflag:s4] =	ssyncset.done $0x0  }
0x12b: {  	s15 =	simm.s32 $0x152F8;
	[sflag:s4] =	ssyncadd.s32 $0xFFFFC000  }
0x12c: {  	[spmem:s2] =	stream.indirect.scatter.add.f32 [tilespmem:s1], [sflag:$0x3], $0x80, s15, s31, $0xb8;
	[tilespmem:$0x1E978] =	vst v63  }
0x12d: {  	_ = 	snop  }
0x12e: {  	[spmem:s3] =	stream.indirect.scatter.add.f32 @!p1 [tilespmem:s14], [sflag:$0x4], $0x1, s15, s13, $0xb8;
	[tilespmem:$0x1E978] =	vst v63  }
0x12f: {  	_ =	swait.ge [sflag:s10], $0x4000  }
0x130: {  	[sflag:s10] =	ssyncset.done $0x0  }
0x131: {  	s24 =	simm.s32 $0x13FF8;
	[sflag:s10] =	ssyncadd.s32 $0xFFFFC000  }
0x132: {  	[tilespmem:s1], [sflag:$0x2] =	stream.indirect.gather [hbm4b:s6+s31], $0x80, s24, s31, $0xb8;
	[tilespmem:$0x1E978] =	vst v63  }
0x133: {  	_ =	swait.ge [sflag:s9], $0x4000  }
0x134: {  	[sflag:s9] =	ssyncset.done $0x0  }
0x135: {  	s15 =	simm.s32 $0xFFFFB800;
	s24 =	simm.s32 $0x15378;
	[sflag:s9] =	ssyncadd.s32 $0xFFFFC000  }
0x136: {  	[spmem:s2] =	stream.indirect.scatter.add.f32 [tilespmem:s26], [sflag:$0x3], $0x80, s24, s31, $0xb8;
	[tilespmem:$0x1E978] =	vst v63  }
.LBB2_7:
0x137: {  	[spmem:s3] =	stream.indirect.scatter.add.f32 @!p1 [tilespmem:s14], [sflag:$0x4], $0x1, s24, s13, $0xb8;
	[tilespmem:$0x1E978] =	vst v63  }
0x138: {  	s17 =	smov.u32 s15;
	s15 =	sadd.s32 $0x400, s15;
	_ =	swait.ge [sflag:s10], $0x4000  }
0x139: {  	s17 =	sshra.s32 s17, $0x2;
	p2 =	sne.s32 s15, $0x0;
	[sflag:s10] =	ssyncset.done $0x0  }
0x13a: {  	s24 =	sadd.s32 $0x15278, s17;
	[sflag:s10] =	ssyncadd.s32 $0xFFFFC000  }
0x13b: {  	[tilespmem:s26], [sflag:$0x1] =	stream.indirect.gather [hbm4b:s6+s31], $0x80, s24, s31, $0xb8;
	[tilespmem:$0x1E978] =	vst v63  }
0x13c: {  	_ =	swait.ge [sflag:s4], $0x4000  }
0x13d: {  	[sflag:s4] =	ssyncset.done $0x0  }
0x13e: {  	s24 =	sadd.s32 $0x165F8, s17;
	[sflag:s4] =	ssyncadd.s32 $0xFFFFC000  }
0x13f: {  	[spmem:s2] =	stream.indirect.scatter.add.f32 [tilespmem:s1], [sflag:$0x3], $0x80, s24, s31, $0xb8;
	[tilespmem:$0x1E978] =	vst v63  }
0x140: {  	_ = 	snop  }
0x141: {  	[spmem:s3] =	stream.indirect.scatter.add.f32 @!p1 [tilespmem:s14], [sflag:$0x4], $0x1, s24, s13, $0xb8;
	[tilespmem:$0x1E978] =	vst v63  }
0x142: {  	_ =	swait.ge [sflag:s10], $0x4000  }
0x143: {  	[sflag:s10] =	ssyncset.done $0x0  }
0x144: {  	s24 =	sadd.s32 $0x152F8, s17;
	[sflag:s10] =	ssyncadd.s32 $0xFFFFC000  }
0x145: {  	[tilespmem:s1], [sflag:$0x2] =	stream.indirect.gather [hbm4b:s6+s31], $0x80, s24, s31, $0xb8;
	[tilespmem:$0x1E978] =	vst v63  }
.Ltmp5:
0x146: {  	_ = 	snop;
	(pc) =	sbr.rel @p2 .LBB2_7-.Ltmp5, $4  }
0x147: {  	_ =	swait.ge [sflag:s9], $0x4000  }
0x148: {  	[sflag:s9] =	ssyncset.done $0x0  }
0x149: {  	s24 =	sadd.s32 $0x16678, s17;
	[sflag:s9] =	ssyncadd.s32 $0xFFFFC000  }
0x14a: {  	[spmem:s2] =	stream.indirect.scatter.add.f32 [tilespmem:s26], [sflag:$0x3], $0x80, s24, s31, $0xb8;
	[tilespmem:$0x1E978] =	vst v63  }
0x14b: {  	[spmem:s3] =	stream.indirect.scatter.add.f32 @!p1 [tilespmem:s14], [sflag:$0x4], $0x1, s24, s13, $0xb8;
	[tilespmem:$0x1E978] =	vst v63  }
0x14c: {  	_ =	swait.ge [sflag:s10], $0x4000  }
0x14d: {  	[sflag:s10] =	ssyncset.done $0x0  }
.Ltmp6:
0x14e: {  	[sflag:s10] =	ssyncadd.s32 $0xFFFFC000;
	(pc) =	sbr.rel @p1 .LBB2_10-.Ltmp6, $4  }
0x14f: {  	_ =	swait.ge [sflag:s4], $0x4000  }
0x150: {  	[sflag:s4] =	ssyncset.done $0x0  }
0x151: {  	[sflag:s4] =	ssyncadd.s32 $0xFFFFC000  }
0x152: {  	[spmem:s2] =	stream.indirect.scatter.add.f32 [tilespmem:s1], [sflag:$0x3], $0x80, s7, s31, $0xb8;
	[tilespmem:$0x1E978] =	vst v63  }
0x153: {  	s13 =	simm.s32 $0x1E678  }
0x154: {  	[spmem:s3] =	stream.indirect.scatter.add.f32 [tilespmem:s13], [sflag:$0x4], $0x1, s7, s31, $0xb8;
	[tilespmem:$0x1E978] =	vst v63  }
0x155: {  	_ =	swait.ge [sflag:s10], $0x4000  }
0x156: {  	[sflag:s10] =	ssyncset.done $0x0  }
0x157: {  	[sflag:s10] =	ssyncadd.s32 $0xFFFFC000  }
0x158: {  	_ =	swait.ge [sflag:s8], $0x80  }
0x159: {  	[sflag:s8] =	ssyncset.done $0x0  }
0x15a: {  	[sflag:s8] =	ssyncadd.s32 $0xFFFFFF80  }
0x15b: {  	_ =	swait.ge [sflag:s8], $0x80  }
0x15c: {  	[sflag:s8] =	ssyncset.done $0x0  }
0x15d: {  	[sflag:s8] =	ssyncadd.s32 $0xFFFFFF80  }
0x15e: {  	_ =	swait.ge [sflag:s8], $0x80  }
0x15f: {  	[sflag:s8] =	ssyncset.done $0x0  }
0x160: {  	[sflag:s8] =	ssyncadd.s32 $0xFFFFFF80  }
0x161: {  	_ =	swait.ge [sflag:s8], $0x80  }
0x162: {  	[sflag:s8] =	ssyncset.done $0x0  }
0x163: {  	[sflag:s8] =	ssyncadd.s32 $0xFFFFFF80  }
0x164: {  	_ =	swait.ge [sflag:s8], $0x80  }
0x165: {  	[sflag:s8] =	ssyncset.done $0x0  }
0x166: {  	[sflag:s8] =	ssyncadd.s32 $0xFFFFFF80  }
0x167: {  	_ =	swait.ge [sflag:s8], $0x80  }
0x168: {  	[sflag:s8] =	ssyncset.done $0x0  }
0x169: {  	[sflag:s8] =	ssyncadd.s32 $0xFFFFFF80  }
0x16a: {  	_ =	swait.ge [sflag:s8], $0x80  }
0x16b: {  	[sflag:s8] =	ssyncset.done $0x0  }
0x16c: {  	[sflag:s8] =	ssyncadd.s32 $0xFFFFFF80  }
0x16d: {  	_ =	swait.ge [sflag:s8], $0x80  }
0x16e: {  	[sflag:s8] =	ssyncset.done $0x0  }
0x16f: {  	[sflag:s8] =	ssyncadd.s32 $0xFFFFFF80  }
0x170: {  	_ =	swait.ge [sflag:s8], $0x80  }
0x171: {  	[sflag:s8] =	ssyncset.done $0x0  }
0x172: {  	[sflag:s8] =	ssyncadd.s32 $0xFFFFFF80  }
0x173: {  	_ =	swait.ge [sflag:s8], $0x80  }
0x174: {  	[sflag:s8] =	ssyncset.done $0x0  }
0x175: {  	[sflag:s8] =	ssyncadd.s32 $0xFFFFFF80  }
0x176: {  	_ =	swait.ge [sflag:s8], $0x80  }
0x177: {  	[sflag:s8] =	ssyncset.done $0x0  }
0x178: {  	[sflag:s8] =	ssyncadd.s32 $0xFFFFFF80  }
0x179: {  	_ =	swait.ge [sflag:s8], $0x80  }
0x17a: {  	[sflag:s8] =	ssyncset.done $0x0  }
0x17b: {  	[sflag:s8] =	ssyncadd.s32 $0xFFFFFF80  }
0x17c: {  	_ =	swait.ge [sflag:s8], $0x80  }
0x17d: {  	[sflag:s8] =	ssyncset.done $0x0  }
0x17e: {  	[sflag:s8] =	ssyncadd.s32 $0xFFFFFF80  }
0x17f: {  	_ =	swait.ge [sflag:s8], $0x80  }
0x180: {  	[sflag:s8] =	ssyncset.done $0x0  }
0x181: {  	[sflag:s8] =	ssyncadd.s32 $0xFFFFFF80  }
0x182: {  	_ =	swait.ge [sflag:s8], $0x80  }
0x183: {  	[sflag:s8] =	ssyncset.done $0x0  }
0x184: {  	[sflag:s8] =	ssyncadd.s32 $0xFFFFFF80  }
0x185: {  	_ =	swait.ge [sflag:s8], $0x80  }
0x186: {  	[sflag:s8] =	ssyncset.done $0x0  }
0x187: {  	[sflag:s8] =	ssyncadd.s32 $0xFFFFFF80  }
0x188: {  	_ =	swait.ge [sflag:s8], $0x80  }
0x189: {  	[sflag:s8] =	ssyncset.done $0x0  }
0x18a: {  	[sflag:s8] =	ssyncadd.s32 $0xFFFFFF80  }
0x18b: {  	_ =	swait.ge [sflag:s8], $0x80  }
0x18c: {  	[sflag:s8] =	ssyncset.done $0x0  }
0x18d: {  	[sflag:s8] =	ssyncadd.s32 $0xFFFFFF80  }
0x18e: {  	_ =	swait.ge [sflag:s8], $0x80  }
0x18f: {  	[sflag:s8] =	ssyncset.done $0x0  }
0x190: {  	[sflag:s8] =	ssyncadd.s32 $0xFFFFFF80  }
0x191: {  	_ =	swait.ge [sflag:s8], $0x80  }
0x192: {  	[sflag:s8] =	ssyncset.done $0x0  }
0x193: {  	[sflag:s8] =	ssyncadd.s32 $0xFFFFFF80  }
0x194: {  	_ =	swait.ge [sflag:s8], $0x80  }
0x195: {  	[sflag:s8] =	ssyncset.done $0x0  }
0x196: {  	[sflag:s8] =	ssyncadd.s32 $0xFFFFFF80  }
0x197: {  	_ =	swait.ge [sflag:s8], $0x80  }
0x198: {  	[sflag:s8] =	ssyncset.done $0x0  }
0x199: {  	[sflag:s8] =	ssyncadd.s32 $0xFFFFFF80  }
0x19a: {  	_ =	swait.ge [sflag:s8], $0x80  }
0x19b: {  	[sflag:s8] =	ssyncset.done $0x0  }
0x19c: {  	[sflag:s8] =	ssyncadd.s32 $0xFFFFFF80  }
0x19d: {  	_ =	swait.ge [sflag:s8], $0x80  }
0x19e: {  	[sflag:s8] =	ssyncset.done $0x0  }
0x19f: {  	[sflag:s8] =	ssyncadd.s32 $0xFFFFFF80  }
0x1a0: {  	_ =	swait.ge [sflag:s8], $0x80  }
0x1a1: {  	[sflag:s8] =	ssyncset.done $0x0  }
0x1a2: {  	[sflag:s8] =	ssyncadd.s32 $0xFFFFFF80  }
0x1a3: {  	_ =	swait.ge [sflag:s8], $0x80  }
0x1a4: {  	[sflag:s8] =	ssyncset.done $0x0  }
0x1a5: {  	[sflag:s8] =	ssyncadd.s32 $0xFFFFFF80  }
0x1a6: {  	_ =	swait.ge [sflag:s8], $0x80  }
0x1a7: {  	[sflag:s8] =	ssyncset.done $0x0  }
0x1a8: {  	[sflag:s8] =	ssyncadd.s32 $0xFFFFFF80  }
0x1a9: {  	_ =	swait.ge [sflag:s8], $0x80  }
0x1aa: {  	[sflag:s8] =	ssyncset.done $0x0  }
0x1ab: {  	[sflag:s8] =	ssyncadd.s32 $0xFFFFFF80  }
0x1ac: {  	_ =	swait.ge [sflag:s8], $0x80  }
0x1ad: {  	[sflag:s8] =	ssyncset.done $0x0  }
0x1ae: {  	[sflag:s8] =	ssyncadd.s32 $0xFFFFFF80  }
0x1af: {  	_ =	swait.ge [sflag:s8], $0x80  }
0x1b0: {  	[sflag:s8] =	ssyncset.done $0x0  }
0x1b1: {  	[sflag:s8] =	ssyncadd.s32 $0xFFFFFF80  }
0x1b2: {  	_ =	swait.ge [sflag:s8], $0x80  }
0x1b3: {  	[sflag:s8] =	ssyncset.done $0x0  }
0x1b4: {  	[sflag:s8] =	ssyncadd.s32 $0xFFFFFF80  }
0x1b5: {  	_ =	swait.ge [sflag:s8], $0x80  }
0x1b6: {  	[sflag:s8] =	ssyncset.done $0x0  }
0x1b7: {  	[sflag:s8] =	ssyncadd.s32 $0xFFFFFF80  }
0x1b8: {  	_ =	swait.ge [sflag:s8], $0x80  }
0x1b9: {  	[sflag:s8] =	ssyncset.done $0x0  }
0x1ba: {  	[sflag:s8] =	ssyncadd.s32 $0xFFFFFF80  }
0x1bb: {  	_ =	swait.ge [sflag:s8], $0x80  }
0x1bc: {  	[sflag:s8] =	ssyncset.done $0x0  }
0x1bd: {  	[sflag:s8] =	ssyncadd.s32 $0xFFFFFF80  }
0x1be: {  	_ =	swait.ge [sflag:s8], $0x80  }
0x1bf: {  	[sflag:s8] =	ssyncset.done $0x0  }
0x1c0: {  	[sflag:s8] =	ssyncadd.s32 $0xFFFFFF80  }
0x1c1: {  	_ =	swait.ge [sflag:s8], $0x80  }
0x1c2: {  	[sflag:s8] =	ssyncset.done $0x0  }
0x1c3: {  	[sflag:s8] =	ssyncadd.s32 $0xFFFFFF80  }
0x1c4: {  	_ =	swait.ge [sflag:s8], $0x80  }
0x1c5: {  	[sflag:s8] =	ssyncset.done $0x0  }
0x1c6: {  	[sflag:s8] =	ssyncadd.s32 $0xFFFFFF80  }
0x1c7: {  	_ =	swait.ge [sflag:s8], $0x80  }
0x1c8: {  	[sflag:s8] =	ssyncset.done $0x0  }
0x1c9: {  	[sflag:s8] =	ssyncadd.s32 $0xFFFFFF80  }
0x1ca: {  	_ =	swait.ge [sflag:s8], $0x80  }
.Ltmp7:
0x1cb: {  	[sflag:s8] =	ssyncset.done $0x0;
	(pc) =	sbr.rel .LBB2_11-.Ltmp7, $4  }
0x1cc: {  	[sflag:s8] =	ssyncadd.s32 $0xFFFFFF80  }
0x1cd: {  	_ =	swait.ge [sflag:s8], $0x80  }
0x1ce: {  	[sflag:s8] =	ssyncset.done $0x0  }
0x1cf: {  	s13 =	rddreg [dreg:$0x8];
	[sflag:s8] =	ssyncadd.s32 $0xFFFFFF80  }
.LBB2_12:
0x1d0: {  	_ =	sfence.sel $0x180000  }
0x1d1: {  	[bflag:$0x0] =	sbarrier.arrive $0xFFFF  }
0x1d2: {  	_ =	strace $0x90000047  }
0x1d3: {  	s0 =	stileid.u32;
	[bflag:$0x2] =	sbarrier.arrive $0xFFFF  }
0x1d4: {  	p0 =	sne.s32 s0, $0x0;
	s0 =	rddreg [dreg:$0x4]  }
0x1d5: {  	s0 =	sadd.s32 @!p0 $0x100000, s0  }
0x1d6: {  	[sflag:s0] =	ssyncadd.tile.s32 @!p0 $0x1;
	_ =	shalt  }
.Lfunc_end2:
_tile_overlayer_lowered:
.L_overlay_start_2:
0x1d7: {  	(tag) =	ssettag $0x2  }
0x1d8: {  	s0 =	rddreg [dreg:$0x0];
	s2 =	stileid.u32  }
0x1d9: {  	s1 =	rddreg [dreg:$0x1];
	p0 =	sne.s32 s2, $0x0  }
0x1da: {  	s3 =	rddreg [dreg:$0x2];
	[bflag:$0x3] =	sbarrier.arrive $0xFFFF;
	s2 =	simm.s32 @!p0 $0x1C05  }
0x1db: {  	[timem:s3], [sflag:s2] =	dma.local @!p0 [hbm:s0], s1  }
0x1dc: {  	s0 =	simm.s32 @!p0 $0x5  }
0x1dd: {  	_ =	swait.ge @!p0 [sflag:s0], s1  }
0x1de: {  	s1 =	ssub.s32 @!p0 $0x0, s1;
	[sflag:s0] =	ssyncset.done @!p0 $0x0  }
0x1df: {  	[sflag:s0] =	ssyncadd.s32 @!p0 s1  }
0x1e0: {  	[bflag:$0x3] =	sbarrier.arrive $0xFFFF  }
0x1e1: {  	_ =	shalt  }

// kernel: kernel.9.cloned.1.call-start
scs
__scs_entry_jumppad:
0x0: {  	(pc) =	sbr.rel $0x88, $3  }
0x1: {  	(tag) =	ssettag $0x0;
	lr =	simm.s32 $0x1  }
0x2: {  	[smem:$0x3F98] =	sst lr;
	_ =	strace $0xD0000000  }
0x3: {  	_ = 	snop  }
0x4: {  	_ = 	snop  }
0x5: {  	_ = 	snop  }
0x6: {  	_ = 	snop  }
0x7: {  	_ = 	snop  }
__scs_overlays_trampoline_lowered:
0x8: {  	[smem:$0x3FA7] =	sst s0  }
0x9: {  	[smem:$0x3FA8] =	sst s1  }
0xa: {  	[smem:$0x3FA9] =	sst s2  }
0xb: {  	[smem:$0x3FAA] =	sst s3  }
0xc: {  	[smem:$0x3FAB] =	sst s4  }
0xd: {  	[smem:$0x3FAC] =	sst s5  }
0xe: {  	[smem:$0x3FAD] =	sst s6  }
0xf: {  	[smem:$0x3FAE] =	sst s7  }
0x10: {  	[smem:$0x3FAF] =	sst s8  }
0x11: {  	[smem:$0x3FB0] =	sst s9;
	s0 =	simm.s32 @!p0 $0x0  }
0x12: {  	s1 =	sld [smem:$0x3F96];
	s0 =	simm.s32 @p0 $0x1  }
0x13: {  	[smem:$0x3FB1] =	sst s0;
	s0 =	simm.s32 @!p1 $0x0  }
0x14: {  	s2 =	sld [smem:$0x3F95];
	s0 =	simm.s32 @p1 $0x1  }
0x15: {  	[smem:$0x3FB2] =	sst s0;
	s0 =	simm.s32 @!p2 $0x0  }
0x16: {  	s3 =	sld [smem:$0x3FDB];
	s0 =	simm.s32 @p2 $0x1  }
0x17: {  	s4 =	simm.s32 $0x1BF5;
	[smem:$0x3FB4] =	sst s0  }
0x18: {  	s0 =	sld [smem:$0x3F97];
	_ =	swait.ge [sflag:s4], $0x0  }
0x19: {  	s7 =	sld [smem:$0x3F98]  }
0x1a: {  	s8 =	sadd.s32 $0xFFFFE003, lr  }
0x1b: {  	s9 =	sadd.s32 $0xFFFFFEF7, lr;
	s5 =	simm.s32 $0xFFFFFFFF;
	p2 =	slt.u32 s8, $0xFFFFF086  }
0x1c: {  	p1 =	slt.u32 s9, $0xF7A;
	s5 =	simm.s32 @!p2 $0x0  }
0x1d: {  	s5 =	simm.s32 @p1 $0x1;
	p0 =	seq.s32 s7, s2  }
0x1e: {  	s7 =	smul.u32 @!p0 $0xF7A, s2;
	p2 =	seq.s32 @!p0 s5, $0x0  }
0x1f: {  	s9 =	smul.u32 $0xF7A, s1;
	s8 =	simm.s32 @!p0 $0x1BF5;
	p2 =	por !p2, p0  }
0x20: {  	[sflag:s8] =	ssyncset.s32 @!p0 $0xFFFFF086;
	s6 =	sadd.s32 @!p0 s3, s7;
	s7 =	simm.s32 @!p0 $0x108  }
0x21: {  	s3 =	sadd.s32 s3, s9;
	s6 =	sadd.s32 @!p0 $0x88, s6;
	s7 =	simm.s32 @p2 $0x1082  }
0x22: {  	[simem:s7], [sflag:s8] =	dma.local @!p0 [hbm:s6], $0xF7A  }
0x23: {  	s9 =	sor.u32 $0xD0000000, s2;
	s6 =	simm.s32 $0x108;
	_ =	swait.ge @!p0 [sflag:s8], $0x0  }
0x24: {  	s3 =	sadd.s32 $0x88, s3;
	s6 =	simm.s32 @!p1 $0x1082;
	[sflag:s4] =	ssyncset.s32 $0xFFFFF086  }
0x25: {  	[simem:s6], [sflag:s4] =	dma.local [hbm:s3], $0xF7A  }
0x26: {  	[smem:$0x3F98] =	sst s1;
	(tag) =	ssettag s2;
	_ =	strace s9  }
0x27: {  	s1 =	sld [smem:$0x3FA8]  }
0x28: {  	s2 =	sld [smem:$0x3FA9]  }
0x29: {  	s4 =	sld [smem:$0x3FAB]  }
0x2a: {  	p0 =	seq.s32 s5, $0x0;
	s5 =	sld [smem:$0x3FAC]  }
0x2b: {  	s6 =	sld [smem:$0x3FAD]  }
0x2c: {  	s7 =	sld [smem:$0x3FAE]  }
0x2d: {  	s3 =	simm.s32 $0x108;
	s8 =	sld [smem:$0x3FAF]  }
0x2e: {  	s3 =	simm.s32 @!p0 $0x1082;
	s9 =	sld [smem:$0x3FB0]  }
0x2f: {  	lr =	sadd.s32 s0, s3;
	s0 =	sld [smem:$0x3FA7]  }
0x30: {  	s3 =	sld [smem:$0x3FAA]  }
0x31: {  	[smem:$0x3FB3] =	sst s10  }
0x32: {  	s10 =	sld [smem:$0x3FB1];
	_ =	sdelay $0x3  }
0x33: {  	p0 =	seq.s32 s10, $0x1;
	s10 =	sld [smem:$0x3FB3];
	_ =	sdelay $0x3  }
0x34: {  	[smem:$0x3FB3] =	sst s10  }
0x35: {  	s10 =	sld [smem:$0x3FB2];
	_ =	sdelay $0x3  }
0x36: {  	p1 =	seq.s32 s10, $0x1;
	s10 =	sld [smem:$0x3FB3];
	_ =	sdelay $0x3  }
0x37: {  	[smem:$0x3FB3] =	sst s10  }
0x38: {  	s10 =	sld [smem:$0x3FB4]  }
0x39: {  	_ = 	snop;
	(pc) =	sbr.ind lr, $3  }
0x3a: {  	_ = 	snop  }
0x3b: {  	_ = 	snop  }
0x3c: {  	p2 =	seq.s32 s10, $0x1;
	s10 =	sld [smem:$0x3FB3]  }
0x3d: {  	_ =	shalt  }
0x3e: {  	_ =	shalt  }
0x3f: {  	_ =	shalt  }
0x40: {  	_ =	shalt  }
0x41: {  	_ =	shalt  }
0x42: {  	_ =	shalt  }
0x43: {  	_ =	shalt  }
0x44: {  	_ =	shalt  }
0x45: {  	_ =	shalt  }
0x46: {  	_ =	shalt  }
0x47: {  	_ =	shalt  }
0x48: {  	_ =	shalt  }
0x49: {  	_ =	shalt  }
0x4a: {  	_ =	shalt  }
0x4b: {  	_ =	shalt  }
0x4c: {  	_ =	shalt  }
0x4d: {  	_ =	shalt  }
0x4e: {  	_ =	shalt  }
0x4f: {  	_ =	shalt  }
0x50: {  	_ =	shalt  }
0x51: {  	_ =	shalt  }
0x52: {  	_ =	shalt  }
0x53: {  	_ =	shalt  }
0x54: {  	_ =	shalt  }
0x55: {  	_ =	shalt  }
0x56: {  	_ =	shalt  }
0x57: {  	_ =	shalt  }
0x58: {  	_ =	shalt  }
0x59: {  	_ =	shalt  }
0x5a: {  	_ =	shalt  }
0x5b: {  	_ =	shalt  }
0x5c: {  	_ =	shalt  }
0x5d: {  	_ =	shalt  }
0x5e: {  	_ =	shalt  }
0x5f: {  	_ =	shalt  }
0x60: {  	_ =	shalt  }
0x61: {  	_ =	shalt  }
0x62: {  	_ =	shalt  }
0x63: {  	_ =	shalt  }
0x64: {  	_ =	shalt  }
0x65: {  	_ =	shalt  }
0x66: {  	_ =	shalt  }
0x67: {  	_ =	shalt  }
0x68: {  	_ =	shalt  }
0x69: {  	_ =	shalt  }
0x6a: {  	_ =	shalt  }
0x6b: {  	_ =	shalt  }
0x6c: {  	_ =	shalt  }
0x6d: {  	_ =	shalt  }
0x6e: {  	_ =	shalt  }
0x6f: {  	_ =	shalt  }
0x70: {  	_ =	shalt  }
0x71: {  	_ =	shalt  }
0x72: {  	_ =	shalt  }
0x73: {  	_ =	shalt  }
0x74: {  	_ =	shalt  }
0x75: {  	_ =	shalt  }
0x76: {  	_ =	shalt  }
0x77: {  	_ =	shalt  }
0x78: {  	_ =	shalt  }
0x79: {  	_ =	shalt  }
0x7a: {  	_ =	shalt  }
0x7b: {  	_ =	shalt  }
0x7c: {  	_ =	shalt  }
0x7d: {  	_ =	shalt  }
0x7e: {  	_ =	shalt  }
0x7f: {  	_ =	shalt  }
0x80: {  	_ =	shalt  }
0x81: {  	_ =	shalt  }
0x82: {  	_ =	shalt  }
0x83: {  	_ =	shalt  }
0x84: {  	_ =	shalt  }
0x85: {  	_ =	shalt  }
0x86: {  	_ =	shalt  }
0x87: {  	_ =	shalt  }
.Lfunc_end0:
.L_simem_size_0:
called_computation.1_lowered:
.L_overlay_start_0:
0x88: {  	s2 =	sld [smem:$0x3FD9]  }
0x89: {  	s3 =	sld [smem:$0x3FFE];
	_ =	sdelay $0x1  }
0x8a: {  	s1 =	srdreg.scid  }
0x8b: {  	s0 =	sand.u32 $0x1, s1  }
0x8c: {  	s16 =	sshll.u32 s0, $0xA;
	s2 =	sadd.s32 s3, s2  }
0x8d: {  	s2 =	sadd.s32 s2, s16  }
0x8e: {  	[smem:$0x3FBF] =	sst s2  }
0x8f: {  	_ = 	snop  }
0x90: {  	(tm) =	ssettm $0x1  }
0x91: {  	s17 =	sld [smem:$0x3FFB];
	_ =	sdelay $0x3  }
0x92: {  	_ =	strace s17  }
0x93: {  	s2 =	sld [smem:$0x3FFC];
	_ =	sdelay $0x3  }
0x94: {  	_ =	strace s2  }
0x95: {  	s2 =	sld [smem:$0x3FFD];
	_ =	sdelay $0x3  }
0x96: {  	_ =	strace s2  }
0x97: {  	_ =	strace $0x8FFFFFFF  }
0x98: {  	s18 =	sld [smem:$0x3FDB];
	_ =	sdelay $0x1  }
0x99: {  	s19 =	simm.s32 $_scs_section_size  }
0x9a: {  	s4 =	simm.s32 $_size__tile_overlayer_lowered;
	s5 =	simm.s32 $_tile_overlayer_lowered  }
0x9b: {  	s22 =	simm.s32 $0x1BFF;
	s21 =	sshll.u32 s5, $0x1;
	s2 =	sadd.s32 s19, s18  }
0x9c: {  	s6 =	simm.s32 $0x0;
	s20 =	sshll.u32 s4, $0x1;
	s4 =	sadd.s32 s21, s2  }
0x9d: {  	[timem:s6], [sflag:s22] =	dma.local [hbm:s4], s20  }
0x9e: {  	_ =	swait.ge [sflag:s22], s20  }
0x9f: {  	s3 =	ssub.s32 $0x0, s20;
	[sflag:s22] =	ssyncset.done $0x0  }
0xa0: {  	[sflag:s22] =	ssyncadd.s32 s3;
	_ =	sdelay $0x1  }
0xa1: {  	s23 =	simm.s32 $0x1B8B  }
0xa2: {  	_ =	swait.ge [sflag:s23], $0x1  }
0xa3: {  	[sflag:s23] =	ssyncset.done $0x0  }
0xa4: {  	s25 =	simm.s32 $0x1B8E;
	s24 =	sld [smem:$0x3FFE];
	[sflag:s23] =	ssyncadd.s32 $0xFFFFFFFF  }
0xa5: {  	s26 =	simm.s32 $execute0_lowered;
	[smem:$0x3FD2] =	sst s25  }
0xa6: {  	s4 =	sshll.u32 s26, $0x1;
	_ =	strace $0x80000049;
	[dreg:$0x1] =	wrdreg $0xFFFFFFFF  }
0xa7: {  	s28 =	simm.s32 $_size_execute0_lowered;
	s2 =	sadd.s32 s2, s4;
	[dreg:$0x0] =	wrdreg $0x0  }
0xa8: {  	s4 =	sshll.u32 s28, $0x1;
	[dreg:$0x2] =	wrdreg s2  }
0xa9: {  	[dreg:$0x3] =	wrdreg s4  }
0xaa: {  	[dreg:$0x4] =	wrdreg $0xC0  }
0xab: {  	_ =	task [dreg:s6], $0x5FFFF  }
0xac: {  	[dreg:$0x1] =	wrdreg $0xFFFFFFFF  }
0xad: {  	[dreg:$0x0] =	wrdreg $0x60  }
0xae: {  	[dreg:$0x2] =	wrdreg s24  }
0xaf: {  	[dreg:$0x3] =	wrdreg $0x9  }
0xb0: {  	_ =	task.clear_ibuf [dreg:s6], $0x4FFFF;
	_ =	strace $0x90000049  }
0xb1: {  	s29 =	simm.s32 $0x9;
	_ =	strace $0x8000004B  }
0xb2: {  	_ =	swait.ge [sflag:s29], $0x1  }
0xb3: {  	[sflag:s29] =	ssyncadd.s32 $0xFFFFFFFF  }
0xb4: {  	_ =	strace $0x9000004B  }
0xb5: {  	_ =	sfence  }
0xb6: {  	s30 =	sld [smem:$0x0];
	_ =	sdelay $0x2  }
0xb7: {  	s31 =	sshll.u32 s1, $0xD;
	s1 =	sshrl.u32 s1, $0x2  }
0xb8: {  	s3 =	sand.u32 $0x4000, s31;
	s1 =	sadd.s32 s1, s30  }
0xb9: {  	s0 =	sor.u32 s3, s0;
	s1 =	sshll.u32 s1, $0x11  }
0xba: {  	s0 =	sor.u32 s1, s0  }
0xbb: {  	s0 =	sadd.s32 $0x8F2B, s0  }
0xbc: {  	[sflag:s0] =	ssyncadd.remote.s32 $0x1  }
0xbd: {  	_ =	sfence.sel $0xFFFF  }
0xbe: {  	[dreg:$0x0] =	wrdreg $0xFFFFFFFF;
	(pc) =	sbr.abs _section_cstart, $3  }
0xbf: {  	[dreg:$0x1] =	wrdreg $0xFFFFFFFF  }
0xc0: {  	_ =	task.clear_ibuf [dreg:s6], $0x2FFFF;
	_ =	strace $0x9FFFFFFF  }
0xc1: {  	(tm) =	ssettm $0x7FFFFFFF  }
tec
execute0_lowered:
.L_overlay_start_1:
0x0: {  	(tag) =	ssettag $0x1  }
0x1: {  	s0 =	srdreg.scid  }
0x2: {  	s0 =	sand.u32 $0x1, s0  }
0x3: {  	s9 =	stileid.u32;
	s1 =	sshll.u32 s0, $0x4  }
0x4: {  	s3 =	rddreg [dreg:$0x0];
	s1 =	sor.u32 s9, s1  }
0x5: {  	s2 =	simm.s32 $0x0;
	s31 =	simm.s32 $0x1;
	s4 =	smul.u32 $0xA0, s1  }
0x6: {  	s30 =	simm.s32 $0xC800;
	[smem:$0x7FF] =	sst s2;
	s5 =	smul.u32 $0x5000, s1  }
0x7: {  	s6 =	sadd.s32 $0xB4000, s3;
	s7 =	sadd.s32 $0x154000, s3;
	_ =	strace $0x8000004A  }
0x8: {  	s1 =	smul.u32 $0x28000, s1;
	s4 =	sand.u32 $0x1F80, s4;
	s22 =	sadd.s32 s6, s5  }
0x9: {  	s23 =	sadd.s32 s7, s5;
	s5 =	sor.u32 $0x800, s5;
	[dreg:$0x3] =	wrdreg s22  }
0xa: {  	s1 =	sshrl.u32 s1, $0x3;
	[dreg:$0x4] =	wrdreg s23;
	s24 =	sadd.s32 s6, s5  }
0xb: {  	s4 =	sadd.s32 s4, s3;
	s25 =	sadd.s32 s7, s5;
	[dreg:$0x5] =	wrdreg s24  }
0xc: {  	s26 =	sadd.s32 $0x1000, s1;
	s4 =	sadd.s32 $0xB2C00, s4;
	[dreg:$0x6] =	wrdreg s25  }
0xd: {  	s29 =	simm.s32 $0x10800;
	s28 =	sadd.s32 s6, s26;
	[dreg:$0x2] =	wrdreg s4  }
0xe: {  	s8 =	sadd.s32 $0x1800, s1;
	s5 =	sadd.s32 s7, s26;
	[dreg:$0x7] =	wrdreg s28  }
0xf: {  	s0 =	ssub.s32 $0x2, s0;
	s10 =	sadd.s32 s6, s8;
	[dreg:$0x8] =	wrdreg s5  }
0x10: {  	s12 =	sadd.s32 $0x2000, s1;
	s11 =	sadd.s32 s7, s8;
	[dreg:$0x9] =	wrdreg s10  }
0x11: {  	s15 =	sadd.s32 $0x2800, s1;
	s13 =	sadd.s32 s6, s12;
	[dreg:$0xa] =	wrdreg s11  }
0x12: {  	s3 =	sadd.s32 $0xA00, s3;
	s14 =	sadd.s32 s7, s12;
	[dreg:$0xb] =	wrdreg s13  }
0x13: {  	s18 =	sadd.s32 $0x3000, s1;
	s16 =	sadd.s32 s6, s15;
	[dreg:$0xc] =	wrdreg s14  }
0x14: {  	s21 =	sadd.s32 $0x3800, s1;
	s17 =	sadd.s32 s7, s15;
	[dreg:$0xd] =	wrdreg s16  }
0x15: {  	s19 =	sadd.s32 s6, s18;
	s20 =	sadd.s32 s7, s18;
	[dreg:$0xe] =	wrdreg s17  }
0x16: {  	s8 =	sshrl.u32 s0, $0x1;
	s22 =	sadd.s32 s6, s21;
	[dreg:$0xf] =	wrdreg s19  }
0x17: {  	s23 =	sadd.s32 s7, s21;
	s24 =	sadd.s32 $0x4000, s1;
	[dreg:$0x10] =	wrdreg s20  }
0x18: {  	s1 =	sadd.s32 $0x4800, s1;
	s15 =	simm.s32 $0x4800;
	[dreg:$0x11] =	wrdreg s22  }
0x19: {  	s21 =	simm.s32 $0xF800;
	s0 =	ssub.s32 s0, s8;
	[dreg:$0x12] =	wrdreg s23  }
0x1a: {  	s25 =	sadd.s32 s6, s24;
	s26 =	sadd.s32 s7, s24;
	s28 =	sshll.u32 s9, $0x8  }
0x1b: {  	s6 =	sadd.s32 s6, s1;
	s1 =	sadd.s32 s7, s1;
	s17 =	simm.s32 $0x800  }
0x1c: {  	s24 =	simm.s32 $0x5;
	s23 =	simm.s32 $0x9000;
	[dreg:$0x13] =	wrdreg s25  }
0x1d: {  	s19 =	simm.s32 $0xE800;
	s20 =	simm.s32 $0xF000;
	[dreg:$0x14] =	wrdreg s26  }
0x1e: {  	v2 =	vlaneseq.u32;
	s22 =	simm.s32 $0x10000;
	s4 =	sand.u32 $0x300, s28;
	[dreg:$0x15] =	wrdreg s6  }
0x1f: {  	vm0 =	vmmov $0xffff;
	v1 =	vshrl.u32 v2, $0x3;
	[dreg:$0x16] =	wrdreg s1;
	s5 =	smax.u32 s0, $0x1;
	s0 =	simm.s32 $0x4  }
0x20: {  	v0 =	vand.u32 $0x7, v2;
	v2 =	vor.u32 $0x8, v2;
	v1 =	vmul.u32 $0x8, v1;
	s6 =	simm.s32 $0x2;
	s25 =	simm.s32 $0x3;
	s26 =	simm.s32 $0x6  }
.LBB2_1:
0x21: {  	s28 =	rddreg [dreg:$0x2];
	s8 =	simm.s32 $0x7  }
0x22: {  	[tilespmem:s2], [sflag:$0x7] =	stream.linear.gather [hbm4b:s28+s2], $0x800, $0x38;
	[tilespmem:$0x18800] =	vst v63  }
0x23: {  	_ =	swait.ge [sflag:s8], $0x800  }
0x24: {  	[sflag:s8] =	ssyncset.done $0x0  }
0x25: {  	[sflag:s8] =	ssyncadd.s32 $0xFFFFF800  }
0x26: {  	v3 =	vld [tilespmem:s4+$0x0];
	_ =	sdelay $0x4  }
0x27: {  	v4 =	vshll.u32 v3, $0x1  }
0x28: {  	v3 =	vand.u32 $0x7, v3;
	v4 =	vand.u32 $0xFFFFFFF0, v4  }
0x29: {  	v3 =	vor.u32 v3, v4  }
0x2a: {  	v4 =	vperm.xlane v3, v0;
	_ =	sdelay $0x1  }
0x2b: {  	v3 =	vperm.xlane v3, v2;
	v4 =	vadd.s32 v1, v4;
	_ =	sdelay $0x1  }
0x2c: {  	v3 =	vadd.s32 v1, v3;
	_ =	sdelay $0x2  }
0x2d: {  	[tilespmem:s17], [sflag:$0x1] =	stream.indirect_vreg.gather [hbm4b:s3+s2], $0x80, v4, vm0, $0xb8;
	[tilespmem:$0x18800] =	vst v63  }
0x2e: {  	s1 =	simm.s32 $0x1000  }
0x2f: {  	[tilespmem:s1], [sflag:$0x1] =	stream.indirect_vreg.gather [hbm4b:s3+s2], $0x80, v3, vm0, $0xb8;
	[tilespmem:$0x18800] =	vst v63  }
0x30: {  	v3 =	vld [tilespmem:s4+$0x10];
	_ =	sdelay $0x4  }
0x31: {  	v41 =	vshll.u32 v3, $0x1  }
0x32: {  	v3 =	vand.u32 $0x7, v3;
	v4 =	vand.u32 $0xFFFFFFF0, v41  }
0x33: {  	v3 =	vor.u32 v3, v4  }
0x34: {  	v4 =	vperm.xlane v3, v0;
	_ =	sdelay $0x1  }
0x35: {  	v3 =	vperm.xlane v3, v2;
	v4 =	vadd.s32 v1, v4;
	_ =	sdelay $0x1  }
0x36: {  	v3 =	vadd.s32 v1, v3;
	_ =	sdelay $0x1  }
0x37: {  	s8 =	simm.s32 $0x1800  }
0x38: {  	[tilespmem:s8], [sflag:$0x1] =	stream.indirect_vreg.gather [hbm4b:s3+s2], $0x80, v4, vm0, $0xb8;
	[tilespmem:$0x18800] =	vst v63  }
0x39: {  	s10 =	simm.s32 $0x2000  }
0x3a: {  	[tilespmem:s10], [sflag:$0x1] =	stream.indirect_vreg.gather [hbm4b:s3+s2], $0x80, v3, vm0, $0xb8;
	[tilespmem:$0x18800] =	vst v63  }
0x3b: {  	v3 =	vld [tilespmem:s4+$0x20];
	_ =	sdelay $0x4  }
0x3c: {  	v42 =	vshll.u32 v3, $0x1  }
0x3d: {  	v3 =	vand.u32 $0x7, v3;
	v4 =	vand.u32 $0xFFFFFFF0, v42  }
0x3e: {  	v3 =	vor.u32 v3, v4  }
0x3f: {  	v4 =	vperm.xlane v3, v0;
	_ =	sdelay $0x1  }
0x40: {  	v3 =	vperm.xlane v3, v2;
	v4 =	vadd.s32 v1, v4;
	_ =	sdelay $0x1  }
0x41: {  	v3 =	vadd.s32 v1, v3;
	_ =	sdelay $0x1  }
0x42: {  	s11 =	simm.s32 $0x2800  }
0x43: {  	[tilespmem:s11], [sflag:$0x1] =	stream.indirect_vreg.gather [hbm4b:s3+s2], $0x80, v4, vm0, $0xb8;
	[tilespmem:$0x18800] =	vst v63  }
0x44: {  	s12 =	simm.s32 $0x3000  }
0x45: {  	[tilespmem:s12], [sflag:$0x1] =	stream.indirect_vreg.gather [hbm4b:s3+s2], $0x80, v3, vm0, $0xb8;
	[tilespmem:$0x18800] =	vst v63  }
0x46: {  	v3 =	vld [tilespmem:s4+$0x30];
	_ =	sdelay $0x4  }
0x47: {  	v43 =	vshll.u32 v3, $0x1  }
0x48: {  	v3 =	vand.u32 $0x7, v3;
	v4 =	vand.u32 $0xFFFFFFF0, v43  }
0x49: {  	v3 =	vor.u32 v3, v4  }
0x4a: {  	v4 =	vperm.xlane v3, v0;
	_ =	sdelay $0x1  }
0x4b: {  	v3 =	vperm.xlane v3, v2;
	v4 =	vadd.s32 v1, v4;
	_ =	sdelay $0x1  }
0x4c: {  	v3 =	vadd.s32 v1, v3;
	_ =	sdelay $0x1  }
0x4d: {  	s13 =	simm.s32 $0x3800  }
0x4e: {  	[tilespmem:s13], [sflag:$0x1] =	stream.indirect_vreg.gather [hbm4b:s3+s2], $0x80, v4, vm0, $0xb8;
	[tilespmem:$0x18800] =	vst v63  }
0x4f: {  	s14 =	simm.s32 $0x4000  }
0x50: {  	[tilespmem:s14], [sflag:$0x1] =	stream.indirect_vreg.gather [hbm4b:s3+s2], $0x80, v3, vm0, $0xb8;
	[tilespmem:$0x18800] =	vst v63  }
0x51: {  	v3 =	vld [tilespmem:s4+$0x40];
	_ =	sdelay $0x4  }
0x52: {  	v44 =	vshll.u32 v3, $0x1  }
0x53: {  	v3 =	vand.u32 $0x7, v3;
	v4 =	vand.u32 $0xFFFFFFF0, v44  }
0x54: {  	v3 =	vor.u32 v3, v4  }
0x55: {  	v4 =	vperm.xlane v3, v0;
	_ =	sdelay $0x1  }
0x56: {  	v3 =	vperm.xlane v3, v2;
	v4 =	vadd.s32 v1, v4;
	_ =	sdelay $0x1  }
0x57: {  	v3 =	vadd.s32 v1, v3;
	_ =	sdelay $0x2  }
0x58: {  	[tilespmem:s15], [sflag:$0x1] =	stream.indirect_vreg.gather [hbm4b:s3+s2], $0x80, v4, vm0, $0xb8;
	[tilespmem:$0x18800] =	vst v63  }
0x59: {  	s16 =	simm.s32 $0x5000  }
0x5a: {  	[tilespmem:s16], [sflag:$0x1] =	stream.indirect_vreg.gather [hbm4b:s3+s2], $0x80, v3, vm0, $0xb8;
	[tilespmem:$0x18800] =	vst v63  }
0x5b: {  	v3 =	vld [tilespmem:s4+$0x50];
	_ =	sdelay $0x4  }
0x5c: {  	v45 =	vshll.u32 v3, $0x1  }
0x5d: {  	v3 =	vand.u32 $0x7, v3;
	v4 =	vand.u32 $0xFFFFFFF0, v45  }
0x5e: {  	v3 =	vor.u32 v3, v4  }
0x5f: {  	v4 =	vperm.xlane v3, v0;
	_ =	sdelay $0x1  }
0x60: {  	v3 =	vperm.xlane v3, v2;
	v4 =	vadd.s32 v1, v4;
	_ =	sdelay $0x1  }
0x61: {  	v3 =	vadd.s32 v1, v3;
	_ =	sdelay $0x1  }
0x62: {  	s18 =	simm.s32 $0x5800  }
0x63: {  	[tilespmem:s18], [sflag:$0x1] =	stream.indirect_vreg.gather [hbm4b:s3+s2], $0x80, v4, vm0, $0xb8;
	[tilespmem:$0x18800] =	vst v63  }
0x64: {  	s28 =	simm.s32 $0x6000  }
0x65: {  	[tilespmem:s28], [sflag:$0x1] =	stream.indirect_vreg.gather [hbm4b:s3+s2], $0x80, v3, vm0, $0xb8;
	[tilespmem:$0x18800] =	vst v63  }
0x66: {  	v3 =	vld [tilespmem:s4+$0x60];
	_ =	sdelay $0x4  }
0x67: {  	v46 =	vshll.u32 v3, $0x1  }
0x68: {  	v3 =	vand.u32 $0x7, v3;
	v4 =	vand.u32 $0xFFFFFFF0, v46  }
0x69: {  	v3 =	vor.u32 v3, v4  }
0x6a: {  	v4 =	vperm.xlane v3, v0;
	_ =	sdelay $0x1  }
0x6b: {  	v3 =	vperm.xlane v3, v2;
	v4 =	vadd.s32 v1, v4;
	_ =	sdelay $0x1  }
0x6c: {  	v3 =	vadd.s32 v1, v3;
	_ =	sdelay $0x1  }
0x6d: {  	s7 =	simm.s32 $0x6800  }
0x6e: {  	[tilespmem:s7], [sflag:$0x1] =	stream.indirect_vreg.gather [hbm4b:s3+s2], $0x80, v4, vm0, $0xb8;
	[tilespmem:$0x18800] =	vst v63  }
0x6f: {  	s8 =	simm.s32 $0x7000  }
0x70: {  	[tilespmem:s8], [sflag:$0x1] =	stream.indirect_vreg.gather [hbm4b:s3+s2], $0x80, v3, vm0, $0xb8;
	[tilespmem:$0x18800] =	vst v63  }
0x71: {  	v3 =	vld [tilespmem:s4+$0x70];
	_ =	sdelay $0x4  }
0x72: {  	v47 =	vshll.u32 v3, $0x1  }
0x73: {  	v3 =	vand.u32 $0x7, v3;
	v4 =	vand.u32 $0xFFFFFFF0, v47  }
0x74: {  	v3 =	vor.u32 v3, v4  }
0x75: {  	v4 =	vperm.xlane v3, v0;
	_ =	sdelay $0x1  }
0x76: {  	v3 =	vperm.xlane v3, v2;
	v4 =	vadd.s32 v1, v4;
	_ =	sdelay $0x1  }
0x77: {  	v3 =	vadd.s32 v1, v3;
	_ =	sdelay $0x1  }
0x78: {  	s16 =	simm.s32 $0x7800  }
0x79: {  	[tilespmem:s16], [sflag:$0x1] =	stream.indirect_vreg.gather [hbm4b:s3+s2], $0x80, v4, vm0, $0xb8;
	[tilespmem:$0x18800] =	vst v63  }
0x7a: {  	s18 =	simm.s32 $0x8000  }
0x7b: {  	[tilespmem:s18], [sflag:$0x1] =	stream.indirect_vreg.gather [hbm4b:s3+s2], $0x80, v3, vm0, $0xb8;
	[tilespmem:$0x18800] =	vst v63  }
0x7c: {  	v3 =	vld [tilespmem:s4+$0x80];
	_ =	sdelay $0x4  }
0x7d: {  	v48 =	vshll.u32 v3, $0x1  }
0x7e: {  	v3 =	vand.u32 $0x7, v3;
	v4 =	vand.u32 $0xFFFFFFF0, v48  }
0x7f: {  	v3 =	vor.u32 v3, v4  }
0x80: {  	v4 =	vperm.xlane v3, v0;
	_ =	sdelay $0x1  }
0x81: {  	v3 =	vperm.xlane v3, v2;
	v4 =	vadd.s32 v1, v4;
	_ =	sdelay $0x1  }
0x82: {  	v3 =	vadd.s32 v1, v3;
	_ =	sdelay $0x1  }
0x83: {  	s1 =	simm.s32 $0x8800  }
0x84: {  	[tilespmem:s1], [sflag:$0x2] =	stream.indirect_vreg.gather [hbm4b:s3+s2], $0x80, v4, vm0, $0xb8;
	[tilespmem:$0x18800] =	vst v63  }
0x85: {  	_ = 	snop  }
0x86: {  	[tilespmem:s23], [sflag:$0x2] =	stream.indirect_vreg.gather [hbm4b:s3+s2], $0x80, v3, vm0, $0xb8;
	[tilespmem:$0x18800] =	vst v63  }
0x87: {  	v3 =	vld [tilespmem:s4+$0x90];
	_ =	sdelay $0x4  }
0x88: {  	v49 =	vshll.u32 v3, $0x1  }
0x89: {  	v3 =	vand.u32 $0x7, v3;
	v4 =	vand.u32 $0xFFFFFFF0, v49  }
0x8a: {  	v3 =	vor.u32 v3, v4  }
0x8b: {  	v4 =	vperm.xlane v3, v0;
	_ =	sdelay $0x1  }
0x8c: {  	v3 =	vperm.xlane v3, v2;
	v4 =	vadd.s32 v1, v4;
	_ =	sdelay $0x1  }
0x8d: {  	v3 =	vadd.s32 v1, v3;
	_ =	sdelay $0x1  }
0x8e: {  	s7 =	simm.s32 $0x9800  }
0x8f: {  	[tilespmem:s7], [sflag:$0x2] =	stream.indirect_vreg.gather [hbm4b:s3+s2], $0x80, v4, vm0, $0xb8;
	[tilespmem:$0x18800] =	vst v63  }
0x90: {  	s28 =	simm.s32 $0xA000  }
0x91: {  	[tilespmem:s28], [sflag:$0x2] =	stream.indirect_vreg.gather [hbm4b:s3+s2], $0x80, v3, vm0, $0xb8;
	[tilespmem:$0x18800] =	vst v63  }
0x92: {  	v3 =	vld [tilespmem:s4+$0xA0];
	_ =	sdelay $0x4  }
0x93: {  	v50 =	vshll.u32 v3, $0x1  }
0x94: {  	v3 =	vand.u32 $0x7, v3;
	v4 =	vand.u32 $0xFFFFFFF0, v50  }
0x95: {  	v3 =	vor.u32 v3, v4  }
0x96: {  	v4 =	vperm.xlane v3, v0;
	_ =	sdelay $0x1  }
0x97: {  	v3 =	vperm.xlane v3, v2;
	v4 =	vadd.s32 v1, v4;
	_ =	sdelay $0x1  }
0x98: {  	v3 =	vadd.s32 v1, v3;
	_ =	sdelay $0x1  }
0x99: {  	s8 =	simm.s32 $0xA800  }
0x9a: {  	[tilespmem:s8], [sflag:$0x2] =	stream.indirect_vreg.gather [hbm4b:s3+s2], $0x80, v4, vm0, $0xb8;
	[tilespmem:$0x18800] =	vst v63  }
0x9b: {  	s16 =	simm.s32 $0xB000  }
0x9c: {  	[tilespmem:s16], [sflag:$0x2] =	stream.indirect_vreg.gather [hbm4b:s3+s2], $0x80, v3, vm0, $0xb8;
	[tilespmem:$0x18800] =	vst v63  }
0x9d: {  	v3 =	vld [tilespmem:s4+$0xB0];
	_ =	sdelay $0x4  }
0x9e: {  	v51 =	vshll.u32 v3, $0x1  }
0x9f: {  	v3 =	vand.u32 $0x7, v3;
	v4 =	vand.u32 $0xFFFFFFF0, v51  }
0xa0: {  	v3 =	vor.u32 v3, v4  }
0xa1: {  	v4 =	vperm.xlane v3, v0;
	_ =	sdelay $0x1  }
0xa2: {  	v3 =	vperm.xlane v3, v2;
	v4 =	vadd.s32 v1, v4;
	_ =	sdelay $0x1  }
0xa3: {  	v3 =	vadd.s32 v1, v3;
	_ =	sdelay $0x1  }
0xa4: {  	s28 =	simm.s32 $0xB800  }
0xa5: {  	[tilespmem:s28], [sflag:$0x2] =	stream.indirect_vreg.gather [hbm4b:s3+s2], $0x80, v4, vm0, $0xb8;
	[tilespmem:$0x18800] =	vst v63  }
0xa6: {  	s8 =	simm.s32 $0xC000  }
0xa7: {  	[tilespmem:s8], [sflag:$0x2] =	stream.indirect_vreg.gather [hbm4b:s3+s2], $0x80, v3, vm0, $0xb8;
	[tilespmem:$0x18800] =	vst v63  }
0xa8: {  	v3 =	vld [tilespmem:s4+$0xC0];
	_ =	sdelay $0x4  }
0xa9: {  	v52 =	vshll.u32 v3, $0x1  }
0xaa: {  	v3 =	vand.u32 $0x7, v3;
	v4 =	vand.u32 $0xFFFFFFF0, v52  }
0xab: {  	v3 =	vor.u32 v3, v4  }
0xac: {  	v4 =	vperm.xlane v3, v0;
	_ =	sdelay $0x1  }
0xad: {  	v3 =	vperm.xlane v3, v2;
	v4 =	vadd.s32 v1, v4;
	_ =	sdelay $0x1  }
0xae: {  	v3 =	vadd.s32 v1, v3;
	_ =	sdelay $0x2  }
0xaf: {  	[tilespmem:s30], [sflag:$0x2] =	stream.indirect_vreg.gather [hbm4b:s3+s2], $0x80, v4, vm0, $0xb8;
	[tilespmem:$0x18800] =	vst v63  }
0xb0: {  	s16 =	simm.s32 $0xD000  }
0xb1: {  	[tilespmem:s16], [sflag:$0x2] =	stream.indirect_vreg.gather [hbm4b:s3+s2], $0x80, v3, vm0, $0xb8;
	[tilespmem:$0x18800] =	vst v63  }
0xb2: {  	v3 =	vld [tilespmem:s4+$0xD0];
	_ =	sdelay $0x4  }
0xb3: {  	v53 =	vshll.u32 v3, $0x1  }
0xb4: {  	v3 =	vand.u32 $0x7, v3;
	v4 =	vand.u32 $0xFFFFFFF0, v53  }
0xb5: {  	v3 =	vor.u32 v3, v4  }
0xb6: {  	v4 =	vperm.xlane v3, v0;
	_ =	sdelay $0x1  }
0xb7: {  	v3 =	vperm.xlane v3, v2;
	v4 =	vadd.s32 v1, v4;
	_ =	sdelay $0x1  }
0xb8: {  	v3 =	vadd.s32 v1, v3;
	_ =	sdelay $0x1  }
0xb9: {  	s28 =	simm.s32 $0xD800  }
0xba: {  	[tilespmem:s28], [sflag:$0x2] =	stream.indirect_vreg.gather [hbm4b:s3+s2], $0x80, v4, vm0, $0xb8;
	[tilespmem:$0x18800] =	vst v63  }
0xbb: {  	s8 =	simm.s32 $0xE000  }
0xbc: {  	[tilespmem:s8], [sflag:$0x2] =	stream.indirect_vreg.gather [hbm4b:s3+s2], $0x80, v3, vm0, $0xb8;
	[tilespmem:$0x18800] =	vst v63  }
0xbd: {  	v3 =	vld [tilespmem:s4+$0xE0];
	_ =	sdelay $0x4  }
0xbe: {  	v54 =	vshll.u32 v3, $0x1  }
0xbf: {  	v3 =	vand.u32 $0x7, v3;
	v4 =	vand.u32 $0xFFFFFFF0, v54  }
0xc0: {  	v3 =	vor.u32 v3, v4  }
0xc1: {  	v4 =	vperm.xlane v3, v0;
	_ =	sdelay $0x1  }
0xc2: {  	v3 =	vperm.xlane v3, v2;
	v4 =	vadd.s32 v1, v4;
	_ =	sdelay $0x1  }
0xc3: {  	v3 =	vadd.s32 v1, v3;
	_ =	sdelay $0x2  }
0xc4: {  	[tilespmem:s19], [sflag:$0x2] =	stream.indirect_vreg.gather [hbm4b:s3+s2], $0x80, v4, vm0, $0xb8;
	[tilespmem:$0x18800] =	vst v63  }
0xc5: {  	_ = 	snop  }
0xc6: {  	[tilespmem:s20], [sflag:$0x2] =	stream.indirect_vreg.gather [hbm4b:s3+s2], $0x80, v3, vm0, $0xb8;
	[tilespmem:$0x18800] =	vst v63  }
0xc7: {  	v3 =	vld [tilespmem:s4+$0xF0];
	_ =	sdelay $0x4  }
0xc8: {  	v55 =	vshll.u32 v3, $0x1  }
0xc9: {  	v3 =	vand.u32 $0x7, v3;
	v4 =	vand.u32 $0xFFFFFFF0, v55  }
0xca: {  	v3 =	vor.u32 v3, v4  }
0xcb: {  	v4 =	vperm.xlane v3, v0;
	_ =	sdelay $0x1  }
0xcc: {  	v3 =	vperm.xlane v3, v2;
	v4 =	vadd.s32 v1, v4;
	_ =	sdelay $0x1  }
0xcd: {  	v3 =	vadd.s32 v1, v3;
	_ =	sdelay $0x2  }
0xce: {  	[tilespmem:s21], [sflag:$0x2] =	stream.indirect_vreg.gather [hbm4b:s3+s2], $0x80, v4, vm0, $0xb8;
	[tilespmem:$0x18800] =	vst v63  }
0xcf: {  	_ = 	snop  }
0xd0: {  	[tilespmem:s22], [sflag:$0x2] =	stream.indirect_vreg.gather [hbm4b:s3+s2], $0x80, v3, vm0, $0xb8;
	[tilespmem:$0x18800] =	vst v63  }
0xd1: {  	v3 =	vld [tilespmem:s4+$0x100];
	_ =	sdelay $0x4  }
0xd2: {  	v56 =	vshll.u32 v3, $0x1  }
0xd3: {  	v3 =	vand.u32 $0x7, v3;
	v4 =	vand.u32 $0xFFFFFFF0, v56  }
0xd4: {  	v3 =	vor.u32 v3, v4  }
0xd5: {  	v4 =	vperm.xlane v3, v0;
	_ =	sdelay $0x1  }
0xd6: {  	v3 =	vperm.xlane v3, v2;
	v4 =	vadd.s32 v1, v4;
	_ =	sdelay $0x1  }
0xd7: {  	v3 =	vadd.s32 v1, v3;
	_ =	sdelay $0x2  }
0xd8: {  	[tilespmem:s29], [sflag:$0x3] =	stream.indirect_vreg.gather [hbm4b:s3+s2], $0x80, v4, vm0, $0xb8;
	[tilespmem:$0x18800] =	vst v63  }
0xd9: {  	s16 =	simm.s32 $0x11000  }
0xda: {  	[tilespmem:s16], [sflag:$0x3] =	stream.indirect_vreg.gather [hbm4b:s3+s2], $0x80, v3, vm0, $0xb8;
	[tilespmem:$0x18800] =	vst v63  }
0xdb: {  	v3 =	vld [tilespmem:s4+$0x110];
	_ =	sdelay $0x4  }
0xdc: {  	v57 =	vshll.u32 v3, $0x1  }
0xdd: {  	v3 =	vand.u32 $0x7, v3;
	v4 =	vand.u32 $0xFFFFFFF0, v57  }
0xde: {  	v3 =	vor.u32 v3, v4  }
0xdf: {  	v4 =	vperm.xlane v3, v0;
	_ =	sdelay $0x1  }
0xe0: {  	v3 =	vperm.xlane v3, v2;
	v4 =	vadd.s32 v1, v4;
	_ =	sdelay $0x1  }
0xe1: {  	v3 =	vadd.s32 v1, v3;
	_ =	sdelay $0x1  }
0xe2: {  	s28 =	simm.s32 $0x11800  }
0xe3: {  	[tilespmem:s28], [sflag:$0x3] =	stream.indirect_vreg.gather [hbm4b:s3+s2], $0x80, v4, vm0, $0xb8;
	[tilespmem:$0x18800] =	vst v63  }
0xe4: {  	s8 =	simm.s32 $0x12000  }
0xe5: {  	[tilespmem:s8], [sflag:$0x3] =	stream.indirect_vreg.gather [hbm4b:s3+s2], $0x80, v3, vm0, $0xb8;
	[tilespmem:$0x18800] =	vst v63  }
0xe6: {  	v3 =	vld [tilespmem:s4+$0x120];
	_ =	sdelay $0x4  }
0xe7: {  	v58 =	vshll.u32 v3, $0x1  }
0xe8: {  	v3 =	vand.u32 $0x7, v3;
	v4 =	vand.u32 $0xFFFFFFF0, v58  }
0xe9: {  	v3 =	vor.u32 v3, v4  }
0xea: {  	v4 =	vperm.xlane v3, v0;
	_ =	sdelay $0x1  }
0xeb: {  	v3 =	vperm.xlane v3, v2;
	v4 =	vadd.s32 v1, v4;
	_ =	sdelay $0x1  }
0xec: {  	v3 =	vadd.s32 v1, v3;
	_ =	sdelay $0x1  }
0xed: {  	s16 =	simm.s32 $0x12800  }
0xee: {  	[tilespmem:s16], [sflag:$0x3] =	stream.indirect_vreg.gather [hbm4b:s3+s2], $0x80, v4, vm0, $0xb8;
	[tilespmem:$0x18800] =	vst v63  }
0xef: {  	s28 =	simm.s32 $0x13000  }
0xf0: {  	[tilespmem:s28], [sflag:$0x3] =	stream.indirect_vreg.gather [hbm4b:s3+s2], $0x80, v3, vm0, $0xb8;
	[tilespmem:$0x18800] =	vst v63  }
0xf1: {  	v3 =	vld [tilespmem:s4+$0x130];
	_ =	sdelay $0x4  }
0xf2: {  	v59 =	vshll.u32 v3, $0x1  }
0xf3: {  	v3 =	vand.u32 $0x7, v3;
	v4 =	vand.u32 $0xFFFFFFF0, v59  }
0xf4: {  	v3 =	vor.u32 v3, v4  }
0xf5: {  	v4 =	vperm.xlane v3, v0;
	_ =	sdelay $0x1  }
0xf6: {  	v3 =	vperm.xlane v3, v2;
	v4 =	vadd.s32 v1, v4;
	_ =	sdelay $0x1  }
0xf7: {  	v3 =	vadd.s32 v1, v3;
	_ =	sdelay $0x1  }
0xf8: {  	s8 =	simm.s32 $0x13800  }
0xf9: {  	[tilespmem:s8], [sflag:$0x3] =	stream.indirect_vreg.gather [hbm4b:s3+s2], $0x80, v4, vm0, $0xb8;
	[tilespmem:$0x18800] =	vst v63  }
0xfa: {  	s16 =	simm.s32 $0x14000  }
0xfb: {  	[tilespmem:s16], [sflag:$0x3] =	stream.indirect_vreg.gather [hbm4b:s3+s2], $0x80, v3, vm0, $0xb8;
	[tilespmem:$0x18800] =	vst v63  }
0xfc: {  	v3 =	vld [tilespmem:s4+$0x140];
	_ =	sdelay $0x4  }
0xfd: {  	v60 =	vshll.u32 v3, $0x1  }
0xfe: {  	v3 =	vand.u32 $0x7, v3;
	v4 =	vand.u32 $0xFFFFFFF0, v60  }
0xff: {  	v3 =	vor.u32 v3, v4  }
0x100: {  	v4 =	vperm.xlane v3, v0;
	_ =	sdelay $0x1  }
0x101: {  	v3 =	vperm.xlane v3, v2;
	v4 =	vadd.s32 v1, v4;
	_ =	sdelay $0x1  }
0x102: {  	v3 =	vadd.s32 v1, v3;
	_ =	sdelay $0x1  }
0x103: {  	s7 =	simm.s32 $0x14800  }
0x104: {  	[tilespmem:s7], [sflag:$0x3] =	stream.indirect_vreg.gather [hbm4b:s3+s2], $0x80, v4, vm0, $0xb8;
	[tilespmem:$0x18800] =	vst v63  }
0x105: {  	s28 =	simm.s32 $0x15000  }
0x106: {  	[tilespmem:s28], [sflag:$0x3] =	stream.indirect_vreg.gather [hbm4b:s3+s2], $0x80, v3, vm0, $0xb8;
	[tilespmem:$0x18800] =	vst v63  }
0x107: {  	v3 =	vld [tilespmem:s4+$0x150];
	_ =	sdelay $0x4  }
0x108: {  	v61 =	vshll.u32 v3, $0x1  }
0x109: {  	v3 =	vand.u32 $0x7, v3;
	v4 =	vand.u32 $0xFFFFFFF0, v61  }
0x10a: {  	v3 =	vor.u32 v3, v4  }
0x10b: {  	v4 =	vperm.xlane v3, v0;
	_ =	sdelay $0x1  }
0x10c: {  	v3 =	vperm.xlane v3, v2;
	v4 =	vadd.s32 v1, v4;
	_ =	sdelay $0x1  }
0x10d: {  	v3 =	vadd.s32 v1, v3;
	_ =	sdelay $0x1  }
0x10e: {  	s16 =	simm.s32 $0x15800  }
0x10f: {  	[tilespmem:s16], [sflag:$0x3] =	stream.indirect_vreg.gather [hbm4b:s3+s2], $0x80, v4, vm0, $0xb8;
	[tilespmem:$0x18800] =	vst v63  }
0x110: {  	s28 =	simm.s32 $0x16000  }
0x111: {  	[tilespmem:s28], [sflag:$0x3] =	stream.indirect_vreg.gather [hbm4b:s3+s2], $0x80, v3, vm0, $0xb8;
	[tilespmem:$0x18800] =	vst v63  }
0x112: {  	v3 =	vld [tilespmem:s4+$0x160];
	_ =	sdelay $0x4  }
0x113: {  	v62 =	vshll.u32 v3, $0x1  }
0x114: {  	v3 =	vand.u32 $0x7, v3;
	v4 =	vand.u32 $0xFFFFFFF0, v62  }
0x115: {  	v3 =	vor.u32 v3, v4  }
0x116: {  	v4 =	vperm.xlane v3, v0;
	_ =	sdelay $0x1  }
0x117: {  	v3 =	vperm.xlane v3, v2;
	v4 =	vadd.s32 v1, v4;
	_ =	sdelay $0x1  }
0x118: {  	v3 =	vadd.s32 v1, v3;
	_ =	sdelay $0x1  }
0x119: {  	s16 =	simm.s32 $0x16800  }
0x11a: {  	[tilespmem:s16], [sflag:$0x3] =	stream.indirect_vreg.gather [hbm4b:s3+s2], $0x80, v4, vm0, $0xb8;
	[tilespmem:$0x18800] =	vst v63  }
0x11b: {  	s28 =	simm.s32 $0x17000  }
0x11c: {  	[tilespmem:s28], [sflag:$0x3] =	stream.indirect_vreg.gather [hbm4b:s3+s2], $0x80, v3, vm0, $0xb8;
	[tilespmem:$0x18800] =	vst v63  }
0x11d: {  	v3 =	vld [tilespmem:s4+$0x170];
	_ =	sdelay $0x4  }
0x11e: {  	v63 =	vshll.u32 v3, $0x1  }
0x11f: {  	v3 =	vand.u32 $0x7, v3;
	v4 =	vand.u32 $0xFFFFFFF0, v63  }
0x120: {  	v3 =	vor.u32 v3, v4  }
0x121: {  	v4 =	vperm.xlane v3, v0;
	_ =	sdelay $0x1  }
0x122: {  	v3 =	vperm.xlane v3, v2;
	v4 =	vadd.s32 v1, v4;
	_ =	sdelay $0x1  }
0x123: {  	v3 =	vadd.s32 v1, v3;
	_ =	sdelay $0x1  }
0x124: {  	s16 =	simm.s32 $0x17800  }
0x125: {  	[tilespmem:s16], [sflag:$0x3] =	stream.indirect_vreg.gather [hbm4b:s3+s2], $0x80, v4, vm0, $0xb8;
	[tilespmem:$0x18800] =	vst v63  }
0x126: {  	s28 =	simm.s32 $0x18000  }
0x127: {  	[tilespmem:s28], [sflag:$0x3] =	stream.indirect_vreg.gather [hbm4b:s3+s2], $0x80, v3, vm0, $0xb8;
	[tilespmem:$0x18800] =	vst v63  }
0x128: {  	_ =	swait.ge [sflag:s31], $0x8000  }
0x129: {  	[sflag:s31] =	ssyncset.done $0x0  }
0x12a: {  	s8 =	rddreg [dreg:$0x3];
	[sflag:s31] =	ssyncadd.s32 $0xFFFF8000  }
0x12b: {  	[hbm4b:s8+s2] =	stream.linear.scatter [tilespmem:s17], [sflag:$0x4], $0x4000, $0x38;
	[tilespmem:$0x18800] =	vst v63  }
0x12c: {  	s16 =	rddreg [dreg:$0x4]  }
0x12d: {  	[hbm4b:s16+s2] =	stream.linear.scatter [tilespmem:s15], [sflag:$0x4], $0x4000, $0x38;
	[tilespmem:$0x18800] =	vst v63  }
0x12e: {  	_ =	swait.ge [sflag:s0], $0x4000  }
0x12f: {  	[sflag:s0] =	ssyncset.done $0x0  }
0x130: {  	[sflag:s0] =	ssyncadd.s32 $0xFFFFC000  }
0x131: {  	_ =	swait.ge [sflag:s0], $0x4000  }
0x132: {  	[sflag:s0] =	ssyncset.done $0x0  }
0x133: {  	[sflag:s0] =	ssyncadd.s32 $0xFFFFC000  }
0x134: {  	v3 =	vld [tilespmem:s4+$0x180];
	_ =	sdelay $0x4  }
0x135: {  	v8 =	vshll.u32 v3, $0x1  }
0x136: {  	v3 =	vand.u32 $0x7, v3;
	v4 =	vand.u32 $0xFFFFFFF0, v8  }
0x137: {  	v3 =	vor.u32 v3, v4  }
0x138: {  	v4 =	vperm.xlane v3, v0;
	_ =	sdelay $0x1  }
0x139: {  	v3 =	vperm.xlane v3, v2;
	v4 =	vadd.s32 v1, v4;
	_ =	sdelay $0x1  }
0x13a: {  	v3 =	vadd.s32 v1, v3;
	_ =	sdelay $0x2  }
0x13b: {  	[tilespmem:s17], [sflag:$0x1] =	stream.indirect_vreg.gather [hbm4b:s3+s2], $0x80, v4, vm0, $0xb8;
	[tilespmem:$0x18800] =	vst v63  }
0x13c: {  	s9 =	simm.s32 $0x1000  }
0x13d: {  	[tilespmem:s9], [sflag:$0x1] =	stream.indirect_vreg.gather [hbm4b:s3+s2], $0x80, v3, vm0, $0xb8;
	[tilespmem:$0x18800] =	vst v63  }
0x13e: {  	v3 =	vld [tilespmem:s4+$0x190];
	_ =	sdelay $0x4  }
0x13f: {  	v9 =	vshll.u32 v3, $0x1  }
0x140: {  	v3 =	vand.u32 $0x7, v3;
	v4 =	vand.u32 $0xFFFFFFF0, v9  }
0x141: {  	v3 =	vor.u32 v3, v4  }
0x142: {  	v4 =	vperm.xlane v3, v0;
	_ =	sdelay $0x1  }
0x143: {  	v3 =	vperm.xlane v3, v2;
	v4 =	vadd.s32 v1, v4;
	_ =	sdelay $0x1  }
0x144: {  	v3 =	vadd.s32 v1, v3;
	_ =	sdelay $0x1  }
0x145: {  	s9 =	simm.s32 $0x1800  }
0x146: {  	[tilespmem:s9], [sflag:$0x1] =	stream.indirect_vreg.gather [hbm4b:s3+s2], $0x80, v4, vm0, $0xb8;
	[tilespmem:$0x18800] =	vst v63  }
0x147: {  	s10 =	simm.s32 $0x2000  }
0x148: {  	[tilespmem:s10], [sflag:$0x1] =	stream.indirect_vreg.gather [hbm4b:s3+s2], $0x80, v3, vm0, $0xb8;
	[tilespmem:$0x18800] =	vst v63  }
0x149: {  	v3 =	vld [tilespmem:s4+$0x1A0];
	_ =	sdelay $0x4  }
0x14a: {  	v10 =	vshll.u32 v3, $0x1  }
0x14b: {  	v3 =	vand.u32 $0x7, v3;
	v4 =	vand.u32 $0xFFFFFFF0, v10  }
0x14c: {  	v3 =	vor.u32 v3, v4  }
0x14d: {  	v4 =	vperm.xlane v3, v0;
	_ =	sdelay $0x1  }
0x14e: {  	v3 =	vperm.xlane v3, v2;
	v4 =	vadd.s32 v1, v4;
	_ =	sdelay $0x1  }
0x14f: {  	v3 =	vadd.s32 v1, v3;
	_ =	sdelay $0x1  }
0x150: {  	s10 =	simm.s32 $0x2800  }
0x151: {  	[tilespmem:s10], [sflag:$0x1] =	stream.indirect_vreg.gather [hbm4b:s3+s2], $0x80, v4, vm0, $0xb8;
	[tilespmem:$0x18800] =	vst v63  }
0x152: {  	s11 =	simm.s32 $0x3000  }
0x153: {  	[tilespmem:s11], [sflag:$0x1] =	stream.indirect_vreg.gather [hbm4b:s3+s2], $0x80, v3, vm0, $0xb8;
	[tilespmem:$0x18800] =	vst v63  }
0x154: {  	v3 =	vld [tilespmem:s4+$0x1B0];
	_ =	sdelay $0x4  }
0x155: {  	v11 =	vshll.u32 v3, $0x1  }
0x156: {  	v3 =	vand.u32 $0x7, v3;
	v4 =	vand.u32 $0xFFFFFFF0, v11  }
0x157: {  	v3 =	vor.u32 v3, v4  }
0x158: {  	v4 =	vperm.xlane v3, v0;
	_ =	sdelay $0x1  }
0x159: {  	v3 =	vperm.xlane v3, v2;
	v4 =	vadd.s32 v1, v4;
	_ =	sdelay $0x1  }
0x15a: {  	v3 =	vadd.s32 v1, v3;
	_ =	sdelay $0x1  }
0x15b: {  	s11 =	simm.s32 $0x3800  }
0x15c: {  	[tilespmem:s11], [sflag:$0x1] =	stream.indirect_vreg.gather [hbm4b:s3+s2], $0x80, v4, vm0, $0xb8;
	[tilespmem:$0x18800] =	vst v63  }
0x15d: {  	s12 =	simm.s32 $0x4000  }
0x15e: {  	[tilespmem:s12], [sflag:$0x1] =	stream.indirect_vreg.gather [hbm4b:s3+s2], $0x80, v3, vm0, $0xb8;
	[tilespmem:$0x18800] =	vst v63  }
0x15f: {  	v3 =	vld [tilespmem:s4+$0x1C0];
	_ =	sdelay $0x4  }
0x160: {  	v12 =	vshll.u32 v3, $0x1  }
0x161: {  	v3 =	vand.u32 $0x7, v3;
	v4 =	vand.u32 $0xFFFFFFF0, v12  }
0x162: {  	v3 =	vor.u32 v3, v4  }
0x163: {  	v4 =	vperm.xlane v3, v0;
	_ =	sdelay $0x1  }
0x164: {  	v3 =	vperm.xlane v3, v2;
	v4 =	vadd.s32 v1, v4;
	_ =	sdelay $0x1  }
0x165: {  	v3 =	vadd.s32 v1, v3;
	_ =	sdelay $0x2  }
0x166: {  	[tilespmem:s15], [sflag:$0x1] =	stream.indirect_vreg.gather [hbm4b:s3+s2], $0x80, v4, vm0, $0xb8;
	[tilespmem:$0x18800] =	vst v63  }
0x167: {  	s13 =	simm.s32 $0x5000  }
0x168: {  	[tilespmem:s13], [sflag:$0x1] =	stream.indirect_vreg.gather [hbm4b:s3+s2], $0x80, v3, vm0, $0xb8;
	[tilespmem:$0x18800] =	vst v63  }
0x169: {  	v3 =	vld [tilespmem:s4+$0x1D0];
	_ =	sdelay $0x4  }
0x16a: {  	v13 =	vshll.u32 v3, $0x1  }
0x16b: {  	v3 =	vand.u32 $0x7, v3;
	v4 =	vand.u32 $0xFFFFFFF0, v13  }
0x16c: {  	v3 =	vor.u32 v3, v4  }
0x16d: {  	v4 =	vperm.xlane v3, v0;
	_ =	sdelay $0x1  }
0x16e: {  	v3 =	vperm.xlane v3, v2;
	v4 =	vadd.s32 v1, v4;
	_ =	sdelay $0x1  }
0x16f: {  	v3 =	vadd.s32 v1, v3;
	_ =	sdelay $0x1  }
0x170: {  	s12 =	simm.s32 $0x5800  }
0x171: {  	[tilespmem:s12], [sflag:$0x1] =	stream.indirect_vreg.gather [hbm4b:s3+s2], $0x80, v4, vm0, $0xb8;
	[tilespmem:$0x18800] =	vst v63  }
0x172: {  	s14 =	simm.s32 $0x6000  }
0x173: {  	[tilespmem:s14], [sflag:$0x1] =	stream.indirect_vreg.gather [hbm4b:s3+s2], $0x80, v3, vm0, $0xb8;
	[tilespmem:$0x18800] =	vst v63  }
0x174: {  	v3 =	vld [tilespmem:s4+$0x1E0];
	_ =	sdelay $0x4  }
0x175: {  	v14 =	vshll.u32 v3, $0x1  }
0x176: {  	v3 =	vand.u32 $0x7, v3;
	v4 =	vand.u32 $0xFFFFFFF0, v14  }
0x177: {  	v3 =	vor.u32 v3, v4  }
0x178: {  	v4 =	vperm.xlane v3, v0;
	_ =	sdelay $0x1  }
0x179: {  	v3 =	vperm.xlane v3, v2;
	v4 =	vadd.s32 v1, v4;
	_ =	sdelay $0x1  }
0x17a: {  	v3 =	vadd.s32 v1, v3;
	_ =	sdelay $0x1  }
0x17b: {  	s13 =	simm.s32 $0x6800  }
0x17c: {  	[tilespmem:s13], [sflag:$0x1] =	stream.indirect_vreg.gather [hbm4b:s3+s2], $0x80, v4, vm0, $0xb8;
	[tilespmem:$0x18800] =	vst v63  }
0x17d: {  	s16 =	simm.s32 $0x7000  }
0x17e: {  	[tilespmem:s16], [sflag:$0x1] =	stream.indirect_vreg.gather [hbm4b:s3+s2], $0x80, v3, vm0, $0xb8;
	[tilespmem:$0x18800] =	vst v63  }
0x17f: {  	v3 =	vld [tilespmem:s4+$0x1F0];
	_ =	sdelay $0x4  }
0x180: {  	v15 =	vshll.u32 v3, $0x1  }
0x181: {  	v3 =	vand.u32 $0x7, v3;
	v4 =	vand.u32 $0xFFFFFFF0, v15  }
0x182: {  	v3 =	vor.u32 v3, v4  }
0x183: {  	v4 =	vperm.xlane v3, v0;
	_ =	sdelay $0x1  }
0x184: {  	v3 =	vperm.xlane v3, v2;
	v4 =	vadd.s32 v1, v4;
	_ =	sdelay $0x1  }
0x185: {  	v3 =	vadd.s32 v1, v3;
	_ =	sdelay $0x1  }
0x186: {  	s14 =	simm.s32 $0x7800  }
0x187: {  	[tilespmem:s14], [sflag:$0x1] =	stream.indirect_vreg.gather [hbm4b:s3+s2], $0x80, v4, vm0, $0xb8;
	[tilespmem:$0x18800] =	vst v63  }
0x188: {  	s18 =	simm.s32 $0x8000  }
0x189: {  	[tilespmem:s18], [sflag:$0x1] =	stream.indirect_vreg.gather [hbm4b:s3+s2], $0x80, v3, vm0, $0xb8;
	[tilespmem:$0x18800] =	vst v63  }
0x18a: {  	_ =	swait.ge [sflag:s6], $0x8000  }
0x18b: {  	[sflag:s6] =	ssyncset.done $0x0  }
0x18c: {  	s8 =	rddreg [dreg:$0x5];
	[sflag:s6] =	ssyncadd.s32 $0xFFFF8000  }
0x18d: {  	[hbm4b:s8+s2] =	stream.linear.scatter [tilespmem:s1], [sflag:$0x5], $0x4000, $0x38;
	[tilespmem:$0x18800] =	vst v63  }
0x18e: {  	s18 =	rddreg [dreg:$0x6]  }
0x18f: {  	[hbm4b:s18+s2] =	stream.linear.scatter [tilespmem:s30], [sflag:$0x5], $0x4000, $0x38;
	[tilespmem:$0x18800] =	vst v63  }
0x190: {  	_ =	swait.ge [sflag:s24], $0x4000  }
0x191: {  	[sflag:s24] =	ssyncset.done $0x0  }
0x192: {  	[sflag:s24] =	ssyncadd.s32 $0xFFFFC000  }
0x193: {  	_ =	swait.ge [sflag:s24], $0x4000  }
0x194: {  	[sflag:s24] =	ssyncset.done $0x0  }
0x195: {  	[sflag:s24] =	ssyncadd.s32 $0xFFFFC000  }
0x196: {  	v3 =	vld [tilespmem:s4+$0x200];
	_ =	sdelay $0x4  }
0x197: {  	v16 =	vshll.u32 v3, $0x1  }
0x198: {  	v3 =	vand.u32 $0x7, v3;
	v4 =	vand.u32 $0xFFFFFFF0, v16  }
0x199: {  	v3 =	vor.u32 v3, v4  }
0x19a: {  	v4 =	vperm.xlane v3, v0;
	_ =	sdelay $0x1  }
0x19b: {  	v3 =	vperm.xlane v3, v2;
	v4 =	vadd.s32 v1, v4;
	_ =	sdelay $0x1  }
0x19c: {  	v3 =	vadd.s32 v1, v3;
	_ =	sdelay $0x2  }
0x19d: {  	[tilespmem:s1], [sflag:$0x2] =	stream.indirect_vreg.gather [hbm4b:s3+s2], $0x80, v4, vm0, $0xb8;
	[tilespmem:$0x18800] =	vst v63  }
0x19e: {  	_ = 	snop  }
0x19f: {  	[tilespmem:s23], [sflag:$0x2] =	stream.indirect_vreg.gather [hbm4b:s3+s2], $0x80, v3, vm0, $0xb8;
	[tilespmem:$0x18800] =	vst v63  }
0x1a0: {  	v3 =	vld [tilespmem:s4+$0x210];
	_ =	sdelay $0x4  }
0x1a1: {  	v17 =	vshll.u32 v3, $0x1  }
0x1a2: {  	v3 =	vand.u32 $0x7, v3;
	v4 =	vand.u32 $0xFFFFFFF0, v17  }
0x1a3: {  	v3 =	vor.u32 v3, v4  }
0x1a4: {  	v4 =	vperm.xlane v3, v0;
	_ =	sdelay $0x1  }
0x1a5: {  	v3 =	vperm.xlane v3, v2;
	v4 =	vadd.s32 v1, v4;
	_ =	sdelay $0x1  }
0x1a6: {  	v3 =	vadd.s32 v1, v3;
	_ =	sdelay $0x1  }
0x1a7: {  	s28 =	simm.s32 $0x9800  }
0x1a8: {  	[tilespmem:s28], [sflag:$0x2] =	stream.indirect_vreg.gather [hbm4b:s3+s2], $0x80, v4, vm0, $0xb8;
	[tilespmem:$0x18800] =	vst v63  }
0x1a9: {  	s18 =	simm.s32 $0xA000  }
0x1aa: {  	[tilespmem:s18], [sflag:$0x2] =	stream.indirect_vreg.gather [hbm4b:s3+s2], $0x80, v3, vm0, $0xb8;
	[tilespmem:$0x18800] =	vst v63  }
0x1ab: {  	v3 =	vld [tilespmem:s4+$0x220];
	_ =	sdelay $0x4  }
0x1ac: {  	v18 =	vshll.u32 v3, $0x1  }
0x1ad: {  	v3 =	vand.u32 $0x7, v3;
	v4 =	vand.u32 $0xFFFFFFF0, v18  }
0x1ae: {  	v3 =	vor.u32 v3, v4  }
0x1af: {  	v4 =	vperm.xlane v3, v0;
	_ =	sdelay $0x1  }
0x1b0: {  	v3 =	vperm.xlane v3, v2;
	v4 =	vadd.s32 v1, v4;
	_ =	sdelay $0x1  }
0x1b1: {  	v3 =	vadd.s32 v1, v3;
	_ =	sdelay $0x1  }
0x1b2: {  	s28 =	simm.s32 $0xA800  }
0x1b3: {  	[tilespmem:s28], [sflag:$0x2] =	stream.indirect_vreg.gather [hbm4b:s3+s2], $0x80, v4, vm0, $0xb8;
	[tilespmem:$0x18800] =	vst v63  }
0x1b4: {  	s18 =	simm.s32 $0xB000  }
0x1b5: {  	[tilespmem:s18], [sflag:$0x2] =	stream.indirect_vreg.gather [hbm4b:s3+s2], $0x80, v3, vm0, $0xb8;
	[tilespmem:$0x18800] =	vst v63  }
0x1b6: {  	v3 =	vld [tilespmem:s4+$0x230];
	_ =	sdelay $0x4  }
0x1b7: {  	v19 =	vshll.u32 v3, $0x1  }
0x1b8: {  	v3 =	vand.u32 $0x7, v3;
	v4 =	vand.u32 $0xFFFFFFF0, v19  }
0x1b9: {  	v3 =	vor.u32 v3, v4  }
0x1ba: {  	v4 =	vperm.xlane v3, v0;
	_ =	sdelay $0x1  }
0x1bb: {  	v3 =	vperm.xlane v3, v2;
	v4 =	vadd.s32 v1, v4;
	_ =	sdelay $0x1  }
0x1bc: {  	v3 =	vadd.s32 v1, v3;
	_ =	sdelay $0x1  }
0x1bd: {  	s28 =	simm.s32 $0xB800  }
0x1be: {  	[tilespmem:s28], [sflag:$0x2] =	stream.indirect_vreg.gather [hbm4b:s3+s2], $0x80, v4, vm0, $0xb8;
	[tilespmem:$0x18800] =	vst v63  }
0x1bf: {  	s18 =	simm.s32 $0xC000  }
0x1c0: {  	[tilespmem:s18], [sflag:$0x2] =	stream.indirect_vreg.gather [hbm4b:s3+s2], $0x80, v3, vm0, $0xb8;
	[tilespmem:$0x18800] =	vst v63  }
0x1c1: {  	v3 =	vld [tilespmem:s4+$0x240];
	_ =	sdelay $0x4  }
0x1c2: {  	v20 =	vshll.u32 v3, $0x1  }
0x1c3: {  	v3 =	vand.u32 $0x7, v3;
	v4 =	vand.u32 $0xFFFFFFF0, v20  }
0x1c4: {  	v3 =	vor.u32 v3, v4  }
0x1c5: {  	v4 =	vperm.xlane v3, v0;
	_ =	sdelay $0x1  }
0x1c6: {  	v3 =	vperm.xlane v3, v2;
	v4 =	vadd.s32 v1, v4;
	_ =	sdelay $0x1  }
0x1c7: {  	v3 =	vadd.s32 v1, v3;
	_ =	sdelay $0x2  }
0x1c8: {  	[tilespmem:s30], [sflag:$0x2] =	stream.indirect_vreg.gather [hbm4b:s3+s2], $0x80, v4, vm0, $0xb8;
	[tilespmem:$0x18800] =	vst v63  }
0x1c9: {  	s28 =	simm.s32 $0xD000  }
0x1ca: {  	[tilespmem:s28], [sflag:$0x2] =	stream.indirect_vreg.gather [hbm4b:s3+s2], $0x80, v3, vm0, $0xb8;
	[tilespmem:$0x18800] =	vst v63  }
0x1cb: {  	v3 =	vld [tilespmem:s4+$0x250];
	_ =	sdelay $0x4  }
0x1cc: {  	v21 =	vshll.u32 v3, $0x1  }
0x1cd: {  	v3 =	vand.u32 $0x7, v3;
	v4 =	vand.u32 $0xFFFFFFF0, v21  }
0x1ce: {  	v3 =	vor.u32 v3, v4  }
0x1cf: {  	v4 =	vperm.xlane v3, v0;
	_ =	sdelay $0x1  }
0x1d0: {  	v3 =	vperm.xlane v3, v2;
	v4 =	vadd.s32 v1, v4;
	_ =	sdelay $0x1  }
0x1d1: {  	v3 =	vadd.s32 v1, v3;
	_ =	sdelay $0x1  }
0x1d2: {  	s18 =	simm.s32 $0xD800  }
0x1d3: {  	[tilespmem:s18], [sflag:$0x2] =	stream.indirect_vreg.gather [hbm4b:s3+s2], $0x80, v4, vm0, $0xb8;
	[tilespmem:$0x18800] =	vst v63  }
0x1d4: {  	s28 =	simm.s32 $0xE000  }
0x1d5: {  	[tilespmem:s28], [sflag:$0x2] =	stream.indirect_vreg.gather [hbm4b:s3+s2], $0x80, v3, vm0, $0xb8;
	[tilespmem:$0x18800] =	vst v63  }
0x1d6: {  	v3 =	vld [tilespmem:s4+$0x260];
	_ =	sdelay $0x4  }
0x1d7: {  	v22 =	vshll.u32 v3, $0x1  }
0x1d8: {  	v3 =	vand.u32 $0x7, v3;
	v4 =	vand.u32 $0xFFFFFFF0, v22  }
0x1d9: {  	v3 =	vor.u32 v3, v4  }
0x1da: {  	v4 =	vperm.xlane v3, v0;
	_ =	sdelay $0x1  }
0x1db: {  	v3 =	vperm.xlane v3, v2;
	v4 =	vadd.s32 v1, v4;
	_ =	sdelay $0x1  }
0x1dc: {  	v3 =	vadd.s32 v1, v3;
	_ =	sdelay $0x2  }
0x1dd: {  	[tilespmem:s19], [sflag:$0x2] =	stream.indirect_vreg.gather [hbm4b:s3+s2], $0x80, v4, vm0, $0xb8;
	[tilespmem:$0x18800] =	vst v63  }
0x1de: {  	_ = 	snop  }
0x1df: {  	[tilespmem:s20], [sflag:$0x2] =	stream.indirect_vreg.gather [hbm4b:s3+s2], $0x80, v3, vm0, $0xb8;
	[tilespmem:$0x18800] =	vst v63  }
0x1e0: {  	v3 =	vld [tilespmem:s4+$0x270];
	_ =	sdelay $0x4  }
0x1e1: {  	v23 =	vshll.u32 v3, $0x1  }
0x1e2: {  	v3 =	vand.u32 $0x7, v3;
	v4 =	vand.u32 $0xFFFFFFF0, v23  }
0x1e3: {  	v3 =	vor.u32 v3, v4  }
0x1e4: {  	v4 =	vperm.xlane v3, v0;
	_ =	sdelay $0x1  }
0x1e5: {  	v3 =	vperm.xlane v3, v2;
	v4 =	vadd.s32 v1, v4;
	_ =	sdelay $0x1  }
0x1e6: {  	v3 =	vadd.s32 v1, v3;
	_ =	sdelay $0x2  }
0x1e7: {  	[tilespmem:s21], [sflag:$0x2] =	stream.indirect_vreg.gather [hbm4b:s3+s2], $0x80, v4, vm0, $0xb8;
	[tilespmem:$0x18800] =	vst v63  }
0x1e8: {  	_ = 	snop  }
0x1e9: {  	[tilespmem:s22], [sflag:$0x2] =	stream.indirect_vreg.gather [hbm4b:s3+s2], $0x80, v3, vm0, $0xb8;
	[tilespmem:$0x18800] =	vst v63  }
0x1ea: {  	_ =	swait.ge [sflag:s25], $0x8000  }
0x1eb: {  	[sflag:s25] =	ssyncset.done $0x0  }
0x1ec: {  	s8 =	rddreg [dreg:$0x7];
	[sflag:s25] =	ssyncadd.s32 $0xFFFF8000  }
0x1ed: {  	[hbm4b:s8+s2] =	stream.linear.scatter [tilespmem:s29], [sflag:$0x6], $0x4000, $0x38;
	[tilespmem:$0x18800] =	vst v63  }
0x1ee: {  	s18 =	rddreg [dreg:$0x8]  }
0x1ef: {  	[hbm4b:s18+s2] =	stream.linear.scatter [tilespmem:s7], [sflag:$0x6], $0x4000, $0x38;
	[tilespmem:$0x18800] =	vst v63  }
0x1f0: {  	_ =	swait.ge [sflag:s26], $0x4000  }
0x1f1: {  	[sflag:s26] =	ssyncset.done $0x0  }
0x1f2: {  	[sflag:s26] =	ssyncadd.s32 $0xFFFFC000  }
0x1f3: {  	_ =	swait.ge [sflag:s26], $0x4000  }
0x1f4: {  	[sflag:s26] =	ssyncset.done $0x0  }
0x1f5: {  	[sflag:s26] =	ssyncadd.s32 $0xFFFFC000  }
0x1f6: {  	v3 =	vld [tilespmem:s4+$0x280];
	_ =	sdelay $0x4  }
0x1f7: {  	v24 =	vshll.u32 v3, $0x1  }
0x1f8: {  	v3 =	vand.u32 $0x7, v3;
	v4 =	vand.u32 $0xFFFFFFF0, v24  }
0x1f9: {  	v3 =	vor.u32 v3, v4  }
0x1fa: {  	v4 =	vperm.xlane v3, v0;
	_ =	sdelay $0x1  }
0x1fb: {  	v3 =	vperm.xlane v3, v2;
	v4 =	vadd.s32 v1, v4;
	_ =	sdelay $0x1  }
0x1fc: {  	v3 =	vadd.s32 v1, v3;
	_ =	sdelay $0x2  }
0x1fd: {  	[tilespmem:s29], [sflag:$0x3] =	stream.indirect_vreg.gather [hbm4b:s3+s2], $0x80, v4, vm0, $0xb8;
	[tilespmem:$0x18800] =	vst v63  }
0x1fe: {  	s28 =	simm.s32 $0x11000  }
0x1ff: {  	[tilespmem:s28], [sflag:$0x3] =	stream.indirect_vreg.gather [hbm4b:s3+s2], $0x80, v3, vm0, $0xb8;
	[tilespmem:$0x18800] =	vst v63  }
0x200: {  	v3 =	vld [tilespmem:s4+$0x290];
	_ =	sdelay $0x4  }
0x201: {  	v25 =	vshll.u32 v3, $0x1  }
0x202: {  	v3 =	vand.u32 $0x7, v3;
	v4 =	vand.u32 $0xFFFFFFF0, v25  }
0x203: {  	v3 =	vor.u32 v3, v4  }
0x204: {  	v4 =	vperm.xlane v3, v0;
	_ =	sdelay $0x1  }
0x205: {  	v3 =	vperm.xlane v3, v2;
	v4 =	vadd.s32 v1, v4;
	_ =	sdelay $0x1  }
0x206: {  	v3 =	vadd.s32 v1, v3;
	_ =	sdelay $0x1  }
0x207: {  	s18 =	simm.s32 $0x11800  }
0x208: {  	[tilespmem:s18], [sflag:$0x3] =	stream.indirect_vreg.gather [hbm4b:s3+s2], $0x80, v4, vm0, $0xb8;
	[tilespmem:$0x18800] =	vst v63  }
0x209: {  	s28 =	simm.s32 $0x12000  }
0x20a: {  	[tilespmem:s28], [sflag:$0x3] =	stream.indirect_vreg.gather [hbm4b:s3+s2], $0x80, v3, vm0, $0xb8;
	[tilespmem:$0x18800] =	vst v63  }
0x20b: {  	v3 =	vld [tilespmem:s4+$0x2A0];
	_ =	sdelay $0x4  }
0x20c: {  	v26 =	vshll.u32 v3, $0x1  }
0x20d: {  	v3 =	vand.u32 $0x7, v3;
	v4 =	vand.u32 $0xFFFFFFF0, v26  }
0x20e: {  	v3 =	vor.u32 v3, v4  }
0x20f: {  	v4 =	vperm.xlane v3, v0;
	_ =	sdelay $0x1  }
0x210: {  	v3 =	vperm.xlane v3, v2;
	v4 =	vadd.s32 v1, v4;
	_ =	sdelay $0x1  }
0x211: {  	v3 =	vadd.s32 v1, v3;
	_ =	sdelay $0x1  }
0x212: {  	s28 =	simm.s32 $0x12800  }
0x213: {  	[tilespmem:s28], [sflag:$0x3] =	stream.indirect_vreg.gather [hbm4b:s3+s2], $0x80, v4, vm0, $0xb8;
	[tilespmem:$0x18800] =	vst v63  }
0x214: {  	s28 =	simm.s32 $0x13000  }
0x215: {  	[tilespmem:s28], [sflag:$0x3] =	stream.indirect_vreg.gather [hbm4b:s3+s2], $0x80, v3, vm0, $0xb8;
	[tilespmem:$0x18800] =	vst v63  }
0x216: {  	v3 =	vld [tilespmem:s4+$0x2B0];
	_ =	sdelay $0x4  }
0x217: {  	v27 =	vshll.u32 v3, $0x1  }
0x218: {  	v3 =	vand.u32 $0x7, v3;
	v4 =	vand.u32 $0xFFFFFFF0, v27  }
0x219: {  	v3 =	vor.u32 v3, v4  }
0x21a: {  	v4 =	vperm.xlane v3, v0;
	_ =	sdelay $0x1  }
0x21b: {  	v3 =	vperm.xlane v3, v2;
	v4 =	vadd.s32 v1, v4;
	_ =	sdelay $0x1  }
0x21c: {  	v3 =	vadd.s32 v1, v3;
	_ =	sdelay $0x1  }
0x21d: {  	s28 =	simm.s32 $0x13800  }
0x21e: {  	[tilespmem:s28], [sflag:$0x3] =	stream.indirect_vreg.gather [hbm4b:s3+s2], $0x80, v4, vm0, $0xb8;
	[tilespmem:$0x18800] =	vst v63  }
0x21f: {  	s28 =	simm.s32 $0x14000  }
0x220: {  	[tilespmem:s28], [sflag:$0x3] =	stream.indirect_vreg.gather [hbm4b:s3+s2], $0x80, v3, vm0, $0xb8;
	[tilespmem:$0x18800] =	vst v63  }
0x221: {  	v3 =	vld [tilespmem:s4+$0x2C0];
	_ =	sdelay $0x4  }
0x222: {  	v28 =	vshll.u32 v3, $0x1  }
0x223: {  	v3 =	vand.u32 $0x7, v3;
	v4 =	vand.u32 $0xFFFFFFF0, v28  }
0x224: {  	v3 =	vor.u32 v3, v4  }
0x225: {  	v4 =	vperm.xlane v3, v0;
	_ =	sdelay $0x1  }
0x226: {  	v3 =	vperm.xlane v3, v2;
	v4 =	vadd.s32 v1, v4;
	_ =	sdelay $0x1  }
0x227: {  	v3 =	vadd.s32 v1, v3;
	_ =	sdelay $0x2  }
0x228: {  	[tilespmem:s7], [sflag:$0x3] =	stream.indirect_vreg.gather [hbm4b:s3+s2], $0x80, v4, vm0, $0xb8;
	[tilespmem:$0x18800] =	vst v63  }
0x229: {  	s28 =	simm.s32 $0x15000  }
0x22a: {  	[tilespmem:s28], [sflag:$0x3] =	stream.indirect_vreg.gather [hbm4b:s3+s2], $0x80, v3, vm0, $0xb8;
	[tilespmem:$0x18800] =	vst v63  }
0x22b: {  	v3 =	vld [tilespmem:s4+$0x2D0];
	_ =	sdelay $0x4  }
0x22c: {  	v29 =	vshll.u32 v3, $0x1  }
0x22d: {  	v3 =	vand.u32 $0x7, v3;
	v4 =	vand.u32 $0xFFFFFFF0, v29  }
0x22e: {  	v3 =	vor.u32 v3, v4  }
0x22f: {  	v4 =	vperm.xlane v3, v0;
	_ =	sdelay $0x1  }
0x230: {  	v3 =	vperm.xlane v3, v2;
	v4 =	vadd.s32 v1, v4;
	_ =	sdelay $0x1  }
0x231: {  	v3 =	vadd.s32 v1, v3;
	_ =	sdelay $0x1  }
0x232: {  	s28 =	simm.s32 $0x15800  }
0x233: {  	[tilespmem:s28], [sflag:$0x3] =	stream.indirect_vreg.gather [hbm4b:s3+s2], $0x80, v4, vm0, $0xb8;
	[tilespmem:$0x18800] =	vst v63  }
0x234: {  	s28 =	simm.s32 $0x16000  }
0x235: {  	[tilespmem:s28], [sflag:$0x3] =	stream.indirect_vreg.gather [hbm4b:s3+s2], $0x80, v3, vm0, $0xb8;
	[tilespmem:$0x18800] =	vst v63  }
0x236: {  	v3 =	vld [tilespmem:s4+$0x2E0];
	_ =	sdelay $0x4  }
0x237: {  	v30 =	vshll.u32 v3, $0x1  }
0x238: {  	v3 =	vand.u32 $0x7, v3;
	v4 =	vand.u32 $0xFFFFFFF0, v30  }
0x239: {  	v3 =	vor.u32 v3, v4  }
0x23a: {  	v4 =	vperm.xlane v3, v0;
	_ =	sdelay $0x1  }
0x23b: {  	v3 =	vperm.xlane v3, v2;
	v4 =	vadd.s32 v1, v4;
	_ =	sdelay $0x1  }
0x23c: {  	v3 =	vadd.s32 v1, v3;
	_ =	sdelay $0x1  }
0x23d: {  	s28 =	simm.s32 $0x16800  }
0x23e: {  	[tilespmem:s28], [sflag:$0x3] =	stream.indirect_vreg.gather [hbm4b:s3+s2], $0x80, v4, vm0, $0xb8;
	[tilespmem:$0x18800] =	vst v63  }
0x23f: {  	s28 =	simm.s32 $0x17000  }
0x240: {  	[tilespmem:s28], [sflag:$0x3] =	stream.indirect_vreg.gather [hbm4b:s3+s2], $0x80, v3, vm0, $0xb8;
	[tilespmem:$0x18800] =	vst v63  }
0x241: {  	v3 =	vld [tilespmem:s4+$0x2F0];
	_ =	sdelay $0x4  }
0x242: {  	v31 =	vshll.u32 v3, $0x1  }
0x243: {  	v3 =	vand.u32 $0x7, v3;
	v4 =	vand.u32 $0xFFFFFFF0, v31  }
0x244: {  	v3 =	vor.u32 v3, v4  }
0x245: {  	v4 =	vperm.xlane v3, v0;
	_ =	sdelay $0x1  }
0x246: {  	v3 =	vperm.xlane v3, v2;
	v4 =	vadd.s32 v1, v4;
	_ =	sdelay $0x1  }
0x247: {  	v3 =	vadd.s32 v1, v3;
	_ =	sdelay $0x1  }
0x248: {  	s28 =	simm.s32 $0x17800  }
0x249: {  	[tilespmem:s28], [sflag:$0x3] =	stream.indirect_vreg.gather [hbm4b:s3+s2], $0x80, v4, vm0, $0xb8;
	[tilespmem:$0x18800] =	vst v63  }
0x24a: {  	s28 =	simm.s32 $0x18000  }
0x24b: {  	[tilespmem:s28], [sflag:$0x3] =	stream.indirect_vreg.gather [hbm4b:s3+s2], $0x80, v3, vm0, $0xb8;
	[tilespmem:$0x18800] =	vst v63  }
0x24c: {  	_ =	swait.ge [sflag:s31], $0x8000  }
0x24d: {  	[sflag:s31] =	ssyncset.done $0x0  }
0x24e: {  	s8 =	rddreg [dreg:$0x9];
	[sflag:s31] =	ssyncadd.s32 $0xFFFF8000  }
0x24f: {  	[hbm4b:s8+s2] =	stream.linear.scatter [tilespmem:s17], [sflag:$0x4], $0x4000, $0x38;
	[tilespmem:$0x18800] =	vst v63  }
0x250: {  	s28 =	rddreg [dreg:$0xa]  }
0x251: {  	[hbm4b:s28+s2] =	stream.linear.scatter [tilespmem:s15], [sflag:$0x4], $0x4000, $0x38;
	[tilespmem:$0x18800] =	vst v63  }
0x252: {  	_ =	swait.ge [sflag:s0], $0x4000  }
0x253: {  	[sflag:s0] =	ssyncset.done $0x0  }
0x254: {  	[sflag:s0] =	ssyncadd.s32 $0xFFFFC000  }
0x255: {  	_ =	swait.ge [sflag:s0], $0x4000  }
0x256: {  	[sflag:s0] =	ssyncset.done $0x0  }
0x257: {  	[sflag:s0] =	ssyncadd.s32 $0xFFFFC000  }
0x258: {  	v3 =	vld [tilespmem:s4+$0x300];
	_ =	sdelay $0x4  }
0x259: {  	v32 =	vshll.u32 v3, $0x1  }
0x25a: {  	v3 =	vand.u32 $0x7, v3;
	v4 =	vand.u32 $0xFFFFFFF0, v32  }
0x25b: {  	v3 =	vor.u32 v3, v4  }
0x25c: {  	v4 =	vperm.xlane v3, v0;
	_ =	sdelay $0x1  }
0x25d: {  	v3 =	vperm.xlane v3, v2;
	v4 =	vadd.s32 v1, v4;
	_ =	sdelay $0x1  }
0x25e: {  	v3 =	vadd.s32 v1, v3;
	_ =	sdelay $0x2  }
0x25f: {  	[tilespmem:s17], [sflag:$0x1] =	stream.indirect_vreg.gather [hbm4b:s3+s2], $0x80, v4, vm0, $0xb8;
	[tilespmem:$0x18800] =	vst v63  }
0x260: {  	s28 =	simm.s32 $0x1000  }
0x261: {  	[tilespmem:s28], [sflag:$0x1] =	stream.indirect_vreg.gather [hbm4b:s3+s2], $0x80, v3, vm0, $0xb8;
	[tilespmem:$0x18800] =	vst v63  }
0x262: {  	v3 =	vld [tilespmem:s4+$0x310];
	_ =	sdelay $0x4  }
0x263: {  	v33 =	vshll.u32 v3, $0x1  }
0x264: {  	v3 =	vand.u32 $0x7, v3;
	v4 =	vand.u32 $0xFFFFFFF0, v33  }
0x265: {  	v3 =	vor.u32 v3, v4  }
0x266: {  	v4 =	vperm.xlane v3, v0;
	_ =	sdelay $0x1  }
0x267: {  	v3 =	vperm.xlane v3, v2;
	v4 =	vadd.s32 v1, v4;
	_ =	sdelay $0x1  }
0x268: {  	v3 =	vadd.s32 v1, v3;
	_ =	sdelay $0x2  }
0x269: {  	[tilespmem:s9], [sflag:$0x1] =	stream.indirect_vreg.gather [hbm4b:s3+s2], $0x80, v4, vm0, $0xb8;
	[tilespmem:$0x18800] =	vst v63  }
0x26a: {  	s28 =	simm.s32 $0x2000  }
0x26b: {  	[tilespmem:s28], [sflag:$0x1] =	stream.indirect_vreg.gather [hbm4b:s3+s2], $0x80, v3, vm0, $0xb8;
	[tilespmem:$0x18800] =	vst v63  }
0x26c: {  	v3 =	vld [tilespmem:s4+$0x320];
	_ =	sdelay $0x4  }
0x26d: {  	v34 =	vshll.u32 v3, $0x1  }
0x26e: {  	v3 =	vand.u32 $0x7, v3;
	v4 =	vand.u32 $0xFFFFFFF0, v34  }
0x26f: {  	v3 =	vor.u32 v3, v4  }
0x270: {  	v4 =	vperm.xlane v3, v0;
	_ =	sdelay $0x1  }
0x271: {  	v3 =	vperm.xlane v3, v2;
	v4 =	vadd.s32 v1, v4;
	_ =	sdelay $0x1  }
0x272: {  	v3 =	vadd.s32 v1, v3;
	_ =	sdelay $0x2  }
0x273: {  	[tilespmem:s10], [sflag:$0x1] =	stream.indirect_vreg.gather [hbm4b:s3+s2], $0x80, v4, vm0, $0xb8;
	[tilespmem:$0x18800] =	vst v63  }
0x274: {  	s28 =	simm.s32 $0x3000  }
0x275: {  	[tilespmem:s28], [sflag:$0x1] =	stream.indirect_vreg.gather [hbm4b:s3+s2], $0x80, v3, vm0, $0xb8;
	[tilespmem:$0x18800] =	vst v63  }
0x276: {  	v3 =	vld [tilespmem:s4+$0x330];
	_ =	sdelay $0x4  }
0x277: {  	v35 =	vshll.u32 v3, $0x1  }
0x278: {  	v3 =	vand.u32 $0x7, v3;
	v4 =	vand.u32 $0xFFFFFFF0, v35  }
0x279: {  	v3 =	vor.u32 v3, v4  }
0x27a: {  	v4 =	vperm.xlane v3, v0;
	_ =	sdelay $0x1  }
0x27b: {  	v3 =	vperm.xlane v3, v2;
	v4 =	vadd.s32 v1, v4;
	_ =	sdelay $0x1  }
0x27c: {  	v3 =	vadd.s32 v1, v3;
	_ =	sdelay $0x2  }
0x27d: {  	[tilespmem:s11], [sflag:$0x1] =	stream.indirect_vreg.gather [hbm4b:s3+s2], $0x80, v4, vm0, $0xb8;
	[tilespmem:$0x18800] =	vst v63  }
0x27e: {  	s28 =	simm.s32 $0x4000  }
0x27f: {  	[tilespmem:s28], [sflag:$0x1] =	stream.indirect_vreg.gather [hbm4b:s3+s2], $0x80, v3, vm0, $0xb8;
	[tilespmem:$0x18800] =	vst v63  }
0x280: {  	v3 =	vld [tilespmem:s4+$0x340];
	_ =	sdelay $0x4  }
0x281: {  	v36 =	vshll.u32 v3, $0x1  }
0x282: {  	v3 =	vand.u32 $0x7, v3;
	v4 =	vand.u32 $0xFFFFFFF0, v36  }
0x283: {  	v3 =	vor.u32 v3, v4  }
0x284: {  	v4 =	vperm.xlane v3, v0;
	_ =	sdelay $0x1  }
0x285: {  	v3 =	vperm.xlane v3, v2;
	v4 =	vadd.s32 v1, v4;
	_ =	sdelay $0x1  }
0x286: {  	v3 =	vadd.s32 v1, v3;
	_ =	sdelay $0x2  }
0x287: {  	[tilespmem:s15], [sflag:$0x1] =	stream.indirect_vreg.gather [hbm4b:s3+s2], $0x80, v4, vm0, $0xb8;
	[tilespmem:$0x18800] =	vst v63  }
0x288: {  	s28 =	simm.s32 $0x5000  }
0x289: {  	[tilespmem:s28], [sflag:$0x1] =	stream.indirect_vreg.gather [hbm4b:s3+s2], $0x80, v3, vm0, $0xb8;
	[tilespmem:$0x18800] =	vst v63  }
0x28a: {  	v3 =	vld [tilespmem:s4+$0x350];
	_ =	sdelay $0x4  }
0x28b: {  	v37 =	vshll.u32 v3, $0x1  }
0x28c: {  	v3 =	vand.u32 $0x7, v3;
	v4 =	vand.u32 $0xFFFFFFF0, v37  }
0x28d: {  	v3 =	vor.u32 v3, v4  }
0x28e: {  	v4 =	vperm.xlane v3, v0;
	_ =	sdelay $0x1  }
0x28f: {  	v3 =	vperm.xlane v3, v2;
	v4 =	vadd.s32 v1, v4;
	_ =	sdelay $0x1  }
0x290: {  	v3 =	vadd.s32 v1, v3;
	_ =	sdelay $0x2  }
0x291: {  	[tilespmem:s12], [sflag:$0x1] =	stream.indirect_vreg.gather [hbm4b:s3+s2], $0x80, v4, vm0, $0xb8;
	[tilespmem:$0x18800] =	vst v63  }
0x292: {  	s28 =	simm.s32 $0x6000  }
0x293: {  	[tilespmem:s28], [sflag:$0x1] =	stream.indirect_vreg.gather [hbm4b:s3+s2], $0x80, v3, vm0, $0xb8;
	[tilespmem:$0x18800] =	vst v63  }
0x294: {  	v3 =	vld [tilespmem:s4+$0x360];
	_ =	sdelay $0x4  }
0x295: {  	v38 =	vshll.u32 v3, $0x1  }
0x296: {  	v3 =	vand.u32 $0x7, v3;
	v4 =	vand.u32 $0xFFFFFFF0, v38  }
0x297: {  	v3 =	vor.u32 v3, v4  }
0x298: {  	v4 =	vperm.xlane v3, v0;
	_ =	sdelay $0x1  }
0x299: {  	v3 =	vperm.xlane v3, v2;
	v4 =	vadd.s32 v1, v4;
	_ =	sdelay $0x1  }
0x29a: {  	v3 =	vadd.s32 v1, v3;
	_ =	sdelay $0x2  }
0x29b: {  	[tilespmem:s13], [sflag:$0x1] =	stream.indirect_vreg.gather [hbm4b:s3+s2], $0x80, v4, vm0, $0xb8;
	[tilespmem:$0x18800] =	vst v63  }
0x29c: {  	_ = 	snop  }
0x29d: {  	[tilespmem:s16], [sflag:$0x1] =	stream.indirect_vreg.gather [hbm4b:s3+s2], $0x80, v3, vm0, $0xb8;
	[tilespmem:$0x18800] =	vst v63  }
0x29e: {  	v3 =	vld [tilespmem:s4+$0x370];
	_ =	sdelay $0x4  }
0x29f: {  	v39 =	vshll.u32 v3, $0x1  }
0x2a0: {  	v3 =	vand.u32 $0x7, v3;
	v4 =	vand.u32 $0xFFFFFFF0, v39  }
0x2a1: {  	v3 =	vor.u32 v3, v4  }
0x2a2: {  	v4 =	vperm.xlane v3, v0;
	_ =	sdelay $0x1  }
0x2a3: {  	v3 =	vperm.xlane v3, v2;
	v4 =	vadd.s32 v1, v4;
	_ =	sdelay $0x1  }
0x2a4: {  	v3 =	vadd.s32 v1, v3;
	_ =	sdelay $0x2  }
0x2a5: {  	[tilespmem:s14], [sflag:$0x1] =	stream.indirect_vreg.gather [hbm4b:s3+s2], $0x80, v4, vm0, $0xb8;
	[tilespmem:$0x18800] =	vst v63  }
0x2a6: {  	s28 =	simm.s32 $0x8000  }
0x2a7: {  	[tilespmem:s28], [sflag:$0x1] =	stream.indirect_vreg.gather [hbm4b:s3+s2], $0x80, v3, vm0, $0xb8;
	[tilespmem:$0x18800] =	vst v63  }
0x2a8: {  	_ =	swait.ge [sflag:s6], $0x8000  }
0x2a9: {  	[sflag:s6] =	ssyncset.done $0x0  }
0x2aa: {  	s8 =	rddreg [dreg:$0xb];
	[sflag:s6] =	ssyncadd.s32 $0xFFFF8000  }
0x2ab: {  	[hbm4b:s8+s2] =	stream.linear.scatter [tilespmem:s1], [sflag:$0x5], $0x4000, $0x38;
	[tilespmem:$0x18800] =	vst v63  }
0x2ac: {  	s28 =	rddreg [dreg:$0xc]  }
0x2ad: {  	[hbm4b:s28+s2] =	stream.linear.scatter [tilespmem:s30], [sflag:$0x5], $0x4000, $0x38;
	[tilespmem:$0x18800] =	vst v63  }
0x2ae: {  	_ =	swait.ge [sflag:s24], $0x4000  }
0x2af: {  	[sflag:s24] =	ssyncset.done $0x0  }
0x2b0: {  	[sflag:s24] =	ssyncadd.s32 $0xFFFFC000  }
0x2b1: {  	_ =	swait.ge [sflag:s24], $0x4000  }
0x2b2: {  	[sflag:s24] =	ssyncset.done $0x0  }
0x2b3: {  	[sflag:s24] =	ssyncadd.s32 $0xFFFFC000  }
0x2b4: {  	v3 =	vld [tilespmem:s4+$0x380];
	_ =	sdelay $0x4  }
0x2b5: {  	v40 =	vshll.u32 v3, $0x1  }
0x2b6: {  	v3 =	vand.u32 $0x7, v3;
	v4 =	vand.u32 $0xFFFFFFF0, v40  }
0x2b7: {  	v3 =	vor.u32 v3, v4  }
0x2b8: {  	v4 =	vperm.xlane v3, v0;
	_ =	sdelay $0x1  }
0x2b9: {  	v3 =	vperm.xlane v3, v2;
	v4 =	vadd.s32 v1, v4;
	_ =	sdelay $0x1  }
0x2ba: {  	v3 =	vadd.s32 v1, v3;
	_ =	sdelay $0x2  }
0x2bb: {  	[tilespmem:s1], [sflag:$0x2] =	stream.indirect_vreg.gather [hbm4b:s3+s2], $0x80, v4, vm0, $0xb8;
	[tilespmem:$0x18800] =	vst v63  }
0x2bc: {  	_ = 	snop  }
0x2bd: {  	[tilespmem:s23], [sflag:$0x2] =	stream.indirect_vreg.gather [hbm4b:s3+s2], $0x80, v3, vm0, $0xb8;
	[tilespmem:$0x18800] =	vst v63  }
0x2be: {  	v3 =	vld [tilespmem:s4+$0x390];
	_ =	sdelay $0x4  }
0x2bf: {  	v41 =	vshll.u32 v3, $0x1  }
0x2c0: {  	v3 =	vand.u32 $0x7, v3;
	v4 =	vand.u32 $0xFFFFFFF0, v41  }
0x2c1: {  	v3 =	vor.u32 v3, v4  }
0x2c2: {  	v4 =	vperm.xlane v3, v0;
	_ =	sdelay $0x1  }
0x2c3: {  	v3 =	vperm.xlane v3, v2;
	v4 =	vadd.s32 v1, v4;
	_ =	sdelay $0x1  }
0x2c4: {  	v3 =	vadd.s32 v1, v3;
	_ =	sdelay $0x1  }
0x2c5: {  	s28 =	simm.s32 $0x9800  }
0x2c6: {  	[tilespmem:s28], [sflag:$0x2] =	stream.indirect_vreg.gather [hbm4b:s3+s2], $0x80, v4, vm0, $0xb8;
	[tilespmem:$0x18800] =	vst v63  }
0x2c7: {  	s28 =	simm.s32 $0xA000  }
0x2c8: {  	[tilespmem:s28], [sflag:$0x2] =	stream.indirect_vreg.gather [hbm4b:s3+s2], $0x80, v3, vm0, $0xb8;
	[tilespmem:$0x18800] =	vst v63  }
0x2c9: {  	v3 =	vld [tilespmem:s4+$0x3A0];
	_ =	sdelay $0x4  }
0x2ca: {  	v42 =	vshll.u32 v3, $0x1  }
0x2cb: {  	v3 =	vand.u32 $0x7, v3;
	v4 =	vand.u32 $0xFFFFFFF0, v42  }
0x2cc: {  	v3 =	vor.u32 v3, v4  }
0x2cd: {  	v4 =	vperm.xlane v3, v0;
	_ =	sdelay $0x1  }
0x2ce: {  	v3 =	vperm.xlane v3, v2;
	v4 =	vadd.s32 v1, v4;
	_ =	sdelay $0x1  }
0x2cf: {  	v3 =	vadd.s32 v1, v3;
	_ =	sdelay $0x1  }
0x2d0: {  	s28 =	simm.s32 $0xA800  }
0x2d1: {  	[tilespmem:s28], [sflag:$0x2] =	stream.indirect_vreg.gather [hbm4b:s3+s2], $0x80, v4, vm0, $0xb8;
	[tilespmem:$0x18800] =	vst v63  }
0x2d2: {  	s28 =	simm.s32 $0xB000  }
0x2d3: {  	[tilespmem:s28], [sflag:$0x2] =	stream.indirect_vreg.gather [hbm4b:s3+s2], $0x80, v3, vm0, $0xb8;
	[tilespmem:$0x18800] =	vst v63  }
0x2d4: {  	v3 =	vld [tilespmem:s4+$0x3B0];
	_ =	sdelay $0x4  }
0x2d5: {  	v43 =	vshll.u32 v3, $0x1  }
0x2d6: {  	v3 =	vand.u32 $0x7, v3;
	v4 =	vand.u32 $0xFFFFFFF0, v43  }
0x2d7: {  	v3 =	vor.u32 v3, v4  }
0x2d8: {  	v4 =	vperm.xlane v3, v0;
	_ =	sdelay $0x1  }
0x2d9: {  	v3 =	vperm.xlane v3, v2;
	v4 =	vadd.s32 v1, v4;
	_ =	sdelay $0x1  }
0x2da: {  	v3 =	vadd.s32 v1, v3;
	_ =	sdelay $0x1  }
0x2db: {  	s28 =	simm.s32 $0xB800  }
0x2dc: {  	[tilespmem:s28], [sflag:$0x2] =	stream.indirect_vreg.gather [hbm4b:s3+s2], $0x80, v4, vm0, $0xb8;
	[tilespmem:$0x18800] =	vst v63  }
0x2dd: {  	s28 =	simm.s32 $0xC000  }
0x2de: {  	[tilespmem:s28], [sflag:$0x2] =	stream.indirect_vreg.gather [hbm4b:s3+s2], $0x80, v3, vm0, $0xb8;
	[tilespmem:$0x18800] =	vst v63  }
0x2df: {  	v3 =	vld [tilespmem:s4+$0x3C0];
	_ =	sdelay $0x4  }
0x2e0: {  	v44 =	vshll.u32 v3, $0x1  }
0x2e1: {  	v3 =	vand.u32 $0x7, v3;
	v4 =	vand.u32 $0xFFFFFFF0, v44  }
0x2e2: {  	v3 =	vor.u32 v3, v4  }
0x2e3: {  	v4 =	vperm.xlane v3, v0;
	_ =	sdelay $0x1  }
0x2e4: {  	v3 =	vperm.xlane v3, v2;
	v4 =	vadd.s32 v1, v4;
	_ =	sdelay $0x1  }
0x2e5: {  	v3 =	vadd.s32 v1, v3;
	_ =	sdelay $0x2  }
0x2e6: {  	[tilespmem:s30], [sflag:$0x2] =	stream.indirect_vreg.gather [hbm4b:s3+s2], $0x80, v4, vm0, $0xb8;
	[tilespmem:$0x18800] =	vst v63  }
0x2e7: {  	s28 =	simm.s32 $0xD000  }
0x2e8: {  	[tilespmem:s28], [sflag:$0x2] =	stream.indirect_vreg.gather [hbm4b:s3+s2], $0x80, v3, vm0, $0xb8;
	[tilespmem:$0x18800] =	vst v63  }
0x2e9: {  	v3 =	vld [tilespmem:s4+$0x3D0];
	_ =	sdelay $0x4  }
0x2ea: {  	v45 =	vshll.u32 v3, $0x1  }
0x2eb: {  	v3 =	vand.u32 $0x7, v3;
	v4 =	vand.u32 $0xFFFFFFF0, v45  }
0x2ec: {  	v3 =	vor.u32 v3, v4  }
0x2ed: {  	v4 =	vperm.xlane v3, v0;
	_ =	sdelay $0x1  }
0x2ee: {  	v3 =	vperm.xlane v3, v2;
	v4 =	vadd.s32 v1, v4;
	_ =	sdelay $0x1  }
0x2ef: {  	v3 =	vadd.s32 v1, v3;
	_ =	sdelay $0x1  }
0x2f0: {  	s28 =	simm.s32 $0xD800  }
0x2f1: {  	[tilespmem:s28], [sflag:$0x2] =	stream.indirect_vreg.gather [hbm4b:s3+s2], $0x80, v4, vm0, $0xb8;
	[tilespmem:$0x18800] =	vst v63  }
0x2f2: {  	s28 =	simm.s32 $0xE000  }
0x2f3: {  	[tilespmem:s28], [sflag:$0x2] =	stream.indirect_vreg.gather [hbm4b:s3+s2], $0x80, v3, vm0, $0xb8;
	[tilespmem:$0x18800] =	vst v63  }
0x2f4: {  	v3 =	vld [tilespmem:s4+$0x3E0];
	_ =	sdelay $0x4  }
0x2f5: {  	v46 =	vshll.u32 v3, $0x1  }
0x2f6: {  	v3 =	vand.u32 $0x7, v3;
	v4 =	vand.u32 $0xFFFFFFF0, v46  }
0x2f7: {  	v3 =	vor.u32 v3, v4  }
0x2f8: {  	v4 =	vperm.xlane v3, v0;
	_ =	sdelay $0x1  }
0x2f9: {  	v3 =	vperm.xlane v3, v2;
	v4 =	vadd.s32 v1, v4;
	_ =	sdelay $0x1  }
0x2fa: {  	v3 =	vadd.s32 v1, v3;
	_ =	sdelay $0x2  }
0x2fb: {  	[tilespmem:s19], [sflag:$0x2] =	stream.indirect_vreg.gather [hbm4b:s3+s2], $0x80, v4, vm0, $0xb8;
	[tilespmem:$0x18800] =	vst v63  }
0x2fc: {  	_ = 	snop  }
0x2fd: {  	[tilespmem:s20], [sflag:$0x2] =	stream.indirect_vreg.gather [hbm4b:s3+s2], $0x80, v3, vm0, $0xb8;
	[tilespmem:$0x18800] =	vst v63  }
0x2fe: {  	v3 =	vld [tilespmem:s4+$0x3F0];
	_ =	sdelay $0x4  }
0x2ff: {  	v47 =	vshll.u32 v3, $0x1  }
0x300: {  	v3 =	vand.u32 $0x7, v3;
	v4 =	vand.u32 $0xFFFFFFF0, v47  }
0x301: {  	v3 =	vor.u32 v3, v4  }
0x302: {  	v4 =	vperm.xlane v3, v0;
	_ =	sdelay $0x1  }
0x303: {  	v3 =	vperm.xlane v3, v2;
	v4 =	vadd.s32 v1, v4;
	_ =	sdelay $0x1  }
0x304: {  	v3 =	vadd.s32 v1, v3;
	_ =	sdelay $0x2  }
0x305: {  	[tilespmem:s21], [sflag:$0x2] =	stream.indirect_vreg.gather [hbm4b:s3+s2], $0x80, v4, vm0, $0xb8;
	[tilespmem:$0x18800] =	vst v63  }
0x306: {  	_ = 	snop  }
0x307: {  	[tilespmem:s22], [sflag:$0x2] =	stream.indirect_vreg.gather [hbm4b:s3+s2], $0x80, v3, vm0, $0xb8;
	[tilespmem:$0x18800] =	vst v63  }
0x308: {  	_ =	swait.ge [sflag:s25], $0x8000  }
0x309: {  	[sflag:s25] =	ssyncset.done $0x0  }
0x30a: {  	s8 =	rddreg [dreg:$0xd];
	[sflag:s25] =	ssyncadd.s32 $0xFFFF8000  }
0x30b: {  	[hbm4b:s8+s2] =	stream.linear.scatter [tilespmem:s29], [sflag:$0x6], $0x4000, $0x38;
	[tilespmem:$0x18800] =	vst v63  }
0x30c: {  	s28 =	rddreg [dreg:$0xe]  }
0x30d: {  	[hbm4b:s28+s2] =	stream.linear.scatter [tilespmem:s7], [sflag:$0x6], $0x4000, $0x38;
	[tilespmem:$0x18800] =	vst v63  }
0x30e: {  	_ =	swait.ge [sflag:s26], $0x4000  }
0x30f: {  	[sflag:s26] =	ssyncset.done $0x0  }
0x310: {  	[sflag:s26] =	ssyncadd.s32 $0xFFFFC000  }
0x311: {  	_ =	swait.ge [sflag:s26], $0x4000  }
0x312: {  	[sflag:s26] =	ssyncset.done $0x0  }
0x313: {  	[sflag:s26] =	ssyncadd.s32 $0xFFFFC000  }
0x314: {  	v3 =	vld [tilespmem:s4+$0x400];
	_ =	sdelay $0x4  }
0x315: {  	v48 =	vshll.u32 v3, $0x1  }
0x316: {  	v3 =	vand.u32 $0x7, v3;
	v4 =	vand.u32 $0xFFFFFFF0, v48  }
0x317: {  	v3 =	vor.u32 v3, v4  }
0x318: {  	v4 =	vperm.xlane v3, v0;
	_ =	sdelay $0x1  }
0x319: {  	v3 =	vperm.xlane v3, v2;
	v4 =	vadd.s32 v1, v4;
	_ =	sdelay $0x1  }
0x31a: {  	v3 =	vadd.s32 v1, v3;
	_ =	sdelay $0x2  }
0x31b: {  	[tilespmem:s29], [sflag:$0x3] =	stream.indirect_vreg.gather [hbm4b:s3+s2], $0x80, v4, vm0, $0xb8;
	[tilespmem:$0x18800] =	vst v63  }
0x31c: {  	s28 =	simm.s32 $0x11000  }
0x31d: {  	[tilespmem:s28], [sflag:$0x3] =	stream.indirect_vreg.gather [hbm4b:s3+s2], $0x80, v3, vm0, $0xb8;
	[tilespmem:$0x18800] =	vst v63  }
0x31e: {  	v3 =	vld [tilespmem:s4+$0x410];
	_ =	sdelay $0x4  }
0x31f: {  	v49 =	vshll.u32 v3, $0x1  }
0x320: {  	v3 =	vand.u32 $0x7, v3;
	v4 =	vand.u32 $0xFFFFFFF0, v49  }
0x321: {  	v3 =	vor.u32 v3, v4  }
0x322: {  	v4 =	vperm.xlane v3, v0;
	_ =	sdelay $0x1  }
0x323: {  	v3 =	vperm.xlane v3, v2;
	v4 =	vadd.s32 v1, v4;
	_ =	sdelay $0x1  }
0x324: {  	v3 =	vadd.s32 v1, v3;
	_ =	sdelay $0x1  }
0x325: {  	s18 =	simm.s32 $0x11800  }
0x326: {  	[tilespmem:s18], [sflag:$0x3] =	stream.indirect_vreg.gather [hbm4b:s3+s2], $0x80, v4, vm0, $0xb8;
	[tilespmem:$0x18800] =	vst v63  }
0x327: {  	s18 =	simm.s32 $0x12000  }
0x328: {  	[tilespmem:s18], [sflag:$0x3] =	stream.indirect_vreg.gather [hbm4b:s3+s2], $0x80, v3, vm0, $0xb8;
	[tilespmem:$0x18800] =	vst v63  }
0x329: {  	v3 =	vld [tilespmem:s4+$0x420];
	_ =	sdelay $0x4  }
0x32a: {  	v50 =	vshll.u32 v3, $0x1  }
0x32b: {  	v3 =	vand.u32 $0x7, v3;
	v4 =	vand.u32 $0xFFFFFFF0, v50  }
0x32c: {  	v3 =	vor.u32 v3, v4  }
0x32d: {  	v4 =	vperm.xlane v3, v0;
	_ =	sdelay $0x1  }
0x32e: {  	v3 =	vperm.xlane v3, v2;
	v4 =	vadd.s32 v1, v4;
	_ =	sdelay $0x1  }
0x32f: {  	v3 =	vadd.s32 v1, v3;
	_ =	sdelay $0x1  }
0x330: {  	s28 =	simm.s32 $0x12800  }
0x331: {  	[tilespmem:s28], [sflag:$0x3] =	stream.indirect_vreg.gather [hbm4b:s3+s2], $0x80, v4, vm0, $0xb8;
	[tilespmem:$0x18800] =	vst v63  }
0x332: {  	s18 =	simm.s32 $0x13000  }
0x333: {  	[tilespmem:s18], [sflag:$0x3] =	stream.indirect_vreg.gather [hbm4b:s3+s2], $0x80, v3, vm0, $0xb8;
	[tilespmem:$0x18800] =	vst v63  }
0x334: {  	v3 =	vld [tilespmem:s4+$0x430];
	_ =	sdelay $0x4  }
0x335: {  	v51 =	vshll.u32 v3, $0x1  }
0x336: {  	v3 =	vand.u32 $0x7, v3;
	v4 =	vand.u32 $0xFFFFFFF0, v51  }
0x337: {  	v3 =	vor.u32 v3, v4  }
0x338: {  	v4 =	vperm.xlane v3, v0;
	_ =	sdelay $0x1  }
0x339: {  	v3 =	vperm.xlane v3, v2;
	v4 =	vadd.s32 v1, v4;
	_ =	sdelay $0x1  }
0x33a: {  	v3 =	vadd.s32 v1, v3;
	_ =	sdelay $0x1  }
0x33b: {  	s28 =	simm.s32 $0x13800  }
0x33c: {  	[tilespmem:s28], [sflag:$0x3] =	stream.indirect_vreg.gather [hbm4b:s3+s2], $0x80, v4, vm0, $0xb8;
	[tilespmem:$0x18800] =	vst v63  }
0x33d: {  	s18 =	simm.s32 $0x14000  }
0x33e: {  	[tilespmem:s18], [sflag:$0x3] =	stream.indirect_vreg.gather [hbm4b:s3+s2], $0x80, v3, vm0, $0xb8;
	[tilespmem:$0x18800] =	vst v63  }
0x33f: {  	v3 =	vld [tilespmem:s4+$0x440];
	_ =	sdelay $0x4  }
0x340: {  	v52 =	vshll.u32 v3, $0x1  }
0x341: {  	v3 =	vand.u32 $0x7, v3;
	v4 =	vand.u32 $0xFFFFFFF0, v52  }
0x342: {  	v3 =	vor.u32 v3, v4  }
0x343: {  	v4 =	vperm.xlane v3, v0;
	_ =	sdelay $0x1  }
0x344: {  	v3 =	vperm.xlane v3, v2;
	v4 =	vadd.s32 v1, v4;
	_ =	sdelay $0x1  }
0x345: {  	v3 =	vadd.s32 v1, v3;
	_ =	sdelay $0x2  }
0x346: {  	[tilespmem:s7], [sflag:$0x3] =	stream.indirect_vreg.gather [hbm4b:s3+s2], $0x80, v4, vm0, $0xb8;
	[tilespmem:$0x18800] =	vst v63  }
0x347: {  	s28 =	simm.s32 $0x15000  }
0x348: {  	[tilespmem:s28], [sflag:$0x3] =	stream.indirect_vreg.gather [hbm4b:s3+s2], $0x80, v3, vm0, $0xb8;
	[tilespmem:$0x18800] =	vst v63  }
0x349: {  	v3 =	vld [tilespmem:s4+$0x450];
	_ =	sdelay $0x4  }
0x34a: {  	v53 =	vshll.u32 v3, $0x1  }
0x34b: {  	v3 =	vand.u32 $0x7, v3;
	v4 =	vand.u32 $0xFFFFFFF0, v53  }
0x34c: {  	v3 =	vor.u32 v3, v4  }
0x34d: {  	v4 =	vperm.xlane v3, v0;
	_ =	sdelay $0x1  }
0x34e: {  	v3 =	vperm.xlane v3, v2;
	v4 =	vadd.s32 v1, v4;
	_ =	sdelay $0x1  }
0x34f: {  	v3 =	vadd.s32 v1, v3;
	_ =	sdelay $0x1  }
0x350: {  	s18 =	simm.s32 $0x15800  }
0x351: {  	[tilespmem:s18], [sflag:$0x3] =	stream.indirect_vreg.gather [hbm4b:s3+s2], $0x80, v4, vm0, $0xb8;
	[tilespmem:$0x18800] =	vst v63  }
0x352: {  	s28 =	simm.s32 $0x16000  }
0x353: {  	[tilespmem:s28], [sflag:$0x3] =	stream.indirect_vreg.gather [hbm4b:s3+s2], $0x80, v3, vm0, $0xb8;
	[tilespmem:$0x18800] =	vst v63  }
0x354: {  	v3 =	vld [tilespmem:s4+$0x460];
	_ =	sdelay $0x4  }
0x355: {  	v54 =	vshll.u32 v3, $0x1  }
0x356: {  	v3 =	vand.u32 $0x7, v3;
	v4 =	vand.u32 $0xFFFFFFF0, v54  }
0x357: {  	v3 =	vor.u32 v3, v4  }
0x358: {  	v4 =	vperm.xlane v3, v0;
	_ =	sdelay $0x1  }
0x359: {  	v3 =	vperm.xlane v3, v2;
	v4 =	vadd.s32 v1, v4;
	_ =	sdelay $0x1  }
0x35a: {  	v3 =	vadd.s32 v1, v3;
	_ =	sdelay $0x1  }
0x35b: {  	s18 =	simm.s32 $0x16800  }
0x35c: {  	[tilespmem:s18], [sflag:$0x3] =	stream.indirect_vreg.gather [hbm4b:s3+s2], $0x80, v4, vm0, $0xb8;
	[tilespmem:$0x18800] =	vst v63  }
0x35d: {  	s28 =	simm.s32 $0x17000  }
0x35e: {  	[tilespmem:s28], [sflag:$0x3] =	stream.indirect_vreg.gather [hbm4b:s3+s2], $0x80, v3, vm0, $0xb8;
	[tilespmem:$0x18800] =	vst v63  }
0x35f: {  	v3 =	vld [tilespmem:s4+$0x470];
	_ =	sdelay $0x4  }
0x360: {  	v55 =	vshll.u32 v3, $0x1  }
0x361: {  	v3 =	vand.u32 $0x7, v3;
	v4 =	vand.u32 $0xFFFFFFF0, v55  }
0x362: {  	v3 =	vor.u32 v3, v4  }
0x363: {  	v4 =	vperm.xlane v3, v0;
	_ =	sdelay $0x1  }
0x364: {  	v3 =	vperm.xlane v3, v2;
	v4 =	vadd.s32 v1, v4;
	_ =	sdelay $0x1  }
0x365: {  	v3 =	vadd.s32 v1, v3;
	_ =	sdelay $0x1  }
0x366: {  	s18 =	simm.s32 $0x17800  }
0x367: {  	[tilespmem:s18], [sflag:$0x3] =	stream.indirect_vreg.gather [hbm4b:s3+s2], $0x80, v4, vm0, $0xb8;
	[tilespmem:$0x18800] =	vst v63  }
0x368: {  	s28 =	simm.s32 $0x18000  }
0x369: {  	[tilespmem:s28], [sflag:$0x3] =	stream.indirect_vreg.gather [hbm4b:s3+s2], $0x80, v3, vm0, $0xb8;
	[tilespmem:$0x18800] =	vst v63  }
0x36a: {  	_ =	swait.ge [sflag:s31], $0x8000  }
0x36b: {  	[sflag:s31] =	ssyncset.done $0x0  }
0x36c: {  	s8 =	rddreg [dreg:$0xf];
	[sflag:s31] =	ssyncadd.s32 $0xFFFF8000  }
0x36d: {  	[hbm4b:s8+s2] =	stream.linear.scatter [tilespmem:s17], [sflag:$0x4], $0x4000, $0x38;
	[tilespmem:$0x18800] =	vst v63  }
0x36e: {  	s18 =	rddreg [dreg:$0x10]  }
0x36f: {  	[hbm4b:s18+s2] =	stream.linear.scatter [tilespmem:s15], [sflag:$0x4], $0x4000, $0x38;
	[tilespmem:$0x18800] =	vst v63  }
0x370: {  	_ =	swait.ge [sflag:s0], $0x4000  }
0x371: {  	[sflag:s0] =	ssyncset.done $0x0  }
0x372: {  	[sflag:s0] =	ssyncadd.s32 $0xFFFFC000  }
0x373: {  	_ =	swait.ge [sflag:s0], $0x4000  }
0x374: {  	[sflag:s0] =	ssyncset.done $0x0  }
0x375: {  	[sflag:s0] =	ssyncadd.s32 $0xFFFFC000  }
0x376: {  	v3 =	vld [tilespmem:s4+$0x480];
	_ =	sdelay $0x4  }
0x377: {  	v56 =	vshll.u32 v3, $0x1  }
0x378: {  	v3 =	vand.u32 $0x7, v3;
	v4 =	vand.u32 $0xFFFFFFF0, v56  }
0x379: {  	v3 =	vor.u32 v3, v4  }
0x37a: {  	v4 =	vperm.xlane v3, v0;
	_ =	sdelay $0x1  }
0x37b: {  	v3 =	vperm.xlane v3, v2;
	v4 =	vadd.s32 v1, v4;
	_ =	sdelay $0x1  }
0x37c: {  	v3 =	vadd.s32 v1, v3;
	_ =	sdelay $0x2  }
0x37d: {  	[tilespmem:s17], [sflag:$0x1] =	stream.indirect_vreg.gather [hbm4b:s3+s2], $0x80, v4, vm0, $0xb8;
	[tilespmem:$0x18800] =	vst v63  }
0x37e: {  	s28 =	simm.s32 $0x1000  }
0x37f: {  	[tilespmem:s28], [sflag:$0x1] =	stream.indirect_vreg.gather [hbm4b:s3+s2], $0x80, v3, vm0, $0xb8;
	[tilespmem:$0x18800] =	vst v63  }
0x380: {  	v3 =	vld [tilespmem:s4+$0x490];
	_ =	sdelay $0x4  }
0x381: {  	v57 =	vshll.u32 v3, $0x1  }
0x382: {  	v3 =	vand.u32 $0x7, v3;
	v4 =	vand.u32 $0xFFFFFFF0, v57  }
0x383: {  	v3 =	vor.u32 v3, v4  }
0x384: {  	v4 =	vperm.xlane v3, v0;
	_ =	sdelay $0x1  }
0x385: {  	v3 =	vperm.xlane v3, v2;
	v4 =	vadd.s32 v1, v4;
	_ =	sdelay $0x1  }
0x386: {  	v3 =	vadd.s32 v1, v3;
	_ =	sdelay $0x1  }
0x387: {  	s9 =	simm.s32 $0x1800  }
0x388: {  	[tilespmem:s9], [sflag:$0x1] =	stream.indirect_vreg.gather [hbm4b:s3+s2], $0x80, v4, vm0, $0xb8;
	[tilespmem:$0x18800] =	vst v63  }
0x389: {  	s9 =	simm.s32 $0x2000  }
0x38a: {  	[tilespmem:s9], [sflag:$0x1] =	stream.indirect_vreg.gather [hbm4b:s3+s2], $0x80, v3, vm0, $0xb8;
	[tilespmem:$0x18800] =	vst v63  }
0x38b: {  	v3 =	vld [tilespmem:s4+$0x4A0];
	_ =	sdelay $0x4  }
0x38c: {  	v58 =	vshll.u32 v3, $0x1  }
0x38d: {  	v3 =	vand.u32 $0x7, v3;
	v4 =	vand.u32 $0xFFFFFFF0, v58  }
0x38e: {  	v3 =	vor.u32 v3, v4  }
0x38f: {  	v4 =	vperm.xlane v3, v0;
	_ =	sdelay $0x1  }
0x390: {  	v3 =	vperm.xlane v3, v2;
	v4 =	vadd.s32 v1, v4;
	_ =	sdelay $0x1  }
0x391: {  	v3 =	vadd.s32 v1, v3;
	_ =	sdelay $0x1  }
0x392: {  	s10 =	simm.s32 $0x2800  }
0x393: {  	[tilespmem:s10], [sflag:$0x1] =	stream.indirect_vreg.gather [hbm4b:s3+s2], $0x80, v4, vm0, $0xb8;
	[tilespmem:$0x18800] =	vst v63  }
0x394: {  	s10 =	simm.s32 $0x3000  }
0x395: {  	[tilespmem:s10], [sflag:$0x1] =	stream.indirect_vreg.gather [hbm4b:s3+s2], $0x80, v3, vm0, $0xb8;
	[tilespmem:$0x18800] =	vst v63  }
0x396: {  	v3 =	vld [tilespmem:s4+$0x4B0];
	_ =	sdelay $0x4  }
0x397: {  	v59 =	vshll.u32 v3, $0x1  }
0x398: {  	v3 =	vand.u32 $0x7, v3;
	v4 =	vand.u32 $0xFFFFFFF0, v59  }
0x399: {  	v3 =	vor.u32 v3, v4  }
0x39a: {  	v4 =	vperm.xlane v3, v0;
	_ =	sdelay $0x1  }
0x39b: {  	v3 =	vperm.xlane v3, v2;
	v4 =	vadd.s32 v1, v4;
	_ =	sdelay $0x1  }
0x39c: {  	v3 =	vadd.s32 v1, v3;
	_ =	sdelay $0x1  }
0x39d: {  	s11 =	simm.s32 $0x3800  }
0x39e: {  	[tilespmem:s11], [sflag:$0x1] =	stream.indirect_vreg.gather [hbm4b:s3+s2], $0x80, v4, vm0, $0xb8;
	[tilespmem:$0x18800] =	vst v63  }
0x39f: {  	s18 =	simm.s32 $0x4000  }
0x3a0: {  	[tilespmem:s18], [sflag:$0x1] =	stream.indirect_vreg.gather [hbm4b:s3+s2], $0x80, v3, vm0, $0xb8;
	[tilespmem:$0x18800] =	vst v63  }
0x3a1: {  	v3 =	vld [tilespmem:s4+$0x4C0];
	_ =	sdelay $0x4  }
0x3a2: {  	v60 =	vshll.u32 v3, $0x1  }
0x3a3: {  	v3 =	vand.u32 $0x7, v3;
	v4 =	vand.u32 $0xFFFFFFF0, v60  }
0x3a4: {  	v3 =	vor.u32 v3, v4  }
0x3a5: {  	v4 =	vperm.xlane v3, v0;
	_ =	sdelay $0x1  }
0x3a6: {  	v3 =	vperm.xlane v3, v2;
	v4 =	vadd.s32 v1, v4;
	_ =	sdelay $0x1  }
0x3a7: {  	v3 =	vadd.s32 v1, v3;
	_ =	sdelay $0x2  }
0x3a8: {  	[tilespmem:s15], [sflag:$0x1] =	stream.indirect_vreg.gather [hbm4b:s3+s2], $0x80, v4, vm0, $0xb8;
	[tilespmem:$0x18800] =	vst v63  }
0x3a9: {  	s28 =	simm.s32 $0x5000  }
0x3aa: {  	[tilespmem:s28], [sflag:$0x1] =	stream.indirect_vreg.gather [hbm4b:s3+s2], $0x80, v3, vm0, $0xb8;
	[tilespmem:$0x18800] =	vst v63  }
0x3ab: {  	v3 =	vld [tilespmem:s4+$0x4D0];
	_ =	sdelay $0x4  }
0x3ac: {  	v61 =	vshll.u32 v3, $0x1  }
0x3ad: {  	v3 =	vand.u32 $0x7, v3;
	v4 =	vand.u32 $0xFFFFFFF0, v61  }
0x3ae: {  	v3 =	vor.u32 v3, v4  }
0x3af: {  	v4 =	vperm.xlane v3, v0;
	_ =	sdelay $0x1  }
0x3b0: {  	v3 =	vperm.xlane v3, v2;
	v4 =	vadd.s32 v1, v4;
	_ =	sdelay $0x1  }
0x3b1: {  	v3 =	vadd.s32 v1, v3;
	_ =	sdelay $0x1  }
0x3b2: {  	s12 =	simm.s32 $0x5800  }
0x3b3: {  	[tilespmem:s12], [sflag:$0x1] =	stream.indirect_vreg.gather [hbm4b:s3+s2], $0x80, v4, vm0, $0xb8;
	[tilespmem:$0x18800] =	vst v63  }
0x3b4: {  	s9 =	simm.s32 $0x6000  }
0x3b5: {  	[tilespmem:s9], [sflag:$0x1] =	stream.indirect_vreg.gather [hbm4b:s3+s2], $0x80, v3, vm0, $0xb8;
	[tilespmem:$0x18800] =	vst v63  }
0x3b6: {  	v3 =	vld [tilespmem:s4+$0x4E0];
	_ =	sdelay $0x4  }
0x3b7: {  	v62 =	vshll.u32 v3, $0x1  }
0x3b8: {  	v3 =	vand.u32 $0x7, v3;
	v4 =	vand.u32 $0xFFFFFFF0, v62  }
0x3b9: {  	v3 =	vor.u32 v3, v4  }
0x3ba: {  	v4 =	vperm.xlane v3, v0;
	_ =	sdelay $0x1  }
0x3bb: {  	v3 =	vperm.xlane v3, v2;
	v4 =	vadd.s32 v1, v4;
	_ =	sdelay $0x1  }
0x3bc: {  	v3 =	vadd.s32 v1, v3;
	_ =	sdelay $0x1  }
0x3bd: {  	s13 =	simm.s32 $0x6800  }
0x3be: {  	[tilespmem:s13], [sflag:$0x1] =	stream.indirect_vreg.gather [hbm4b:s3+s2], $0x80, v4, vm0, $0xb8;
	[tilespmem:$0x18800] =	vst v63  }
0x3bf: {  	s16 =	simm.s32 $0x7000  }
0x3c0: {  	[tilespmem:s16], [sflag:$0x1] =	stream.indirect_vreg.gather [hbm4b:s3+s2], $0x80, v3, vm0, $0xb8;
	[tilespmem:$0x18800] =	vst v63  }
0x3c1: {  	v3 =	vld [tilespmem:s4+$0x4F0];
	_ =	sdelay $0x4  }
0x3c2: {  	v63 =	vshll.u32 v3, $0x1  }
0x3c3: {  	v3 =	vand.u32 $0x7, v3;
	v4 =	vand.u32 $0xFFFFFFF0, v63  }
0x3c4: {  	v3 =	vor.u32 v3, v4  }
0x3c5: {  	v4 =	vperm.xlane v3, v0;
	_ =	sdelay $0x1  }
0x3c6: {  	v3 =	vperm.xlane v3, v2;
	v4 =	vadd.s32 v1, v4;
	_ =	sdelay $0x1  }
0x3c7: {  	v3 =	vadd.s32 v1, v3;
	_ =	sdelay $0x1  }
0x3c8: {  	s14 =	simm.s32 $0x7800  }
0x3c9: {  	[tilespmem:s14], [sflag:$0x1] =	stream.indirect_vreg.gather [hbm4b:s3+s2], $0x80, v4, vm0, $0xb8;
	[tilespmem:$0x18800] =	vst v63  }
0x3ca: {  	s10 =	simm.s32 $0x8000  }
0x3cb: {  	[tilespmem:s10], [sflag:$0x1] =	stream.indirect_vreg.gather [hbm4b:s3+s2], $0x80, v3, vm0, $0xb8;
	[tilespmem:$0x18800] =	vst v63  }
0x3cc: {  	_ =	swait.ge [sflag:s6], $0x8000  }
0x3cd: {  	[sflag:s6] =	ssyncset.done $0x0  }
0x3ce: {  	s11 =	rddreg [dreg:$0x11];
	[sflag:s6] =	ssyncadd.s32 $0xFFFF8000  }
0x3cf: {  	[hbm4b:s11+s2] =	stream.linear.scatter [tilespmem:s1], [sflag:$0x5], $0x4000, $0x38;
	[tilespmem:$0x18800] =	vst v63  }
0x3d0: {  	s12 =	rddreg [dreg:$0x12]  }
0x3d1: {  	[hbm4b:s12+s2] =	stream.linear.scatter [tilespmem:s30], [sflag:$0x5], $0x4000, $0x38;
	[tilespmem:$0x18800] =	vst v63  }
0x3d2: {  	_ =	swait.ge [sflag:s25], $0x8000  }
0x3d3: {  	[sflag:s25] =	ssyncset.done $0x0  }
0x3d4: {  	s13 =	rddreg [dreg:$0x13];
	[sflag:s25] =	ssyncadd.s32 $0xFFFF8000  }
0x3d5: {  	[hbm4b:s13+s2] =	stream.linear.scatter [tilespmem:s29], [sflag:$0x6], $0x4000, $0x38;
	[tilespmem:$0x18800] =	vst v63  }
0x3d6: {  	s14 =	rddreg [dreg:$0x14]  }
0x3d7: {  	[hbm4b:s14+s2] =	stream.linear.scatter [tilespmem:s7], [sflag:$0x6], $0x4000, $0x38;
	[tilespmem:$0x18800] =	vst v63  }
0x3d8: {  	_ =	swait.ge [sflag:s31], $0x8000  }
0x3d9: {  	[sflag:s31] =	ssyncset.done $0x0  }
0x3da: {  	s16 =	rddreg [dreg:$0x15];
	[sflag:s31] =	ssyncadd.s32 $0xFFFF8000  }
0x3db: {  	[hbm4b:s16+s2] =	stream.linear.scatter [tilespmem:s17], [sflag:$0x4], $0x4000, $0x38;
	[tilespmem:$0x18800] =	vst v63  }
0x3dc: {  	s18 =	rddreg [dreg:$0x16]  }
0x3dd: {  	[hbm4b:s18+s2] =	stream.linear.scatter [tilespmem:s15], [sflag:$0x4], $0x4000, $0x38;
	[tilespmem:$0x18800] =	vst v63  }
0x3de: {  	_ =	swait.ge [sflag:s24], $0x4000  }
0x3df: {  	[sflag:s24] =	ssyncset.done $0x0  }
0x3e0: {  	[sflag:s24] =	ssyncadd.s32 $0xFFFFC000  }
0x3e1: {  	_ =	swait.ge [sflag:s24], $0x4000  }
0x3e2: {  	[sflag:s24] =	ssyncset.done $0x0  }
0x3e3: {  	[sflag:s24] =	ssyncadd.s32 $0xFFFFC000  }
0x3e4: {  	_ =	swait.ge [sflag:s26], $0x4000  }
0x3e5: {  	[sflag:s26] =	ssyncset.done $0x0  }
0x3e6: {  	[sflag:s26] =	ssyncadd.s32 $0xFFFFC000  }
0x3e7: {  	_ =	swait.ge [sflag:s26], $0x4000  }
0x3e8: {  	[sflag:s26] =	ssyncset.done $0x0  }
0x3e9: {  	[sflag:s26] =	ssyncadd.s32 $0xFFFFC000  }
0x3ea: {  	p0 =	sne.s32 s5, $0x1;
	_ =	swait.ge [sflag:s0], $0x4000  }
.Ltmp0:
0x3eb: {  	[sflag:s0] =	ssyncset.done $0x0;
	(pc) =	sbr.rel @p0 .LBB2_1-.Ltmp0, $4  }
0x3ec: {  	[sflag:s0] =	ssyncadd.s32 $0xFFFFC000  }
0x3ed: {  	_ =	swait.ge [sflag:s0], $0x4000  }
0x3ee: {  	[sflag:s0] =	ssyncset.done $0x0  }
0x3ef: {  	s5 =	sadd.s32 $0xFFFFFFFF, s5;
	[sflag:s0] =	ssyncadd.s32 $0xFFFFC000  }
0x3f0: {  	_ =	sfence.sel $0x180000  }
0x3f1: {  	[bflag:$0x0] =	sbarrier.arrive $0xFFFF  }
0x3f2: {  	_ =	strace $0x9000004A  }
0x3f3: {  	s0 =	stileid.u32;
	[bflag:$0x2] =	sbarrier.arrive $0xFFFF  }
0x3f4: {  	p0 =	sne.s32 s0, $0x0;
	s0 =	rddreg [dreg:$0x1]  }
0x3f5: {  	s0 =	sadd.s32 @!p0 $0x100000, s0  }
0x3f6: {  	[sflag:s0] =	ssyncadd.tile.s32 @!p0 $0x1;
	_ =	shalt  }
.Lfunc_end2:
_tile_overlayer_lowered:
.L_overlay_start_2:
0x3f7: {  	(tag) =	ssettag $0x2  }
0x3f8: {  	s0 =	rddreg [dreg:$0x0];
	s2 =	stileid.u32  }
0x3f9: {  	s1 =	rddreg [dreg:$0x1];
	p0 =	sne.s32 s2, $0x0  }
0x3fa: {  	s3 =	rddreg [dreg:$0x2];
	[bflag:$0x3] =	sbarrier.arrive $0xFFFF;
	s2 =	simm.s32 @!p0 $0x1C07  }
0x3fb: {  	[timem:s3], [sflag:s2] =	dma.local @!p0 [hbm:s0], s1  }
0x3fc: {  	s0 =	simm.s32 @!p0 $0x7  }
0x3fd: {  	_ =	swait.ge @!p0 [sflag:s0], s1  }
0x3fe: {  	s1 =	ssub.s32 @!p0 $0x0, s1;
	[sflag:s0] =	ssyncset.done @!p0 $0x0  }
0x3ff: {  	[sflag:s0] =	ssyncadd.s32 @!p0 s1  }
0x400: {  	[bflag:$0x3] =	sbarrier.arrive $0xFFFF  }
0x401: {  	_ =	shalt  }

</sc_bundles>
